<compile_context>
chip_gen: v7x
topology: tpu7x:2x2x1
jax: 0.10.2.dev20260603
libtpu: 0.0.44.dev20260713+nightly
codegen_flags: <defaults>
</compile_context>

<pallas_src>
import functools

import jax
import jax.numpy as jnp
from jax import lax
from jax.experimental import pallas as pl
from jax.experimental.pallas import tpu as pltpu
from jax.experimental.pallas import tpu_sc as plsc

_N = 10000
_E = 320000
_F = 128
_H = 16
_C = 10

_NC = 2
_NS = 16
_NW = _NC * _NS
_NP = 10240
_NR = _NP // 8
_EPT = _E // _NW
_CH = 125
_NCH = _EPT // _CH
_RPT = _NP // _NS
_GB = 256
_NG = _NR // _GB



_DSLOT = 8


def _deg_body(dst_hbm, out0_hbm, out1_hbm, dstv, ones_v, row_v, acc, *dsem):
    cid = lax.axis_index("c")
    sid = lax.axis_index("s")
    wid = cid * _NS + sid
    pltpu.sync_copy(dst_hbm.at[pl.ds(wid * _NCH, _NCH)], dstv)
    for k in range(128 // 16):
        ones_v[pl.ds(k * 16, 16)] = jnp.ones((16,), jnp.float32)
    for k in range(_RPT // 16):
        row_v[pl.ds(k * 16, 16)] = jnp.zeros((16,), jnp.float32)
    pltpu.sync_copy(row_v, acc.at[pl.ds(sid * _RPT, _RPT)])
    plsc.subcore_barrier()

    for i in range(_DSLOT):
        pltpu.async_copy(ones_v.at[pl.ds(0, _CH)], acc.at[dstv.at[i]],
                         dsem[i], add=True)

    def chunk(q, carry):
        j = q * _DSLOT
        for i in range(_DSLOT):
            pltpu.make_async_copy(ones_v.at[pl.ds(0, _CH)],
                                  acc.at[dstv.at[j + i]], dsem[i]).wait()
            pltpu.async_copy(ones_v.at[pl.ds(0, _CH)],
                             acc.at[dstv.at[j + _DSLOT + i]], dsem[i],
                             add=True)
        return carry

    lax.fori_loop(0, _NCH // _DSLOT - 1, chunk, 0)
    jl = _NCH - _DSLOT
    for i in range(_DSLOT):
        pltpu.make_async_copy(ones_v.at[pl.ds(0, _CH)],
                              acc.at[dstv.at[jl + i]], dsem[i]).wait()
    plsc.subcore_barrier()
    pltpu.sync_copy(acc.at[pl.ds(sid * _RPT, _RPT)], row_v)

    @pl.when(cid == 0)
    def _():
        pltpu.sync_copy(row_v, out0_hbm.at[pl.ds(sid * _RPT, _RPT)])

    @pl.when(cid == 1)
    def _():
        pltpu.sync_copy(row_v, out1_hbm.at[pl.ds(sid * _RPT, _RPT)])


@functools.cache
def _deg_call():
    mesh = plsc.VectorSubcoreMesh(
        core_axis_name="c", subcore_axis_name="s",
        num_cores=_NC, num_subcores=_NS,
    )
    return pl.kernel(
        _deg_body,
        out_type=(
            jax.ShapeDtypeStruct((_NP,), jnp.float32),
            jax.ShapeDtypeStruct((_NP,), jnp.float32),
        ),
        mesh=mesh,
        compiler_params=pltpu.CompilerParams(use_tc_tiling_on_sc=False),
        scratch_types=[
            pltpu.VMEM((_NCH, _CH), jnp.int32),
            pltpu.VMEM((128,), jnp.float32),
            pltpu.VMEM((_RPT,), jnp.float32),
            pltpu.VMEM_SHARED((_NP,), jnp.float32),
        ] + [pltpu.SemaphoreType.DMA] * _DSLOT,
    )


_NSLOT = 8


def _seg_body(tab_hbm, src_hbm, dst_hbm, out_hbm, srcv, dstv, rows, wb, acc,
              *sems):
    gsem = sems[:_NSLOT]
    ssem = sems[_NSLOT:]
    cid = lax.axis_index("c")
    sid = lax.axis_index("s")
    wid = cid * _NS + sid
    pltpu.sync_copy(src_hbm.at[pl.ds(wid * _NCH, _NCH)], srcv)
    pltpu.sync_copy(dst_hbm.at[pl.ds(wid * _NCH, _NCH)], dstv)

    def zrow(i, carry):
        wb[i] = jnp.zeros((_H,), jnp.float32)
        return carry

    lax.fori_loop(0, _RPT, zrow, 0)
    pltpu.sync_copy(wb, acc.at[pl.ds(sid * _RPT, _RPT)])
    plsc.subcore_barrier()

    for i in range(_NSLOT):
        pltpu.async_copy(tab_hbm.at[srcv.at[i]], rows.at[i], gsem[i])

    def step(q, carry):
        j = q * _NSLOT
        for i in range(_NSLOT):
            pltpu.make_async_copy(tab_hbm.at[srcv.at[j + i]], rows.at[i],
                                  gsem[i]).wait()
            pltpu.async_copy(rows.at[i], acc.at[dstv.at[j + i]], ssem[i],
                             add=True)
        for i in range(_NSLOT):
            pltpu.make_async_copy(rows.at[i], acc.at[dstv.at[j + i]],
                                  ssem[i]).wait()
            pltpu.async_copy(tab_hbm.at[srcv.at[j + _NSLOT + i]], rows.at[i],
                             gsem[i])
        return carry

    lax.fori_loop(0, _NCH // _NSLOT - 1, step, 0)
    jlast = _NCH - _NSLOT
    for i in range(_NSLOT):
        pltpu.make_async_copy(tab_hbm.at[srcv.at[jlast + i]], rows.at[i],
                              gsem[i]).wait()
        pltpu.async_copy(rows.at[i], acc.at[dstv.at[jlast + i]], ssem[i],
                         add=True)
    for i in range(_NSLOT):
        pltpu.make_async_copy(rows.at[i], acc.at[dstv.at[jlast + i]],
                              ssem[i]).wait()
    plsc.subcore_barrier()
    pltpu.sync_copy(acc.at[pl.ds(sid * _RPT, _RPT)], wb)
    pltpu.sync_copy(wb, out_hbm.at[cid, pl.ds(sid * _RPT, _RPT)])


@functools.cache
def _seg_call():
    mesh = plsc.VectorSubcoreMesh(
        core_axis_name="c", subcore_axis_name="s",
        num_cores=_NC, num_subcores=_NS,
    )
    return pl.kernel(
        _seg_body,
        out_type=jax.ShapeDtypeStruct((_NC, _NP, _H), jnp.float32),
        mesh=mesh,
        compiler_params=pltpu.CompilerParams(use_tc_tiling_on_sc=False),
        scratch_types=[
            pltpu.VMEM((_NCH, _CH), jnp.int32),
            pltpu.VMEM((_NCH, _CH), jnp.int32),
            pltpu.VMEM((_NSLOT, _CH, _H), jnp.float32),
            pltpu.VMEM((_RPT, _H), jnp.float32),
            pltpu.VMEM_SHARED((_NP, _H), jnp.float32),
        ] + [pltpu.SemaphoreType.DMA] * (2 * _NSLOT),
    )




def _mm1_body(x_ref, w_ref, dg_ref, hp_ref, dis_ref):
    deg = dg_ref[:, 0:1] + dg_ref[:, 1:2] + 1.0
    dis = lax.rsqrt(deg)
    h = jnp.dot(x_ref[...], w_ref[...], preferred_element_type=jnp.float32)
    hp_ref[...] = h * dis
    dis_ref[...] = dis


def _tc_mm1(x_pad, w1, degp_t):
    return pl.pallas_call(
        _mm1_body,
        out_shape=(
            jax.ShapeDtypeStruct((_NP, _H), jnp.float32),
            jax.ShapeDtypeStruct((_NP, 1), jnp.float32),
        ),
    )(x_pad, w1, degp_t)


def _mid_body(hp1_ref, s0_ref, s1_ref, dis_ref, b1_ref, w2_ref, o_ref):
    agg = s0_ref[...] + s1_ref[...] + hp1_ref[...]
    pre = agg * dis_ref[...] + b1_ref[...]
    h = jnp.maximum(pre, 0.0)
    o_ref[...] = jnp.dot(h, w2_ref[...],
                         preferred_element_type=jnp.float32) * dis_ref[...]


def _tc_mid(hp1, s0, s1, dis, b1r, w2p):
    return pl.pallas_call(
        _mid_body,
        out_shape=jax.ShapeDtypeStruct((_NP, _H), jnp.float32),
    )(hp1, s0, s1, dis, b1r, w2p)


def _out_body(hp2_ref, t0_ref, t1_ref, dis_ref, b2_ref, o_ref):
    agg = t0_ref[...] + t1_ref[...] + hp2_ref[...]
    logits = agg * dis_ref[...] + b2_ref[...]
    mask = lax.broadcasted_iota(jnp.int32, (1, _H), 1) < _C
    lm = jnp.where(mask, logits, -jnp.inf)
    m = jnp.max(lm, axis=1, keepdims=True)
    e = jnp.where(mask, jnp.exp(logits - m), 0.0)
    lse = jnp.log(jnp.sum(e, axis=1, keepdims=True)) + m
    o_ref[...] = (logits - lse)[:, :_C]


def _tc_out(hp2, t0, t1, dis, b2r):
    return pl.pallas_call(
        _out_body,
        out_shape=jax.ShapeDtypeStruct((_NP, _C), jnp.float32),
    )(hp2, t0, t1, dis, b2r)




def kernel(x, edge_index, W1, b1, W2, b2):
    src = edge_index[0].reshape(_NW * _NCH, _CH)
    dst = edge_index[1].reshape(_NW * _NCH, _CH)
    x_pad = jnp.pad(x, ((0, _NP - _N), (0, 0)))
    w2p = jnp.pad(W2, ((0, 0), (0, _H - _C)))
    b1r = b1.reshape(1, _H)
    b2r = jnp.pad(b2, (0, _H - _C)).reshape(1, _H)

    deg0, deg1 = _deg_call()(dst)
    degp_t = jnp.stack([deg0, deg1], axis=1)
    hp1, dis = _tc_mm1(x_pad, W1, degp_t)
    s = _seg_call()(hp1, src, dst)
    hp2 = _tc_mid(hp1, s[0], s[1], dis, b1r, w2p)
    t = _seg_call()(hp2, src, dst)
    outp = _tc_out(hp2, t[0], t[1], dis, b2r)
    return outp[:_N]

# --- scband reference (transcript-rebuilt; emitter-appended) ---
"""Pipeline reference for scband-gnnmodel-32100585570932 (READ-ONLY COPY).

The authoritative reference and input builder live on the scoring server;
editing this copy changes nothing except your own understanding.
"""

import jax, jax.numpy as jnp
import numpy as np

N = 10000
E = 320000
F_IN = 128
HID = 16
C = 10


def setup_inputs(seed: int = 0) -> dict:
    key = jax.random.key(seed)
    k1, k2, k3, k4, k5, k6 = jax.random.split(key, 6)
    x = jax.random.normal(k1, (N, F_IN), dtype=jnp.float32)
    edge_index = jax.random.randint(k2, (2, E), 0, N, dtype=jnp.int32)
    W1 = jax.random.normal(k3, (F_IN, HID), dtype=jnp.float32) * (1.0 / np.sqrt(F_IN))
    b1 = jnp.zeros((HID,), dtype=jnp.float32)
    W2 = jax.random.normal(k4, (HID, C), dtype=jnp.float32) * (1.0 / np.sqrt(HID))
    b2 = jnp.zeros((C,), dtype=jnp.float32)
    return {"x": x, "edge_index": edge_index, "W1": W1, "b1": b1, "W2": W2, "b2": b2}


def _gcn_conv(x, edge_index, W, b):
    # GCNConv: out = D^{-1/2} (A + I) D^{-1/2} (x W) + b  (symmetric norm, self-loops)
    loop = jnp.arange(N, dtype=edge_index.dtype)
    src = jnp.concatenate([edge_index[0], loop])
    dst = jnp.concatenate([edge_index[1], loop])
    deg = jnp.zeros((N,), dtype=x.dtype).at[dst].add(1.0)
    deg_inv_sqrt = jnp.where(deg > 0, 1.0 / jnp.sqrt(deg), 0.0)
    norm = deg_inv_sqrt[src] * deg_inv_sqrt[dst]
    h = x @ W
    msg = h[src] * norm[:, None]
    out = jax.ops.segment_sum(msg, dst, num_segments=N)
    return out + b


def reference(x, edge_index, W1, b1, W2, b2):
    h = _gcn_conv(x, edge_index, W1, b1)
    h = jax.nn.relu(h)
    # F.dropout with training=self.training; reference uses eval semantics (identity)
    logits = _gcn_conv(h, edge_index, W2, b2)
    return jax.nn.log_softmax(logits, axis=1)

if __name__ == "__main__":
    import jax
    _d = setup_inputs()
    print(jax.jit(kernel)(*tuple(_d.values())))

</pallas_src>

<mosaic_0001>
#map = affine_map<(d0, d1) -> (0, 0)>
#map1 = affine_map<(d0, d1) -> (0)>
module attributes {stable_mosaic.version = 14 : i64} {
  func.func @_deg_body(%arg0: i32, %arg1: i32, %arg2: memref<2560x125xi32, #tpu.memory_space<hbm>>, %arg3: memref<10240xf32, #tpu.memory_space<hbm>>, %arg4: memref<10240xf32, #tpu.memory_space<hbm>>, %arg5: memref<80x125xi32, #tpu.memory_space<vmem>>, %arg6: memref<128xf32, #tpu.memory_space<vmem>>, %arg7: memref<640xf32, #tpu.memory_space<vmem>>, %arg8: memref<10240xf32, #tpu.memory_space<vmem_shared>>, %arg9: memref<!tpu.dma_semaphore, #tpu.memory_space<semaphore_mem>>, %arg10: memref<!tpu.dma_semaphore, #tpu.memory_space<semaphore_mem>>, %arg11: memref<!tpu.dma_semaphore, #tpu.memory_space<semaphore_mem>>, %arg12: memref<!tpu.dma_semaphore, #tpu.memory_space<semaphore_mem>>, %arg13: memref<!tpu.dma_semaphore, #tpu.memory_space<semaphore_mem>>, %arg14: memref<!tpu.dma_semaphore, #tpu.memory_space<semaphore_mem>>, %arg15: memref<!tpu.dma_semaphore, #tpu.memory_space<semaphore_mem>>, %arg16: memref<!tpu.dma_semaphore, #tpu.memory_space<semaphore_mem>>) attributes {dimension_semantics = [#tpu.dimension_semantics<core_parallel>, #tpu.dimension_semantics<subcore_parallel>], iteration_bounds = array<i64: 2, 16>, scalar_prefetch = 0 : i64, scratch_operands = 12 : i64, tpu.core_type = #tpu.core_type<sc_vector_subcore>, window_params = [{transform_indices = #map}, {transform_indices = #map1}, {transform_indices = #map1}]} {
    %mul3A = arith.constant 16 : i32
    %mul3A_0 = arith.muli %arg0, %mul3A : i32
    %add3A = arith.addi %mul3A_0, %arg1 : i32
    %mul3A_1 = arith.constant 80 : i32
    %mul3A_2 = arith.muli %add3A, %mul3A_1 : i32
    "tpu.region"() ({
      %run_scoped3A = tpu.sem_alloc : memref<!tpu.dma_semaphore, #tpu.memory_space<semaphore_mem>>
      %dma_start3A_432 = arith.constant 0 : i32
      %dma_start3A_433 = tpu.memref_slice %arg2[%mul3A_2, %dma_start3A_432] : memref<2560x125xi32, #tpu.memory_space<hbm>> -> memref<80x125xi32, #tpu.memory_space<hbm>>
      %dma_start3A_434 = arith.constant 0 : i32
      %dma_start3A_435 = tpu.memref_slice %arg2[%mul3A_2, %dma_start3A_434] : memref<2560x125xi32, #tpu.memory_space<hbm>> -> memref<80x125xi32, #tpu.memory_space<hbm>>
      tpu.enqueue_dma source(%dma_start3A_435 : memref<80x125xi32, #tpu.memory_space<hbm>>) target(%arg5 : memref<80x125xi32, #tpu.memory_space<vmem>>) target_semaphore(%run_scoped3A : memref<!tpu.dma_semaphore, #tpu.memory_space<semaphore_mem>>)
      %dma_wait3A_436 = arith.constant 0 : i32
      %dma_wait3A_437 = tpu.memref_slice %arg2[%mul3A_2, %dma_wait3A_436] : memref<2560x125xi32, #tpu.memory_space<hbm>> -> memref<80x125xi32, #tpu.memory_space<hbm>>
      %dma_wait3A_438 = arith.constant 0 : i32
      %dma_wait3A_439 = tpu.memref_slice %arg2[%mul3A_2, %dma_wait3A_438] : memref<2560x125xi32, #tpu.memory_space<hbm>> -> memref<80x125xi32, #tpu.memory_space<hbm>>
      tpu.wait_dma2 semaphore(%run_scoped3A : memref<!tpu.dma_semaphore, #tpu.memory_space<semaphore_mem>>) src(%dma_wait3A_439 : memref<80x125xi32, #tpu.memory_space<hbm>>) dst(%arg5 : memref<80x125xi32, #tpu.memory_space<vmem>>)
      tpu.yield
    }) : () -> ()
    %broadcast_in_dim3A = arith.constant 1.000000e+00 : f32
    %broadcast_in_dim3A_3 = vector.broadcast %broadcast_in_dim3A : f32 to vector<16xf32>
    %swap3A = arith.constant 0 : index
    %swap3A_4 = tpu.vector_load %arg6[%swap3A] {strides = array<i32>} : memref<128xf32, #tpu.memory_space<vmem>>, vector<16xf32>,
    %swap3A_5 = vector.shape_cast %swap3A_4 : vector<16xf32> to vector<16xf32>
    %swap3A_6 = vector.shape_cast %broadcast_in_dim3A_3 : vector<16xf32> to vector<16xf32>
    tpu.vector_store %arg6[%swap3A], %swap3A_6 {strides = array<i32>} : memref<128xf32, #tpu.memory_space<vmem>>, vector<16xf32>,
    %broadcast_in_dim3A_7 = arith.constant 1.000000e+00 : f32
    %broadcast_in_dim3A_8 = vector.broadcast %broadcast_in_dim3A_7 : f32 to vector<16xf32>
    %swap3A_9 = arith.constant 16 : index
    %swap3A_10 = tpu.vector_load %arg6[%swap3A_9] {strides = array<i32>} : memref<128xf32, #tpu.memory_space<vmem>>, vector<16xf32>,
    %swap3A_11 = vector.shape_cast %swap3A_10 : vector<16xf32> to vector<16xf32>
    %swap3A_12 = vector.shape_cast %broadcast_in_dim3A_8 : vector<16xf32> to vector<16xf32>
    tpu.vector_store %arg6[%swap3A_9], %swap3A_12 {strides = array<i32>} : memref<128xf32, #tpu.memory_space<vmem>>, vector<16xf32>,
    %broadcast_in_dim3A_13 = arith.constant 1.000000e+00 : f32
    %broadcast_in_dim3A_14 = vector.broadcast %broadcast_in_dim3A_13 : f32 to vector<16xf32>
    %swap3A_15 = arith.constant 32 : index
    %swap3A_16 = tpu.vector_load %arg6[%swap3A_15] {strides = array<i32>} : memref<128xf32, #tpu.memory_space<vmem>>, vector<16xf32>,
    %swap3A_17 = vector.shape_cast %swap3A_16 : vector<16xf32> to vector<16xf32>
    %swap3A_18 = vector.shape_cast %broadcast_in_dim3A_14 : vector<16xf32> to vector<16xf32>
    tpu.vector_store %arg6[%swap3A_15], %swap3A_18 {strides = array<i32>} : memref<128xf32, #tpu.memory_space<vmem>>, vector<16xf32>,
    %broadcast_in_dim3A_19 = arith.constant 1.000000e+00 : f32
    %broadcast_in_dim3A_20 = vector.broadcast %broadcast_in_dim3A_19 : f32 to vector<16xf32>
    %swap3A_21 = arith.constant 48 : index
    %swap3A_22 = tpu.vector_load %arg6[%swap3A_21] {strides = array<i32>} : memref<128xf32, #tpu.memory_space<vmem>>, vector<16xf32>,
    %swap3A_23 = vector.shape_cast %swap3A_22 : vector<16xf32> to vector<16xf32>
    %swap3A_24 = vector.shape_cast %broadcast_in_dim3A_20 : vector<16xf32> to vector<16xf32>
    tpu.vector_store %arg6[%swap3A_21], %swap3A_24 {strides = array<i32>} : memref<128xf32, #tpu.memory_space<vmem>>, vector<16xf32>,
    %broadcast_in_dim3A_25 = arith.constant 1.000000e+00 : f32
    %broadcast_in_dim3A_26 = vector.broadcast %broadcast_in_dim3A_25 : f32 to vector<16xf32>
    %swap3A_27 = arith.constant 64 : index
    %swap3A_28 = tpu.vector_load %arg6[%swap3A_27] {strides = array<i32>} : memref<128xf32, #tpu.memory_space<vmem>>, vector<16xf32>,
    %swap3A_29 = vector.shape_cast %swap3A_28 : vector<16xf32> to vector<16xf32>
    %swap3A_30 = vector.shape_cast %broadcast_in_dim3A_26 : vector<16xf32> to vector<16xf32>
    tpu.vector_store %arg6[%swap3A_27], %swap3A_30 {strides = array<i32>} : memref<128xf32, #tpu.memory_space<vmem>>, vector<16xf32>,
    %broadcast_in_dim3A_31 = arith.constant 1.000000e+00 : f32
    %broadcast_in_dim3A_32 = vector.broadcast %broadcast_in_dim3A_31 : f32 to vector<16xf32>
    %swap3A_33 = arith.constant 80 : index
    %swap3A_34 = tpu.vector_load %arg6[%swap3A_33] {strides = array<i32>} : memref<128xf32, #tpu.memory_space<vmem>>, vector<16xf32>,
    %swap3A_35 = vector.shape_cast %swap3A_34 : vector<16xf32> to vector<16xf32>
    %swap3A_36 = vector.shape_cast %broadcast_in_dim3A_32 : vector<16xf32> to vector<16xf32>
    tpu.vector_store %arg6[%swap3A_33], %swap3A_36 {strides = array<i32>} : memref<128xf32, #tpu.memory_space<vmem>>, vector<16xf32>,
    %broadcast_in_dim3A_37 = arith.constant 1.000000e+00 : f32
    %broadcast_in_dim3A_38 = vector.broadcast %broadcast_in_dim3A_37 : f32 to vector<16xf32>
    %swap3A_39 = arith.constant 96 : index
    %swap3A_40 = tpu.vector_load %arg6[%swap3A_39] {strides = array<i32>} : memref<128xf32, #tpu.memory_space<vmem>>, vector<16xf32>,
    %swap3A_41 = vector.shape_cast %swap3A_40 : vector<16xf32> to vector<16xf32>
    %swap3A_42 = vector.shape_cast %broadcast_in_dim3A_38 : vector<16xf32> to vector<16xf32>
    tpu.vector_store %arg6[%swap3A_39], %swap3A_42 {strides = array<i32>} : memref<128xf32, #tpu.memory_space<vmem>>, vector<16xf32>,
    %broadcast_in_dim3A_43 = arith.constant 1.000000e+00 : f32
    %broadcast_in_dim3A_44 = vector.broadcast %broadcast_in_dim3A_43 : f32 to vector<16xf32>
    %swap3A_45 = arith.constant 112 : index
    %swap3A_46 = tpu.vector_load %arg6[%swap3A_45] {strides = array<i32>} : memref<128xf32, #tpu.memory_space<vmem>>, vector<16xf32>,
    %swap3A_47 = vector.shape_cast %swap3A_46 : vector<16xf32> to vector<16xf32>
    %swap3A_48 = vector.shape_cast %broadcast_in_dim3A_44 : vector<16xf32> to vector<16xf32>
    tpu.vector_store %arg6[%swap3A_45], %swap3A_48 {strides = array<i32>} : memref<128xf32, #tpu.memory_space<vmem>>, vector<16xf32>,
    %broadcast_in_dim3A_49 = arith.constant 0.000000e+00 : f32
    %broadcast_in_dim3A_50 = vector.broadcast %broadcast_in_dim3A_49 : f32 to vector<16xf32>
    %swap3A_51 = arith.constant 0 : index
    %swap3A_52 = tpu.vector_load %arg7[%swap3A_51] {strides = array<i32>} : memref<640xf32, #tpu.memory_space<vmem>>, vector<16xf32>,
    %swap3A_53 = vector.shape_cast %swap3A_52 : vector<16xf32> to vector<16xf32>
    %swap3A_54 = vector.shape_cast %broadcast_in_dim3A_50 : vector<16xf32> to vector<16xf32>
    tpu.vector_store %arg7[%swap3A_51], %swap3A_54 {strides = array<i32>} : memref<640xf32, #tpu.memory_space<vmem>>, vector<16xf32>,
    %broadcast_in_dim3A_55 = arith.constant 0.000000e+00 : f32
    %broadcast_in_dim3A_56 = vector.broadcast %broadcast_in_dim3A_55 : f32 to vector<16xf32>
    %swap3A_57 = arith.constant 16 : index
    %swap3A_58 = tpu.vector_load %arg7[%swap3A_57] {strides = array<i32>} : memref<640xf32, #tpu.memory_space<vmem>>, vector<16xf32>,
    %swap3A_59 = vector.shape_cast %swap3A_58 : vector<16xf32> to vector<16xf32>
    %swap3A_60 = vector.shape_cast %broadcast_in_dim3A_56 : vector<16xf32> to vector<16xf32>
    tpu.vector_store %arg7[%swap3A_57], %swap3A_60 {strides = array<i32>} : memref<640xf32, #tpu.memory_space<vmem>>, vector<16xf32>,
    %broadcast_in_dim3A_61 = arith.constant 0.000000e+00 : f32
    %broadcast_in_dim3A_62 = vector.broadcast %broadcast_in_dim3A_61 : f32 to vector<16xf32>
    %swap3A_63 = arith.constant 32 : index
    %swap3A_64 = tpu.vector_load %arg7[%swap3A_63] {strides = array<i32>} : memref<640xf32, #tpu.memory_space<vmem>>, vector<16xf32>,
    %swap3A_65 = vector.shape_cast %swap3A_64 : vector<16xf32> to vector<16xf32>
    %swap3A_66 = vector.shape_cast %broadcast_in_dim3A_62 : vector<16xf32> to vector<16xf32>
    tpu.vector_store %arg7[%swap3A_63], %swap3A_66 {strides = array<i32>} : memref<640xf32, #tpu.memory_space<vmem>>, vector<16xf32>,
    %broadcast_in_dim3A_67 = arith.constant 0.000000e+00 : f32
    %broadcast_in_dim3A_68 = vector.broadcast %broadcast_in_dim3A_67 : f32 to vector<16xf32>
    %swap3A_69 = arith.constant 48 : index
    %swap3A_70 = tpu.vector_load %arg7[%swap3A_69] {strides = array<i32>} : memref<640xf32, #tpu.memory_space<vmem>>, vector<16xf32>,
    %swap3A_71 = vector.shape_cast %swap3A_70 : vector<16xf32> to vector<16xf32>
    %swap3A_72 = vector.shape_cast %broadcast_in_dim3A_68 : vector<16xf32> to vector<16xf32>
    tpu.vector_store %arg7[%swap3A_69], %swap3A_72 {strides = array<i32>} : memref<640xf32, #tpu.memory_space<vmem>>, vector<16xf32>,
    %broadcast_in_dim3A_73 = arith.constant 0.000000e+00 : f32
    %broadcast_in_dim3A_74 = vector.broadcast %broadcast_in_dim3A_73 : f32 to vector<16xf32>
    %swap3A_75 = arith.constant 64 : index
    %swap3A_76 = tpu.vector_load %arg7[%swap3A_75] {strides = array<i32>} : memref<640xf32, #tpu.memory_space<vmem>>, vector<16xf32>,
    %swap3A_77 = vector.shape_cast %swap3A_76 : vector<16xf32> to vector<16xf32>
    %swap3A_78 = vector.shape_cast %broadcast_in_dim3A_74 : vector<16xf32> to vector<16xf32>
    tpu.vector_store %arg7[%swap3A_75], %swap3A_78 {strides = array<i32>} : memref<640xf32, #tpu.memory_space<vmem>>, vector<16xf32>,
    %broadcast_in_dim3A_79 = arith.constant 0.000000e+00 : f32
    %broadcast_in_dim3A_80 = vector.broadcast %broadcast_in_dim3A_79 : f32 to vector<16xf32>
    %swap3A_81 = arith.constant 80 : index
    %swap3A_82 = tpu.vector_load %arg7[%swap3A_81] {strides = array<i32>} : memref<640xf32, #tpu.memory_space<vmem>>, vector<16xf32>,
    %swap3A_83 = vector.shape_cast %swap3A_82 : vector<16xf32> to vector<16xf32>
    %swap3A_84 = vector.shape_cast %broadcast_in_dim3A_80 : vector<16xf32> to vector<16xf32>
    tpu.vector_store %arg7[%swap3A_81], %swap3A_84 {strides = array<i32>} : memref<640xf32, #tpu.memory_space<vmem>>, vector<16xf32>,
    %broadcast_in_dim3A_85 = arith.constant 0.000000e+00 : f32
    %broadcast_in_dim3A_86 = vector.broadcast %broadcast_in_dim3A_85 : f32 to vector<16xf32>
    %swap3A_87 = arith.constant 96 : index
    %swap3A_88 = tpu.vector_load %arg7[%swap3A_87] {strides = array<i32>} : memref<640xf32, #tpu.memory_space<vmem>>, vector<16xf32>,
    %swap3A_89 = vector.shape_cast %swap3A_88 : vector<16xf32> to vector<16xf32>
    %swap3A_90 = vector.shape_cast %broadcast_in_dim3A_86 : vector<16xf32> to vector<16xf32>
    tpu.vector_store %arg7[%swap3A_87], %swap3A_90 {strides = array<i32>} : memref<640xf32, #tpu.memory_space<vmem>>, vector<16xf32>,
    %broadcast_in_dim3A_91 = arith.constant 0.000000e+00 : f32
    %broadcast_in_dim3A_92 = vector.broadcast %broadcast_in_dim3A_91 : f32 to vector<16xf32>
    %swap3A_93 = arith.constant 112 : index
    %swap3A_94 = tpu.vector_load %arg7[%swap3A_93] {strides = array<i32>} : memref<640xf32, #tpu.memory_space<vmem>>, vector<16xf32>,
    %swap3A_95 = vector.shape_cast %swap3A_94 : vector<16xf32> to vector<16xf32>
    %swap3A_96 = vector.shape_cast %broadcast_in_dim3A_92 : vector<16xf32> to vector<16xf32>
    tpu.vector_store %arg7[%swap3A_93], %swap3A_96 {strides = array<i32>} : memref<640xf32, #tpu.memory_space<vmem>>, vector<16xf32>,
    %broadcast_in_dim3A_97 = arith.constant 0.000000e+00 : f32
    %broadcast_in_dim3A_98 = vector.broadcast %broadcast_in_dim3A_97 : f32 to vector<16xf32>
    %swap3A_99 = arith.constant 128 : index
    %swap3A_100 = tpu.vector_load %arg7[%swap3A_99] {strides = array<i32>} : memref<640xf32, #tpu.memory_space<vmem>>, vector<16xf32>,
    %swap3A_101 = vector.shape_cast %swap3A_100 : vector<16xf32> to vector<16xf32>
    %swap3A_102 = vector.shape_cast %broadcast_in_dim3A_98 : vector<16xf32> to vector<16xf32>
    tpu.vector_store %arg7[%swap3A_99], %swap3A_102 {strides = array<i32>} : memref<640xf32, #tpu.memory_space<vmem>>, vector<16xf32>,
    %broadcast_in_dim3A_103 = arith.constant 0.000000e+00 : f32
    %broadcast_in_dim3A_104 = vector.broadcast %broadcast_in_dim3A_103 : f32 to vector<16xf32>
    %swap3A_105 = arith.constant 144 : index
    %swap3A_106 = tpu.vector_load %arg7[%swap3A_105] {strides = array<i32>} : memref<640xf32, #tpu.memory_space<vmem>>, vector<16xf32>,
    %swap3A_107 = vector.shape_cast %swap3A_106 : vector<16xf32> to vector<16xf32>
    %swap3A_108 = vector.shape_cast %broadcast_in_dim3A_104 : vector<16xf32> to vector<16xf32>
    tpu.vector_store %arg7[%swap3A_105], %swap3A_108 {strides = array<i32>} : memref<640xf32, #tpu.memory_space<vmem>>, vector<16xf32>,
    %broadcast_in_dim3A_109 = arith.constant 0.000000e+00 : f32
    %broadcast_in_dim3A_110 = vector.broadcast %broadcast_in_dim3A_109 : f32 to vector<16xf32>
    %swap3A_111 = arith.constant 160 : index
    %swap3A_112 = tpu.vector_load %arg7[%swap3A_111] {strides = array<i32>} : memref<640xf32, #tpu.memory_space<vmem>>, vector<16xf32>,
    %swap3A_113 = vector.shape_cast %swap3A_112 : vector<16xf32> to vector<16xf32>
    %swap3A_114 = vector.shape_cast %broadcast_in_dim3A_110 : vector<16xf32> to vector<16xf32>
    tpu.vector_store %arg7[%swap3A_111], %swap3A_114 {strides = array<i32>} : memref<640xf32, #tpu.memory_space<vmem>>, vector<16xf32>,
    %broadcast_in_dim3A_115 = arith.constant 0.000000e+00 : f32
    %broadcast_in_dim3A_116 = vector.broadcast %broadcast_in_dim3A_115 : f32 to vector<16xf32>
    %swap3A_117 = arith.constant 176 : index
    %swap3A_118 = tpu.vector_load %arg7[%swap3A_117] {strides = array<i32>} : memref<640xf32, #tpu.memory_space<vmem>>, vector<16xf32>,
    %swap3A_119 = vector.shape_cast %swap3A_118 : vector<16xf32> to vector<16xf32>
    %swap3A_120 = vector.shape_cast %broadcast_in_dim3A_116 : vector<16xf32> to vector<16xf32>
    tpu.vector_store %arg7[%swap3A_117], %swap3A_120 {strides = array<i32>} : memref<640xf32, #tpu.memory_space<vmem>>, vector<16xf32>,
    %broadcast_in_dim3A_121 = arith.constant 0.000000e+00 : f32
    %broadcast_in_dim3A_122 = vector.broadcast %broadcast_in_dim3A_121 : f32 to vector<16xf32>
    %swap3A_123 = arith.constant 192 : index
    %swap3A_124 = tpu.vector_load %arg7[%swap3A_123] {strides = array<i32>} : memref<640xf32, #tpu.memory_space<vmem>>, vector<16xf32>,
    %swap3A_125 = vector.shape_cast %swap3A_124 : vector<16xf32> to vector<16xf32>
    %swap3A_126 = vector.shape_cast %broadcast_in_dim3A_122 : vector<16xf32> to vector<16xf32>
    tpu.vector_store %arg7[%swap3A_123], %swap3A_126 {strides = array<i32>} : memref<640xf32, #tpu.memory_space<vmem>>, vector<16xf32>,
    %broadcast_in_dim3A_127 = arith.constant 0.000000e+00 : f32
    %broadcast_in_dim3A_128 = vector.broadcast %broadcast_in_dim3A_127 : f32 to vector<16xf32>
    %swap3A_129 = arith.constant 208 : index
    %swap3A_130 = tpu.vector_load %arg7[%swap3A_129] {strides = array<i32>} : memref<640xf32, #tpu.memory_space<vmem>>, vector<16xf32>,
    %swap3A_131 = vector.shape_cast %swap3A_130 : vector<16xf32> to vector<16xf32>
    %swap3A_132 = vector.shape_cast %broadcast_in_dim3A_128 : vector<16xf32> to vector<16xf32>
    tpu.vector_store %arg7[%swap3A_129], %swap3A_132 {strides = array<i32>} : memref<640xf32, #tpu.memory_space<vmem>>, vector<16xf32>,
    %broadcast_in_dim3A_133 = arith.constant 0.000000e+00 : f32
    %broadcast_in_dim3A_134 = vector.broadcast %broadcast_in_dim3A_133 : f32 to vector<16xf32>
    %swap3A_135 = arith.constant 224 : index
    %swap3A_136 = tpu.vector_load %arg7[%swap3A_135] {strides = array<i32>} : memref<640xf32, #tpu.memory_space<vmem>>, vector<16xf32>,
    %swap3A_137 = vector.shape_cast %swap3A_136 : vector<16xf32> to vector<16xf32>
    %swap3A_138 = vector.shape_cast %broadcast_in_dim3A_134 : vector<16xf32> to vector<16xf32>
    tpu.vector_store %arg7[%swap3A_135], %swap3A_138 {strides = array<i32>} : memref<640xf32, #tpu.memory_space<vmem>>, vector<16xf32>,
    %broadcast_in_dim3A_139 = arith.constant 0.000000e+00 : f32
    %broadcast_in_dim3A_140 = vector.broadcast %broadcast_in_dim3A_139 : f32 to vector<16xf32>
    %swap3A_141 = arith.constant 240 : index
    %swap3A_142 = tpu.vector_load %arg7[%swap3A_141] {strides = array<i32>} : memref<640xf32, #tpu.memory_space<vmem>>, vector<16xf32>,
    %swap3A_143 = vector.shape_cast %swap3A_142 : vector<16xf32> to vector<16xf32>
    %swap3A_144 = vector.shape_cast %broadcast_in_dim3A_140 : vector<16xf32> to vector<16xf32>
    tpu.vector_store %arg7[%swap3A_141], %swap3A_144 {strides = array<i32>} : memref<640xf32, #tpu.memory_space<vmem>>, vector<16xf32>,
    %broadcast_in_dim3A_145 = arith.constant 0.000000e+00 : f32
    %broadcast_in_dim3A_146 = vector.broadcast %broadcast_in_dim3A_145 : f32 to vector<16xf32>
    %swap3A_147 = arith.constant 256 : index
    %swap3A_148 = tpu.vector_load %arg7[%swap3A_147] {strides = array<i32>} : memref<640xf32, #tpu.memory_space<vmem>>, vector<16xf32>,
    %swap3A_149 = vector.shape_cast %swap3A_148 : vector<16xf32> to vector<16xf32>
    %swap3A_150 = vector.shape_cast %broadcast_in_dim3A_146 : vector<16xf32> to vector<16xf32>
    tpu.vector_store %arg7[%swap3A_147], %swap3A_150 {strides = array<i32>} : memref<640xf32, #tpu.memory_space<vmem>>, vector<16xf32>,
    %broadcast_in_dim3A_151 = arith.constant 0.000000e+00 : f32
    %broadcast_in_dim3A_152 = vector.broadcast %broadcast_in_dim3A_151 : f32 to vector<16xf32>
    %swap3A_153 = arith.constant 272 : index
    %swap3A_154 = tpu.vector_load %arg7[%swap3A_153] {strides = array<i32>} : memref<640xf32, #tpu.memory_space<vmem>>, vector<16xf32>,
    %swap3A_155 = vector.shape_cast %swap3A_154 : vector<16xf32> to vector<16xf32>
    %swap3A_156 = vector.shape_cast %broadcast_in_dim3A_152 : vector<16xf32> to vector<16xf32>
    tpu.vector_store %arg7[%swap3A_153], %swap3A_156 {strides = array<i32>} : memref<640xf32, #tpu.memory_space<vmem>>, vector<16xf32>,
    %broadcast_in_dim3A_157 = arith.constant 0.000000e+00 : f32
    %broadcast_in_dim3A_158 = vector.broadcast %broadcast_in_dim3A_157 : f32 to vector<16xf32>
    %swap3A_159 = arith.constant 288 : index
    %swap3A_160 = tpu.vector_load %arg7[%swap3A_159] {strides = array<i32>} : memref<640xf32, #tpu.memory_space<vmem>>, vector<16xf32>,
    %swap3A_161 = vector.shape_cast %swap3A_160 : vector<16xf32> to vector<16xf32>
    %swap3A_162 = vector.shape_cast %broadcast_in_dim3A_158 : vector<16xf32> to vector<16xf32>
    tpu.vector_store %arg7[%swap3A_159], %swap3A_162 {strides = array<i32>} : memref<640xf32, #tpu.memory_space<vmem>>, vector<16xf32>,
    %broadcast_in_dim3A_163 = arith.constant 0.000000e+00 : f32
    %broadcast_in_dim3A_164 = vector.broadcast %broadcast_in_dim3A_163 : f32 to vector<16xf32>
    %swap3A_165 = arith.constant 304 : index
    %swap3A_166 = tpu.vector_load %arg7[%swap3A_165] {strides = array<i32>} : memref<640xf32, #tpu.memory_space<vmem>>, vector<16xf32>,
    %swap3A_167 = vector.shape_cast %swap3A_166 : vector<16xf32> to vector<16xf32>
    %swap3A_168 = vector.shape_cast %broadcast_in_dim3A_164 : vector<16xf32> to vector<16xf32>
    tpu.vector_store %arg7[%swap3A_165], %swap3A_168 {strides = array<i32>} : memref<640xf32, #tpu.memory_space<vmem>>, vector<16xf32>,
    %broadcast_in_dim3A_169 = arith.constant 0.000000e+00 : f32
    %broadcast_in_dim3A_170 = vector.broadcast %broadcast_in_dim3A_169 : f32 to vector<16xf32>
    %swap3A_171 = arith.constant 320 : index
    %swap3A_172 = tpu.vector_load %arg7[%swap3A_171] {strides = array<i32>} : memref<640xf32, #tpu.memory_space<vmem>>, vector<16xf32>,
    %swap3A_173 = vector.shape_cast %swap3A_172 : vector<16xf32> to vector<16xf32>
    %swap3A_174 = vector.shape_cast %broadcast_in_dim3A_170 : vector<16xf32> to vector<16xf32>
    tpu.vector_store %arg7[%swap3A_171], %swap3A_174 {strides = array<i32>} : memref<640xf32, #tpu.memory_space<vmem>>, vector<16xf32>,
    %broadcast_in_dim3A_175 = arith.constant 0.000000e+00 : f32
    %broadcast_in_dim3A_176 = vector.broadcast %broadcast_in_dim3A_175 : f32 to vector<16xf32>
    %swap3A_177 = arith.constant 336 : index
    %swap3A_178 = tpu.vector_load %arg7[%swap3A_177] {strides = array<i32>} : memref<640xf32, #tpu.memory_space<vmem>>, vector<16xf32>,
    %swap3A_179 = vector.shape_cast %swap3A_178 : vector<16xf32> to vector<16xf32>
    %swap3A_180 = vector.shape_cast %broadcast_in_dim3A_176 : vector<16xf32> to vector<16xf32>
    tpu.vector_store %arg7[%swap3A_177], %swap3A_180 {strides = array<i32>} : memref<640xf32, #tpu.memory_space<vmem>>, vector<16xf32>,
    %broadcast_in_dim3A_181 = arith.constant 0.000000e+00 : f32
    %broadcast_in_dim3A_182 = vector.broadcast %broadcast_in_dim3A_181 : f32 to vector<16xf32>
    %swap3A_183 = arith.constant 352 : index
    %swap3A_184 = tpu.vector_load %arg7[%swap3A_183] {strides = array<i32>} : memref<640xf32, #tpu.memory_space<vmem>>, vector<16xf32>,
    %swap3A_185 = vector.shape_cast %swap3A_184 : vector<16xf32> to vector<16xf32>
    %swap3A_186 = vector.shape_cast %broadcast_in_dim3A_182 : vector<16xf32> to vector<16xf32>
    tpu.vector_store %arg7[%swap3A_183], %swap3A_186 {strides = array<i32>} : memref<640xf32, #tpu.memory_space<vmem>>, vector<16xf32>,
    %broadcast_in_dim3A_187 = arith.constant 0.000000e+00 : f32
    %broadcast_in_dim3A_188 = vector.broadcast %broadcast_in_dim3A_187 : f32 to vector<16xf32>
    %swap3A_189 = arith.constant 368 : index
    %swap3A_190 = tpu.vector_load %arg7[%swap3A_189] {strides = array<i32>} : memref<640xf32, #tpu.memory_space<vmem>>, vector<16xf32>,
    %swap3A_191 = vector.shape_cast %swap3A_190 : vector<16xf32> to vector<16xf32>
    %swap3A_192 = vector.shape_cast %broadcast_in_dim3A_188 : vector<16xf32> to vector<16xf32>
    tpu.vector_store %arg7[%swap3A_189], %swap3A_192 {strides = array<i32>} : memref<640xf32, #tpu.memory_space<vmem>>, vector<16xf32>,
    %broadcast_in_dim3A_193 = arith.constant 0.000000e+00 : f32
    %broadcast_in_dim3A_194 = vector.broadcast %broadcast_in_dim3A_193 : f32 to vector<16xf32>
    %swap3A_195 = arith.constant 384 : index
    %swap3A_196 = tpu.vector_load %arg7[%swap3A_195] {strides = array<i32>} : memref<640xf32, #tpu.memory_space<vmem>>, vector<16xf32>,
    %swap3A_197 = vector.shape_cast %swap3A_196 : vector<16xf32> to vector<16xf32>
    %swap3A_198 = vector.shape_cast %broadcast_in_dim3A_194 : vector<16xf32> to vector<16xf32>
    tpu.vector_store %arg7[%swap3A_195], %swap3A_198 {strides = array<i32>} : memref<640xf32, #tpu.memory_space<vmem>>, vector<16xf32>,
    %broadcast_in_dim3A_199 = arith.constant 0.000000e+00 : f32
    %broadcast_in_dim3A_200 = vector.broadcast %broadcast_in_dim3A_199 : f32 to vector<16xf32>
    %swap3A_201 = arith.constant 400 : index
    %swap3A_202 = tpu.vector_load %arg7[%swap3A_201] {strides = array<i32>} : memref<640xf32, #tpu.memory_space<vmem>>, vector<16xf32>,
    %swap3A_203 = vector.shape_cast %swap3A_202 : vector<16xf32> to vector<16xf32>
    %swap3A_204 = vector.shape_cast %broadcast_in_dim3A_200 : vector<16xf32> to vector<16xf32>
    tpu.vector_store %arg7[%swap3A_201], %swap3A_204 {strides = array<i32>} : memref<640xf32, #tpu.memory_space<vmem>>, vector<16xf32>,
    %broadcast_in_dim3A_205 = arith.constant 0.000000e+00 : f32
    %broadcast_in_dim3A_206 = vector.broadcast %broadcast_in_dim3A_205 : f32 to vector<16xf32>
    %swap3A_207 = arith.constant 416 : index
    %swap3A_208 = tpu.vector_load %arg7[%swap3A_207] {strides = array<i32>} : memref<640xf32, #tpu.memory_space<vmem>>, vector<16xf32>,
    %swap3A_209 = vector.shape_cast %swap3A_208 : vector<16xf32> to vector<16xf32>
    %swap3A_210 = vector.shape_cast %broadcast_in_dim3A_206 : vector<16xf32> to vector<16xf32>
    tpu.vector_store %arg7[%swap3A_207], %swap3A_210 {strides = array<i32>} : memref<640xf32, #tpu.memory_space<vmem>>, vector<16xf32>,
    %broadcast_in_dim3A_211 = arith.constant 0.000000e+00 : f32
    %broadcast_in_dim3A_212 = vector.broadcast %broadcast_in_dim3A_211 : f32 to vector<16xf32>
    %swap3A_213 = arith.constant 432 : index
    %swap3A_214 = tpu.vector_load %arg7[%swap3A_213] {strides = array<i32>} : memref<640xf32, #tpu.memory_space<vmem>>, vector<16xf32>,
    %swap3A_215 = vector.shape_cast %swap3A_214 : vector<16xf32> to vector<16xf32>
    %swap3A_216 = vector.shape_cast %broadcast_in_dim3A_212 : vector<16xf32> to vector<16xf32>
    tpu.vector_store %arg7[%swap3A_213], %swap3A_216 {strides = array<i32>} : memref<640xf32, #tpu.memory_space<vmem>>, vector<16xf32>,
    %broadcast_in_dim3A_217 = arith.constant 0.000000e+00 : f32
    %broadcast_in_dim3A_218 = vector.broadcast %broadcast_in_dim3A_217 : f32 to vector<16xf32>
    %swap3A_219 = arith.constant 448 : index
    %swap3A_220 = tpu.vector_load %arg7[%swap3A_219] {strides = array<i32>} : memref<640xf32, #tpu.memory_space<vmem>>, vector<16xf32>,
    %swap3A_221 = vector.shape_cast %swap3A_220 : vector<16xf32> to vector<16xf32>
    %swap3A_222 = vector.shape_cast %broadcast_in_dim3A_218 : vector<16xf32> to vector<16xf32>
    tpu.vector_store %arg7[%swap3A_219], %swap3A_222 {strides = array<i32>} : memref<640xf32, #tpu.memory_space<vmem>>, vector<16xf32>,
    %broadcast_in_dim3A_223 = arith.constant 0.000000e+00 : f32
    %broadcast_in_dim3A_224 = vector.broadcast %broadcast_in_dim3A_223 : f32 to vector<16xf32>
    %swap3A_225 = arith.constant 464 : index
    %swap3A_226 = tpu.vector_load %arg7[%swap3A_225] {strides = array<i32>} : memref<640xf32, #tpu.memory_space<vmem>>, vector<16xf32>,
    %swap3A_227 = vector.shape_cast %swap3A_226 : vector<16xf32> to vector<16xf32>
    %swap3A_228 = vector.shape_cast %broadcast_in_dim3A_224 : vector<16xf32> to vector<16xf32>
    tpu.vector_store %arg7[%swap3A_225], %swap3A_228 {strides = array<i32>} : memref<640xf32, #tpu.memory_space<vmem>>, vector<16xf32>,
    %broadcast_in_dim3A_229 = arith.constant 0.000000e+00 : f32
    %broadcast_in_dim3A_230 = vector.broadcast %broadcast_in_dim3A_229 : f32 to vector<16xf32>
    %swap3A_231 = arith.constant 480 : index
    %swap3A_232 = tpu.vector_load %arg7[%swap3A_231] {strides = array<i32>} : memref<640xf32, #tpu.memory_space<vmem>>, vector<16xf32>,
    %swap3A_233 = vector.shape_cast %swap3A_232 : vector<16xf32> to vector<16xf32>
    %swap3A_234 = vector.shape_cast %broadcast_in_dim3A_230 : vector<16xf32> to vector<16xf32>
    tpu.vector_store %arg7[%swap3A_231], %swap3A_234 {strides = array<i32>} : memref<640xf32, #tpu.memory_space<vmem>>, vector<16xf32>,
    %broadcast_in_dim3A_235 = arith.constant 0.000000e+00 : f32
    %broadcast_in_dim3A_236 = vector.broadcast %broadcast_in_dim3A_235 : f32 to vector<16xf32>
    %swap3A_237 = arith.constant 496 : index
    %swap3A_238 = tpu.vector_load %arg7[%swap3A_237] {strides = array<i32>} : memref<640xf32, #tpu.memory_space<vmem>>, vector<16xf32>,
    %swap3A_239 = vector.shape_cast %swap3A_238 : vector<16xf32> to vector<16xf32>
    %swap3A_240 = vector.shape_cast %broadcast_in_dim3A_236 : vector<16xf32> to vector<16xf32>
    tpu.vector_store %arg7[%swap3A_237], %swap3A_240 {strides = array<i32>} : memref<640xf32, #tpu.memory_space<vmem>>, vector<16xf32>,
    %broadcast_in_dim3A_241 = arith.constant 0.000000e+00 : f32
    %broadcast_in_dim3A_242 = vector.broadcast %broadcast_in_dim3A_241 : f32 to vector<16xf32>
    %swap3A_243 = arith.constant 512 : index
    %swap3A_244 = tpu.vector_load %arg7[%swap3A_243] {strides = array<i32>} : memref<640xf32, #tpu.memory_space<vmem>>, vector<16xf32>,
    %swap3A_245 = vector.shape_cast %swap3A_244 : vector<16xf32> to vector<16xf32>
    %swap3A_246 = vector.shape_cast %broadcast_in_dim3A_242 : vector<16xf32> to vector<16xf32>
    tpu.vector_store %arg7[%swap3A_243], %swap3A_246 {strides = array<i32>} : memref<640xf32, #tpu.memory_space<vmem>>, vector<16xf32>,
    %broadcast_in_dim3A_247 = arith.constant 0.000000e+00 : f32
    %broadcast_in_dim3A_248 = vector.broadcast %broadcast_in_dim3A_247 : f32 to vector<16xf32>
    %swap3A_249 = arith.constant 528 : index
    %swap3A_250 = tpu.vector_load %arg7[%swap3A_249] {strides = array<i32>} : memref<640xf32, #tpu.memory_space<vmem>>, vector<16xf32>,
    %swap3A_251 = vector.shape_cast %swap3A_250 : vector<16xf32> to vector<16xf32>
    %swap3A_252 = vector.shape_cast %broadcast_in_dim3A_248 : vector<16xf32> to vector<16xf32>
    tpu.vector_store %arg7[%swap3A_249], %swap3A_252 {strides = array<i32>} : memref<640xf32, #tpu.memory_space<vmem>>, vector<16xf32>,
    %broadcast_in_dim3A_253 = arith.constant 0.000000e+00 : f32
    %broadcast_in_dim3A_254 = vector.broadcast %broadcast_in_dim3A_253 : f32 to vector<16xf32>
    %swap3A_255 = arith.constant 544 : index
    %swap3A_256 = tpu.vector_load %arg7[%swap3A_255] {strides = array<i32>} : memref<640xf32, #tpu.memory_space<vmem>>, vector<16xf32>,
    %swap3A_257 = vector.shape_cast %swap3A_256 : vector<16xf32> to vector<16xf32>
    %swap3A_258 = vector.shape_cast %broadcast_in_dim3A_254 : vector<16xf32> to vector<16xf32>
    tpu.vector_store %arg7[%swap3A_255], %swap3A_258 {strides = array<i32>} : memref<640xf32, #tpu.memory_space<vmem>>, vector<16xf32>,
    %broadcast_in_dim3A_259 = arith.constant 0.000000e+00 : f32
    %broadcast_in_dim3A_260 = vector.broadcast %broadcast_in_dim3A_259 : f32 to vector<16xf32>
    %swap3A_261 = arith.constant 560 : index
    %swap3A_262 = tpu.vector_load %arg7[%swap3A_261] {strides = array<i32>} : memref<640xf32, #tpu.memory_space<vmem>>, vector<16xf32>,
    %swap3A_263 = vector.shape_cast %swap3A_262 : vector<16xf32> to vector<16xf32>
    %swap3A_264 = vector.shape_cast %broadcast_in_dim3A_260 : vector<16xf32> to vector<16xf32>
    tpu.vector_store %arg7[%swap3A_261], %swap3A_264 {strides = array<i32>} : memref<640xf32, #tpu.memory_space<vmem>>, vector<16xf32>,
    %broadcast_in_dim3A_265 = arith.constant 0.000000e+00 : f32
    %broadcast_in_dim3A_266 = vector.broadcast %broadcast_in_dim3A_265 : f32 to vector<16xf32>
    %swap3A_267 = arith.constant 576 : index
    %swap3A_268 = tpu.vector_load %arg7[%swap3A_267] {strides = array<i32>} : memref<640xf32, #tpu.memory_space<vmem>>, vector<16xf32>,
    %swap3A_269 = vector.shape_cast %swap3A_268 : vector<16xf32> to vector<16xf32>
    %swap3A_270 = vector.shape_cast %broadcast_in_dim3A_266 : vector<16xf32> to vector<16xf32>
    tpu.vector_store %arg7[%swap3A_267], %swap3A_270 {strides = array<i32>} : memref<640xf32, #tpu.memory_space<vmem>>, vector<16xf32>,
    %broadcast_in_dim3A_271 = arith.constant 0.000000e+00 : f32
    %broadcast_in_dim3A_272 = vector.broadcast %broadcast_in_dim3A_271 : f32 to vector<16xf32>
    %swap3A_273 = arith.constant 592 : index
    %swap3A_274 = tpu.vector_load %arg7[%swap3A_273] {strides = array<i32>} : memref<640xf32, #tpu.memory_space<vmem>>, vector<16xf32>,
    %swap3A_275 = vector.shape_cast %swap3A_274 : vector<16xf32> to vector<16xf32>
    %swap3A_276 = vector.shape_cast %broadcast_in_dim3A_272 : vector<16xf32> to vector<16xf32>
    tpu.vector_store %arg7[%swap3A_273], %swap3A_276 {strides = array<i32>} : memref<640xf32, #tpu.memory_space<vmem>>, vector<16xf32>,
    %broadcast_in_dim3A_277 = arith.constant 0.000000e+00 : f32
    %broadcast_in_dim3A_278 = vector.broadcast %broadcast_in_dim3A_277 : f32 to vector<16xf32>
    %swap3A_279 = arith.constant 608 : index
    %swap3A_280 = tpu.vector_load %arg7[%swap3A_279] {strides = array<i32>} : memref<640xf32, #tpu.memory_space<vmem>>, vector<16xf32>,
    %swap3A_281 = vector.shape_cast %swap3A_280 : vector<16xf32> to vector<16xf32>
    %swap3A_282 = vector.shape_cast %broadcast_in_dim3A_278 : vector<16xf32> to vector<16xf32>
    tpu.vector_store %arg7[%swap3A_279], %swap3A_282 {strides = array<i32>} : memref<640xf32, #tpu.memory_space<vmem>>, vector<16xf32>,
    %broadcast_in_dim3A_283 = arith.constant 0.000000e+00 : f32
    %broadcast_in_dim3A_284 = vector.broadcast %broadcast_in_dim3A_283 : f32 to vector<16xf32>
    %swap3A_285 = arith.constant 624 : index
    %swap3A_286 = tpu.vector_load %arg7[%swap3A_285] {strides = array<i32>} : memref<640xf32, #tpu.memory_space<vmem>>, vector<16xf32>,
    %swap3A_287 = vector.shape_cast %swap3A_286 : vector<16xf32> to vector<16xf32>
    %swap3A_288 = vector.shape_cast %broadcast_in_dim3A_284 : vector<16xf32> to vector<16xf32>
    tpu.vector_store %arg7[%swap3A_285], %swap3A_288 {strides = array<i32>} : memref<640xf32, #tpu.memory_space<vmem>>, vector<16xf32>,
    %mul3A_289 = arith.constant 640 : i32
    %mul3A_290 = arith.muli %arg1, %mul3A_289 : i32
    "tpu.region"() ({
      %run_scoped3A = tpu.sem_alloc : memref<!tpu.dma_semaphore, #tpu.memory_space<semaphore_mem>>
      %dma_start3A_432 = tpu.memref_slice %arg8[%mul3A_290] : memref<10240xf32, #tpu.memory_space<vmem_shared>> -> memref<640xf32, #tpu.memory_space<vmem_shared>>
      %dma_start3A_433 = tpu.memref_slice %arg8[%mul3A_290] : memref<10240xf32, #tpu.memory_space<vmem_shared>> -> memref<640xf32, #tpu.memory_space<vmem_shared>>
      tpu.enqueue_dma source(%arg7 : memref<640xf32, #tpu.memory_space<vmem>>) target(%dma_start3A_433 : memref<640xf32, #tpu.memory_space<vmem_shared>>) target_semaphore(%run_scoped3A : memref<!tpu.dma_semaphore, #tpu.memory_space<semaphore_mem>>)
      %dma_wait3A_434 = tpu.memref_slice %arg8[%mul3A_290] : memref<10240xf32, #tpu.memory_space<vmem_shared>> -> memref<640xf32, #tpu.memory_space<vmem_shared>>
      %dma_wait3A_435 = tpu.memref_slice %arg8[%mul3A_290] : memref<10240xf32, #tpu.memory_space<vmem_shared>> -> memref<640xf32, #tpu.memory_space<vmem_shared>>
      tpu.wait_dma2 semaphore(%run_scoped3A : memref<!tpu.dma_semaphore, #tpu.memory_space<semaphore_mem>>) src(%arg7 : memref<640xf32, #tpu.memory_space<vmem>>) dst(%dma_wait3A_435 : memref<640xf32, #tpu.memory_space<vmem_shared>>)
      tpu.yield
    }) : () -> ()
    %barrier3A = arith.constant 0 : index
    tpu.barrier barrier_id(%barrier3A)
    %dma_start3A = arith.constant 0 : i32
    %dma_start3A_291 = arith.constant 0 : i32
    %dma_start3A_292 = tpu.memref_slice %arg6[%dma_start3A_291] : memref<128xf32, #tpu.memory_space<vmem>> -> memref<125xf32, #tpu.memory_space<vmem>>
    %dma_start3A_293 = arith.constant 0 : i32
    %dma_start3A_294 = tpu.memref_slice %arg5[%dma_start3A, %dma_start3A_293] : memref<80x125xi32, #tpu.memory_space<vmem>> -> memref<1x125xi32, #tpu.memory_space<vmem>>
    %dma_start3A_295 = tpu.memref_squeeze %dma_start3A_294 : memref<1x125xi32, #tpu.memory_space<vmem>> -> memref<125xi32, #tpu.memory_space<vmem>>
    %dma_start3A_296 = arith.constant 0 : i32
    %dma_start3A_297 = tpu.memref_slice %arg8[%dma_start3A_296] : memref<10240xf32, #tpu.memory_space<vmem_shared>> -> memref<10240xf32, #tpu.memory_space<vmem_shared>>
    tpu.enqueue_indirect_dma source(%dma_start3A_292 : memref<125xf32, #tpu.memory_space<vmem>>) target(%dma_start3A_297 : memref<10240xf32, #tpu.memory_space<vmem_shared>>) offsets(%dma_start3A_295 : memref<125xi32, #tpu.memory_space<vmem>>) semaphore(%arg9 : memref<!tpu.dma_semaphore, #tpu.memory_space<semaphore_mem>>) {add = true}
    %dma_start3A_298 = arith.constant 1 : i32
    %dma_start3A_299 = arith.constant 0 : i32
    %dma_start3A_300 = tpu.memref_slice %arg6[%dma_start3A_299] : memref<128xf32, #tpu.memory_space<vmem>> -> memref<125xf32, #tpu.memory_space<vmem>>
    %dma_start3A_301 = arith.constant 0 : i32
    %dma_start3A_302 = tpu.memref_slice %arg5[%dma_start3A_298, %dma_start3A_301] : memref<80x125xi32, #tpu.memory_space<vmem>> -> memref<1x125xi32, #tpu.memory_space<vmem>>
    %dma_start3A_303 = tpu.memref_squeeze %dma_start3A_302 : memref<1x125xi32, #tpu.memory_space<vmem>> -> memref<125xi32, #tpu.memory_space<vmem>>
    %dma_start3A_304 = arith.constant 0 : i32
    %dma_start3A_305 = tpu.memref_slice %arg8[%dma_start3A_304] : memref<10240xf32, #tpu.memory_space<vmem_shared>> -> memref<10240xf32, #tpu.memory_space<vmem_shared>>
    tpu.enqueue_indirect_dma source(%dma_start3A_300 : memref<125xf32, #tpu.memory_space<vmem>>) target(%dma_start3A_305 : memref<10240xf32, #tpu.memory_space<vmem_shared>>) offsets(%dma_start3A_303 : memref<125xi32, #tpu.memory_space<vmem>>) semaphore(%arg10 : memref<!tpu.dma_semaphore, #tpu.memory_space<semaphore_mem>>) {add = true}
    %dma_start3A_306 = arith.constant 2 : i32
    %dma_start3A_307 = arith.constant 0 : i32
    %dma_start3A_308 = tpu.memref_slice %arg6[%dma_start3A_307] : memref<128xf32, #tpu.memory_space<vmem>> -> memref<125xf32, #tpu.memory_space<vmem>>
    %dma_start3A_309 = arith.constant 0 : i32
    %dma_start3A_310 = tpu.memref_slice %arg5[%dma_start3A_306, %dma_start3A_309] : memref<80x125xi32, #tpu.memory_space<vmem>> -> memref<1x125xi32, #tpu.memory_space<vmem>>
    %dma_start3A_311 = tpu.memref_squeeze %dma_start3A_310 : memref<1x125xi32, #tpu.memory_space<vmem>> -> memref<125xi32, #tpu.memory_space<vmem>>
    %dma_start3A_312 = arith.constant 0 : i32
    %dma_start3A_313 = tpu.memref_slice %arg8[%dma_start3A_312] : memref<10240xf32, #tpu.memory_space<vmem_shared>> -> memref<10240xf32, #tpu.memory_space<vmem_shared>>
    tpu.enqueue_indirect_dma source(%dma_start3A_308 : memref<125xf32, #tpu.memory_space<vmem>>) target(%dma_start3A_313 : memref<10240xf32, #tpu.memory_space<vmem_shared>>) offsets(%dma_start3A_311 : memref<125xi32, #tpu.memory_space<vmem>>) semaphore(%arg11 : memref<!tpu.dma_semaphore, #tpu.memory_space<semaphore_mem>>) {add = true}
    %dma_start3A_314 = arith.constant 3 : i32
    %dma_start3A_315 = arith.constant 0 : i32
    %dma_start3A_316 = tpu.memref_slice %arg6[%dma_start3A_315] : memref<128xf32, #tpu.memory_space<vmem>> -> memref<125xf32, #tpu.memory_space<vmem>>
    %dma_start3A_317 = arith.constant 0 : i32
    %dma_start3A_318 = tpu.memref_slice %arg5[%dma_start3A_314, %dma_start3A_317] : memref<80x125xi32, #tpu.memory_space<vmem>> -> memref<1x125xi32, #tpu.memory_space<vmem>>
    %dma_start3A_319 = tpu.memref_squeeze %dma_start3A_318 : memref<1x125xi32, #tpu.memory_space<vmem>> -> memref<125xi32, #tpu.memory_space<vmem>>
    %dma_start3A_320 = arith.constant 0 : i32
    %dma_start3A_321 = tpu.memref_slice %arg8[%dma_start3A_320] : memref<10240xf32, #tpu.memory_space<vmem_shared>> -> memref<10240xf32, #tpu.memory_space<vmem_shared>>
    tpu.enqueue_indirect_dma source(%dma_start3A_316 : memref<125xf32, #tpu.memory_space<vmem>>) target(%dma_start3A_321 : memref<10240xf32, #tpu.memory_space<vmem_shared>>) offsets(%dma_start3A_319 : memref<125xi32, #tpu.memory_space<vmem>>) semaphore(%arg12 : memref<!tpu.dma_semaphore, #tpu.memory_space<semaphore_mem>>) {add = true}
    %dma_start3A_322 = arith.constant 4 : i32
    %dma_start3A_323 = arith.constant 0 : i32
    %dma_start3A_324 = tpu.memref_slice %arg6[%dma_start3A_323] : memref<128xf32, #tpu.memory_space<vmem>> -> memref<125xf32, #tpu.memory_space<vmem>>
    %dma_start3A_325 = arith.constant 0 : i32
    %dma_start3A_326 = tpu.memref_slice %arg5[%dma_start3A_322, %dma_start3A_325] : memref<80x125xi32, #tpu.memory_space<vmem>> -> memref<1x125xi32, #tpu.memory_space<vmem>>
    %dma_start3A_327 = tpu.memref_squeeze %dma_start3A_326 : memref<1x125xi32, #tpu.memory_space<vmem>> -> memref<125xi32, #tpu.memory_space<vmem>>
    %dma_start3A_328 = arith.constant 0 : i32
    %dma_start3A_329 = tpu.memref_slice %arg8[%dma_start3A_328] : memref<10240xf32, #tpu.memory_space<vmem_shared>> -> memref<10240xf32, #tpu.memory_space<vmem_shared>>
    tpu.enqueue_indirect_dma source(%dma_start3A_324 : memref<125xf32, #tpu.memory_space<vmem>>) target(%dma_start3A_329 : memref<10240xf32, #tpu.memory_space<vmem_shared>>) offsets(%dma_start3A_327 : memref<125xi32, #tpu.memory_space<vmem>>) semaphore(%arg13 : memref<!tpu.dma_semaphore, #tpu.memory_space<semaphore_mem>>) {add = true}
    %dma_start3A_330 = arith.constant 5 : i32
    %dma_start3A_331 = arith.constant 0 : i32
    %dma_start3A_332 = tpu.memref_slice %arg6[%dma_start3A_331] : memref<128xf32, #tpu.memory_space<vmem>> -> memref<125xf32, #tpu.memory_space<vmem>>
    %dma_start3A_333 = arith.constant 0 : i32
    %dma_start3A_334 = tpu.memref_slice %arg5[%dma_start3A_330, %dma_start3A_333] : memref<80x125xi32, #tpu.memory_space<vmem>> -> memref<1x125xi32, #tpu.memory_space<vmem>>
    %dma_start3A_335 = tpu.memref_squeeze %dma_start3A_334 : memref<1x125xi32, #tpu.memory_space<vmem>> -> memref<125xi32, #tpu.memory_space<vmem>>
    %dma_start3A_336 = arith.constant 0 : i32
    %dma_start3A_337 = tpu.memref_slice %arg8[%dma_start3A_336] : memref<10240xf32, #tpu.memory_space<vmem_shared>> -> memref<10240xf32, #tpu.memory_space<vmem_shared>>
    tpu.enqueue_indirect_dma source(%dma_start3A_332 : memref<125xf32, #tpu.memory_space<vmem>>) target(%dma_start3A_337 : memref<10240xf32, #tpu.memory_space<vmem_shared>>) offsets(%dma_start3A_335 : memref<125xi32, #tpu.memory_space<vmem>>) semaphore(%arg14 : memref<!tpu.dma_semaphore, #tpu.memory_space<semaphore_mem>>) {add = true}
    %dma_start3A_338 = arith.constant 6 : i32
    %dma_start3A_339 = arith.constant 0 : i32
    %dma_start3A_340 = tpu.memref_slice %arg6[%dma_start3A_339] : memref<128xf32, #tpu.memory_space<vmem>> -> memref<125xf32, #tpu.memory_space<vmem>>
    %dma_start3A_341 = arith.constant 0 : i32
    %dma_start3A_342 = tpu.memref_slice %arg5[%dma_start3A_338, %dma_start3A_341] : memref<80x125xi32, #tpu.memory_space<vmem>> -> memref<1x125xi32, #tpu.memory_space<vmem>>
    %dma_start3A_343 = tpu.memref_squeeze %dma_start3A_342 : memref<1x125xi32, #tpu.memory_space<vmem>> -> memref<125xi32, #tpu.memory_space<vmem>>
    %dma_start3A_344 = arith.constant 0 : i32
    %dma_start3A_345 = tpu.memref_slice %arg8[%dma_start3A_344] : memref<10240xf32, #tpu.memory_space<vmem_shared>> -> memref<10240xf32, #tpu.memory_space<vmem_shared>>
    tpu.enqueue_indirect_dma source(%dma_start3A_340 : memref<125xf32, #tpu.memory_space<vmem>>) target(%dma_start3A_345 : memref<10240xf32, #tpu.memory_space<vmem_shared>>) offsets(%dma_start3A_343 : memref<125xi32, #tpu.memory_space<vmem>>) semaphore(%arg15 : memref<!tpu.dma_semaphore, #tpu.memory_space<semaphore_mem>>) {add = true}
    %dma_start3A_346 = arith.constant 7 : i32
    %dma_start3A_347 = arith.constant 0 : i32
    %dma_start3A_348 = tpu.memref_slice %arg6[%dma_start3A_347] : memref<128xf32, #tpu.memory_space<vmem>> -> memref<125xf32, #tpu.memory_space<vmem>>
    %dma_start3A_349 = arith.constant 0 : i32
    %dma_start3A_350 = tpu.memref_slice %arg5[%dma_start3A_346, %dma_start3A_349] : memref<80x125xi32, #tpu.memory_space<vmem>> -> memref<1x125xi32, #tpu.memory_space<vmem>>
    %dma_start3A_351 = tpu.memref_squeeze %dma_start3A_350 : memref<1x125xi32, #tpu.memory_space<vmem>> -> memref<125xi32, #tpu.memory_space<vmem>>
    %dma_start3A_352 = arith.constant 0 : i32
    %dma_start3A_353 = tpu.memref_slice %arg8[%dma_start3A_352] : memref<10240xf32, #tpu.memory_space<vmem_shared>> -> memref<10240xf32, #tpu.memory_space<vmem_shared>>
    tpu.enqueue_indirect_dma source(%dma_start3A_348 : memref<125xf32, #tpu.memory_space<vmem>>) target(%dma_start3A_353 : memref<10240xf32, #tpu.memory_space<vmem_shared>>) offsets(%dma_start3A_351 : memref<125xi32, #tpu.memory_space<vmem>>) semaphore(%arg16 : memref<!tpu.dma_semaphore, #tpu.memory_space<semaphore_mem>>) {add = true}
    %scan3A = arith.constant 0 : i32
    %scan3A_354 = arith.constant 0 : i32
    %scan3A_355 = arith.constant 9 : i32
    %scan3A_356 = arith.addi %scan3A_354, %scan3A_355 : i32
    %scan3A_357 = arith.constant 1 : i32
    scf.for %scan3A_432 = %scan3A_354 to %scan3A_356 step %scan3A_357  : i32 {
      %mul3A_433 = arith.constant 8 : i32
      %mul3A_434 = arith.muli %scan3A_432, %mul3A_433 : i32
      %add3A_435 = arith.constant 0 : i32
      %add3A_436 = arith.addi %mul3A_434, %add3A_435 : i32
      %dma_wait3A_437 = arith.constant 0 : i32
      %dma_wait3A_438 = tpu.memref_slice %arg6[%dma_wait3A_437] : memref<128xf32, #tpu.memory_space<vmem>> -> memref<125xf32, #tpu.memory_space<vmem>>
      %dma_wait3A_439 = arith.constant 0 : i32
      %dma_wait3A_440 = tpu.memref_slice %arg5[%add3A_436, %dma_wait3A_439] : memref<80x125xi32, #tpu.memory_space<vmem>> -> memref<1x125xi32, #tpu.memory_space<vmem>>
      %dma_wait3A_441 = tpu.memref_squeeze %dma_wait3A_440 : memref<1x125xi32, #tpu.memory_space<vmem>> -> memref<125xi32, #tpu.memory_space<vmem>>
      %dma_wait3A_442 = arith.constant 0 : i32
      %dma_wait3A_443 = tpu.memref_slice %arg8[%dma_wait3A_442] : memref<10240xf32, #tpu.memory_space<vmem_shared>> -> memref<10240xf32, #tpu.memory_space<vmem_shared>>
      tpu.wait_indirect_dma semaphore(%arg9 : memref<!tpu.dma_semaphore, #tpu.memory_space<semaphore_mem>>) src(%dma_wait3A_438 : memref<125xf32, #tpu.memory_space<vmem>>) dst(%dma_wait3A_443 : memref<10240xf32, #tpu.memory_space<vmem_shared>>)
      %add3A_444 = arith.constant 8 : i32
      %add3A_445 = arith.addi %mul3A_434, %add3A_444 : i32
      %add3A_446 = arith.constant 0 : i32
      %add3A_447 = arith.addi %add3A_445, %add3A_446 : i32
      %dma_start3A_448 = arith.constant 0 : i32
      %dma_start3A_449 = tpu.memref_slice %arg6[%dma_start3A_448] : memref<128xf32, #tpu.memory_space<vmem>> -> memref<125xf32, #tpu.memory_space<vmem>>
      %dma_start3A_450 = arith.constant 0 : i32
      %dma_start3A_451 = tpu.memref_slice %arg5[%add3A_447, %dma_start3A_450] : memref<80x125xi32, #tpu.memory_space<vmem>> -> memref<1x125xi32, #tpu.memory_space<vmem>>
      %dma_start3A_452 = tpu.memref_squeeze %dma_start3A_451 : memref<1x125xi32, #tpu.memory_space<vmem>> -> memref<125xi32, #tpu.memory_space<vmem>>
      %dma_start3A_453 = arith.constant 0 : i32
      %dma_start3A_454 = tpu.memref_slice %arg8[%dma_start3A_453] : memref<10240xf32, #tpu.memory_space<vmem_shared>> -> memref<10240xf32, #tpu.memory_space<vmem_shared>>
      tpu.enqueue_indirect_dma source(%dma_start3A_449 : memref<125xf32, #tpu.memory_space<vmem>>) target(%dma_start3A_454 : memref<10240xf32, #tpu.memory_space<vmem_shared>>) offsets(%dma_start3A_452 : memref<125xi32, #tpu.memory_space<vmem>>) semaphore(%arg9 : memref<!tpu.dma_semaphore, #tpu.memory_space<semaphore_mem>>) {add = true}
      %add3A_455 = arith.constant 1 : i32
      %add3A_456 = arith.addi %mul3A_434, %add3A_455 : i32
      %dma_wait3A_457 = arith.constant 0 : i32
      %dma_wait3A_458 = tpu.memref_slice %arg6[%dma_wait3A_457] : memref<128xf32, #tpu.memory_space<vmem>> -> memref<125xf32, #tpu.memory_space<vmem>>
      %dma_wait3A_459 = arith.constant 0 : i32
      %dma_wait3A_460 = tpu.memref_slice %arg5[%add3A_456, %dma_wait3A_459] : memref<80x125xi32, #tpu.memory_space<vmem>> -> memref<1x125xi32, #tpu.memory_space<vmem>>
      %dma_wait3A_461 = tpu.memref_squeeze %dma_wait3A_460 : memref<1x125xi32, #tpu.memory_space<vmem>> -> memref<125xi32, #tpu.memory_space<vmem>>
      %dma_wait3A_462 = arith.constant 0 : i32
      %dma_wait3A_463 = tpu.memref_slice %arg8[%dma_wait3A_462] : memref<10240xf32, #tpu.memory_space<vmem_shared>> -> memref<10240xf32, #tpu.memory_space<vmem_shared>>
      tpu.wait_indirect_dma semaphore(%arg10 : memref<!tpu.dma_semaphore, #tpu.memory_space<semaphore_mem>>) src(%dma_wait3A_458 : memref<125xf32, #tpu.memory_space<vmem>>) dst(%dma_wait3A_463 : memref<10240xf32, #tpu.memory_space<vmem_shared>>)
      %add3A_464 = arith.constant 8 : i32
      %add3A_465 = arith.addi %mul3A_434, %add3A_464 : i32
      %add3A_466 = arith.constant 1 : i32
      %add3A_467 = arith.addi %add3A_465, %add3A_466 : i32
      %dma_start3A_468 = arith.constant 0 : i32
      %dma_start3A_469 = tpu.memref_slice %arg6[%dma_start3A_468] : memref<128xf32, #tpu.memory_space<vmem>> -> memref<125xf32, #tpu.memory_space<vmem>>
      %dma_start3A_470 = arith.constant 0 : i32
      %dma_start3A_471 = tpu.memref_slice %arg5[%add3A_467, %dma_start3A_470] : memref<80x125xi32, #tpu.memory_space<vmem>> -> memref<1x125xi32, #tpu.memory_space<vmem>>
      %dma_start3A_472 = tpu.memref_squeeze %dma_start3A_471 : memref<1x125xi32, #tpu.memory_space<vmem>> -> memref<125xi32, #tpu.memory_space<vmem>>
      %dma_start3A_473 = arith.constant 0 : i32
      %dma_start3A_474 = tpu.memref_slice %arg8[%dma_start3A_473] : memref<10240xf32, #tpu.memory_space<vmem_shared>> -> memref<10240xf32, #tpu.memory_space<vmem_shared>>
      tpu.enqueue_indirect_dma source(%dma_start3A_469 : memref<125xf32, #tpu.memory_space<vmem>>) target(%dma_start3A_474 : memref<10240xf32, #tpu.memory_space<vmem_shared>>) offsets(%dma_start3A_472 : memref<125xi32, #tpu.memory_space<vmem>>) semaphore(%arg10 : memref<!tpu.dma_semaphore, #tpu.memory_space<semaphore_mem>>) {add = true}
      %add3A_475 = arith.constant 2 : i32
      %add3A_476 = arith.addi %mul3A_434, %add3A_475 : i32
      %dma_wait3A_477 = arith.constant 0 : i32
      %dma_wait3A_478 = tpu.memref_slice %arg6[%dma_wait3A_477] : memref<128xf32, #tpu.memory_space<vmem>> -> memref<125xf32, #tpu.memory_space<vmem>>
      %dma_wait3A_479 = arith.constant 0 : i32
      %dma_wait3A_480 = tpu.memref_slice %arg5[%add3A_476, %dma_wait3A_479] : memref<80x125xi32, #tpu.memory_space<vmem>> -> memref<1x125xi32, #tpu.memory_space<vmem>>
      %dma_wait3A_481 = tpu.memref_squeeze %dma_wait3A_480 : memref<1x125xi32, #tpu.memory_space<vmem>> -> memref<125xi32, #tpu.memory_space<vmem>>
      %dma_wait3A_482 = arith.constant 0 : i32
      %dma_wait3A_483 = tpu.memref_slice %arg8[%dma_wait3A_482] : memref<10240xf32, #tpu.memory_space<vmem_shared>> -> memref<10240xf32, #tpu.memory_space<vmem_shared>>
      tpu.wait_indirect_dma semaphore(%arg11 : memref<!tpu.dma_semaphore, #tpu.memory_space<semaphore_mem>>) src(%dma_wait3A_478 : memref<125xf32, #tpu.memory_space<vmem>>) dst(%dma_wait3A_483 : memref<10240xf32, #tpu.memory_space<vmem_shared>>)
      %add3A_484 = arith.constant 8 : i32
      %add3A_485 = arith.addi %mul3A_434, %add3A_484 : i32
      %add3A_486 = arith.constant 2 : i32
      %add3A_487 = arith.addi %add3A_485, %add3A_486 : i32
      %dma_start3A_488 = arith.constant 0 : i32
      %dma_start3A_489 = tpu.memref_slice %arg6[%dma_start3A_488] : memref<128xf32, #tpu.memory_space<vmem>> -> memref<125xf32, #tpu.memory_space<vmem>>
      %dma_start3A_490 = arith.constant 0 : i32
      %dma_start3A_491 = tpu.memref_slice %arg5[%add3A_487, %dma_start3A_490] : memref<80x125xi32, #tpu.memory_space<vmem>> -> memref<1x125xi32, #tpu.memory_space<vmem>>
      %dma_start3A_492 = tpu.memref_squeeze %dma_start3A_491 : memref<1x125xi32, #tpu.memory_space<vmem>> -> memref<125xi32, #tpu.memory_space<vmem>>
      %dma_start3A_493 = arith.constant 0 : i32
      %dma_start3A_494 = tpu.memref_slice %arg8[%dma_start3A_493] : memref<10240xf32, #tpu.memory_space<vmem_shared>> -> memref<10240xf32, #tpu.memory_space<vmem_shared>>
      tpu.enqueue_indirect_dma source(%dma_start3A_489 : memref<125xf32, #tpu.memory_space<vmem>>) target(%dma_start3A_494 : memref<10240xf32, #tpu.memory_space<vmem_shared>>) offsets(%dma_start3A_492 : memref<125xi32, #tpu.memory_space<vmem>>) semaphore(%arg11 : memref<!tpu.dma_semaphore, #tpu.memory_space<semaphore_mem>>) {add = true}
      %add3A_495 = arith.constant 3 : i32
      %add3A_496 = arith.addi %mul3A_434, %add3A_495 : i32
      %dma_wait3A_497 = arith.constant 0 : i32
      %dma_wait3A_498 = tpu.memref_slice %arg6[%dma_wait3A_497] : memref<128xf32, #tpu.memory_space<vmem>> -> memref<125xf32, #tpu.memory_space<vmem>>
      %dma_wait3A_499 = arith.constant 0 : i32
      %dma_wait3A_500 = tpu.memref_slice %arg5[%add3A_496, %dma_wait3A_499] : memref<80x125xi32, #tpu.memory_space<vmem>> -> memref<1x125xi32, #tpu.memory_space<vmem>>
      %dma_wait3A_501 = tpu.memref_squeeze %dma_wait3A_500 : memref<1x125xi32, #tpu.memory_space<vmem>> -> memref<125xi32, #tpu.memory_space<vmem>>
      %dma_wait3A_502 = arith.constant 0 : i32
      %dma_wait3A_503 = tpu.memref_slice %arg8[%dma_wait3A_502] : memref<10240xf32, #tpu.memory_space<vmem_shared>> -> memref<10240xf32, #tpu.memory_space<vmem_shared>>
      tpu.wait_indirect_dma semaphore(%arg12 : memref<!tpu.dma_semaphore, #tpu.memory_space<semaphore_mem>>) src(%dma_wait3A_498 : memref<125xf32, #tpu.memory_space<vmem>>) dst(%dma_wait3A_503 : memref<10240xf32, #tpu.memory_space<vmem_shared>>)
      %add3A_504 = arith.constant 8 : i32
      %add3A_505 = arith.addi %mul3A_434, %add3A_504 : i32
      %add3A_506 = arith.constant 3 : i32
      %add3A_507 = arith.addi %add3A_505, %add3A_506 : i32
      %dma_start3A_508 = arith.constant 0 : i32
      %dma_start3A_509 = tpu.memref_slice %arg6[%dma_start3A_508] : memref<128xf32, #tpu.memory_space<vmem>> -> memref<125xf32, #tpu.memory_space<vmem>>
      %dma_start3A_510 = arith.constant 0 : i32
      %dma_start3A_511 = tpu.memref_slice %arg5[%add3A_507, %dma_start3A_510] : memref<80x125xi32, #tpu.memory_space<vmem>> -> memref<1x125xi32, #tpu.memory_space<vmem>>
      %dma_start3A_512 = tpu.memref_squeeze %dma_start3A_511 : memref<1x125xi32, #tpu.memory_space<vmem>> -> memref<125xi32, #tpu.memory_space<vmem>>
      %dma_start3A_513 = arith.constant 0 : i32
      %dma_start3A_514 = tpu.memref_slice %arg8[%dma_start3A_513] : memref<10240xf32, #tpu.memory_space<vmem_shared>> -> memref<10240xf32, #tpu.memory_space<vmem_shared>>
      tpu.enqueue_indirect_dma source(%dma_start3A_509 : memref<125xf32, #tpu.memory_space<vmem>>) target(%dma_start3A_514 : memref<10240xf32, #tpu.memory_space<vmem_shared>>) offsets(%dma_start3A_512 : memref<125xi32, #tpu.memory_space<vmem>>) semaphore(%arg12 : memref<!tpu.dma_semaphore, #tpu.memory_space<semaphore_mem>>) {add = true}
      %add3A_515 = arith.constant 4 : i32
      %add3A_516 = arith.addi %mul3A_434, %add3A_515 : i32
      %dma_wait3A_517 = arith.constant 0 : i32
      %dma_wait3A_518 = tpu.memref_slice %arg6[%dma_wait3A_517] : memref<128xf32, #tpu.memory_space<vmem>> -> memref<125xf32, #tpu.memory_space<vmem>>
      %dma_wait3A_519 = arith.constant 0 : i32
      %dma_wait3A_520 = tpu.memref_slice %arg5[%add3A_516, %dma_wait3A_519] : memref<80x125xi32, #tpu.memory_space<vmem>> -> memref<1x125xi32, #tpu.memory_space<vmem>>
      %dma_wait3A_521 = tpu.memref_squeeze %dma_wait3A_520 : memref<1x125xi32, #tpu.memory_space<vmem>> -> memref<125xi32, #tpu.memory_space<vmem>>
      %dma_wait3A_522 = arith.constant 0 : i32
      %dma_wait3A_523 = tpu.memref_slice %arg8[%dma_wait3A_522] : memref<10240xf32, #tpu.memory_space<vmem_shared>> -> memref<10240xf32, #tpu.memory_space<vmem_shared>>
      tpu.wait_indirect_dma semaphore(%arg13 : memref<!tpu.dma_semaphore, #tpu.memory_space<semaphore_mem>>) src(%dma_wait3A_518 : memref<125xf32, #tpu.memory_space<vmem>>) dst(%dma_wait3A_523 : memref<10240xf32, #tpu.memory_space<vmem_shared>>)
      %add3A_524 = arith.constant 8 : i32
      %add3A_525 = arith.addi %mul3A_434, %add3A_524 : i32
      %add3A_526 = arith.constant 4 : i32
      %add3A_527 = arith.addi %add3A_525, %add3A_526 : i32
      %dma_start3A_528 = arith.constant 0 : i32
      %dma_start3A_529 = tpu.memref_slice %arg6[%dma_start3A_528] : memref<128xf32, #tpu.memory_space<vmem>> -> memref<125xf32, #tpu.memory_space<vmem>>
      %dma_start3A_530 = arith.constant 0 : i32
      %dma_start3A_531 = tpu.memref_slice %arg5[%add3A_527, %dma_start3A_530] : memref<80x125xi32, #tpu.memory_space<vmem>> -> memref<1x125xi32, #tpu.memory_space<vmem>>
      %dma_start3A_532 = tpu.memref_squeeze %dma_start3A_531 : memref<1x125xi32, #tpu.memory_space<vmem>> -> memref<125xi32, #tpu.memory_space<vmem>>
      %dma_start3A_533 = arith.constant 0 : i32
      %dma_start3A_534 = tpu.memref_slice %arg8[%dma_start3A_533] : memref<10240xf32, #tpu.memory_space<vmem_shared>> -> memref<10240xf32, #tpu.memory_space<vmem_shared>>
      tpu.enqueue_indirect_dma source(%dma_start3A_529 : memref<125xf32, #tpu.memory_space<vmem>>) target(%dma_start3A_534 : memref<10240xf32, #tpu.memory_space<vmem_shared>>) offsets(%dma_start3A_532 : memref<125xi32, #tpu.memory_space<vmem>>) semaphore(%arg13 : memref<!tpu.dma_semaphore, #tpu.memory_space<semaphore_mem>>) {add = true}
      %add3A_535 = arith.constant 5 : i32
      %add3A_536 = arith.addi %mul3A_434, %add3A_535 : i32
      %dma_wait3A_537 = arith.constant 0 : i32
      %dma_wait3A_538 = tpu.memref_slice %arg6[%dma_wait3A_537] : memref<128xf32, #tpu.memory_space<vmem>> -> memref<125xf32, #tpu.memory_space<vmem>>
      %dma_wait3A_539 = arith.constant 0 : i32
      %dma_wait3A_540 = tpu.memref_slice %arg5[%add3A_536, %dma_wait3A_539] : memref<80x125xi32, #tpu.memory_space<vmem>> -> memref<1x125xi32, #tpu.memory_space<vmem>>
      %dma_wait3A_541 = tpu.memref_squeeze %dma_wait3A_540 : memref<1x125xi32, #tpu.memory_space<vmem>> -> memref<125xi32, #tpu.memory_space<vmem>>
      %dma_wait3A_542 = arith.constant 0 : i32
      %dma_wait3A_543 = tpu.memref_slice %arg8[%dma_wait3A_542] : memref<10240xf32, #tpu.memory_space<vmem_shared>> -> memref<10240xf32, #tpu.memory_space<vmem_shared>>
      tpu.wait_indirect_dma semaphore(%arg14 : memref<!tpu.dma_semaphore, #tpu.memory_space<semaphore_mem>>) src(%dma_wait3A_538 : memref<125xf32, #tpu.memory_space<vmem>>) dst(%dma_wait3A_543 : memref<10240xf32, #tpu.memory_space<vmem_shared>>)
      %add3A_544 = arith.constant 8 : i32
      %add3A_545 = arith.addi %mul3A_434, %add3A_544 : i32
      %add3A_546 = arith.constant 5 : i32
      %add3A_547 = arith.addi %add3A_545, %add3A_546 : i32
      %dma_start3A_548 = arith.constant 0 : i32
      %dma_start3A_549 = tpu.memref_slice %arg6[%dma_start3A_548] : memref<128xf32, #tpu.memory_space<vmem>> -> memref<125xf32, #tpu.memory_space<vmem>>
      %dma_start3A_550 = arith.constant 0 : i32
      %dma_start3A_551 = tpu.memref_slice %arg5[%add3A_547, %dma_start3A_550] : memref<80x125xi32, #tpu.memory_space<vmem>> -> memref<1x125xi32, #tpu.memory_space<vmem>>
      %dma_start3A_552 = tpu.memref_squeeze %dma_start3A_551 : memref<1x125xi32, #tpu.memory_space<vmem>> -> memref<125xi32, #tpu.memory_space<vmem>>
      %dma_start3A_553 = arith.constant 0 : i32
      %dma_start3A_554 = tpu.memref_slice %arg8[%dma_start3A_553] : memref<10240xf32, #tpu.memory_space<vmem_shared>> -> memref<10240xf32, #tpu.memory_space<vmem_shared>>
      tpu.enqueue_indirect_dma source(%dma_start3A_549 : memref<125xf32, #tpu.memory_space<vmem>>) target(%dma_start3A_554 : memref<10240xf32, #tpu.memory_space<vmem_shared>>) offsets(%dma_start3A_552 : memref<125xi32, #tpu.memory_space<vmem>>) semaphore(%arg14 : memref<!tpu.dma_semaphore, #tpu.memory_space<semaphore_mem>>) {add = true}
      %add3A_555 = arith.constant 6 : i32
      %add3A_556 = arith.addi %mul3A_434, %add3A_555 : i32
      %dma_wait3A_557 = arith.constant 0 : i32
      %dma_wait3A_558 = tpu.memref_slice %arg6[%dma_wait3A_557] : memref<128xf32, #tpu.memory_space<vmem>> -> memref<125xf32, #tpu.memory_space<vmem>>
      %dma_wait3A_559 = arith.constant 0 : i32
      %dma_wait3A_560 = tpu.memref_slice %arg5[%add3A_556, %dma_wait3A_559] : memref<80x125xi32, #tpu.memory_space<vmem>> -> memref<1x125xi32, #tpu.memory_space<vmem>>
      %dma_wait3A_561 = tpu.memref_squeeze %dma_wait3A_560 : memref<1x125xi32, #tpu.memory_space<vmem>> -> memref<125xi32, #tpu.memory_space<vmem>>
      %dma_wait3A_562 = arith.constant 0 : i32
      %dma_wait3A_563 = tpu.memref_slice %arg8[%dma_wait3A_562] : memref<10240xf32, #tpu.memory_space<vmem_shared>> -> memref<10240xf32, #tpu.memory_space<vmem_shared>>
      tpu.wait_indirect_dma semaphore(%arg15 : memref<!tpu.dma_semaphore, #tpu.memory_space<semaphore_mem>>) src(%dma_wait3A_558 : memref<125xf32, #tpu.memory_space<vmem>>) dst(%dma_wait3A_563 : memref<10240xf32, #tpu.memory_space<vmem_shared>>)
      %add3A_564 = arith.constant 8 : i32
      %add3A_565 = arith.addi %mul3A_434, %add3A_564 : i32
      %add3A_566 = arith.constant 6 : i32
      %add3A_567 = arith.addi %add3A_565, %add3A_566 : i32
      %dma_start3A_568 = arith.constant 0 : i32
      %dma_start3A_569 = tpu.memref_slice %arg6[%dma_start3A_568] : memref<128xf32, #tpu.memory_space<vmem>> -> memref<125xf32, #tpu.memory_space<vmem>>
      %dma_start3A_570 = arith.constant 0 : i32
      %dma_start3A_571 = tpu.memref_slice %arg5[%add3A_567, %dma_start3A_570] : memref<80x125xi32, #tpu.memory_space<vmem>> -> memref<1x125xi32, #tpu.memory_space<vmem>>
      %dma_start3A_572 = tpu.memref_squeeze %dma_start3A_571 : memref<1x125xi32, #tpu.memory_space<vmem>> -> memref<125xi32, #tpu.memory_space<vmem>>
      %dma_start3A_573 = arith.constant 0 : i32
      %dma_start3A_574 = tpu.memref_slice %arg8[%dma_start3A_573] : memref<10240xf32, #tpu.memory_space<vmem_shared>> -> memref<10240xf32, #tpu.memory_space<vmem_shared>>
      tpu.enqueue_indirect_dma source(%dma_start3A_569 : memref<125xf32, #tpu.memory_space<vmem>>) target(%dma_start3A_574 : memref<10240xf32, #tpu.memory_space<vmem_shared>>) offsets(%dma_start3A_572 : memref<125xi32, #tpu.memory_space<vmem>>) semaphore(%arg15 : memref<!tpu.dma_semaphore, #tpu.memory_space<semaphore_mem>>) {add = true}
      %add3A_575 = arith.constant 7 : i32
      %add3A_576 = arith.addi %mul3A_434, %add3A_575 : i32
      %dma_wait3A_577 = arith.constant 0 : i32
      %dma_wait3A_578 = tpu.memref_slice %arg6[%dma_wait3A_577] : memref<128xf32, #tpu.memory_space<vmem>> -> memref<125xf32, #tpu.memory_space<vmem>>
      %dma_wait3A_579 = arith.constant 0 : i32
      %dma_wait3A_580 = tpu.memref_slice %arg5[%add3A_576, %dma_wait3A_579] : memref<80x125xi32, #tpu.memory_space<vmem>> -> memref<1x125xi32, #tpu.memory_space<vmem>>
      %dma_wait3A_581 = tpu.memref_squeeze %dma_wait3A_580 : memref<1x125xi32, #tpu.memory_space<vmem>> -> memref<125xi32, #tpu.memory_space<vmem>>
      %dma_wait3A_582 = arith.constant 0 : i32
      %dma_wait3A_583 = tpu.memref_slice %arg8[%dma_wait3A_582] : memref<10240xf32, #tpu.memory_space<vmem_shared>> -> memref<10240xf32, #tpu.memory_space<vmem_shared>>
      tpu.wait_indirect_dma semaphore(%arg16 : memref<!tpu.dma_semaphore, #tpu.memory_space<semaphore_mem>>) src(%dma_wait3A_578 : memref<125xf32, #tpu.memory_space<vmem>>) dst(%dma_wait3A_583 : memref<10240xf32, #tpu.memory_space<vmem_shared>>)
      %add3A_584 = arith.constant 8 : i32
      %add3A_585 = arith.addi %mul3A_434, %add3A_584 : i32
      %add3A_586 = arith.constant 7 : i32
      %add3A_587 = arith.addi %add3A_585, %add3A_586 : i32
      %dma_start3A_588 = arith.constant 0 : i32
      %dma_start3A_589 = tpu.memref_slice %arg6[%dma_start3A_588] : memref<128xf32, #tpu.memory_space<vmem>> -> memref<125xf32, #tpu.memory_space<vmem>>
      %dma_start3A_590 = arith.constant 0 : i32
      %dma_start3A_591 = tpu.memref_slice %arg5[%add3A_587, %dma_start3A_590] : memref<80x125xi32, #tpu.memory_space<vmem>> -> memref<1x125xi32, #tpu.memory_space<vmem>>
      %dma_start3A_592 = tpu.memref_squeeze %dma_start3A_591 : memref<1x125xi32, #tpu.memory_space<vmem>> -> memref<125xi32, #tpu.memory_space<vmem>>
      %dma_start3A_593 = arith.constant 0 : i32
      %dma_start3A_594 = tpu.memref_slice %arg8[%dma_start3A_593] : memref<10240xf32, #tpu.memory_space<vmem_shared>> -> memref<10240xf32, #tpu.memory_space<vmem_shared>>
      tpu.enqueue_indirect_dma source(%dma_start3A_589 : memref<125xf32, #tpu.memory_space<vmem>>) target(%dma_start3A_594 : memref<10240xf32, #tpu.memory_space<vmem_shared>>) offsets(%dma_start3A_592 : memref<125xi32, #tpu.memory_space<vmem>>) semaphore(%arg16 : memref<!tpu.dma_semaphore, #tpu.memory_space<semaphore_mem>>) {add = true}
    }
    %scan3A_358 = arith.constant 9 : i32
    %dma_wait3A = arith.constant 72 : i32
    %dma_wait3A_359 = arith.constant 0 : i32
    %dma_wait3A_360 = tpu.memref_slice %arg6[%dma_wait3A_359] : memref<128xf32, #tpu.memory_space<vmem>> -> memref<125xf32, #tpu.memory_space<vmem>>
    %dma_wait3A_361 = arith.constant 0 : i32
    %dma_wait3A_362 = tpu.memref_slice %arg5[%dma_wait3A, %dma_wait3A_361] : memref<80x125xi32, #tpu.memory_space<vmem>> -> memref<1x125xi32, #tpu.memory_space<vmem>>
    %dma_wait3A_363 = tpu.memref_squeeze %dma_wait3A_362 : memref<1x125xi32, #tpu.memory_space<vmem>> -> memref<125xi32, #tpu.memory_space<vmem>>
    %dma_wait3A_364 = arith.constant 0 : i32
    %dma_wait3A_365 = tpu.memref_slice %arg8[%dma_wait3A_364] : memref<10240xf32, #tpu.memory_space<vmem_shared>> -> memref<10240xf32, #tpu.memory_space<vmem_shared>>
    tpu.wait_indirect_dma semaphore(%arg9 : memref<!tpu.dma_semaphore, #tpu.memory_space<semaphore_mem>>) src(%dma_wait3A_360 : memref<125xf32, #tpu.memory_space<vmem>>) dst(%dma_wait3A_365 : memref<10240xf32, #tpu.memory_space<vmem_shared>>)
    %dma_wait3A_366 = arith.constant 73 : i32
    %dma_wait3A_367 = arith.constant 0 : i32
    %dma_wait3A_368 = tpu.memref_slice %arg6[%dma_wait3A_367] : memref<128xf32, #tpu.memory_space<vmem>> -> memref<125xf32, #tpu.memory_space<vmem>>
    %dma_wait3A_369 = arith.constant 0 : i32
    %dma_wait3A_370 = tpu.memref_slice %arg5[%dma_wait3A_366, %dma_wait3A_369] : memref<80x125xi32, #tpu.memory_space<vmem>> -> memref<1x125xi32, #tpu.memory_space<vmem>>
    %dma_wait3A_371 = tpu.memref_squeeze %dma_wait3A_370 : memref<1x125xi32, #tpu.memory_space<vmem>> -> memref<125xi32, #tpu.memory_space<vmem>>
    %dma_wait3A_372 = arith.constant 0 : i32
    %dma_wait3A_373 = tpu.memref_slice %arg8[%dma_wait3A_372] : memref<10240xf32, #tpu.memory_space<vmem_shared>> -> memref<10240xf32, #tpu.memory_space<vmem_shared>>
    tpu.wait_indirect_dma semaphore(%arg10 : memref<!tpu.dma_semaphore, #tpu.memory_space<semaphore_mem>>) src(%dma_wait3A_368 : memref<125xf32, #tpu.memory_space<vmem>>) dst(%dma_wait3A_373 : memref<10240xf32, #tpu.memory_space<vmem_shared>>)
    %dma_wait3A_374 = arith.constant 74 : i32
    %dma_wait3A_375 = arith.constant 0 : i32
    %dma_wait3A_376 = tpu.memref_slice %arg6[%dma_wait3A_375] : memref<128xf32, #tpu.memory_space<vmem>> -> memref<125xf32, #tpu.memory_space<vmem>>
    %dma_wait3A_377 = arith.constant 0 : i32
    %dma_wait3A_378 = tpu.memref_slice %arg5[%dma_wait3A_374, %dma_wait3A_377] : memref<80x125xi32, #tpu.memory_space<vmem>> -> memref<1x125xi32, #tpu.memory_space<vmem>>
    %dma_wait3A_379 = tpu.memref_squeeze %dma_wait3A_378 : memref<1x125xi32, #tpu.memory_space<vmem>> -> memref<125xi32, #tpu.memory_space<vmem>>
    %dma_wait3A_380 = arith.constant 0 : i32
    %dma_wait3A_381 = tpu.memref_slice %arg8[%dma_wait3A_380] : memref<10240xf32, #tpu.memory_space<vmem_shared>> -> memref<10240xf32, #tpu.memory_space<vmem_shared>>
    tpu.wait_indirect_dma semaphore(%arg11 : memref<!tpu.dma_semaphore, #tpu.memory_space<semaphore_mem>>) src(%dma_wait3A_376 : memref<125xf32, #tpu.memory_space<vmem>>) dst(%dma_wait3A_381 : memref<10240xf32, #tpu.memory_space<vmem_shared>>)
    %dma_wait3A_382 = arith.constant 75 : i32
    %dma_wait3A_383 = arith.constant 0 : i32
    %dma_wait3A_384 = tpu.memref_slice %arg6[%dma_wait3A_383] : memref<128xf32, #tpu.memory_space<vmem>> -> memref<125xf32, #tpu.memory_space<vmem>>
    %dma_wait3A_385 = arith.constant 0 : i32
    %dma_wait3A_386 = tpu.memref_slice %arg5[%dma_wait3A_382, %dma_wait3A_385] : memref<80x125xi32, #tpu.memory_space<vmem>> -> memref<1x125xi32, #tpu.memory_space<vmem>>
    %dma_wait3A_387 = tpu.memref_squeeze %dma_wait3A_386 : memref<1x125xi32, #tpu.memory_space<vmem>> -> memref<125xi32, #tpu.memory_space<vmem>>
    %dma_wait3A_388 = arith.constant 0 : i32
    %dma_wait3A_389 = tpu.memref_slice %arg8[%dma_wait3A_388] : memref<10240xf32, #tpu.memory_space<vmem_shared>> -> memref<10240xf32, #tpu.memory_space<vmem_shared>>
    tpu.wait_indirect_dma semaphore(%arg12 : memref<!tpu.dma_semaphore, #tpu.memory_space<semaphore_mem>>) src(%dma_wait3A_384 : memref<125xf32, #tpu.memory_space<vmem>>) dst(%dma_wait3A_389 : memref<10240xf32, #tpu.memory_space<vmem_shared>>)
    %dma_wait3A_390 = arith.constant 76 : i32
    %dma_wait3A_391 = arith.constant 0 : i32
    %dma_wait3A_392 = tpu.memref_slice %arg6[%dma_wait3A_391] : memref<128xf32, #tpu.memory_space<vmem>> -> memref<125xf32, #tpu.memory_space<vmem>>
    %dma_wait3A_393 = arith.constant 0 : i32
    %dma_wait3A_394 = tpu.memref_slice %arg5[%dma_wait3A_390, %dma_wait3A_393] : memref<80x125xi32, #tpu.memory_space<vmem>> -> memref<1x125xi32, #tpu.memory_space<vmem>>
    %dma_wait3A_395 = tpu.memref_squeeze %dma_wait3A_394 : memref<1x125xi32, #tpu.memory_space<vmem>> -> memref<125xi32, #tpu.memory_space<vmem>>
    %dma_wait3A_396 = arith.constant 0 : i32
    %dma_wait3A_397 = tpu.memref_slice %arg8[%dma_wait3A_396] : memref<10240xf32, #tpu.memory_space<vmem_shared>> -> memref<10240xf32, #tpu.memory_space<vmem_shared>>
    tpu.wait_indirect_dma semaphore(%arg13 : memref<!tpu.dma_semaphore, #tpu.memory_space<semaphore_mem>>) src(%dma_wait3A_392 : memref<125xf32, #tpu.memory_space<vmem>>) dst(%dma_wait3A_397 : memref<10240xf32, #tpu.memory_space<vmem_shared>>)
    %dma_wait3A_398 = arith.constant 77 : i32
    %dma_wait3A_399 = arith.constant 0 : i32
    %dma_wait3A_400 = tpu.memref_slice %arg6[%dma_wait3A_399] : memref<128xf32, #tpu.memory_space<vmem>> -> memref<125xf32, #tpu.memory_space<vmem>>
    %dma_wait3A_401 = arith.constant 0 : i32
    %dma_wait3A_402 = tpu.memref_slice %arg5[%dma_wait3A_398, %dma_wait3A_401] : memref<80x125xi32, #tpu.memory_space<vmem>> -> memref<1x125xi32, #tpu.memory_space<vmem>>
    %dma_wait3A_403 = tpu.memref_squeeze %dma_wait3A_402 : memref<1x125xi32, #tpu.memory_space<vmem>> -> memref<125xi32, #tpu.memory_space<vmem>>
    %dma_wait3A_404 = arith.constant 0 : i32
    %dma_wait3A_405 = tpu.memref_slice %arg8[%dma_wait3A_404] : memref<10240xf32, #tpu.memory_space<vmem_shared>> -> memref<10240xf32, #tpu.memory_space<vmem_shared>>
    tpu.wait_indirect_dma semaphore(%arg14 : memref<!tpu.dma_semaphore, #tpu.memory_space<semaphore_mem>>) src(%dma_wait3A_400 : memref<125xf32, #tpu.memory_space<vmem>>) dst(%dma_wait3A_405 : memref<10240xf32, #tpu.memory_space<vmem_shared>>)
    %dma_wait3A_406 = arith.constant 78 : i32
    %dma_wait3A_407 = arith.constant 0 : i32
    %dma_wait3A_408 = tpu.memref_slice %arg6[%dma_wait3A_407] : memref<128xf32, #tpu.memory_space<vmem>> -> memref<125xf32, #tpu.memory_space<vmem>>
    %dma_wait3A_409 = arith.constant 0 : i32
    %dma_wait3A_410 = tpu.memref_slice %arg5[%dma_wait3A_406, %dma_wait3A_409] : memref<80x125xi32, #tpu.memory_space<vmem>> -> memref<1x125xi32, #tpu.memory_space<vmem>>
    %dma_wait3A_411 = tpu.memref_squeeze %dma_wait3A_410 : memref<1x125xi32, #tpu.memory_space<vmem>> -> memref<125xi32, #tpu.memory_space<vmem>>
    %dma_wait3A_412 = arith.constant 0 : i32
    %dma_wait3A_413 = tpu.memref_slice %arg8[%dma_wait3A_412] : memref<10240xf32, #tpu.memory_space<vmem_shared>> -> memref<10240xf32, #tpu.memory_space<vmem_shared>>
    tpu.wait_indirect_dma semaphore(%arg15 : memref<!tpu.dma_semaphore, #tpu.memory_space<semaphore_mem>>) src(%dma_wait3A_408 : memref<125xf32, #tpu.memory_space<vmem>>) dst(%dma_wait3A_413 : memref<10240xf32, #tpu.memory_space<vmem_shared>>)
    %dma_wait3A_414 = arith.constant 79 : i32
    %dma_wait3A_415 = arith.constant 0 : i32
    %dma_wait3A_416 = tpu.memref_slice %arg6[%dma_wait3A_415] : memref<128xf32, #tpu.memory_space<vmem>> -> memref<125xf32, #tpu.memory_space<vmem>>
    %dma_wait3A_417 = arith.constant 0 : i32
    %dma_wait3A_418 = tpu.memref_slice %arg5[%dma_wait3A_414, %dma_wait3A_417] : memref<80x125xi32, #tpu.memory_space<vmem>> -> memref<1x125xi32, #tpu.memory_space<vmem>>
    %dma_wait3A_419 = tpu.memref_squeeze %dma_wait3A_418 : memref<1x125xi32, #tpu.memory_space<vmem>> -> memref<125xi32, #tpu.memory_space<vmem>>
    %dma_wait3A_420 = arith.constant 0 : i32
    %dma_wait3A_421 = tpu.memref_slice %arg8[%dma_wait3A_420] : memref<10240xf32, #tpu.memory_space<vmem_shared>> -> memref<10240xf32, #tpu.memory_space<vmem_shared>>
    tpu.wait_indirect_dma semaphore(%arg16 : memref<!tpu.dma_semaphore, #tpu.memory_space<semaphore_mem>>) src(%dma_wait3A_416 : memref<125xf32, #tpu.memory_space<vmem>>) dst(%dma_wait3A_421 : memref<10240xf32, #tpu.memory_space<vmem_shared>>)
    %barrier3A_422 = arith.constant 0 : index
    tpu.barrier barrier_id(%barrier3A_422)
    %mul3A_423 = arith.constant 640 : i32
    %mul3A_424 = arith.muli %arg1, %mul3A_423 : i32
    "tpu.region"() ({
      %run_scoped3A = tpu.sem_alloc : memref<!tpu.dma_semaphore, #tpu.memory_space<semaphore_mem>>
      %dma_start3A_432 = tpu.memref_slice %arg8[%mul3A_424] : memref<10240xf32, #tpu.memory_space<vmem_shared>> -> memref<640xf32, #tpu.memory_space<vmem_shared>>
      %dma_start3A_433 = tpu.memref_slice %arg8[%mul3A_424] : memref<10240xf32, #tpu.memory_space<vmem_shared>> -> memref<640xf32, #tpu.memory_space<vmem_shared>>
      tpu.enqueue_dma source(%dma_start3A_433 : memref<640xf32, #tpu.memory_space<vmem_shared>>) target(%arg7 : memref<640xf32, #tpu.memory_space<vmem>>) target_semaphore(%run_scoped3A : memref<!tpu.dma_semaphore, #tpu.memory_space<semaphore_mem>>)
      %dma_wait3A_434 = tpu.memref_slice %arg8[%mul3A_424] : memref<10240xf32, #tpu.memory_space<vmem_shared>> -> memref<640xf32, #tpu.memory_space<vmem_shared>>
      %dma_wait3A_435 = tpu.memref_slice %arg8[%mul3A_424] : memref<10240xf32, #tpu.memory_space<vmem_shared>> -> memref<640xf32, #tpu.memory_space<vmem_shared>>
      tpu.wait_dma2 semaphore(%run_scoped3A : memref<!tpu.dma_semaphore, #tpu.memory_space<semaphore_mem>>) src(%dma_wait3A_435 : memref<640xf32, #tpu.memory_space<vmem_shared>>) dst(%arg7 : memref<640xf32, #tpu.memory_space<vmem>>)
      tpu.yield
    }) : () -> ()
    %eq3A = arith.constant 0 : i32
    %eq3A_425 = arith.cmpi eq, %arg0, %eq3A : i32
    %convert_element_type3A = arith.extui %eq3A_425 : i1 to i32
    %cond3A = arith.constant 0 : i32
    %cond3A_426 = arith.cmpi ne, %convert_element_type3A, %cond3A : i32
    scf.if %cond3A_426 {
      %mul3A_432 = arith.constant 640 : i32
      %mul3A_433 = arith.muli %arg1, %mul3A_432 : i32
      "tpu.region"() ({
        %run_scoped3A = tpu.sem_alloc : memref<!tpu.dma_semaphore, #tpu.memory_space<semaphore_mem>>
        %dma_start3A_434 = tpu.memref_slice %arg3[%mul3A_433] : memref<10240xf32, #tpu.memory_space<hbm>> -> memref<640xf32, #tpu.memory_space<hbm>>
        %dma_start3A_435 = tpu.memref_slice %arg3[%mul3A_433] : memref<10240xf32, #tpu.memory_space<hbm>> -> memref<640xf32, #tpu.memory_space<hbm>>
        tpu.enqueue_dma source(%arg7 : memref<640xf32, #tpu.memory_space<vmem>>) target(%dma_start3A_435 : memref<640xf32, #tpu.memory_space<hbm>>) target_semaphore(%run_scoped3A : memref<!tpu.dma_semaphore, #tpu.memory_space<semaphore_mem>>)
        %dma_wait3A_436 = tpu.memref_slice %arg3[%mul3A_433] : memref<10240xf32, #tpu.memory_space<hbm>> -> memref<640xf32, #tpu.memory_space<hbm>>
        %dma_wait3A_437 = tpu.memref_slice %arg3[%mul3A_433] : memref<10240xf32, #tpu.memory_space<hbm>> -> memref<640xf32, #tpu.memory_space<hbm>>
        tpu.wait_dma2 semaphore(%run_scoped3A : memref<!tpu.dma_semaphore, #tpu.memory_space<semaphore_mem>>) src(%arg7 : memref<640xf32, #tpu.memory_space<vmem>>) dst(%dma_wait3A_437 : memref<640xf32, #tpu.memory_space<hbm>>)
        tpu.yield
      }) : () -> ()
    } else {
    }
    %eq3A_427 = arith.constant 1 : i32
    %eq3A_428 = arith.cmpi eq, %arg0, %eq3A_427 : i32
    %convert_element_type3A_429 = arith.extui %eq3A_428 : i1 to i32
    %cond3A_430 = arith.constant 0 : i32
    %cond3A_431 = arith.cmpi ne, %convert_element_type3A_429, %cond3A_430 : i32
    scf.if %cond3A_431 {
      %mul3A_432 = arith.constant 640 : i32
      %mul3A_433 = arith.muli %arg1, %mul3A_432 : i32
      "tpu.region"() ({
        %run_scoped3A = tpu.sem_alloc : memref<!tpu.dma_semaphore, #tpu.memory_space<semaphore_mem>>
        %dma_start3A_434 = tpu.memref_slice %arg4[%mul3A_433] : memref<10240xf32, #tpu.memory_space<hbm>> -> memref<640xf32, #tpu.memory_space<hbm>>
        %dma_start3A_435 = tpu.memref_slice %arg4[%mul3A_433] : memref<10240xf32, #tpu.memory_space<hbm>> -> memref<640xf32, #tpu.memory_space<hbm>>
        tpu.enqueue_dma source(%arg7 : memref<640xf32, #tpu.memory_space<vmem>>) target(%dma_start3A_435 : memref<640xf32, #tpu.memory_space<hbm>>) target_semaphore(%run_scoped3A : memref<!tpu.dma_semaphore, #tpu.memory_space<semaphore_mem>>)
        %dma_wait3A_436 = tpu.memref_slice %arg4[%mul3A_433] : memref<10240xf32, #tpu.memory_space<hbm>> -> memref<640xf32, #tpu.memory_space<hbm>>
        %dma_wait3A_437 = tpu.memref_slice %arg4[%mul3A_433] : memref<10240xf32, #tpu.memory_space<hbm>> -> memref<640xf32, #tpu.memory_space<hbm>>
        tpu.wait_dma2 semaphore(%run_scoped3A : memref<!tpu.dma_semaphore, #tpu.memory_space<semaphore_mem>>) src(%arg7 : memref<640xf32, #tpu.memory_space<vmem>>) dst(%dma_wait3A_437 : memref<640xf32, #tpu.memory_space<hbm>>)
        tpu.yield
      }) : () -> ()
    } else {
    }
    return
  }
}

#map = affine_map<(d0, d1) -> (0, 0)>
#map1 = affine_map<(d0, d1) -> (0, 0, 0)>
module attributes {stable_mosaic.version = 14 : i64} {
  func.func @_seg_body(%arg0: i32, %arg1: i32, %arg2: memref<10240x16xf32, #tpu.memory_space<hbm>>, %arg3: memref<2560x125xi32, #tpu.memory_space<hbm>>, %arg4: memref<2560x125xi32, #tpu.memory_space<hbm>>, %arg5: memref<2x10240x16xf32, #tpu.memory_space<hbm>>, %arg6: memref<80x125xi32, #tpu.memory_space<vmem>>, %arg7: memref<80x125xi32, #tpu.memory_space<vmem>>, %arg8: memref<8x125x16xf32, #tpu.memory_space<vmem>>, %arg9: memref<640x16xf32, #tpu.memory_space<vmem>>, %arg10: memref<10240x16xf32, #tpu.memory_space<vmem_shared>>, %arg11: memref<!tpu.dma_semaphore, #tpu.memory_space<semaphore_mem>>, %arg12: memref<!tpu.dma_semaphore, #tpu.memory_space<semaphore_mem>>, %arg13: memref<!tpu.dma_semaphore, #tpu.memory_space<semaphore_mem>>, %arg14: memref<!tpu.dma_semaphore, #tpu.memory_space<semaphore_mem>>, %arg15: memref<!tpu.dma_semaphore, #tpu.memory_space<semaphore_mem>>, %arg16: memref<!tpu.dma_semaphore, #tpu.memory_space<semaphore_mem>>, %arg17: memref<!tpu.dma_semaphore, #tpu.memory_space<semaphore_mem>>, %arg18: memref<!tpu.dma_semaphore, #tpu.memory_space<semaphore_mem>>, %arg19: memref<!tpu.dma_semaphore, #tpu.memory_space<semaphore_mem>>, %arg20: memref<!tpu.dma_semaphore, #tpu.memory_space<semaphore_mem>>, %arg21: memref<!tpu.dma_semaphore, #tpu.memory_space<semaphore_mem>>, %arg22: memref<!tpu.dma_semaphore, #tpu.memory_space<semaphore_mem>>, %arg23: memref<!tpu.dma_semaphore, #tpu.memory_space<semaphore_mem>>, %arg24: memref<!tpu.dma_semaphore, #tpu.memory_space<semaphore_mem>>, %arg25: memref<!tpu.dma_semaphore, #tpu.memory_space<semaphore_mem>>, %arg26: memref<!tpu.dma_semaphore, #tpu.memory_space<semaphore_mem>>) attributes {dimension_semantics = [#tpu.dimension_semantics<core_parallel>, #tpu.dimension_semantics<subcore_parallel>], iteration_bounds = array<i64: 2, 16>, scalar_prefetch = 0 : i64, scratch_operands = 21 : i64, tpu.core_type = #tpu.core_type<sc_vector_subcore>, window_params = [{transform_indices = #map}, {transform_indices = #map}, {transform_indices = #map}, {transform_indices = #map1}]} {
    %mul3A = arith.constant 16 : i32
    %mul3A_0 = arith.muli %arg0, %mul3A : i32
    %add3A = arith.addi %mul3A_0, %arg1 : i32
    %mul3A_1 = arith.constant 80 : i32
    %mul3A_2 = arith.muli %add3A, %mul3A_1 : i32
    "tpu.region"() ({
      %run_scoped3A = tpu.sem_alloc : memref<!tpu.dma_semaphore, #tpu.memory_space<semaphore_mem>>
      %dma_start3A_405 = arith.constant 0 : i32
      %dma_start3A_406 = tpu.memref_slice %arg3[%mul3A_2, %dma_start3A_405] : memref<2560x125xi32, #tpu.memory_space<hbm>> -> memref<80x125xi32, #tpu.memory_space<hbm>>
      %dma_start3A_407 = arith.constant 0 : i32
      %dma_start3A_408 = tpu.memref_slice %arg3[%mul3A_2, %dma_start3A_407] : memref<2560x125xi32, #tpu.memory_space<hbm>> -> memref<80x125xi32, #tpu.memory_space<hbm>>
      tpu.enqueue_dma source(%dma_start3A_408 : memref<80x125xi32, #tpu.memory_space<hbm>>) target(%arg6 : memref<80x125xi32, #tpu.memory_space<vmem>>) target_semaphore(%run_scoped3A : memref<!tpu.dma_semaphore, #tpu.memory_space<semaphore_mem>>)
      %dma_wait3A_409 = arith.constant 0 : i32
      %dma_wait3A_410 = tpu.memref_slice %arg3[%mul3A_2, %dma_wait3A_409] : memref<2560x125xi32, #tpu.memory_space<hbm>> -> memref<80x125xi32, #tpu.memory_space<hbm>>
      %dma_wait3A_411 = arith.constant 0 : i32
      %dma_wait3A_412 = tpu.memref_slice %arg3[%mul3A_2, %dma_wait3A_411] : memref<2560x125xi32, #tpu.memory_space<hbm>> -> memref<80x125xi32, #tpu.memory_space<hbm>>
      tpu.wait_dma2 semaphore(%run_scoped3A : memref<!tpu.dma_semaphore, #tpu.memory_space<semaphore_mem>>) src(%dma_wait3A_412 : memref<80x125xi32, #tpu.memory_space<hbm>>) dst(%arg6 : memref<80x125xi32, #tpu.memory_space<vmem>>)
      tpu.yield
    }) : () -> ()
    %mul3A_3 = arith.constant 80 : i32
    %mul3A_4 = arith.muli %add3A, %mul3A_3 : i32
    "tpu.region"() ({
      %run_scoped3A = tpu.sem_alloc : memref<!tpu.dma_semaphore, #tpu.memory_space<semaphore_mem>>
      %dma_start3A_405 = arith.constant 0 : i32
      %dma_start3A_406 = tpu.memref_slice %arg4[%mul3A_4, %dma_start3A_405] : memref<2560x125xi32, #tpu.memory_space<hbm>> -> memref<80x125xi32, #tpu.memory_space<hbm>>
      %dma_start3A_407 = arith.constant 0 : i32
      %dma_start3A_408 = tpu.memref_slice %arg4[%mul3A_4, %dma_start3A_407] : memref<2560x125xi32, #tpu.memory_space<hbm>> -> memref<80x125xi32, #tpu.memory_space<hbm>>
      tpu.enqueue_dma source(%dma_start3A_408 : memref<80x125xi32, #tpu.memory_space<hbm>>) target(%arg7 : memref<80x125xi32, #tpu.memory_space<vmem>>) target_semaphore(%run_scoped3A : memref<!tpu.dma_semaphore, #tpu.memory_space<semaphore_mem>>)
      %dma_wait3A_409 = arith.constant 0 : i32
      %dma_wait3A_410 = tpu.memref_slice %arg4[%mul3A_4, %dma_wait3A_409] : memref<2560x125xi32, #tpu.memory_space<hbm>> -> memref<80x125xi32, #tpu.memory_space<hbm>>
      %dma_wait3A_411 = arith.constant 0 : i32
      %dma_wait3A_412 = tpu.memref_slice %arg4[%mul3A_4, %dma_wait3A_411] : memref<2560x125xi32, #tpu.memory_space<hbm>> -> memref<80x125xi32, #tpu.memory_space<hbm>>
      tpu.wait_dma2 semaphore(%run_scoped3A : memref<!tpu.dma_semaphore, #tpu.memory_space<semaphore_mem>>) src(%dma_wait3A_412 : memref<80x125xi32, #tpu.memory_space<hbm>>) dst(%arg7 : memref<80x125xi32, #tpu.memory_space<vmem>>)
      tpu.yield
    }) : () -> ()
    %scan3A = arith.constant 0 : i32
    %scan3A_5 = arith.constant 0 : i32
    %scan3A_6 = arith.constant 640 : i32
    %scan3A_7 = arith.addi %scan3A_5, %scan3A_6 : i32
    %scan3A_8 = arith.constant 1 : i32
    scf.for %scan3A_405 = %scan3A_5 to %scan3A_7 step %scan3A_8  : i32 {
      %broadcast_in_dim3A = arith.constant 0.000000e+00 : f32
      %broadcast_in_dim3A_406 = vector.broadcast %broadcast_in_dim3A : f32 to vector<16xf32>
      %swap3A = arith.index_cast %scan3A_405 : i32 to index
      %swap3A_407 = arith.constant 0 : index
      %swap3A_408 = tpu.vector_load %arg9[%swap3A, %swap3A_407] {strides = array<i32>} : memref<640x16xf32, #tpu.memory_space<vmem>>, vector<1x16xf32>,
      %swap3A_409 = vector.shape_cast %swap3A_408 : vector<1x16xf32> to vector<16xf32>
      %swap3A_410 = vector.shape_cast %broadcast_in_dim3A_406 : vector<16xf32> to vector<1x16xf32>
      tpu.vector_store %arg9[%swap3A, %swap3A_407], %swap3A_410 {strides = array<i32>} : memref<640x16xf32, #tpu.memory_space<vmem>>, vector<1x16xf32>,
    }
    %scan3A_9 = arith.constant 640 : i32
    %mul3A_10 = arith.constant 640 : i32
    %mul3A_11 = arith.muli %arg1, %mul3A_10 : i32
    "tpu.region"() ({
      %run_scoped3A = tpu.sem_alloc : memref<!tpu.dma_semaphore, #tpu.memory_space<semaphore_mem>>
      %dma_start3A_405 = arith.constant 0 : i32
      %dma_start3A_406 = tpu.memref_slice %arg10[%mul3A_11, %dma_start3A_405] : memref<10240x16xf32, #tpu.memory_space<vmem_shared>> -> memref<640x16xf32, #tpu.memory_space<vmem_shared>>
      %dma_start3A_407 = arith.constant 0 : i32
      %dma_start3A_408 = tpu.memref_slice %arg10[%mul3A_11, %dma_start3A_407] : memref<10240x16xf32, #tpu.memory_space<vmem_shared>> -> memref<640x16xf32, #tpu.memory_space<vmem_shared>>
      tpu.enqueue_dma source(%arg9 : memref<640x16xf32, #tpu.memory_space<vmem>>) target(%dma_start3A_408 : memref<640x16xf32, #tpu.memory_space<vmem_shared>>) target_semaphore(%run_scoped3A : memref<!tpu.dma_semaphore, #tpu.memory_space<semaphore_mem>>)
      %dma_wait3A_409 = arith.constant 0 : i32
      %dma_wait3A_410 = tpu.memref_slice %arg10[%mul3A_11, %dma_wait3A_409] : memref<10240x16xf32, #tpu.memory_space<vmem_shared>> -> memref<640x16xf32, #tpu.memory_space<vmem_shared>>
      %dma_wait3A_411 = arith.constant 0 : i32
      %dma_wait3A_412 = tpu.memref_slice %arg10[%mul3A_11, %dma_wait3A_411] : memref<10240x16xf32, #tpu.memory_space<vmem_shared>> -> memref<640x16xf32, #tpu.memory_space<vmem_shared>>
      tpu.wait_dma2 semaphore(%run_scoped3A : memref<!tpu.dma_semaphore, #tpu.memory_space<semaphore_mem>>) src(%arg9 : memref<640x16xf32, #tpu.memory_space<vmem>>) dst(%dma_wait3A_412 : memref<640x16xf32, #tpu.memory_space<vmem_shared>>)
      tpu.yield
    }) : () -> ()
    %barrier3A = arith.constant 0 : index
    tpu.barrier barrier_id(%barrier3A)
    %dma_start3A = arith.constant 0 : i32
    %dma_start3A_12 = arith.constant 0 : i32
    %dma_start3A_13 = arith.constant 0 : i32
    %dma_start3A_14 = arith.constant 0 : i32
    %dma_start3A_15 = tpu.memref_slice %arg8[%dma_start3A_12, %dma_start3A_13, %dma_start3A_14] : memref<8x125x16xf32, #tpu.memory_space<vmem>> -> memref<1x125x16xf32, #tpu.memory_space<vmem>>
    %dma_start3A_16 = tpu.memref_squeeze %dma_start3A_15 : memref<1x125x16xf32, #tpu.memory_space<vmem>> -> memref<125x16xf32, #tpu.memory_space<vmem>>
    %dma_start3A_17 = arith.constant 0 : i32
    %dma_start3A_18 = tpu.memref_slice %arg6[%dma_start3A, %dma_start3A_17] : memref<80x125xi32, #tpu.memory_space<vmem>> -> memref<1x125xi32, #tpu.memory_space<vmem>>
    %dma_start3A_19 = tpu.memref_squeeze %dma_start3A_18 : memref<1x125xi32, #tpu.memory_space<vmem>> -> memref<125xi32, #tpu.memory_space<vmem>>
    %dma_start3A_20 = arith.constant 0 : i32
    %dma_start3A_21 = arith.constant 0 : i32
    %dma_start3A_22 = tpu.memref_slice %arg2[%dma_start3A_20, %dma_start3A_21] : memref<10240x16xf32, #tpu.memory_space<hbm>> -> memref<10240x16xf32, #tpu.memory_space<hbm>>
    tpu.enqueue_indirect_dma source(%dma_start3A_22 : memref<10240x16xf32, #tpu.memory_space<hbm>>) target(%dma_start3A_16 : memref<125x16xf32, #tpu.memory_space<vmem>>) offsets(%dma_start3A_19 : memref<125xi32, #tpu.memory_space<vmem>>) semaphore(%arg11 : memref<!tpu.dma_semaphore, #tpu.memory_space<semaphore_mem>>)
    %dma_start3A_23 = arith.constant 1 : i32
    %dma_start3A_24 = arith.constant 1 : i32
    %dma_start3A_25 = arith.constant 0 : i32
    %dma_start3A_26 = arith.constant 0 : i32
    %dma_start3A_27 = tpu.memref_slice %arg8[%dma_start3A_24, %dma_start3A_25, %dma_start3A_26] : memref<8x125x16xf32, #tpu.memory_space<vmem>> -> memref<1x125x16xf32, #tpu.memory_space<vmem>>
    %dma_start3A_28 = tpu.memref_squeeze %dma_start3A_27 : memref<1x125x16xf32, #tpu.memory_space<vmem>> -> memref<125x16xf32, #tpu.memory_space<vmem>>
    %dma_start3A_29 = arith.constant 0 : i32
    %dma_start3A_30 = tpu.memref_slice %arg6[%dma_start3A_23, %dma_start3A_29] : memref<80x125xi32, #tpu.memory_space<vmem>> -> memref<1x125xi32, #tpu.memory_space<vmem>>
    %dma_start3A_31 = tpu.memref_squeeze %dma_start3A_30 : memref<1x125xi32, #tpu.memory_space<vmem>> -> memref<125xi32, #tpu.memory_space<vmem>>
    %dma_start3A_32 = arith.constant 0 : i32
    %dma_start3A_33 = arith.constant 0 : i32
    %dma_start3A_34 = tpu.memref_slice %arg2[%dma_start3A_32, %dma_start3A_33] : memref<10240x16xf32, #tpu.memory_space<hbm>> -> memref<10240x16xf32, #tpu.memory_space<hbm>>
    tpu.enqueue_indirect_dma source(%dma_start3A_34 : memref<10240x16xf32, #tpu.memory_space<hbm>>) target(%dma_start3A_28 : memref<125x16xf32, #tpu.memory_space<vmem>>) offsets(%dma_start3A_31 : memref<125xi32, #tpu.memory_space<vmem>>) semaphore(%arg12 : memref<!tpu.dma_semaphore, #tpu.memory_space<semaphore_mem>>)
    %dma_start3A_35 = arith.constant 2 : i32
    %dma_start3A_36 = arith.constant 2 : i32
    %dma_start3A_37 = arith.constant 0 : i32
    %dma_start3A_38 = arith.constant 0 : i32
    %dma_start3A_39 = tpu.memref_slice %arg8[%dma_start3A_36, %dma_start3A_37, %dma_start3A_38] : memref<8x125x16xf32, #tpu.memory_space<vmem>> -> memref<1x125x16xf32, #tpu.memory_space<vmem>>
    %dma_start3A_40 = tpu.memref_squeeze %dma_start3A_39 : memref<1x125x16xf32, #tpu.memory_space<vmem>> -> memref<125x16xf32, #tpu.memory_space<vmem>>
    %dma_start3A_41 = arith.constant 0 : i32
    %dma_start3A_42 = tpu.memref_slice %arg6[%dma_start3A_35, %dma_start3A_41] : memref<80x125xi32, #tpu.memory_space<vmem>> -> memref<1x125xi32, #tpu.memory_space<vmem>>
    %dma_start3A_43 = tpu.memref_squeeze %dma_start3A_42 : memref<1x125xi32, #tpu.memory_space<vmem>> -> memref<125xi32, #tpu.memory_space<vmem>>
    %dma_start3A_44 = arith.constant 0 : i32
    %dma_start3A_45 = arith.constant 0 : i32
    %dma_start3A_46 = tpu.memref_slice %arg2[%dma_start3A_44, %dma_start3A_45] : memref<10240x16xf32, #tpu.memory_space<hbm>> -> memref<10240x16xf32, #tpu.memory_space<hbm>>
    tpu.enqueue_indirect_dma source(%dma_start3A_46 : memref<10240x16xf32, #tpu.memory_space<hbm>>) target(%dma_start3A_40 : memref<125x16xf32, #tpu.memory_space<vmem>>) offsets(%dma_start3A_43 : memref<125xi32, #tpu.memory_space<vmem>>) semaphore(%arg13 : memref<!tpu.dma_semaphore, #tpu.memory_space<semaphore_mem>>)
    %dma_start3A_47 = arith.constant 3 : i32
    %dma_start3A_48 = arith.constant 3 : i32
    %dma_start3A_49 = arith.constant 0 : i32
    %dma_start3A_50 = arith.constant 0 : i32
    %dma_start3A_51 = tpu.memref_slice %arg8[%dma_start3A_48, %dma_start3A_49, %dma_start3A_50] : memref<8x125x16xf32, #tpu.memory_space<vmem>> -> memref<1x125x16xf32, #tpu.memory_space<vmem>>
    %dma_start3A_52 = tpu.memref_squeeze %dma_start3A_51 : memref<1x125x16xf32, #tpu.memory_space<vmem>> -> memref<125x16xf32, #tpu.memory_space<vmem>>
    %dma_start3A_53 = arith.constant 0 : i32
    %dma_start3A_54 = tpu.memref_slice %arg6[%dma_start3A_47, %dma_start3A_53] : memref<80x125xi32, #tpu.memory_space<vmem>> -> memref<1x125xi32, #tpu.memory_space<vmem>>
    %dma_start3A_55 = tpu.memref_squeeze %dma_start3A_54 : memref<1x125xi32, #tpu.memory_space<vmem>> -> memref<125xi32, #tpu.memory_space<vmem>>
    %dma_start3A_56 = arith.constant 0 : i32
    %dma_start3A_57 = arith.constant 0 : i32
    %dma_start3A_58 = tpu.memref_slice %arg2[%dma_start3A_56, %dma_start3A_57] : memref<10240x16xf32, #tpu.memory_space<hbm>> -> memref<10240x16xf32, #tpu.memory_space<hbm>>
    tpu.enqueue_indirect_dma source(%dma_start3A_58 : memref<10240x16xf32, #tpu.memory_space<hbm>>) target(%dma_start3A_52 : memref<125x16xf32, #tpu.memory_space<vmem>>) offsets(%dma_start3A_55 : memref<125xi32, #tpu.memory_space<vmem>>) semaphore(%arg14 : memref<!tpu.dma_semaphore, #tpu.memory_space<semaphore_mem>>)
    %dma_start3A_59 = arith.constant 4 : i32
    %dma_start3A_60 = arith.constant 4 : i32
    %dma_start3A_61 = arith.constant 0 : i32
    %dma_start3A_62 = arith.constant 0 : i32
    %dma_start3A_63 = tpu.memref_slice %arg8[%dma_start3A_60, %dma_start3A_61, %dma_start3A_62] : memref<8x125x16xf32, #tpu.memory_space<vmem>> -> memref<1x125x16xf32, #tpu.memory_space<vmem>>
    %dma_start3A_64 = tpu.memref_squeeze %dma_start3A_63 : memref<1x125x16xf32, #tpu.memory_space<vmem>> -> memref<125x16xf32, #tpu.memory_space<vmem>>
    %dma_start3A_65 = arith.constant 0 : i32
    %dma_start3A_66 = tpu.memref_slice %arg6[%dma_start3A_59, %dma_start3A_65] : memref<80x125xi32, #tpu.memory_space<vmem>> -> memref<1x125xi32, #tpu.memory_space<vmem>>
    %dma_start3A_67 = tpu.memref_squeeze %dma_start3A_66 : memref<1x125xi32, #tpu.memory_space<vmem>> -> memref<125xi32, #tpu.memory_space<vmem>>
    %dma_start3A_68 = arith.constant 0 : i32
    %dma_start3A_69 = arith.constant 0 : i32
    %dma_start3A_70 = tpu.memref_slice %arg2[%dma_start3A_68, %dma_start3A_69] : memref<10240x16xf32, #tpu.memory_space<hbm>> -> memref<10240x16xf32, #tpu.memory_space<hbm>>
    tpu.enqueue_indirect_dma source(%dma_start3A_70 : memref<10240x16xf32, #tpu.memory_space<hbm>>) target(%dma_start3A_64 : memref<125x16xf32, #tpu.memory_space<vmem>>) offsets(%dma_start3A_67 : memref<125xi32, #tpu.memory_space<vmem>>) semaphore(%arg15 : memref<!tpu.dma_semaphore, #tpu.memory_space<semaphore_mem>>)
    %dma_start3A_71 = arith.constant 5 : i32
    %dma_start3A_72 = arith.constant 5 : i32
    %dma_start3A_73 = arith.constant 0 : i32
    %dma_start3A_74 = arith.constant 0 : i32
    %dma_start3A_75 = tpu.memref_slice %arg8[%dma_start3A_72, %dma_start3A_73, %dma_start3A_74] : memref<8x125x16xf32, #tpu.memory_space<vmem>> -> memref<1x125x16xf32, #tpu.memory_space<vmem>>
    %dma_start3A_76 = tpu.memref_squeeze %dma_start3A_75 : memref<1x125x16xf32, #tpu.memory_space<vmem>> -> memref<125x16xf32, #tpu.memory_space<vmem>>
    %dma_start3A_77 = arith.constant 0 : i32
    %dma_start3A_78 = tpu.memref_slice %arg6[%dma_start3A_71, %dma_start3A_77] : memref<80x125xi32, #tpu.memory_space<vmem>> -> memref<1x125xi32, #tpu.memory_space<vmem>>
    %dma_start3A_79 = tpu.memref_squeeze %dma_start3A_78 : memref<1x125xi32, #tpu.memory_space<vmem>> -> memref<125xi32, #tpu.memory_space<vmem>>
    %dma_start3A_80 = arith.constant 0 : i32
    %dma_start3A_81 = arith.constant 0 : i32
    %dma_start3A_82 = tpu.memref_slice %arg2[%dma_start3A_80, %dma_start3A_81] : memref<10240x16xf32, #tpu.memory_space<hbm>> -> memref<10240x16xf32, #tpu.memory_space<hbm>>
    tpu.enqueue_indirect_dma source(%dma_start3A_82 : memref<10240x16xf32, #tpu.memory_space<hbm>>) target(%dma_start3A_76 : memref<125x16xf32, #tpu.memory_space<vmem>>) offsets(%dma_start3A_79 : memref<125xi32, #tpu.memory_space<vmem>>) semaphore(%arg16 : memref<!tpu.dma_semaphore, #tpu.memory_space<semaphore_mem>>)
    %dma_start3A_83 = arith.constant 6 : i32
    %dma_start3A_84 = arith.constant 6 : i32
    %dma_start3A_85 = arith.constant 0 : i32
    %dma_start3A_86 = arith.constant 0 : i32
    %dma_start3A_87 = tpu.memref_slice %arg8[%dma_start3A_84, %dma_start3A_85, %dma_start3A_86] : memref<8x125x16xf32, #tpu.memory_space<vmem>> -> memref<1x125x16xf32, #tpu.memory_space<vmem>>
    %dma_start3A_88 = tpu.memref_squeeze %dma_start3A_87 : memref<1x125x16xf32, #tpu.memory_space<vmem>> -> memref<125x16xf32, #tpu.memory_space<vmem>>
    %dma_start3A_89 = arith.constant 0 : i32
    %dma_start3A_90 = tpu.memref_slice %arg6[%dma_start3A_83, %dma_start3A_89] : memref<80x125xi32, #tpu.memory_space<vmem>> -> memref<1x125xi32, #tpu.memory_space<vmem>>
    %dma_start3A_91 = tpu.memref_squeeze %dma_start3A_90 : memref<1x125xi32, #tpu.memory_space<vmem>> -> memref<125xi32, #tpu.memory_space<vmem>>
    %dma_start3A_92 = arith.constant 0 : i32
    %dma_start3A_93 = arith.constant 0 : i32
    %dma_start3A_94 = tpu.memref_slice %arg2[%dma_start3A_92, %dma_start3A_93] : memref<10240x16xf32, #tpu.memory_space<hbm>> -> memref<10240x16xf32, #tpu.memory_space<hbm>>
    tpu.enqueue_indirect_dma source(%dma_start3A_94 : memref<10240x16xf32, #tpu.memory_space<hbm>>) target(%dma_start3A_88 : memref<125x16xf32, #tpu.memory_space<vmem>>) offsets(%dma_start3A_91 : memref<125xi32, #tpu.memory_space<vmem>>) semaphore(%arg17 : memref<!tpu.dma_semaphore, #tpu.memory_space<semaphore_mem>>)
    %dma_start3A_95 = arith.constant 7 : i32
    %dma_start3A_96 = arith.constant 7 : i32
    %dma_start3A_97 = arith.constant 0 : i32
    %dma_start3A_98 = arith.constant 0 : i32
    %dma_start3A_99 = tpu.memref_slice %arg8[%dma_start3A_96, %dma_start3A_97, %dma_start3A_98] : memref<8x125x16xf32, #tpu.memory_space<vmem>> -> memref<1x125x16xf32, #tpu.memory_space<vmem>>
    %dma_start3A_100 = tpu.memref_squeeze %dma_start3A_99 : memref<1x125x16xf32, #tpu.memory_space<vmem>> -> memref<125x16xf32, #tpu.memory_space<vmem>>
    %dma_start3A_101 = arith.constant 0 : i32
    %dma_start3A_102 = tpu.memref_slice %arg6[%dma_start3A_95, %dma_start3A_101] : memref<80x125xi32, #tpu.memory_space<vmem>> -> memref<1x125xi32, #tpu.memory_space<vmem>>
    %dma_start3A_103 = tpu.memref_squeeze %dma_start3A_102 : memref<1x125xi32, #tpu.memory_space<vmem>> -> memref<125xi32, #tpu.memory_space<vmem>>
    %dma_start3A_104 = arith.constant 0 : i32
    %dma_start3A_105 = arith.constant 0 : i32
    %dma_start3A_106 = tpu.memref_slice %arg2[%dma_start3A_104, %dma_start3A_105] : memref<10240x16xf32, #tpu.memory_space<hbm>> -> memref<10240x16xf32, #tpu.memory_space<hbm>>
    tpu.enqueue_indirect_dma source(%dma_start3A_106 : memref<10240x16xf32, #tpu.memory_space<hbm>>) target(%dma_start3A_100 : memref<125x16xf32, #tpu.memory_space<vmem>>) offsets(%dma_start3A_103 : memref<125xi32, #tpu.memory_space<vmem>>) semaphore(%arg18 : memref<!tpu.dma_semaphore, #tpu.memory_space<semaphore_mem>>)
    %scan3A_107 = arith.constant 0 : i32
    %scan3A_108 = arith.constant 0 : i32
    %scan3A_109 = arith.constant 9 : i32
    %scan3A_110 = arith.addi %scan3A_108, %scan3A_109 : i32
    %scan3A_111 = arith.constant 1 : i32
    scf.for %scan3A_405 = %scan3A_108 to %scan3A_110 step %scan3A_111  : i32 {
      %mul3A_406 = arith.constant 8 : i32
      %mul3A_407 = arith.muli %scan3A_405, %mul3A_406 : i32
      %add3A_408 = arith.constant 0 : i32
      %add3A_409 = arith.addi %mul3A_407, %add3A_408 : i32
      %dma_wait3A_410 = arith.constant 0 : i32
      %dma_wait3A_411 = arith.constant 0 : i32
      %dma_wait3A_412 = arith.constant 0 : i32
      %dma_wait3A_413 = tpu.memref_slice %arg8[%dma_wait3A_410, %dma_wait3A_411, %dma_wait3A_412] : memref<8x125x16xf32, #tpu.memory_space<vmem>> -> memref<1x125x16xf32, #tpu.memory_space<vmem>>
      %dma_wait3A_414 = tpu.memref_squeeze %dma_wait3A_413 : memref<1x125x16xf32, #tpu.memory_space<vmem>> -> memref<125x16xf32, #tpu.memory_space<vmem>>
      %dma_wait3A_415 = arith.constant 0 : i32
      %dma_wait3A_416 = tpu.memref_slice %arg6[%add3A_409, %dma_wait3A_415] : memref<80x125xi32, #tpu.memory_space<vmem>> -> memref<1x125xi32, #tpu.memory_space<vmem>>
      %dma_wait3A_417 = tpu.memref_squeeze %dma_wait3A_416 : memref<1x125xi32, #tpu.memory_space<vmem>> -> memref<125xi32, #tpu.memory_space<vmem>>
      %dma_wait3A_418 = arith.constant 0 : i32
      %dma_wait3A_419 = arith.constant 0 : i32
      %dma_wait3A_420 = tpu.memref_slice %arg2[%dma_wait3A_418, %dma_wait3A_419] : memref<10240x16xf32, #tpu.memory_space<hbm>> -> memref<10240x16xf32, #tpu.memory_space<hbm>>
      tpu.wait_indirect_dma semaphore(%arg11 : memref<!tpu.dma_semaphore, #tpu.memory_space<semaphore_mem>>) src(%dma_wait3A_420 : memref<10240x16xf32, #tpu.memory_space<hbm>>) dst(%dma_wait3A_414 : memref<125x16xf32, #tpu.memory_space<vmem>>)
      %add3A_421 = arith.constant 0 : i32
      %add3A_422 = arith.addi %mul3A_407, %add3A_421 : i32
      %dma_start3A_423 = arith.constant 0 : i32
      %dma_start3A_424 = arith.constant 0 : i32
      %dma_start3A_425 = arith.constant 0 : i32
      %dma_start3A_426 = tpu.memref_slice %arg8[%dma_start3A_423, %dma_start3A_424, %dma_start3A_425] : memref<8x125x16xf32, #tpu.memory_space<vmem>> -> memref<1x125x16xf32, #tpu.memory_space<vmem>>
      %dma_start3A_427 = tpu.memref_squeeze %dma_start3A_426 : memref<1x125x16xf32, #tpu.memory_space<vmem>> -> memref<125x16xf32, #tpu.memory_space<vmem>>
      %dma_start3A_428 = arith.constant 0 : i32
      %dma_start3A_429 = tpu.memref_slice %arg7[%add3A_422, %dma_start3A_428] : memref<80x125xi32, #tpu.memory_space<vmem>> -> memref<1x125xi32, #tpu.memory_space<vmem>>
      %dma_start3A_430 = tpu.memref_squeeze %dma_start3A_429 : memref<1x125xi32, #tpu.memory_space<vmem>> -> memref<125xi32, #tpu.memory_space<vmem>>
      %dma_start3A_431 = arith.constant 0 : i32
      %dma_start3A_432 = arith.constant 0 : i32
      %dma_start3A_433 = tpu.memref_slice %arg10[%dma_start3A_431, %dma_start3A_432] : memref<10240x16xf32, #tpu.memory_space<vmem_shared>> -> memref<10240x16xf32, #tpu.memory_space<vmem_shared>>
      tpu.enqueue_indirect_dma source(%dma_start3A_427 : memref<125x16xf32, #tpu.memory_space<vmem>>) target(%dma_start3A_433 : memref<10240x16xf32, #tpu.memory_space<vmem_shared>>) offsets(%dma_start3A_430 : memref<125xi32, #tpu.memory_space<vmem>>) semaphore(%arg19 : memref<!tpu.dma_semaphore, #tpu.memory_space<semaphore_mem>>) {add = true}
      %add3A_434 = arith.constant 1 : i32
      %add3A_435 = arith.addi %mul3A_407, %add3A_434 : i32
      %dma_wait3A_436 = arith.constant 1 : i32
      %dma_wait3A_437 = arith.constant 0 : i32
      %dma_wait3A_438 = arith.constant 0 : i32
      %dma_wait3A_439 = tpu.memref_slice %arg8[%dma_wait3A_436, %dma_wait3A_437, %dma_wait3A_438] : memref<8x125x16xf32, #tpu.memory_space<vmem>> -> memref<1x125x16xf32, #tpu.memory_space<vmem>>
      %dma_wait3A_440 = tpu.memref_squeeze %dma_wait3A_439 : memref<1x125x16xf32, #tpu.memory_space<vmem>> -> memref<125x16xf32, #tpu.memory_space<vmem>>
      %dma_wait3A_441 = arith.constant 0 : i32
      %dma_wait3A_442 = tpu.memref_slice %arg6[%add3A_435, %dma_wait3A_441] : memref<80x125xi32, #tpu.memory_space<vmem>> -> memref<1x125xi32, #tpu.memory_space<vmem>>
      %dma_wait3A_443 = tpu.memref_squeeze %dma_wait3A_442 : memref<1x125xi32, #tpu.memory_space<vmem>> -> memref<125xi32, #tpu.memory_space<vmem>>
      %dma_wait3A_444 = arith.constant 0 : i32
      %dma_wait3A_445 = arith.constant 0 : i32
      %dma_wait3A_446 = tpu.memref_slice %arg2[%dma_wait3A_444, %dma_wait3A_445] : memref<10240x16xf32, #tpu.memory_space<hbm>> -> memref<10240x16xf32, #tpu.memory_space<hbm>>
      tpu.wait_indirect_dma semaphore(%arg12 : memref<!tpu.dma_semaphore, #tpu.memory_space<semaphore_mem>>) src(%dma_wait3A_446 : memref<10240x16xf32, #tpu.memory_space<hbm>>) dst(%dma_wait3A_440 : memref<125x16xf32, #tpu.memory_space<vmem>>)
      %add3A_447 = arith.constant 1 : i32
      %add3A_448 = arith.addi %mul3A_407, %add3A_447 : i32
      %dma_start3A_449 = arith.constant 1 : i32
      %dma_start3A_450 = arith.constant 0 : i32
      %dma_start3A_451 = arith.constant 0 : i32
      %dma_start3A_452 = tpu.memref_slice %arg8[%dma_start3A_449, %dma_start3A_450, %dma_start3A_451] : memref<8x125x16xf32, #tpu.memory_space<vmem>> -> memref<1x125x16xf32, #tpu.memory_space<vmem>>
      %dma_start3A_453 = tpu.memref_squeeze %dma_start3A_452 : memref<1x125x16xf32, #tpu.memory_space<vmem>> -> memref<125x16xf32, #tpu.memory_space<vmem>>
      %dma_start3A_454 = arith.constant 0 : i32
      %dma_start3A_455 = tpu.memref_slice %arg7[%add3A_448, %dma_start3A_454] : memref<80x125xi32, #tpu.memory_space<vmem>> -> memref<1x125xi32, #tpu.memory_space<vmem>>
      %dma_start3A_456 = tpu.memref_squeeze %dma_start3A_455 : memref<1x125xi32, #tpu.memory_space<vmem>> -> memref<125xi32, #tpu.memory_space<vmem>>
      %dma_start3A_457 = arith.constant 0 : i32
      %dma_start3A_458 = arith.constant 0 : i32
      %dma_start3A_459 = tpu.memref_slice %arg10[%dma_start3A_457, %dma_start3A_458] : memref<10240x16xf32, #tpu.memory_space<vmem_shared>> -> memref<10240x16xf32, #tpu.memory_space<vmem_shared>>
      tpu.enqueue_indirect_dma source(%dma_start3A_453 : memref<125x16xf32, #tpu.memory_space<vmem>>) target(%dma_start3A_459 : memref<10240x16xf32, #tpu.memory_space<vmem_shared>>) offsets(%dma_start3A_456 : memref<125xi32, #tpu.memory_space<vmem>>) semaphore(%arg20 : memref<!tpu.dma_semaphore, #tpu.memory_space<semaphore_mem>>) {add = true}
      %add3A_460 = arith.constant 2 : i32
      %add3A_461 = arith.addi %mul3A_407, %add3A_460 : i32
      %dma_wait3A_462 = arith.constant 2 : i32
      %dma_wait3A_463 = arith.constant 0 : i32
      %dma_wait3A_464 = arith.constant 0 : i32
      %dma_wait3A_465 = tpu.memref_slice %arg8[%dma_wait3A_462, %dma_wait3A_463, %dma_wait3A_464] : memref<8x125x16xf32, #tpu.memory_space<vmem>> -> memref<1x125x16xf32, #tpu.memory_space<vmem>>
      %dma_wait3A_466 = tpu.memref_squeeze %dma_wait3A_465 : memref<1x125x16xf32, #tpu.memory_space<vmem>> -> memref<125x16xf32, #tpu.memory_space<vmem>>
      %dma_wait3A_467 = arith.constant 0 : i32
      %dma_wait3A_468 = tpu.memref_slice %arg6[%add3A_461, %dma_wait3A_467] : memref<80x125xi32, #tpu.memory_space<vmem>> -> memref<1x125xi32, #tpu.memory_space<vmem>>
      %dma_wait3A_469 = tpu.memref_squeeze %dma_wait3A_468 : memref<1x125xi32, #tpu.memory_space<vmem>> -> memref<125xi32, #tpu.memory_space<vmem>>
      %dma_wait3A_470 = arith.constant 0 : i32
      %dma_wait3A_471 = arith.constant 0 : i32
      %dma_wait3A_472 = tpu.memref_slice %arg2[%dma_wait3A_470, %dma_wait3A_471] : memref<10240x16xf32, #tpu.memory_space<hbm>> -> memref<10240x16xf32, #tpu.memory_space<hbm>>
      tpu.wait_indirect_dma semaphore(%arg13 : memref<!tpu.dma_semaphore, #tpu.memory_space<semaphore_mem>>) src(%dma_wait3A_472 : memref<10240x16xf32, #tpu.memory_space<hbm>>) dst(%dma_wait3A_466 : memref<125x16xf32, #tpu.memory_space<vmem>>)
      %add3A_473 = arith.constant 2 : i32
      %add3A_474 = arith.addi %mul3A_407, %add3A_473 : i32
      %dma_start3A_475 = arith.constant 2 : i32
      %dma_start3A_476 = arith.constant 0 : i32
      %dma_start3A_477 = arith.constant 0 : i32
      %dma_start3A_478 = tpu.memref_slice %arg8[%dma_start3A_475, %dma_start3A_476, %dma_start3A_477] : memref<8x125x16xf32, #tpu.memory_space<vmem>> -> memref<1x125x16xf32, #tpu.memory_space<vmem>>
      %dma_start3A_479 = tpu.memref_squeeze %dma_start3A_478 : memref<1x125x16xf32, #tpu.memory_space<vmem>> -> memref<125x16xf32, #tpu.memory_space<vmem>>
      %dma_start3A_480 = arith.constant 0 : i32
      %dma_start3A_481 = tpu.memref_slice %arg7[%add3A_474, %dma_start3A_480] : memref<80x125xi32, #tpu.memory_space<vmem>> -> memref<1x125xi32, #tpu.memory_space<vmem>>
      %dma_start3A_482 = tpu.memref_squeeze %dma_start3A_481 : memref<1x125xi32, #tpu.memory_space<vmem>> -> memref<125xi32, #tpu.memory_space<vmem>>
      %dma_start3A_483 = arith.constant 0 : i32
      %dma_start3A_484 = arith.constant 0 : i32
      %dma_start3A_485 = tpu.memref_slice %arg10[%dma_start3A_483, %dma_start3A_484] : memref<10240x16xf32, #tpu.memory_space<vmem_shared>> -> memref<10240x16xf32, #tpu.memory_space<vmem_shared>>
      tpu.enqueue_indirect_dma source(%dma_start3A_479 : memref<125x16xf32, #tpu.memory_space<vmem>>) target(%dma_start3A_485 : memref<10240x16xf32, #tpu.memory_space<vmem_shared>>) offsets(%dma_start3A_482 : memref<125xi32, #tpu.memory_space<vmem>>) semaphore(%arg21 : memref<!tpu.dma_semaphore, #tpu.memory_space<semaphore_mem>>) {add = true}
      %add3A_486 = arith.constant 3 : i32
      %add3A_487 = arith.addi %mul3A_407, %add3A_486 : i32
      %dma_wait3A_488 = arith.constant 3 : i32
      %dma_wait3A_489 = arith.constant 0 : i32
      %dma_wait3A_490 = arith.constant 0 : i32
      %dma_wait3A_491 = tpu.memref_slice %arg8[%dma_wait3A_488, %dma_wait3A_489, %dma_wait3A_490] : memref<8x125x16xf32, #tpu.memory_space<vmem>> -> memref<1x125x16xf32, #tpu.memory_space<vmem>>
      %dma_wait3A_492 = tpu.memref_squeeze %dma_wait3A_491 : memref<1x125x16xf32, #tpu.memory_space<vmem>> -> memref<125x16xf32, #tpu.memory_space<vmem>>
      %dma_wait3A_493 = arith.constant 0 : i32
      %dma_wait3A_494 = tpu.memref_slice %arg6[%add3A_487, %dma_wait3A_493] : memref<80x125xi32, #tpu.memory_space<vmem>> -> memref<1x125xi32, #tpu.memory_space<vmem>>
      %dma_wait3A_495 = tpu.memref_squeeze %dma_wait3A_494 : memref<1x125xi32, #tpu.memory_space<vmem>> -> memref<125xi32, #tpu.memory_space<vmem>>
      %dma_wait3A_496 = arith.constant 0 : i32
      %dma_wait3A_497 = arith.constant 0 : i32
      %dma_wait3A_498 = tpu.memref_slice %arg2[%dma_wait3A_496, %dma_wait3A_497] : memref<10240x16xf32, #tpu.memory_space<hbm>> -> memref<10240x16xf32, #tpu.memory_space<hbm>>
      tpu.wait_indirect_dma semaphore(%arg14 : memref<!tpu.dma_semaphore, #tpu.memory_space<semaphore_mem>>) src(%dma_wait3A_498 : memref<10240x16xf32, #tpu.memory_space<hbm>>) dst(%dma_wait3A_492 : memref<125x16xf32, #tpu.memory_space<vmem>>)
      %add3A_499 = arith.constant 3 : i32
      %add3A_500 = arith.addi %mul3A_407, %add3A_499 : i32
      %dma_start3A_501 = arith.constant 3 : i32
      %dma_start3A_502 = arith.constant 0 : i32
      %dma_start3A_503 = arith.constant 0 : i32
      %dma_start3A_504 = tpu.memref_slice %arg8[%dma_start3A_501, %dma_start3A_502, %dma_start3A_503] : memref<8x125x16xf32, #tpu.memory_space<vmem>> -> memref<1x125x16xf32, #tpu.memory_space<vmem>>
      %dma_start3A_505 = tpu.memref_squeeze %dma_start3A_504 : memref<1x125x16xf32, #tpu.memory_space<vmem>> -> memref<125x16xf32, #tpu.memory_space<vmem>>
      %dma_start3A_506 = arith.constant 0 : i32
      %dma_start3A_507 = tpu.memref_slice %arg7[%add3A_500, %dma_start3A_506] : memref<80x125xi32, #tpu.memory_space<vmem>> -> memref<1x125xi32, #tpu.memory_space<vmem>>
      %dma_start3A_508 = tpu.memref_squeeze %dma_start3A_507 : memref<1x125xi32, #tpu.memory_space<vmem>> -> memref<125xi32, #tpu.memory_space<vmem>>
      %dma_start3A_509 = arith.constant 0 : i32
      %dma_start3A_510 = arith.constant 0 : i32
      %dma_start3A_511 = tpu.memref_slice %arg10[%dma_start3A_509, %dma_start3A_510] : memref<10240x16xf32, #tpu.memory_space<vmem_shared>> -> memref<10240x16xf32, #tpu.memory_space<vmem_shared>>
      tpu.enqueue_indirect_dma source(%dma_start3A_505 : memref<125x16xf32, #tpu.memory_space<vmem>>) target(%dma_start3A_511 : memref<10240x16xf32, #tpu.memory_space<vmem_shared>>) offsets(%dma_start3A_508 : memref<125xi32, #tpu.memory_space<vmem>>) semaphore(%arg22 : memref<!tpu.dma_semaphore, #tpu.memory_space<semaphore_mem>>) {add = true}
      %add3A_512 = arith.constant 4 : i32
      %add3A_513 = arith.addi %mul3A_407, %add3A_512 : i32
      %dma_wait3A_514 = arith.constant 4 : i32
      %dma_wait3A_515 = arith.constant 0 : i32
      %dma_wait3A_516 = arith.constant 0 : i32
      %dma_wait3A_517 = tpu.memref_slice %arg8[%dma_wait3A_514, %dma_wait3A_515, %dma_wait3A_516] : memref<8x125x16xf32, #tpu.memory_space<vmem>> -> memref<1x125x16xf32, #tpu.memory_space<vmem>>
      %dma_wait3A_518 = tpu.memref_squeeze %dma_wait3A_517 : memref<1x125x16xf32, #tpu.memory_space<vmem>> -> memref<125x16xf32, #tpu.memory_space<vmem>>
      %dma_wait3A_519 = arith.constant 0 : i32
      %dma_wait3A_520 = tpu.memref_slice %arg6[%add3A_513, %dma_wait3A_519] : memref<80x125xi32, #tpu.memory_space<vmem>> -> memref<1x125xi32, #tpu.memory_space<vmem>>
      %dma_wait3A_521 = tpu.memref_squeeze %dma_wait3A_520 : memref<1x125xi32, #tpu.memory_space<vmem>> -> memref<125xi32, #tpu.memory_space<vmem>>
      %dma_wait3A_522 = arith.constant 0 : i32
      %dma_wait3A_523 = arith.constant 0 : i32
      %dma_wait3A_524 = tpu.memref_slice %arg2[%dma_wait3A_522, %dma_wait3A_523] : memref<10240x16xf32, #tpu.memory_space<hbm>> -> memref<10240x16xf32, #tpu.memory_space<hbm>>
      tpu.wait_indirect_dma semaphore(%arg15 : memref<!tpu.dma_semaphore, #tpu.memory_space<semaphore_mem>>) src(%dma_wait3A_524 : memref<10240x16xf32, #tpu.memory_space<hbm>>) dst(%dma_wait3A_518 : memref<125x16xf32, #tpu.memory_space<vmem>>)
      %add3A_525 = arith.constant 4 : i32
      %add3A_526 = arith.addi %mul3A_407, %add3A_525 : i32
      %dma_start3A_527 = arith.constant 4 : i32
      %dma_start3A_528 = arith.constant 0 : i32
      %dma_start3A_529 = arith.constant 0 : i32
      %dma_start3A_530 = tpu.memref_slice %arg8[%dma_start3A_527, %dma_start3A_528, %dma_start3A_529] : memref<8x125x16xf32, #tpu.memory_space<vmem>> -> memref<1x125x16xf32, #tpu.memory_space<vmem>>
      %dma_start3A_531 = tpu.memref_squeeze %dma_start3A_530 : memref<1x125x16xf32, #tpu.memory_space<vmem>> -> memref<125x16xf32, #tpu.memory_space<vmem>>
      %dma_start3A_532 = arith.constant 0 : i32
      %dma_start3A_533 = tpu.memref_slice %arg7[%add3A_526, %dma_start3A_532] : memref<80x125xi32, #tpu.memory_space<vmem>> -> memref<1x125xi32, #tpu.memory_space<vmem>>
      %dma_start3A_534 = tpu.memref_squeeze %dma_start3A_533 : memref<1x125xi32, #tpu.memory_space<vmem>> -> memref<125xi32, #tpu.memory_space<vmem>>
      %dma_start3A_535 = arith.constant 0 : i32
      %dma_start3A_536 = arith.constant 0 : i32
      %dma_start3A_537 = tpu.memref_slice %arg10[%dma_start3A_535, %dma_start3A_536] : memref<10240x16xf32, #tpu.memory_space<vmem_shared>> -> memref<10240x16xf32, #tpu.memory_space<vmem_shared>>
      tpu.enqueue_indirect_dma source(%dma_start3A_531 : memref<125x16xf32, #tpu.memory_space<vmem>>) target(%dma_start3A_537 : memref<10240x16xf32, #tpu.memory_space<vmem_shared>>) offsets(%dma_start3A_534 : memref<125xi32, #tpu.memory_space<vmem>>) semaphore(%arg23 : memref<!tpu.dma_semaphore, #tpu.memory_space<semaphore_mem>>) {add = true}
      %add3A_538 = arith.constant 5 : i32
      %add3A_539 = arith.addi %mul3A_407, %add3A_538 : i32
      %dma_wait3A_540 = arith.constant 5 : i32
      %dma_wait3A_541 = arith.constant 0 : i32
      %dma_wait3A_542 = arith.constant 0 : i32
      %dma_wait3A_543 = tpu.memref_slice %arg8[%dma_wait3A_540, %dma_wait3A_541, %dma_wait3A_542] : memref<8x125x16xf32, #tpu.memory_space<vmem>> -> memref<1x125x16xf32, #tpu.memory_space<vmem>>
      %dma_wait3A_544 = tpu.memref_squeeze %dma_wait3A_543 : memref<1x125x16xf32, #tpu.memory_space<vmem>> -> memref<125x16xf32, #tpu.memory_space<vmem>>
      %dma_wait3A_545 = arith.constant 0 : i32
      %dma_wait3A_546 = tpu.memref_slice %arg6[%add3A_539, %dma_wait3A_545] : memref<80x125xi32, #tpu.memory_space<vmem>> -> memref<1x125xi32, #tpu.memory_space<vmem>>
      %dma_wait3A_547 = tpu.memref_squeeze %dma_wait3A_546 : memref<1x125xi32, #tpu.memory_space<vmem>> -> memref<125xi32, #tpu.memory_space<vmem>>
      %dma_wait3A_548 = arith.constant 0 : i32
      %dma_wait3A_549 = arith.constant 0 : i32
      %dma_wait3A_550 = tpu.memref_slice %arg2[%dma_wait3A_548, %dma_wait3A_549] : memref<10240x16xf32, #tpu.memory_space<hbm>> -> memref<10240x16xf32, #tpu.memory_space<hbm>>
      tpu.wait_indirect_dma semaphore(%arg16 : memref<!tpu.dma_semaphore, #tpu.memory_space<semaphore_mem>>) src(%dma_wait3A_550 : memref<10240x16xf32, #tpu.memory_space<hbm>>) dst(%dma_wait3A_544 : memref<125x16xf32, #tpu.memory_space<vmem>>)
      %add3A_551 = arith.constant 5 : i32
      %add3A_552 = arith.addi %mul3A_407, %add3A_551 : i32
      %dma_start3A_553 = arith.constant 5 : i32
      %dma_start3A_554 = arith.constant 0 : i32
      %dma_start3A_555 = arith.constant 0 : i32
      %dma_start3A_556 = tpu.memref_slice %arg8[%dma_start3A_553, %dma_start3A_554, %dma_start3A_555] : memref<8x125x16xf32, #tpu.memory_space<vmem>> -> memref<1x125x16xf32, #tpu.memory_space<vmem>>
      %dma_start3A_557 = tpu.memref_squeeze %dma_start3A_556 : memref<1x125x16xf32, #tpu.memory_space<vmem>> -> memref<125x16xf32, #tpu.memory_space<vmem>>
      %dma_start3A_558 = arith.constant 0 : i32
      %dma_start3A_559 = tpu.memref_slice %arg7[%add3A_552, %dma_start3A_558] : memref<80x125xi32, #tpu.memory_space<vmem>> -> memref<1x125xi32, #tpu.memory_space<vmem>>
      %dma_start3A_560 = tpu.memref_squeeze %dma_start3A_559 : memref<1x125xi32, #tpu.memory_space<vmem>> -> memref<125xi32, #tpu.memory_space<vmem>>
      %dma_start3A_561 = arith.constant 0 : i32
      %dma_start3A_562 = arith.constant 0 : i32
      %dma_start3A_563 = tpu.memref_slice %arg10[%dma_start3A_561, %dma_start3A_562] : memref<10240x16xf32, #tpu.memory_space<vmem_shared>> -> memref<10240x16xf32, #tpu.memory_space<vmem_shared>>
      tpu.enqueue_indirect_dma source(%dma_start3A_557 : memref<125x16xf32, #tpu.memory_space<vmem>>) target(%dma_start3A_563 : memref<10240x16xf32, #tpu.memory_space<vmem_shared>>) offsets(%dma_start3A_560 : memref<125xi32, #tpu.memory_space<vmem>>) semaphore(%arg24 : memref<!tpu.dma_semaphore, #tpu.memory_space<semaphore_mem>>) {add = true}
      %add3A_564 = arith.constant 6 : i32
      %add3A_565 = arith.addi %mul3A_407, %add3A_564 : i32
      %dma_wait3A_566 = arith.constant 6 : i32
      %dma_wait3A_567 = arith.constant 0 : i32
      %dma_wait3A_568 = arith.constant 0 : i32
      %dma_wait3A_569 = tpu.memref_slice %arg8[%dma_wait3A_566, %dma_wait3A_567, %dma_wait3A_568] : memref<8x125x16xf32, #tpu.memory_space<vmem>> -> memref<1x125x16xf32, #tpu.memory_space<vmem>>
      %dma_wait3A_570 = tpu.memref_squeeze %dma_wait3A_569 : memref<1x125x16xf32, #tpu.memory_space<vmem>> -> memref<125x16xf32, #tpu.memory_space<vmem>>
      %dma_wait3A_571 = arith.constant 0 : i32
      %dma_wait3A_572 = tpu.memref_slice %arg6[%add3A_565, %dma_wait3A_571] : memref<80x125xi32, #tpu.memory_space<vmem>> -> memref<1x125xi32, #tpu.memory_space<vmem>>
      %dma_wait3A_573 = tpu.memref_squeeze %dma_wait3A_572 : memref<1x125xi32, #tpu.memory_space<vmem>> -> memref<125xi32, #tpu.memory_space<vmem>>
      %dma_wait3A_574 = arith.constant 0 : i32
      %dma_wait3A_575 = arith.constant 0 : i32
      %dma_wait3A_576 = tpu.memref_slice %arg2[%dma_wait3A_574, %dma_wait3A_575] : memref<10240x16xf32, #tpu.memory_space<hbm>> -> memref<10240x16xf32, #tpu.memory_space<hbm>>
      tpu.wait_indirect_dma semaphore(%arg17 : memref<!tpu.dma_semaphore, #tpu.memory_space<semaphore_mem>>) src(%dma_wait3A_576 : memref<10240x16xf32, #tpu.memory_space<hbm>>) dst(%dma_wait3A_570 : memref<125x16xf32, #tpu.memory_space<vmem>>)
      %add3A_577 = arith.constant 6 : i32
      %add3A_578 = arith.addi %mul3A_407, %add3A_577 : i32
      %dma_start3A_579 = arith.constant 6 : i32
      %dma_start3A_580 = arith.constant 0 : i32
      %dma_start3A_581 = arith.constant 0 : i32
      %dma_start3A_582 = tpu.memref_slice %arg8[%dma_start3A_579, %dma_start3A_580, %dma_start3A_581] : memref<8x125x16xf32, #tpu.memory_space<vmem>> -> memref<1x125x16xf32, #tpu.memory_space<vmem>>
      %dma_start3A_583 = tpu.memref_squeeze %dma_start3A_582 : memref<1x125x16xf32, #tpu.memory_space<vmem>> -> memref<125x16xf32, #tpu.memory_space<vmem>>
      %dma_start3A_584 = arith.constant 0 : i32
      %dma_start3A_585 = tpu.memref_slice %arg7[%add3A_578, %dma_start3A_584] : memref<80x125xi32, #tpu.memory_space<vmem>> -> memref<1x125xi32, #tpu.memory_space<vmem>>
      %dma_start3A_586 = tpu.memref_squeeze %dma_start3A_585 : memref<1x125xi32, #tpu.memory_space<vmem>> -> memref<125xi32, #tpu.memory_space<vmem>>
      %dma_start3A_587 = arith.constant 0 : i32
      %dma_start3A_588 = arith.constant 0 : i32
      %dma_start3A_589 = tpu.memref_slice %arg10[%dma_start3A_587, %dma_start3A_588] : memref<10240x16xf32, #tpu.memory_space<vmem_shared>> -> memref<10240x16xf32, #tpu.memory_space<vmem_shared>>
      tpu.enqueue_indirect_dma source(%dma_start3A_583 : memref<125x16xf32, #tpu.memory_space<vmem>>) target(%dma_start3A_589 : memref<10240x16xf32, #tpu.memory_space<vmem_shared>>) offsets(%dma_start3A_586 : memref<125xi32, #tpu.memory_space<vmem>>) semaphore(%arg25 : memref<!tpu.dma_semaphore, #tpu.memory_space<semaphore_mem>>) {add = true}
      %add3A_590 = arith.constant 7 : i32
      %add3A_591 = arith.addi %mul3A_407, %add3A_590 : i32
      %dma_wait3A_592 = arith.constant 7 : i32
      %dma_wait3A_593 = arith.constant 0 : i32
      %dma_wait3A_594 = arith.constant 0 : i32
      %dma_wait3A_595 = tpu.memref_slice %arg8[%dma_wait3A_592, %dma_wait3A_593, %dma_wait3A_594] : memref<8x125x16xf32, #tpu.memory_space<vmem>> -> memref<1x125x16xf32, #tpu.memory_space<vmem>>
      %dma_wait3A_596 = tpu.memref_squeeze %dma_wait3A_595 : memref<1x125x16xf32, #tpu.memory_space<vmem>> -> memref<125x16xf32, #tpu.memory_space<vmem>>
      %dma_wait3A_597 = arith.constant 0 : i32
      %dma_wait3A_598 = tpu.memref_slice %arg6[%add3A_591, %dma_wait3A_597] : memref<80x125xi32, #tpu.memory_space<vmem>> -> memref<1x125xi32, #tpu.memory_space<vmem>>
      %dma_wait3A_599 = tpu.memref_squeeze %dma_wait3A_598 : memref<1x125xi32, #tpu.memory_space<vmem>> -> memref<125xi32, #tpu.memory_space<vmem>>
      %dma_wait3A_600 = arith.constant 0 : i32
      %dma_wait3A_601 = arith.constant 0 : i32
      %dma_wait3A_602 = tpu.memref_slice %arg2[%dma_wait3A_600, %dma_wait3A_601] : memref<10240x16xf32, #tpu.memory_space<hbm>> -> memref<10240x16xf32, #tpu.memory_space<hbm>>
      tpu.wait_indirect_dma semaphore(%arg18 : memref<!tpu.dma_semaphore, #tpu.memory_space<semaphore_mem>>) src(%dma_wait3A_602 : memref<10240x16xf32, #tpu.memory_space<hbm>>) dst(%dma_wait3A_596 : memref<125x16xf32, #tpu.memory_space<vmem>>)
      %add3A_603 = arith.constant 7 : i32
      %add3A_604 = arith.addi %mul3A_407, %add3A_603 : i32
      %dma_start3A_605 = arith.constant 7 : i32
      %dma_start3A_606 = arith.constant 0 : i32
      %dma_start3A_607 = arith.constant 0 : i32
      %dma_start3A_608 = tpu.memref_slice %arg8[%dma_start3A_605, %dma_start3A_606, %dma_start3A_607] : memref<8x125x16xf32, #tpu.memory_space<vmem>> -> memref<1x125x16xf32, #tpu.memory_space<vmem>>
      %dma_start3A_609 = tpu.memref_squeeze %dma_start3A_608 : memref<1x125x16xf32, #tpu.memory_space<vmem>> -> memref<125x16xf32, #tpu.memory_space<vmem>>
      %dma_start3A_610 = arith.constant 0 : i32
      %dma_start3A_611 = tpu.memref_slice %arg7[%add3A_604, %dma_start3A_610] : memref<80x125xi32, #tpu.memory_space<vmem>> -> memref<1x125xi32, #tpu.memory_space<vmem>>
      %dma_start3A_612 = tpu.memref_squeeze %dma_start3A_611 : memref<1x125xi32, #tpu.memory_space<vmem>> -> memref<125xi32, #tpu.memory_space<vmem>>
      %dma_start3A_613 = arith.constant 0 : i32
      %dma_start3A_614 = arith.constant 0 : i32
      %dma_start3A_615 = tpu.memref_slice %arg10[%dma_start3A_613, %dma_start3A_614] : memref<10240x16xf32, #tpu.memory_space<vmem_shared>> -> memref<10240x16xf32, #tpu.memory_space<vmem_shared>>
      tpu.enqueue_indirect_dma source(%dma_start3A_609 : memref<125x16xf32, #tpu.memory_space<vmem>>) target(%dma_start3A_615 : memref<10240x16xf32, #tpu.memory_space<vmem_shared>>) offsets(%dma_start3A_612 : memref<125xi32, #tpu.memory_space<vmem>>) semaphore(%arg26 : memref<!tpu.dma_semaphore, #tpu.memory_space<semaphore_mem>>) {add = true}
      %add3A_616 = arith.constant 0 : i32
      %add3A_617 = arith.addi %mul3A_407, %add3A_616 : i32
      %dma_wait3A_618 = arith.constant 0 : i32
      %dma_wait3A_619 = arith.constant 0 : i32
      %dma_wait3A_620 = arith.constant 0 : i32
      %dma_wait3A_621 = tpu.memref_slice %arg8[%dma_wait3A_618, %dma_wait3A_619, %dma_wait3A_620] : memref<8x125x16xf32, #tpu.memory_space<vmem>> -> memref<1x125x16xf32, #tpu.memory_space<vmem>>
      %dma_wait3A_622 = tpu.memref_squeeze %dma_wait3A_621 : memref<1x125x16xf32, #tpu.memory_space<vmem>> -> memref<125x16xf32, #tpu.memory_space<vmem>>
      %dma_wait3A_623 = arith.constant 0 : i32
      %dma_wait3A_624 = tpu.memref_slice %arg7[%add3A_617, %dma_wait3A_623] : memref<80x125xi32, #tpu.memory_space<vmem>> -> memref<1x125xi32, #tpu.memory_space<vmem>>
      %dma_wait3A_625 = tpu.memref_squeeze %dma_wait3A_624 : memref<1x125xi32, #tpu.memory_space<vmem>> -> memref<125xi32, #tpu.memory_space<vmem>>
      %dma_wait3A_626 = arith.constant 0 : i32
      %dma_wait3A_627 = arith.constant 0 : i32
      %dma_wait3A_628 = tpu.memref_slice %arg10[%dma_wait3A_626, %dma_wait3A_627] : memref<10240x16xf32, #tpu.memory_space<vmem_shared>> -> memref<10240x16xf32, #tpu.memory_space<vmem_shared>>
      tpu.wait_indirect_dma semaphore(%arg19 : memref<!tpu.dma_semaphore, #tpu.memory_space<semaphore_mem>>) src(%dma_wait3A_622 : memref<125x16xf32, #tpu.memory_space<vmem>>) dst(%dma_wait3A_628 : memref<10240x16xf32, #tpu.memory_space<vmem_shared>>)
      %add3A_629 = arith.constant 8 : i32
      %add3A_630 = arith.addi %mul3A_407, %add3A_629 : i32
      %add3A_631 = arith.constant 0 : i32
      %add3A_632 = arith.addi %add3A_630, %add3A_631 : i32
      %dma_start3A_633 = arith.constant 0 : i32
      %dma_start3A_634 = arith.constant 0 : i32
      %dma_start3A_635 = arith.constant 0 : i32
      %dma_start3A_636 = tpu.memref_slice %arg8[%dma_start3A_633, %dma_start3A_634, %dma_start3A_635] : memref<8x125x16xf32, #tpu.memory_space<vmem>> -> memref<1x125x16xf32, #tpu.memory_space<vmem>>
      %dma_start3A_637 = tpu.memref_squeeze %dma_start3A_636 : memref<1x125x16xf32, #tpu.memory_space<vmem>> -> memref<125x16xf32, #tpu.memory_space<vmem>>
      %dma_start3A_638 = arith.constant 0 : i32
      %dma_start3A_639 = tpu.memref_slice %arg6[%add3A_632, %dma_start3A_638] : memref<80x125xi32, #tpu.memory_space<vmem>> -> memref<1x125xi32, #tpu.memory_space<vmem>>
      %dma_start3A_640 = tpu.memref_squeeze %dma_start3A_639 : memref<1x125xi32, #tpu.memory_space<vmem>> -> memref<125xi32, #tpu.memory_space<vmem>>
      %dma_start3A_641 = arith.constant 0 : i32
      %dma_start3A_642 = arith.constant 0 : i32
      %dma_start3A_643 = tpu.memref_slice %arg2[%dma_start3A_641, %dma_start3A_642] : memref<10240x16xf32, #tpu.memory_space<hbm>> -> memref<10240x16xf32, #tpu.memory_space<hbm>>
      tpu.enqueue_indirect_dma source(%dma_start3A_643 : memref<10240x16xf32, #tpu.memory_space<hbm>>) target(%dma_start3A_637 : memref<125x16xf32, #tpu.memory_space<vmem>>) offsets(%dma_start3A_640 : memref<125xi32, #tpu.memory_space<vmem>>) semaphore(%arg11 : memref<!tpu.dma_semaphore, #tpu.memory_space<semaphore_mem>>)
      %add3A_644 = arith.constant 1 : i32
      %add3A_645 = arith.addi %mul3A_407, %add3A_644 : i32
      %dma_wait3A_646 = arith.constant 1 : i32
      %dma_wait3A_647 = arith.constant 0 : i32
      %dma_wait3A_648 = arith.constant 0 : i32
      %dma_wait3A_649 = tpu.memref_slice %arg8[%dma_wait3A_646, %dma_wait3A_647, %dma_wait3A_648] : memref<8x125x16xf32, #tpu.memory_space<vmem>> -> memref<1x125x16xf32, #tpu.memory_space<vmem>>
      %dma_wait3A_650 = tpu.memref_squeeze %dma_wait3A_649 : memref<1x125x16xf32, #tpu.memory_space<vmem>> -> memref<125x16xf32, #tpu.memory_space<vmem>>
      %dma_wait3A_651 = arith.constant 0 : i32
      %dma_wait3A_652 = tpu.memref_slice %arg7[%add3A_645, %dma_wait3A_651] : memref<80x125xi32, #tpu.memory_space<vmem>> -> memref<1x125xi32, #tpu.memory_space<vmem>>
      %dma_wait3A_653 = tpu.memref_squeeze %dma_wait3A_652 : memref<1x125xi32, #tpu.memory_space<vmem>> -> memref<125xi32, #tpu.memory_space<vmem>>
      %dma_wait3A_654 = arith.constant 0 : i32
      %dma_wait3A_655 = arith.constant 0 : i32
      %dma_wait3A_656 = tpu.memref_slice %arg10[%dma_wait3A_654, %dma_wait3A_655] : memref<10240x16xf32, #tpu.memory_space<vmem_shared>> -> memref<10240x16xf32, #tpu.memory_space<vmem_shared>>
      tpu.wait_indirect_dma semaphore(%arg20 : memref<!tpu.dma_semaphore, #tpu.memory_space<semaphore_mem>>) src(%dma_wait3A_650 : memref<125x16xf32, #tpu.memory_space<vmem>>) dst(%dma_wait3A_656 : memref<10240x16xf32, #tpu.memory_space<vmem_shared>>)
      %add3A_657 = arith.constant 8 : i32
      %add3A_658 = arith.addi %mul3A_407, %add3A_657 : i32
      %add3A_659 = arith.constant 1 : i32
      %add3A_660 = arith.addi %add3A_658, %add3A_659 : i32
      %dma_start3A_661 = arith.constant 1 : i32
      %dma_start3A_662 = arith.constant 0 : i32
      %dma_start3A_663 = arith.constant 0 : i32
      %dma_start3A_664 = tpu.memref_slice %arg8[%dma_start3A_661, %dma_start3A_662, %dma_start3A_663] : memref<8x125x16xf32, #tpu.memory_space<vmem>> -> memref<1x125x16xf32, #tpu.memory_space<vmem>>
      %dma_start3A_665 = tpu.memref_squeeze %dma_start3A_664 : memref<1x125x16xf32, #tpu.memory_space<vmem>> -> memref<125x16xf32, #tpu.memory_space<vmem>>
      %dma_start3A_666 = arith.constant 0 : i32
      %dma_start3A_667 = tpu.memref_slice %arg6[%add3A_660, %dma_start3A_666] : memref<80x125xi32, #tpu.memory_space<vmem>> -> memref<1x125xi32, #tpu.memory_space<vmem>>
      %dma_start3A_668 = tpu.memref_squeeze %dma_start3A_667 : memref<1x125xi32, #tpu.memory_space<vmem>> -> memref<125xi32, #tpu.memory_space<vmem>>
      %dma_start3A_669 = arith.constant 0 : i32
      %dma_start3A_670 = arith.constant 0 : i32
      %dma_start3A_671 = tpu.memref_slice %arg2[%dma_start3A_669, %dma_start3A_670] : memref<10240x16xf32, #tpu.memory_space<hbm>> -> memref<10240x16xf32, #tpu.memory_space<hbm>>
      tpu.enqueue_indirect_dma source(%dma_start3A_671 : memref<10240x16xf32, #tpu.memory_space<hbm>>) target(%dma_start3A_665 : memref<125x16xf32, #tpu.memory_space<vmem>>) offsets(%dma_start3A_668 : memref<125xi32, #tpu.memory_space<vmem>>) semaphore(%arg12 : memref<!tpu.dma_semaphore, #tpu.memory_space<semaphore_mem>>)
      %add3A_672 = arith.constant 2 : i32
      %add3A_673 = arith.addi %mul3A_407, %add3A_672 : i32
      %dma_wait3A_674 = arith.constant 2 : i32
      %dma_wait3A_675 = arith.constant 0 : i32
      %dma_wait3A_676 = arith.constant 0 : i32
      %dma_wait3A_677 = tpu.memref_slice %arg8[%dma_wait3A_674, %dma_wait3A_675, %dma_wait3A_676] : memref<8x125x16xf32, #tpu.memory_space<vmem>> -> memref<1x125x16xf32, #tpu.memory_space<vmem>>
      %dma_wait3A_678 = tpu.memref_squeeze %dma_wait3A_677 : memref<1x125x16xf32, #tpu.memory_space<vmem>> -> memref<125x16xf32, #tpu.memory_space<vmem>>
      %dma_wait3A_679 = arith.constant 0 : i32
      %dma_wait3A_680 = tpu.memref_slice %arg7[%add3A_673, %dma_wait3A_679] : memref<80x125xi32, #tpu.memory_space<vmem>> -> memref<1x125xi32, #tpu.memory_space<vmem>>
      %dma_wait3A_681 = tpu.memref_squeeze %dma_wait3A_680 : memref<1x125xi32, #tpu.memory_space<vmem>> -> memref<125xi32, #tpu.memory_space<vmem>>
      %dma_wait3A_682 = arith.constant 0 : i32
      %dma_wait3A_683 = arith.constant 0 : i32
      %dma_wait3A_684 = tpu.memref_slice %arg10[%dma_wait3A_682, %dma_wait3A_683] : memref<10240x16xf32, #tpu.memory_space<vmem_shared>> -> memref<10240x16xf32, #tpu.memory_space<vmem_shared>>
      tpu.wait_indirect_dma semaphore(%arg21 : memref<!tpu.dma_semaphore, #tpu.memory_space<semaphore_mem>>) src(%dma_wait3A_678 : memref<125x16xf32, #tpu.memory_space<vmem>>) dst(%dma_wait3A_684 : memref<10240x16xf32, #tpu.memory_space<vmem_shared>>)
      %add3A_685 = arith.constant 8 : i32
      %add3A_686 = arith.addi %mul3A_407, %add3A_685 : i32
      %add3A_687 = arith.constant 2 : i32
      %add3A_688 = arith.addi %add3A_686, %add3A_687 : i32
      %dma_start3A_689 = arith.constant 2 : i32
      %dma_start3A_690 = arith.constant 0 : i32
      %dma_start3A_691 = arith.constant 0 : i32
      %dma_start3A_692 = tpu.memref_slice %arg8[%dma_start3A_689, %dma_start3A_690, %dma_start3A_691] : memref<8x125x16xf32, #tpu.memory_space<vmem>> -> memref<1x125x16xf32, #tpu.memory_space<vmem>>
      %dma_start3A_693 = tpu.memref_squeeze %dma_start3A_692 : memref<1x125x16xf32, #tpu.memory_space<vmem>> -> memref<125x16xf32, #tpu.memory_space<vmem>>
      %dma_start3A_694 = arith.constant 0 : i32
      %dma_start3A_695 = tpu.memref_slice %arg6[%add3A_688, %dma_start3A_694] : memref<80x125xi32, #tpu.memory_space<vmem>> -> memref<1x125xi32, #tpu.memory_space<vmem>>
      %dma_start3A_696 = tpu.memref_squeeze %dma_start3A_695 : memref<1x125xi32, #tpu.memory_space<vmem>> -> memref<125xi32, #tpu.memory_space<vmem>>
      %dma_start3A_697 = arith.constant 0 : i32
      %dma_start3A_698 = arith.constant 0 : i32
      %dma_start3A_699 = tpu.memref_slice %arg2[%dma_start3A_697, %dma_start3A_698] : memref<10240x16xf32, #tpu.memory_space<hbm>> -> memref<10240x16xf32, #tpu.memory_space<hbm>>
      tpu.enqueue_indirect_dma source(%dma_start3A_699 : memref<10240x16xf32, #tpu.memory_space<hbm>>) target(%dma_start3A_693 : memref<125x16xf32, #tpu.memory_space<vmem>>) offsets(%dma_start3A_696 : memref<125xi32, #tpu.memory_space<vmem>>) semaphore(%arg13 : memref<!tpu.dma_semaphore, #tpu.memory_space<semaphore_mem>>)
      %add3A_700 = arith.constant 3 : i32
      %add3A_701 = arith.addi %mul3A_407, %add3A_700 : i32
      %dma_wait3A_702 = arith.constant 3 : i32
      %dma_wait3A_703 = arith.constant 0 : i32
      %dma_wait3A_704 = arith.constant 0 : i32
      %dma_wait3A_705 = tpu.memref_slice %arg8[%dma_wait3A_702, %dma_wait3A_703, %dma_wait3A_704] : memref<8x125x16xf32, #tpu.memory_space<vmem>> -> memref<1x125x16xf32, #tpu.memory_space<vmem>>
      %dma_wait3A_706 = tpu.memref_squeeze %dma_wait3A_705 : memref<1x125x16xf32, #tpu.memory_space<vmem>> -> memref<125x16xf32, #tpu.memory_space<vmem>>
      %dma_wait3A_707 = arith.constant 0 : i32
      %dma_wait3A_708 = tpu.memref_slice %arg7[%add3A_701, %dma_wait3A_707] : memref<80x125xi32, #tpu.memory_space<vmem>> -> memref<1x125xi32, #tpu.memory_space<vmem>>
      %dma_wait3A_709 = tpu.memref_squeeze %dma_wait3A_708 : memref<1x125xi32, #tpu.memory_space<vmem>> -> memref<125xi32, #tpu.memory_space<vmem>>
      %dma_wait3A_710 = arith.constant 0 : i32
      %dma_wait3A_711 = arith.constant 0 : i32
      %dma_wait3A_712 = tpu.memref_slice %arg10[%dma_wait3A_710, %dma_wait3A_711] : memref<10240x16xf32, #tpu.memory_space<vmem_shared>> -> memref<10240x16xf32, #tpu.memory_space<vmem_shared>>
      tpu.wait_indirect_dma semaphore(%arg22 : memref<!tpu.dma_semaphore, #tpu.memory_space<semaphore_mem>>) src(%dma_wait3A_706 : memref<125x16xf32, #tpu.memory_space<vmem>>) dst(%dma_wait3A_712 : memref<10240x16xf32, #tpu.memory_space<vmem_shared>>)
      %add3A_713 = arith.constant 8 : i32
      %add3A_714 = arith.addi %mul3A_407, %add3A_713 : i32
      %add3A_715 = arith.constant 3 : i32
      %add3A_716 = arith.addi %add3A_714, %add3A_715 : i32
      %dma_start3A_717 = arith.constant 3 : i32
      %dma_start3A_718 = arith.constant 0 : i32
      %dma_start3A_719 = arith.constant 0 : i32
      %dma_start3A_720 = tpu.memref_slice %arg8[%dma_start3A_717, %dma_start3A_718, %dma_start3A_719] : memref<8x125x16xf32, #tpu.memory_space<vmem>> -> memref<1x125x16xf32, #tpu.memory_space<vmem>>
      %dma_start3A_721 = tpu.memref_squeeze %dma_start3A_720 : memref<1x125x16xf32, #tpu.memory_space<vmem>> -> memref<125x16xf32, #tpu.memory_space<vmem>>
      %dma_start3A_722 = arith.constant 0 : i32
      %dma_start3A_723 = tpu.memref_slice %arg6[%add3A_716, %dma_start3A_722] : memref<80x125xi32, #tpu.memory_space<vmem>> -> memref<1x125xi32, #tpu.memory_space<vmem>>
      %dma_start3A_724 = tpu.memref_squeeze %dma_start3A_723 : memref<1x125xi32, #tpu.memory_space<vmem>> -> memref<125xi32, #tpu.memory_space<vmem>>
      %dma_start3A_725 = arith.constant 0 : i32
      %dma_start3A_726 = arith.constant 0 : i32
      %dma_start3A_727 = tpu.memref_slice %arg2[%dma_start3A_725, %dma_start3A_726] : memref<10240x16xf32, #tpu.memory_space<hbm>> -> memref<10240x16xf32, #tpu.memory_space<hbm>>
      tpu.enqueue_indirect_dma source(%dma_start3A_727 : memref<10240x16xf32, #tpu.memory_space<hbm>>) target(%dma_start3A_721 : memref<125x16xf32, #tpu.memory_space<vmem>>) offsets(%dma_start3A_724 : memref<125xi32, #tpu.memory_space<vmem>>) semaphore(%arg14 : memref<!tpu.dma_semaphore, #tpu.memory_space<semaphore_mem>>)
      %add3A_728 = arith.constant 4 : i32
      %add3A_729 = arith.addi %mul3A_407, %add3A_728 : i32
      %dma_wait3A_730 = arith.constant 4 : i32
      %dma_wait3A_731 = arith.constant 0 : i32
      %dma_wait3A_732 = arith.constant 0 : i32
      %dma_wait3A_733 = tpu.memref_slice %arg8[%dma_wait3A_730, %dma_wait3A_731, %dma_wait3A_732] : memref<8x125x16xf32, #tpu.memory_space<vmem>> -> memref<1x125x16xf32, #tpu.memory_space<vmem>>
      %dma_wait3A_734 = tpu.memref_squeeze %dma_wait3A_733 : memref<1x125x16xf32, #tpu.memory_space<vmem>> -> memref<125x16xf32, #tpu.memory_space<vmem>>
      %dma_wait3A_735 = arith.constant 0 : i32
      %dma_wait3A_736 = tpu.memref_slice %arg7[%add3A_729, %dma_wait3A_735] : memref<80x125xi32, #tpu.memory_space<vmem>> -> memref<1x125xi32, #tpu.memory_space<vmem>>
      %dma_wait3A_737 = tpu.memref_squeeze %dma_wait3A_736 : memref<1x125xi32, #tpu.memory_space<vmem>> -> memref<125xi32, #tpu.memory_space<vmem>>
      %dma_wait3A_738 = arith.constant 0 : i32
      %dma_wait3A_739 = arith.constant 0 : i32
      %dma_wait3A_740 = tpu.memref_slice %arg10[%dma_wait3A_738, %dma_wait3A_739] : memref<10240x16xf32, #tpu.memory_space<vmem_shared>> -> memref<10240x16xf32, #tpu.memory_space<vmem_shared>>
      tpu.wait_indirect_dma semaphore(%arg23 : memref<!tpu.dma_semaphore, #tpu.memory_space<semaphore_mem>>) src(%dma_wait3A_734 : memref<125x16xf32, #tpu.memory_space<vmem>>) dst(%dma_wait3A_740 : memref<10240x16xf32, #tpu.memory_space<vmem_shared>>)
      %add3A_741 = arith.constant 8 : i32
      %add3A_742 = arith.addi %mul3A_407, %add3A_741 : i32
      %add3A_743 = arith.constant 4 : i32
      %add3A_744 = arith.addi %add3A_742, %add3A_743 : i32
      %dma_start3A_745 = arith.constant 4 : i32
      %dma_start3A_746 = arith.constant 0 : i32
      %dma_start3A_747 = arith.constant 0 : i32
      %dma_start3A_748 = tpu.memref_slice %arg8[%dma_start3A_745, %dma_start3A_746, %dma_start3A_747] : memref<8x125x16xf32, #tpu.memory_space<vmem>> -> memref<1x125x16xf32, #tpu.memory_space<vmem>>
      %dma_start3A_749 = tpu.memref_squeeze %dma_start3A_748 : memref<1x125x16xf32, #tpu.memory_space<vmem>> -> memref<125x16xf32, #tpu.memory_space<vmem>>
      %dma_start3A_750 = arith.constant 0 : i32
      %dma_start3A_751 = tpu.memref_slice %arg6[%add3A_744, %dma_start3A_750] : memref<80x125xi32, #tpu.memory_space<vmem>> -> memref<1x125xi32, #tpu.memory_space<vmem>>
      %dma_start3A_752 = tpu.memref_squeeze %dma_start3A_751 : memref<1x125xi32, #tpu.memory_space<vmem>> -> memref<125xi32, #tpu.memory_space<vmem>>
      %dma_start3A_753 = arith.constant 0 : i32
      %dma_start3A_754 = arith.constant 0 : i32
      %dma_start3A_755 = tpu.memref_slice %arg2[%dma_start3A_753, %dma_start3A_754] : memref<10240x16xf32, #tpu.memory_space<hbm>> -> memref<10240x16xf32, #tpu.memory_space<hbm>>
      tpu.enqueue_indirect_dma source(%dma_start3A_755 : memref<10240x16xf32, #tpu.memory_space<hbm>>) target(%dma_start3A_749 : memref<125x16xf32, #tpu.memory_space<vmem>>) offsets(%dma_start3A_752 : memref<125xi32, #tpu.memory_space<vmem>>) semaphore(%arg15 : memref<!tpu.dma_semaphore, #tpu.memory_space<semaphore_mem>>)
      %add3A_756 = arith.constant 5 : i32
      %add3A_757 = arith.addi %mul3A_407, %add3A_756 : i32
      %dma_wait3A_758 = arith.constant 5 : i32
      %dma_wait3A_759 = arith.constant 0 : i32
      %dma_wait3A_760 = arith.constant 0 : i32
      %dma_wait3A_761 = tpu.memref_slice %arg8[%dma_wait3A_758, %dma_wait3A_759, %dma_wait3A_760] : memref<8x125x16xf32, #tpu.memory_space<vmem>> -> memref<1x125x16xf32, #tpu.memory_space<vmem>>
      %dma_wait3A_762 = tpu.memref_squeeze %dma_wait3A_761 : memref<1x125x16xf32, #tpu.memory_space<vmem>> -> memref<125x16xf32, #tpu.memory_space<vmem>>
      %dma_wait3A_763 = arith.constant 0 : i32
      %dma_wait3A_764 = tpu.memref_slice %arg7[%add3A_757, %dma_wait3A_763] : memref<80x125xi32, #tpu.memory_space<vmem>> -> memref<1x125xi32, #tpu.memory_space<vmem>>
      %dma_wait3A_765 = tpu.memref_squeeze %dma_wait3A_764 : memref<1x125xi32, #tpu.memory_space<vmem>> -> memref<125xi32, #tpu.memory_space<vmem>>
      %dma_wait3A_766 = arith.constant 0 : i32
      %dma_wait3A_767 = arith.constant 0 : i32
      %dma_wait3A_768 = tpu.memref_slice %arg10[%dma_wait3A_766, %dma_wait3A_767] : memref<10240x16xf32, #tpu.memory_space<vmem_shared>> -> memref<10240x16xf32, #tpu.memory_space<vmem_shared>>
      tpu.wait_indirect_dma semaphore(%arg24 : memref<!tpu.dma_semaphore, #tpu.memory_space<semaphore_mem>>) src(%dma_wait3A_762 : memref<125x16xf32, #tpu.memory_space<vmem>>) dst(%dma_wait3A_768 : memref<10240x16xf32, #tpu.memory_space<vmem_shared>>)
      %add3A_769 = arith.constant 8 : i32
      %add3A_770 = arith.addi %mul3A_407, %add3A_769 : i32
      %add3A_771 = arith.constant 5 : i32
      %add3A_772 = arith.addi %add3A_770, %add3A_771 : i32
      %dma_start3A_773 = arith.constant 5 : i32
      %dma_start3A_774 = arith.constant 0 : i32
      %dma_start3A_775 = arith.constant 0 : i32
      %dma_start3A_776 = tpu.memref_slice %arg8[%dma_start3A_773, %dma_start3A_774, %dma_start3A_775] : memref<8x125x16xf32, #tpu.memory_space<vmem>> -> memref<1x125x16xf32, #tpu.memory_space<vmem>>
      %dma_start3A_777 = tpu.memref_squeeze %dma_start3A_776 : memref<1x125x16xf32, #tpu.memory_space<vmem>> -> memref<125x16xf32, #tpu.memory_space<vmem>>
      %dma_start3A_778 = arith.constant 0 : i32
      %dma_start3A_779 = tpu.memref_slice %arg6[%add3A_772, %dma_start3A_778] : memref<80x125xi32, #tpu.memory_space<vmem>> -> memref<1x125xi32, #tpu.memory_space<vmem>>
      %dma_start3A_780 = tpu.memref_squeeze %dma_start3A_779 : memref<1x125xi32, #tpu.memory_space<vmem>> -> memref<125xi32, #tpu.memory_space<vmem>>
      %dma_start3A_781 = arith.constant 0 : i32
      %dma_start3A_782 = arith.constant 0 : i32
      %dma_start3A_783 = tpu.memref_slice %arg2[%dma_start3A_781, %dma_start3A_782] : memref<10240x16xf32, #tpu.memory_space<hbm>> -> memref<10240x16xf32, #tpu.memory_space<hbm>>
      tpu.enqueue_indirect_dma source(%dma_start3A_783 : memref<10240x16xf32, #tpu.memory_space<hbm>>) target(%dma_start3A_777 : memref<125x16xf32, #tpu.memory_space<vmem>>) offsets(%dma_start3A_780 : memref<125xi32, #tpu.memory_space<vmem>>) semaphore(%arg16 : memref<!tpu.dma_semaphore, #tpu.memory_space<semaphore_mem>>)
      %add3A_784 = arith.constant 6 : i32
      %add3A_785 = arith.addi %mul3A_407, %add3A_784 : i32
      %dma_wait3A_786 = arith.constant 6 : i32
      %dma_wait3A_787 = arith.constant 0 : i32
      %dma_wait3A_788 = arith.constant 0 : i32
      %dma_wait3A_789 = tpu.memref_slice %arg8[%dma_wait3A_786, %dma_wait3A_787, %dma_wait3A_788] : memref<8x125x16xf32, #tpu.memory_space<vmem>> -> memref<1x125x16xf32, #tpu.memory_space<vmem>>
      %dma_wait3A_790 = tpu.memref_squeeze %dma_wait3A_789 : memref<1x125x16xf32, #tpu.memory_space<vmem>> -> memref<125x16xf32, #tpu.memory_space<vmem>>
      %dma_wait3A_791 = arith.constant 0 : i32
      %dma_wait3A_792 = tpu.memref_slice %arg7[%add3A_785, %dma_wait3A_791] : memref<80x125xi32, #tpu.memory_space<vmem>> -> memref<1x125xi32, #tpu.memory_space<vmem>>
      %dma_wait3A_793 = tpu.memref_squeeze %dma_wait3A_792 : memref<1x125xi32, #tpu.memory_space<vmem>> -> memref<125xi32, #tpu.memory_space<vmem>>
      %dma_wait3A_794 = arith.constant 0 : i32
      %dma_wait3A_795 = arith.constant 0 : i32
      %dma_wait3A_796 = tpu.memref_slice %arg10[%dma_wait3A_794, %dma_wait3A_795] : memref<10240x16xf32, #tpu.memory_space<vmem_shared>> -> memref<10240x16xf32, #tpu.memory_space<vmem_shared>>
      tpu.wait_indirect_dma semaphore(%arg25 : memref<!tpu.dma_semaphore, #tpu.memory_space<semaphore_mem>>) src(%dma_wait3A_790 : memref<125x16xf32, #tpu.memory_space<vmem>>) dst(%dma_wait3A_796 : memref<10240x16xf32, #tpu.memory_space<vmem_shared>>)
      %add3A_797 = arith.constant 8 : i32
      %add3A_798 = arith.addi %mul3A_407, %add3A_797 : i32
      %add3A_799 = arith.constant 6 : i32
      %add3A_800 = arith.addi %add3A_798, %add3A_799 : i32
      %dma_start3A_801 = arith.constant 6 : i32
      %dma_start3A_802 = arith.constant 0 : i32
      %dma_start3A_803 = arith.constant 0 : i32
      %dma_start3A_804 = tpu.memref_slice %arg8[%dma_start3A_801, %dma_start3A_802, %dma_start3A_803] : memref<8x125x16xf32, #tpu.memory_space<vmem>> -> memref<1x125x16xf32, #tpu.memory_space<vmem>>
      %dma_start3A_805 = tpu.memref_squeeze %dma_start3A_804 : memref<1x125x16xf32, #tpu.memory_space<vmem>> -> memref<125x16xf32, #tpu.memory_space<vmem>>
      %dma_start3A_806 = arith.constant 0 : i32
      %dma_start3A_807 = tpu.memref_slice %arg6[%add3A_800, %dma_start3A_806] : memref<80x125xi32, #tpu.memory_space<vmem>> -> memref<1x125xi32, #tpu.memory_space<vmem>>
      %dma_start3A_808 = tpu.memref_squeeze %dma_start3A_807 : memref<1x125xi32, #tpu.memory_space<vmem>> -> memref<125xi32, #tpu.memory_space<vmem>>
      %dma_start3A_809 = arith.constant 0 : i32
      %dma_start3A_810 = arith.constant 0 : i32
      %dma_start3A_811 = tpu.memref_slice %arg2[%dma_start3A_809, %dma_start3A_810] : memref<10240x16xf32, #tpu.memory_space<hbm>> -> memref<10240x16xf32, #tpu.memory_space<hbm>>
      tpu.enqueue_indirect_dma source(%dma_start3A_811 : memref<10240x16xf32, #tpu.memory_space<hbm>>) target(%dma_start3A_805 : memref<125x16xf32, #tpu.memory_space<vmem>>) offsets(%dma_start3A_808 : memref<125xi32, #tpu.memory_space<vmem>>) semaphore(%arg17 : memref<!tpu.dma_semaphore, #tpu.memory_space<semaphore_mem>>)
      %add3A_812 = arith.constant 7 : i32
      %add3A_813 = arith.addi %mul3A_407, %add3A_812 : i32
      %dma_wait3A_814 = arith.constant 7 : i32
      %dma_wait3A_815 = arith.constant 0 : i32
      %dma_wait3A_816 = arith.constant 0 : i32
      %dma_wait3A_817 = tpu.memref_slice %arg8[%dma_wait3A_814, %dma_wait3A_815, %dma_wait3A_816] : memref<8x125x16xf32, #tpu.memory_space<vmem>> -> memref<1x125x16xf32, #tpu.memory_space<vmem>>
      %dma_wait3A_818 = tpu.memref_squeeze %dma_wait3A_817 : memref<1x125x16xf32, #tpu.memory_space<vmem>> -> memref<125x16xf32, #tpu.memory_space<vmem>>
      %dma_wait3A_819 = arith.constant 0 : i32
      %dma_wait3A_820 = tpu.memref_slice %arg7[%add3A_813, %dma_wait3A_819] : memref<80x125xi32, #tpu.memory_space<vmem>> -> memref<1x125xi32, #tpu.memory_space<vmem>>
      %dma_wait3A_821 = tpu.memref_squeeze %dma_wait3A_820 : memref<1x125xi32, #tpu.memory_space<vmem>> -> memref<125xi32, #tpu.memory_space<vmem>>
      %dma_wait3A_822 = arith.constant 0 : i32
      %dma_wait3A_823 = arith.constant 0 : i32
      %dma_wait3A_824 = tpu.memref_slice %arg10[%dma_wait3A_822, %dma_wait3A_823] : memref<10240x16xf32, #tpu.memory_space<vmem_shared>> -> memref<10240x16xf32, #tpu.memory_space<vmem_shared>>
      tpu.wait_indirect_dma semaphore(%arg26 : memref<!tpu.dma_semaphore, #tpu.memory_space<semaphore_mem>>) src(%dma_wait3A_818 : memref<125x16xf32, #tpu.memory_space<vmem>>) dst(%dma_wait3A_824 : memref<10240x16xf32, #tpu.memory_space<vmem_shared>>)
      %add3A_825 = arith.constant 8 : i32
      %add3A_826 = arith.addi %mul3A_407, %add3A_825 : i32
      %add3A_827 = arith.constant 7 : i32
      %add3A_828 = arith.addi %add3A_826, %add3A_827 : i32
      %dma_start3A_829 = arith.constant 7 : i32
      %dma_start3A_830 = arith.constant 0 : i32
      %dma_start3A_831 = arith.constant 0 : i32
      %dma_start3A_832 = tpu.memref_slice %arg8[%dma_start3A_829, %dma_start3A_830, %dma_start3A_831] : memref<8x125x16xf32, #tpu.memory_space<vmem>> -> memref<1x125x16xf32, #tpu.memory_space<vmem>>
      %dma_start3A_833 = tpu.memref_squeeze %dma_start3A_832 : memref<1x125x16xf32, #tpu.memory_space<vmem>> -> memref<125x16xf32, #tpu.memory_space<vmem>>
      %dma_start3A_834 = arith.constant 0 : i32
      %dma_start3A_835 = tpu.memref_slice %arg6[%add3A_828, %dma_start3A_834] : memref<80x125xi32, #tpu.memory_space<vmem>> -> memref<1x125xi32, #tpu.memory_space<vmem>>
      %dma_start3A_836 = tpu.memref_squeeze %dma_start3A_835 : memref<1x125xi32, #tpu.memory_space<vmem>> -> memref<125xi32, #tpu.memory_space<vmem>>
      %dma_start3A_837 = arith.constant 0 : i32
      %dma_start3A_838 = arith.constant 0 : i32
      %dma_start3A_839 = tpu.memref_slice %arg2[%dma_start3A_837, %dma_start3A_838] : memref<10240x16xf32, #tpu.memory_space<hbm>> -> memref<10240x16xf32, #tpu.memory_space<hbm>>
      tpu.enqueue_indirect_dma source(%dma_start3A_839 : memref<10240x16xf32, #tpu.memory_space<hbm>>) target(%dma_start3A_833 : memref<125x16xf32, #tpu.memory_space<vmem>>) offsets(%dma_start3A_836 : memref<125xi32, #tpu.memory_space<vmem>>) semaphore(%arg18 : memref<!tpu.dma_semaphore, #tpu.memory_space<semaphore_mem>>)
    }
    %scan3A_112 = arith.constant 9 : i32
    %dma_wait3A = arith.constant 72 : i32
    %dma_wait3A_113 = arith.constant 0 : i32
    %dma_wait3A_114 = arith.constant 0 : i32
    %dma_wait3A_115 = arith.constant 0 : i32
    %dma_wait3A_116 = tpu.memref_slice %arg8[%dma_wait3A_113, %dma_wait3A_114, %dma_wait3A_115] : memref<8x125x16xf32, #tpu.memory_space<vmem>> -> memref<1x125x16xf32, #tpu.memory_space<vmem>>
    %dma_wait3A_117 = tpu.memref_squeeze %dma_wait3A_116 : memref<1x125x16xf32, #tpu.memory_space<vmem>> -> memref<125x16xf32, #tpu.memory_space<vmem>>
    %dma_wait3A_118 = arith.constant 0 : i32
    %dma_wait3A_119 = tpu.memref_slice %arg6[%dma_wait3A, %dma_wait3A_118] : memref<80x125xi32, #tpu.memory_space<vmem>> -> memref<1x125xi32, #tpu.memory_space<vmem>>
    %dma_wait3A_120 = tpu.memref_squeeze %dma_wait3A_119 : memref<1x125xi32, #tpu.memory_space<vmem>> -> memref<125xi32, #tpu.memory_space<vmem>>
    %dma_wait3A_121 = arith.constant 0 : i32
    %dma_wait3A_122 = arith.constant 0 : i32
    %dma_wait3A_123 = tpu.memref_slice %arg2[%dma_wait3A_121, %dma_wait3A_122] : memref<10240x16xf32, #tpu.memory_space<hbm>> -> memref<10240x16xf32, #tpu.memory_space<hbm>>
    tpu.wait_indirect_dma semaphore(%arg11 : memref<!tpu.dma_semaphore, #tpu.memory_space<semaphore_mem>>) src(%dma_wait3A_123 : memref<10240x16xf32, #tpu.memory_space<hbm>>) dst(%dma_wait3A_117 : memref<125x16xf32, #tpu.memory_space<vmem>>)
    %dma_start3A_124 = arith.constant 0 : i32
    %dma_start3A_125 = arith.constant 72 : i32
    %dma_start3A_126 = arith.constant 0 : i32
    %dma_start3A_127 = arith.constant 0 : i32
    %dma_start3A_128 = tpu.memref_slice %arg8[%dma_start3A_124, %dma_start3A_126, %dma_start3A_127] : memref<8x125x16xf32, #tpu.memory_space<vmem>> -> memref<1x125x16xf32, #tpu.memory_space<vmem>>
    %dma_start3A_129 = tpu.memref_squeeze %dma_start3A_128 : memref<1x125x16xf32, #tpu.memory_space<vmem>> -> memref<125x16xf32, #tpu.memory_space<vmem>>
    %dma_start3A_130 = arith.constant 0 : i32
    %dma_start3A_131 = tpu.memref_slice %arg7[%dma_start3A_125, %dma_start3A_130] : memref<80x125xi32, #tpu.memory_space<vmem>> -> memref<1x125xi32, #tpu.memory_space<vmem>>
    %dma_start3A_132 = tpu.memref_squeeze %dma_start3A_131 : memref<1x125xi32, #tpu.memory_space<vmem>> -> memref<125xi32, #tpu.memory_space<vmem>>
    %dma_start3A_133 = arith.constant 0 : i32
    %dma_start3A_134 = arith.constant 0 : i32
    %dma_start3A_135 = tpu.memref_slice %arg10[%dma_start3A_133, %dma_start3A_134] : memref<10240x16xf32, #tpu.memory_space<vmem_shared>> -> memref<10240x16xf32, #tpu.memory_space<vmem_shared>>
    tpu.enqueue_indirect_dma source(%dma_start3A_129 : memref<125x16xf32, #tpu.memory_space<vmem>>) target(%dma_start3A_135 : memref<10240x16xf32, #tpu.memory_space<vmem_shared>>) offsets(%dma_start3A_132 : memref<125xi32, #tpu.memory_space<vmem>>) semaphore(%arg19 : memref<!tpu.dma_semaphore, #tpu.memory_space<semaphore_mem>>) {add = true}
    %dma_wait3A_136 = arith.constant 73 : i32
    %dma_wait3A_137 = arith.constant 1 : i32
    %dma_wait3A_138 = arith.constant 0 : i32
    %dma_wait3A_139 = arith.constant 0 : i32
    %dma_wait3A_140 = tpu.memref_slice %arg8[%dma_wait3A_137, %dma_wait3A_138, %dma_wait3A_139] : memref<8x125x16xf32, #tpu.memory_space<vmem>> -> memref<1x125x16xf32, #tpu.memory_space<vmem>>
    %dma_wait3A_141 = tpu.memref_squeeze %dma_wait3A_140 : memref<1x125x16xf32, #tpu.memory_space<vmem>> -> memref<125x16xf32, #tpu.memory_space<vmem>>
    %dma_wait3A_142 = arith.constant 0 : i32
    %dma_wait3A_143 = tpu.memref_slice %arg6[%dma_wait3A_136, %dma_wait3A_142] : memref<80x125xi32, #tpu.memory_space<vmem>> -> memref<1x125xi32, #tpu.memory_space<vmem>>
    %dma_wait3A_144 = tpu.memref_squeeze %dma_wait3A_143 : memref<1x125xi32, #tpu.memory_space<vmem>> -> memref<125xi32, #tpu.memory_space<vmem>>
    %dma_wait3A_145 = arith.constant 0 : i32
    %dma_wait3A_146 = arith.constant 0 : i32
    %dma_wait3A_147 = tpu.memref_slice %arg2[%dma_wait3A_145, %dma_wait3A_146] : memref<10240x16xf32, #tpu.memory_space<hbm>> -> memref<10240x16xf32, #tpu.memory_space<hbm>>
    tpu.wait_indirect_dma semaphore(%arg12 : memref<!tpu.dma_semaphore, #tpu.memory_space<semaphore_mem>>) src(%dma_wait3A_147 : memref<10240x16xf32, #tpu.memory_space<hbm>>) dst(%dma_wait3A_141 : memref<125x16xf32, #tpu.memory_space<vmem>>)
    %dma_start3A_148 = arith.constant 1 : i32
    %dma_start3A_149 = arith.constant 73 : i32
    %dma_start3A_150 = arith.constant 0 : i32
    %dma_start3A_151 = arith.constant 0 : i32
    %dma_start3A_152 = tpu.memref_slice %arg8[%dma_start3A_148, %dma_start3A_150, %dma_start3A_151] : memref<8x125x16xf32, #tpu.memory_space<vmem>> -> memref<1x125x16xf32, #tpu.memory_space<vmem>>
    %dma_start3A_153 = tpu.memref_squeeze %dma_start3A_152 : memref<1x125x16xf32, #tpu.memory_space<vmem>> -> memref<125x16xf32, #tpu.memory_space<vmem>>
    %dma_start3A_154 = arith.constant 0 : i32
    %dma_start3A_155 = tpu.memref_slice %arg7[%dma_start3A_149, %dma_start3A_154] : memref<80x125xi32, #tpu.memory_space<vmem>> -> memref<1x125xi32, #tpu.memory_space<vmem>>
    %dma_start3A_156 = tpu.memref_squeeze %dma_start3A_155 : memref<1x125xi32, #tpu.memory_space<vmem>> -> memref<125xi32, #tpu.memory_space<vmem>>
    %dma_start3A_157 = arith.constant 0 : i32
    %dma_start3A_158 = arith.constant 0 : i32
    %dma_start3A_159 = tpu.memref_slice %arg10[%dma_start3A_157, %dma_start3A_158] : memref<10240x16xf32, #tpu.memory_space<vmem_shared>> -> memref<10240x16xf32, #tpu.memory_space<vmem_shared>>
    tpu.enqueue_indirect_dma source(%dma_start3A_153 : memref<125x16xf32, #tpu.memory_space<vmem>>) target(%dma_start3A_159 : memref<10240x16xf32, #tpu.memory_space<vmem_shared>>) offsets(%dma_start3A_156 : memref<125xi32, #tpu.memory_space<vmem>>) semaphore(%arg20 : memref<!tpu.dma_semaphore, #tpu.memory_space<semaphore_mem>>) {add = true}
    %dma_wait3A_160 = arith.constant 74 : i32
    %dma_wait3A_161 = arith.constant 2 : i32
    %dma_wait3A_162 = arith.constant 0 : i32
    %dma_wait3A_163 = arith.constant 0 : i32
    %dma_wait3A_164 = tpu.memref_slice %arg8[%dma_wait3A_161, %dma_wait3A_162, %dma_wait3A_163] : memref<8x125x16xf32, #tpu.memory_space<vmem>> -> memref<1x125x16xf32, #tpu.memory_space<vmem>>
    %dma_wait3A_165 = tpu.memref_squeeze %dma_wait3A_164 : memref<1x125x16xf32, #tpu.memory_space<vmem>> -> memref<125x16xf32, #tpu.memory_space<vmem>>
    %dma_wait3A_166 = arith.constant 0 : i32
    %dma_wait3A_167 = tpu.memref_slice %arg6[%dma_wait3A_160, %dma_wait3A_166] : memref<80x125xi32, #tpu.memory_space<vmem>> -> memref<1x125xi32, #tpu.memory_space<vmem>>
    %dma_wait3A_168 = tpu.memref_squeeze %dma_wait3A_167 : memref<1x125xi32, #tpu.memory_space<vmem>> -> memref<125xi32, #tpu.memory_space<vmem>>
    %dma_wait3A_169 = arith.constant 0 : i32
    %dma_wait3A_170 = arith.constant 0 : i32
    %dma_wait3A_171 = tpu.memref_slice %arg2[%dma_wait3A_169, %dma_wait3A_170] : memref<10240x16xf32, #tpu.memory_space<hbm>> -> memref<10240x16xf32, #tpu.memory_space<hbm>>
    tpu.wait_indirect_dma semaphore(%arg13 : memref<!tpu.dma_semaphore, #tpu.memory_space<semaphore_mem>>) src(%dma_wait3A_171 : memref<10240x16xf32, #tpu.memory_space<hbm>>) dst(%dma_wait3A_165 : memref<125x16xf32, #tpu.memory_space<vmem>>)
    %dma_start3A_172 = arith.constant 2 : i32
    %dma_start3A_173 = arith.constant 74 : i32
    %dma_start3A_174 = arith.constant 0 : i32
    %dma_start3A_175 = arith.constant 0 : i32
    %dma_start3A_176 = tpu.memref_slice %arg8[%dma_start3A_172, %dma_start3A_174, %dma_start3A_175] : memref<8x125x16xf32, #tpu.memory_space<vmem>> -> memref<1x125x16xf32, #tpu.memory_space<vmem>>
    %dma_start3A_177 = tpu.memref_squeeze %dma_start3A_176 : memref<1x125x16xf32, #tpu.memory_space<vmem>> -> memref<125x16xf32, #tpu.memory_space<vmem>>
    %dma_start3A_178 = arith.constant 0 : i32
    %dma_start3A_179 = tpu.memref_slice %arg7[%dma_start3A_173, %dma_start3A_178] : memref<80x125xi32, #tpu.memory_space<vmem>> -> memref<1x125xi32, #tpu.memory_space<vmem>>
    %dma_start3A_180 = tpu.memref_squeeze %dma_start3A_179 : memref<1x125xi32, #tpu.memory_space<vmem>> -> memref<125xi32, #tpu.memory_space<vmem>>
    %dma_start3A_181 = arith.constant 0 : i32
    %dma_start3A_182 = arith.constant 0 : i32
    %dma_start3A_183 = tpu.memref_slice %arg10[%dma_start3A_181, %dma_start3A_182] : memref<10240x16xf32, #tpu.memory_space<vmem_shared>> -> memref<10240x16xf32, #tpu.memory_space<vmem_shared>>
    tpu.enqueue_indirect_dma source(%dma_start3A_177 : memref<125x16xf32, #tpu.memory_space<vmem>>) target(%dma_start3A_183 : memref<10240x16xf32, #tpu.memory_space<vmem_shared>>) offsets(%dma_start3A_180 : memref<125xi32, #tpu.memory_space<vmem>>) semaphore(%arg21 : memref<!tpu.dma_semaphore, #tpu.memory_space<semaphore_mem>>) {add = true}
    %dma_wait3A_184 = arith.constant 75 : i32
    %dma_wait3A_185 = arith.constant 3 : i32
    %dma_wait3A_186 = arith.constant 0 : i32
    %dma_wait3A_187 = arith.constant 0 : i32
    %dma_wait3A_188 = tpu.memref_slice %arg8[%dma_wait3A_185, %dma_wait3A_186, %dma_wait3A_187] : memref<8x125x16xf32, #tpu.memory_space<vmem>> -> memref<1x125x16xf32, #tpu.memory_space<vmem>>
    %dma_wait3A_189 = tpu.memref_squeeze %dma_wait3A_188 : memref<1x125x16xf32, #tpu.memory_space<vmem>> -> memref<125x16xf32, #tpu.memory_space<vmem>>
    %dma_wait3A_190 = arith.constant 0 : i32
    %dma_wait3A_191 = tpu.memref_slice %arg6[%dma_wait3A_184, %dma_wait3A_190] : memref<80x125xi32, #tpu.memory_space<vmem>> -> memref<1x125xi32, #tpu.memory_space<vmem>>
    %dma_wait3A_192 = tpu.memref_squeeze %dma_wait3A_191 : memref<1x125xi32, #tpu.memory_space<vmem>> -> memref<125xi32, #tpu.memory_space<vmem>>
    %dma_wait3A_193 = arith.constant 0 : i32
    %dma_wait3A_194 = arith.constant 0 : i32
    %dma_wait3A_195 = tpu.memref_slice %arg2[%dma_wait3A_193, %dma_wait3A_194] : memref<10240x16xf32, #tpu.memory_space<hbm>> -> memref<10240x16xf32, #tpu.memory_space<hbm>>
    tpu.wait_indirect_dma semaphore(%arg14 : memref<!tpu.dma_semaphore, #tpu.memory_space<semaphore_mem>>) src(%dma_wait3A_195 : memref<10240x16xf32, #tpu.memory_space<hbm>>) dst(%dma_wait3A_189 : memref<125x16xf32, #tpu.memory_space<vmem>>)
    %dma_start3A_196 = arith.constant 3 : i32
    %dma_start3A_197 = arith.constant 75 : i32
    %dma_start3A_198 = arith.constant 0 : i32
    %dma_start3A_199 = arith.constant 0 : i32
    %dma_start3A_200 = tpu.memref_slice %arg8[%dma_start3A_196, %dma_start3A_198, %dma_start3A_199] : memref<8x125x16xf32, #tpu.memory_space<vmem>> -> memref<1x125x16xf32, #tpu.memory_space<vmem>>
    %dma_start3A_201 = tpu.memref_squeeze %dma_start3A_200 : memref<1x125x16xf32, #tpu.memory_space<vmem>> -> memref<125x16xf32, #tpu.memory_space<vmem>>
    %dma_start3A_202 = arith.constant 0 : i32
    %dma_start3A_203 = tpu.memref_slice %arg7[%dma_start3A_197, %dma_start3A_202] : memref<80x125xi32, #tpu.memory_space<vmem>> -> memref<1x125xi32, #tpu.memory_space<vmem>>
    %dma_start3A_204 = tpu.memref_squeeze %dma_start3A_203 : memref<1x125xi32, #tpu.memory_space<vmem>> -> memref<125xi32, #tpu.memory_space<vmem>>
    %dma_start3A_205 = arith.constant 0 : i32
    %dma_start3A_206 = arith.constant 0 : i32
    %dma_start3A_207 = tpu.memref_slice %arg10[%dma_start3A_205, %dma_start3A_206] : memref<10240x16xf32, #tpu.memory_space<vmem_shared>> -> memref<10240x16xf32, #tpu.memory_space<vmem_shared>>
    tpu.enqueue_indirect_dma source(%dma_start3A_201 : memref<125x16xf32, #tpu.memory_space<vmem>>) target(%dma_start3A_207 : memref<10240x16xf32, #tpu.memory_space<vmem_shared>>) offsets(%dma_start3A_204 : memref<125xi32, #tpu.memory_space<vmem>>) semaphore(%arg22 : memref<!tpu.dma_semaphore, #tpu.memory_space<semaphore_mem>>) {add = true}
    %dma_wait3A_208 = arith.constant 76 : i32
    %dma_wait3A_209 = arith.constant 4 : i32
    %dma_wait3A_210 = arith.constant 0 : i32
    %dma_wait3A_211 = arith.constant 0 : i32
    %dma_wait3A_212 = tpu.memref_slice %arg8[%dma_wait3A_209, %dma_wait3A_210, %dma_wait3A_211] : memref<8x125x16xf32, #tpu.memory_space<vmem>> -> memref<1x125x16xf32, #tpu.memory_space<vmem>>
    %dma_wait3A_213 = tpu.memref_squeeze %dma_wait3A_212 : memref<1x125x16xf32, #tpu.memory_space<vmem>> -> memref<125x16xf32, #tpu.memory_space<vmem>>
    %dma_wait3A_214 = arith.constant 0 : i32
    %dma_wait3A_215 = tpu.memref_slice %arg6[%dma_wait3A_208, %dma_wait3A_214] : memref<80x125xi32, #tpu.memory_space<vmem>> -> memref<1x125xi32, #tpu.memory_space<vmem>>
    %dma_wait3A_216 = tpu.memref_squeeze %dma_wait3A_215 : memref<1x125xi32, #tpu.memory_space<vmem>> -> memref<125xi32, #tpu.memory_space<vmem>>
    %dma_wait3A_217 = arith.constant 0 : i32
    %dma_wait3A_218 = arith.constant 0 : i32
    %dma_wait3A_219 = tpu.memref_slice %arg2[%dma_wait3A_217, %dma_wait3A_218] : memref<10240x16xf32, #tpu.memory_space<hbm>> -> memref<10240x16xf32, #tpu.memory_space<hbm>>
    tpu.wait_indirect_dma semaphore(%arg15 : memref<!tpu.dma_semaphore, #tpu.memory_space<semaphore_mem>>) src(%dma_wait3A_219 : memref<10240x16xf32, #tpu.memory_space<hbm>>) dst(%dma_wait3A_213 : memref<125x16xf32, #tpu.memory_space<vmem>>)
    %dma_start3A_220 = arith.constant 4 : i32
    %dma_start3A_221 = arith.constant 76 : i32
    %dma_start3A_222 = arith.constant 0 : i32
    %dma_start3A_223 = arith.constant 0 : i32
    %dma_start3A_224 = tpu.memref_slice %arg8[%dma_start3A_220, %dma_start3A_222, %dma_start3A_223] : memref<8x125x16xf32, #tpu.memory_space<vmem>> -> memref<1x125x16xf32, #tpu.memory_space<vmem>>
    %dma_start3A_225 = tpu.memref_squeeze %dma_start3A_224 : memref<1x125x16xf32, #tpu.memory_space<vmem>> -> memref<125x16xf32, #tpu.memory_space<vmem>>
    %dma_start3A_226 = arith.constant 0 : i32
    %dma_start3A_227 = tpu.memref_slice %arg7[%dma_start3A_221, %dma_start3A_226] : memref<80x125xi32, #tpu.memory_space<vmem>> -> memref<1x125xi32, #tpu.memory_space<vmem>>
    %dma_start3A_228 = tpu.memref_squeeze %dma_start3A_227 : memref<1x125xi32, #tpu.memory_space<vmem>> -> memref<125xi32, #tpu.memory_space<vmem>>
    %dma_start3A_229 = arith.constant 0 : i32
    %dma_start3A_230 = arith.constant 0 : i32
    %dma_start3A_231 = tpu.memref_slice %arg10[%dma_start3A_229, %dma_start3A_230] : memref<10240x16xf32, #tpu.memory_space<vmem_shared>> -> memref<10240x16xf32, #tpu.memory_space<vmem_shared>>
    tpu.enqueue_indirect_dma source(%dma_start3A_225 : memref<125x16xf32, #tpu.memory_space<vmem>>) target(%dma_start3A_231 : memref<10240x16xf32, #tpu.memory_space<vmem_shared>>) offsets(%dma_start3A_228 : memref<125xi32, #tpu.memory_space<vmem>>) semaphore(%arg23 : memref<!tpu.dma_semaphore, #tpu.memory_space<semaphore_mem>>) {add = true}
    %dma_wait3A_232 = arith.constant 77 : i32
    %dma_wait3A_233 = arith.constant 5 : i32
    %dma_wait3A_234 = arith.constant 0 : i32
    %dma_wait3A_235 = arith.constant 0 : i32
    %dma_wait3A_236 = tpu.memref_slice %arg8[%dma_wait3A_233, %dma_wait3A_234, %dma_wait3A_235] : memref<8x125x16xf32, #tpu.memory_space<vmem>> -> memref<1x125x16xf32, #tpu.memory_space<vmem>>
    %dma_wait3A_237 = tpu.memref_squeeze %dma_wait3A_236 : memref<1x125x16xf32, #tpu.memory_space<vmem>> -> memref<125x16xf32, #tpu.memory_space<vmem>>
    %dma_wait3A_238 = arith.constant 0 : i32
    %dma_wait3A_239 = tpu.memref_slice %arg6[%dma_wait3A_232, %dma_wait3A_238] : memref<80x125xi32, #tpu.memory_space<vmem>> -> memref<1x125xi32, #tpu.memory_space<vmem>>
    %dma_wait3A_240 = tpu.memref_squeeze %dma_wait3A_239 : memref<1x125xi32, #tpu.memory_space<vmem>> -> memref<125xi32, #tpu.memory_space<vmem>>
    %dma_wait3A_241 = arith.constant 0 : i32
    %dma_wait3A_242 = arith.constant 0 : i32
    %dma_wait3A_243 = tpu.memref_slice %arg2[%dma_wait3A_241, %dma_wait3A_242] : memref<10240x16xf32, #tpu.memory_space<hbm>> -> memref<10240x16xf32, #tpu.memory_space<hbm>>
    tpu.wait_indirect_dma semaphore(%arg16 : memref<!tpu.dma_semaphore, #tpu.memory_space<semaphore_mem>>) src(%dma_wait3A_243 : memref<10240x16xf32, #tpu.memory_space<hbm>>) dst(%dma_wait3A_237 : memref<125x16xf32, #tpu.memory_space<vmem>>)
    %dma_start3A_244 = arith.constant 5 : i32
    %dma_start3A_245 = arith.constant 77 : i32
    %dma_start3A_246 = arith.constant 0 : i32
    %dma_start3A_247 = arith.constant 0 : i32
    %dma_start3A_248 = tpu.memref_slice %arg8[%dma_start3A_244, %dma_start3A_246, %dma_start3A_247] : memref<8x125x16xf32, #tpu.memory_space<vmem>> -> memref<1x125x16xf32, #tpu.memory_space<vmem>>
    %dma_start3A_249 = tpu.memref_squeeze %dma_start3A_248 : memref<1x125x16xf32, #tpu.memory_space<vmem>> -> memref<125x16xf32, #tpu.memory_space<vmem>>
    %dma_start3A_250 = arith.constant 0 : i32
    %dma_start3A_251 = tpu.memref_slice %arg7[%dma_start3A_245, %dma_start3A_250] : memref<80x125xi32, #tpu.memory_space<vmem>> -> memref<1x125xi32, #tpu.memory_space<vmem>>
    %dma_start3A_252 = tpu.memref_squeeze %dma_start3A_251 : memref<1x125xi32, #tpu.memory_space<vmem>> -> memref<125xi32, #tpu.memory_space<vmem>>
    %dma_start3A_253 = arith.constant 0 : i32
    %dma_start3A_254 = arith.constant 0 : i32
    %dma_start3A_255 = tpu.memref_slice %arg10[%dma_start3A_253, %dma_start3A_254] : memref<10240x16xf32, #tpu.memory_space<vmem_shared>> -> memref<10240x16xf32, #tpu.memory_space<vmem_shared>>
    tpu.enqueue_indirect_dma source(%dma_start3A_249 : memref<125x16xf32, #tpu.memory_space<vmem>>) target(%dma_start3A_255 : memref<10240x16xf32, #tpu.memory_space<vmem_shared>>) offsets(%dma_start3A_252 : memref<125xi32, #tpu.memory_space<vmem>>) semaphore(%arg24 : memref<!tpu.dma_semaphore, #tpu.memory_space<semaphore_mem>>) {add = true}
    %dma_wait3A_256 = arith.constant 78 : i32
    %dma_wait3A_257 = arith.constant 6 : i32
    %dma_wait3A_258 = arith.constant 0 : i32
    %dma_wait3A_259 = arith.constant 0 : i32
    %dma_wait3A_260 = tpu.memref_slice %arg8[%dma_wait3A_257, %dma_wait3A_258, %dma_wait3A_259] : memref<8x125x16xf32, #tpu.memory_space<vmem>> -> memref<1x125x16xf32, #tpu.memory_space<vmem>>
    %dma_wait3A_261 = tpu.memref_squeeze %dma_wait3A_260 : memref<1x125x16xf32, #tpu.memory_space<vmem>> -> memref<125x16xf32, #tpu.memory_space<vmem>>
    %dma_wait3A_262 = arith.constant 0 : i32
    %dma_wait3A_263 = tpu.memref_slice %arg6[%dma_wait3A_256, %dma_wait3A_262] : memref<80x125xi32, #tpu.memory_space<vmem>> -> memref<1x125xi32, #tpu.memory_space<vmem>>
    %dma_wait3A_264 = tpu.memref_squeeze %dma_wait3A_263 : memref<1x125xi32, #tpu.memory_space<vmem>> -> memref<125xi32, #tpu.memory_space<vmem>>
    %dma_wait3A_265 = arith.constant 0 : i32
    %dma_wait3A_266 = arith.constant 0 : i32
    %dma_wait3A_267 = tpu.memref_slice %arg2[%dma_wait3A_265, %dma_wait3A_266] : memref<10240x16xf32, #tpu.memory_space<hbm>> -> memref<10240x16xf32, #tpu.memory_space<hbm>>
    tpu.wait_indirect_dma semaphore(%arg17 : memref<!tpu.dma_semaphore, #tpu.memory_space<semaphore_mem>>) src(%dma_wait3A_267 : memref<10240x16xf32, #tpu.memory_space<hbm>>) dst(%dma_wait3A_261 : memref<125x16xf32, #tpu.memory_space<vmem>>)
    %dma_start3A_268 = arith.constant 6 : i32
    %dma_start3A_269 = arith.constant 78 : i32
    %dma_start3A_270 = arith.constant 0 : i32
    %dma_start3A_271 = arith.constant 0 : i32
    %dma_start3A_272 = tpu.memref_slice %arg8[%dma_start3A_268, %dma_start3A_270, %dma_start3A_271] : memref<8x125x16xf32, #tpu.memory_space<vmem>> -> memref<1x125x16xf32, #tpu.memory_space<vmem>>
    %dma_start3A_273 = tpu.memref_squeeze %dma_start3A_272 : memref<1x125x16xf32, #tpu.memory_space<vmem>> -> memref<125x16xf32, #tpu.memory_space<vmem>>
    %dma_start3A_274 = arith.constant 0 : i32
    %dma_start3A_275 = tpu.memref_slice %arg7[%dma_start3A_269, %dma_start3A_274] : memref<80x125xi32, #tpu.memory_space<vmem>> -> memref<1x125xi32, #tpu.memory_space<vmem>>
    %dma_start3A_276 = tpu.memref_squeeze %dma_start3A_275 : memref<1x125xi32, #tpu.memory_space<vmem>> -> memref<125xi32, #tpu.memory_space<vmem>>
    %dma_start3A_277 = arith.constant 0 : i32
    %dma_start3A_278 = arith.constant 0 : i32
    %dma_start3A_279 = tpu.memref_slice %arg10[%dma_start3A_277, %dma_start3A_278] : memref<10240x16xf32, #tpu.memory_space<vmem_shared>> -> memref<10240x16xf32, #tpu.memory_space<vmem_shared>>
    tpu.enqueue_indirect_dma source(%dma_start3A_273 : memref<125x16xf32, #tpu.memory_space<vmem>>) target(%dma_start3A_279 : memref<10240x16xf32, #tpu.memory_space<vmem_shared>>) offsets(%dma_start3A_276 : memref<125xi32, #tpu.memory_space<vmem>>) semaphore(%arg25 : memref<!tpu.dma_semaphore, #tpu.memory_space<semaphore_mem>>) {add = true}
    %dma_wait3A_280 = arith.constant 79 : i32
    %dma_wait3A_281 = arith.constant 7 : i32
    %dma_wait3A_282 = arith.constant 0 : i32
    %dma_wait3A_283 = arith.constant 0 : i32
    %dma_wait3A_284 = tpu.memref_slice %arg8[%dma_wait3A_281, %dma_wait3A_282, %dma_wait3A_283] : memref<8x125x16xf32, #tpu.memory_space<vmem>> -> memref<1x125x16xf32, #tpu.memory_space<vmem>>
    %dma_wait3A_285 = tpu.memref_squeeze %dma_wait3A_284 : memref<1x125x16xf32, #tpu.memory_space<vmem>> -> memref<125x16xf32, #tpu.memory_space<vmem>>
    %dma_wait3A_286 = arith.constant 0 : i32
    %dma_wait3A_287 = tpu.memref_slice %arg6[%dma_wait3A_280, %dma_wait3A_286] : memref<80x125xi32, #tpu.memory_space<vmem>> -> memref<1x125xi32, #tpu.memory_space<vmem>>
    %dma_wait3A_288 = tpu.memref_squeeze %dma_wait3A_287 : memref<1x125xi32, #tpu.memory_space<vmem>> -> memref<125xi32, #tpu.memory_space<vmem>>
    %dma_wait3A_289 = arith.constant 0 : i32
    %dma_wait3A_290 = arith.constant 0 : i32
    %dma_wait3A_291 = tpu.memref_slice %arg2[%dma_wait3A_289, %dma_wait3A_290] : memref<10240x16xf32, #tpu.memory_space<hbm>> -> memref<10240x16xf32, #tpu.memory_space<hbm>>
    tpu.wait_indirect_dma semaphore(%arg18 : memref<!tpu.dma_semaphore, #tpu.memory_space<semaphore_mem>>) src(%dma_wait3A_291 : memref<10240x16xf32, #tpu.memory_space<hbm>>) dst(%dma_wait3A_285 : memref<125x16xf32, #tpu.memory_space<vmem>>)
    %dma_start3A_292 = arith.constant 7 : i32
    %dma_start3A_293 = arith.constant 79 : i32
    %dma_start3A_294 = arith.constant 0 : i32
    %dma_start3A_295 = arith.constant 0 : i32
    %dma_start3A_296 = tpu.memref_slice %arg8[%dma_start3A_292, %dma_start3A_294, %dma_start3A_295] : memref<8x125x16xf32, #tpu.memory_space<vmem>> -> memref<1x125x16xf32, #tpu.memory_space<vmem>>
    %dma_start3A_297 = tpu.memref_squeeze %dma_start3A_296 : memref<1x125x16xf32, #tpu.memory_space<vmem>> -> memref<125x16xf32, #tpu.memory_space<vmem>>
    %dma_start3A_298 = arith.constant 0 : i32
    %dma_start3A_299 = tpu.memref_slice %arg7[%dma_start3A_293, %dma_start3A_298] : memref<80x125xi32, #tpu.memory_space<vmem>> -> memref<1x125xi32, #tpu.memory_space<vmem>>
    %dma_start3A_300 = tpu.memref_squeeze %dma_start3A_299 : memref<1x125xi32, #tpu.memory_space<vmem>> -> memref<125xi32, #tpu.memory_space<vmem>>
    %dma_start3A_301 = arith.constant 0 : i32
    %dma_start3A_302 = arith.constant 0 : i32
    %dma_start3A_303 = tpu.memref_slice %arg10[%dma_start3A_301, %dma_start3A_302] : memref<10240x16xf32, #tpu.memory_space<vmem_shared>> -> memref<10240x16xf32, #tpu.memory_space<vmem_shared>>
    tpu.enqueue_indirect_dma source(%dma_start3A_297 : memref<125x16xf32, #tpu.memory_space<vmem>>) target(%dma_start3A_303 : memref<10240x16xf32, #tpu.memory_space<vmem_shared>>) offsets(%dma_start3A_300 : memref<125xi32, #tpu.memory_space<vmem>>) semaphore(%arg26 : memref<!tpu.dma_semaphore, #tpu.memory_space<semaphore_mem>>) {add = true}
    %dma_wait3A_304 = arith.constant 0 : i32
    %dma_wait3A_305 = arith.constant 72 : i32
    %dma_wait3A_306 = arith.constant 0 : i32
    %dma_wait3A_307 = arith.constant 0 : i32
    %dma_wait3A_308 = tpu.memref_slice %arg8[%dma_wait3A_304, %dma_wait3A_306, %dma_wait3A_307] : memref<8x125x16xf32, #tpu.memory_space<vmem>> -> memref<1x125x16xf32, #tpu.memory_space<vmem>>
    %dma_wait3A_309 = tpu.memref_squeeze %dma_wait3A_308 : memref<1x125x16xf32, #tpu.memory_space<vmem>> -> memref<125x16xf32, #tpu.memory_space<vmem>>
    %dma_wait3A_310 = arith.constant 0 : i32
    %dma_wait3A_311 = tpu.memref_slice %arg7[%dma_wait3A_305, %dma_wait3A_310] : memref<80x125xi32, #tpu.memory_space<vmem>> -> memref<1x125xi32, #tpu.memory_space<vmem>>
    %dma_wait3A_312 = tpu.memref_squeeze %dma_wait3A_311 : memref<1x125xi32, #tpu.memory_space<vmem>> -> memref<125xi32, #tpu.memory_space<vmem>>
    %dma_wait3A_313 = arith.constant 0 : i32
    %dma_wait3A_314 = arith.constant 0 : i32
    %dma_wait3A_315 = tpu.memref_slice %arg10[%dma_wait3A_313, %dma_wait3A_314] : memref<10240x16xf32, #tpu.memory_space<vmem_shared>> -> memref<10240x16xf32, #tpu.memory_space<vmem_shared>>
    tpu.wait_indirect_dma semaphore(%arg19 : memref<!tpu.dma_semaphore, #tpu.memory_space<semaphore_mem>>) src(%dma_wait3A_309 : memref<125x16xf32, #tpu.memory_space<vmem>>) dst(%dma_wait3A_315 : memref<10240x16xf32, #tpu.memory_space<vmem_shared>>)
    %dma_wait3A_316 = arith.constant 1 : i32
    %dma_wait3A_317 = arith.constant 73 : i32
    %dma_wait3A_318 = arith.constant 0 : i32
    %dma_wait3A_319 = arith.constant 0 : i32
    %dma_wait3A_320 = tpu.memref_slice %arg8[%dma_wait3A_316, %dma_wait3A_318, %dma_wait3A_319] : memref<8x125x16xf32, #tpu.memory_space<vmem>> -> memref<1x125x16xf32, #tpu.memory_space<vmem>>
    %dma_wait3A_321 = tpu.memref_squeeze %dma_wait3A_320 : memref<1x125x16xf32, #tpu.memory_space<vmem>> -> memref<125x16xf32, #tpu.memory_space<vmem>>
    %dma_wait3A_322 = arith.constant 0 : i32
    %dma_wait3A_323 = tpu.memref_slice %arg7[%dma_wait3A_317, %dma_wait3A_322] : memref<80x125xi32, #tpu.memory_space<vmem>> -> memref<1x125xi32, #tpu.memory_space<vmem>>
    %dma_wait3A_324 = tpu.memref_squeeze %dma_wait3A_323 : memref<1x125xi32, #tpu.memory_space<vmem>> -> memref<125xi32, #tpu.memory_space<vmem>>
    %dma_wait3A_325 = arith.constant 0 : i32
    %dma_wait3A_326 = arith.constant 0 : i32
    %dma_wait3A_327 = tpu.memref_slice %arg10[%dma_wait3A_325, %dma_wait3A_326] : memref<10240x16xf32, #tpu.memory_space<vmem_shared>> -> memref<10240x16xf32, #tpu.memory_space<vmem_shared>>
    tpu.wait_indirect_dma semaphore(%arg20 : memref<!tpu.dma_semaphore, #tpu.memory_space<semaphore_mem>>) src(%dma_wait3A_321 : memref<125x16xf32, #tpu.memory_space<vmem>>) dst(%dma_wait3A_327 : memref<10240x16xf32, #tpu.memory_space<vmem_shared>>)
    %dma_wait3A_328 = arith.constant 2 : i32
    %dma_wait3A_329 = arith.constant 74 : i32
    %dma_wait3A_330 = arith.constant 0 : i32
    %dma_wait3A_331 = arith.constant 0 : i32
    %dma_wait3A_332 = tpu.memref_slice %arg8[%dma_wait3A_328, %dma_wait3A_330, %dma_wait3A_331] : memref<8x125x16xf32, #tpu.memory_space<vmem>> -> memref<1x125x16xf32, #tpu.memory_space<vmem>>
    %dma_wait3A_333 = tpu.memref_squeeze %dma_wait3A_332 : memref<1x125x16xf32, #tpu.memory_space<vmem>> -> memref<125x16xf32, #tpu.memory_space<vmem>>
    %dma_wait3A_334 = arith.constant 0 : i32
    %dma_wait3A_335 = tpu.memref_slice %arg7[%dma_wait3A_329, %dma_wait3A_334] : memref<80x125xi32, #tpu.memory_space<vmem>> -> memref<1x125xi32, #tpu.memory_space<vmem>>
    %dma_wait3A_336 = tpu.memref_squeeze %dma_wait3A_335 : memref<1x125xi32, #tpu.memory_space<vmem>> -> memref<125xi32, #tpu.memory_space<vmem>>
    %dma_wait3A_337 = arith.constant 0 : i32
    %dma_wait3A_338 = arith.constant 0 : i32
    %dma_wait3A_339 = tpu.memref_slice %arg10[%dma_wait3A_337, %dma_wait3A_338] : memref<10240x16xf32, #tpu.memory_space<vmem_shared>> -> memref<10240x16xf32, #tpu.memory_space<vmem_shared>>
    tpu.wait_indirect_dma semaphore(%arg21 : memref<!tpu.dma_semaphore, #tpu.memory_space<semaphore_mem>>) src(%dma_wait3A_333 : memref<125x16xf32, #tpu.memory_space<vmem>>) dst(%dma_wait3A_339 : memref<10240x16xf32, #tpu.memory_space<vmem_shared>>)
    %dma_wait3A_340 = arith.constant 3 : i32
    %dma_wait3A_341 = arith.constant 75 : i32
    %dma_wait3A_342 = arith.constant 0 : i32
    %dma_wait3A_343 = arith.constant 0 : i32
    %dma_wait3A_344 = tpu.memref_slice %arg8[%dma_wait3A_340, %dma_wait3A_342, %dma_wait3A_343] : memref<8x125x16xf32, #tpu.memory_space<vmem>> -> memref<1x125x16xf32, #tpu.memory_space<vmem>>
    %dma_wait3A_345 = tpu.memref_squeeze %dma_wait3A_344 : memref<1x125x16xf32, #tpu.memory_space<vmem>> -> memref<125x16xf32, #tpu.memory_space<vmem>>
    %dma_wait3A_346 = arith.constant 0 : i32
    %dma_wait3A_347 = tpu.memref_slice %arg7[%dma_wait3A_341, %dma_wait3A_346] : memref<80x125xi32, #tpu.memory_space<vmem>> -> memref<1x125xi32, #tpu.memory_space<vmem>>
    %dma_wait3A_348 = tpu.memref_squeeze %dma_wait3A_347 : memref<1x125xi32, #tpu.memory_space<vmem>> -> memref<125xi32, #tpu.memory_space<vmem>>
    %dma_wait3A_349 = arith.constant 0 : i32
    %dma_wait3A_350 = arith.constant 0 : i32
    %dma_wait3A_351 = tpu.memref_slice %arg10[%dma_wait3A_349, %dma_wait3A_350] : memref<10240x16xf32, #tpu.memory_space<vmem_shared>> -> memref<10240x16xf32, #tpu.memory_space<vmem_shared>>
    tpu.wait_indirect_dma semaphore(%arg22 : memref<!tpu.dma_semaphore, #tpu.memory_space<semaphore_mem>>) src(%dma_wait3A_345 : memref<125x16xf32, #tpu.memory_space<vmem>>) dst(%dma_wait3A_351 : memref<10240x16xf32, #tpu.memory_space<vmem_shared>>)
    %dma_wait3A_352 = arith.constant 4 : i32
    %dma_wait3A_353 = arith.constant 76 : i32
    %dma_wait3A_354 = arith.constant 0 : i32
    %dma_wait3A_355 = arith.constant 0 : i32
    %dma_wait3A_356 = tpu.memref_slice %arg8[%dma_wait3A_352, %dma_wait3A_354, %dma_wait3A_355] : memref<8x125x16xf32, #tpu.memory_space<vmem>> -> memref<1x125x16xf32, #tpu.memory_space<vmem>>
    %dma_wait3A_357 = tpu.memref_squeeze %dma_wait3A_356 : memref<1x125x16xf32, #tpu.memory_space<vmem>> -> memref<125x16xf32, #tpu.memory_space<vmem>>
    %dma_wait3A_358 = arith.constant 0 : i32
    %dma_wait3A_359 = tpu.memref_slice %arg7[%dma_wait3A_353, %dma_wait3A_358] : memref<80x125xi32, #tpu.memory_space<vmem>> -> memref<1x125xi32, #tpu.memory_space<vmem>>
    %dma_wait3A_360 = tpu.memref_squeeze %dma_wait3A_359 : memref<1x125xi32, #tpu.memory_space<vmem>> -> memref<125xi32, #tpu.memory_space<vmem>>
    %dma_wait3A_361 = arith.constant 0 : i32
    %dma_wait3A_362 = arith.constant 0 : i32
    %dma_wait3A_363 = tpu.memref_slice %arg10[%dma_wait3A_361, %dma_wait3A_362] : memref<10240x16xf32, #tpu.memory_space<vmem_shared>> -> memref<10240x16xf32, #tpu.memory_space<vmem_shared>>
    tpu.wait_indirect_dma semaphore(%arg23 : memref<!tpu.dma_semaphore, #tpu.memory_space<semaphore_mem>>) src(%dma_wait3A_357 : memref<125x16xf32, #tpu.memory_space<vmem>>) dst(%dma_wait3A_363 : memref<10240x16xf32, #tpu.memory_space<vmem_shared>>)
    %dma_wait3A_364 = arith.constant 5 : i32
    %dma_wait3A_365 = arith.constant 77 : i32
    %dma_wait3A_366 = arith.constant 0 : i32
    %dma_wait3A_367 = arith.constant 0 : i32
    %dma_wait3A_368 = tpu.memref_slice %arg8[%dma_wait3A_364, %dma_wait3A_366, %dma_wait3A_367] : memref<8x125x16xf32, #tpu.memory_space<vmem>> -> memref<1x125x16xf32, #tpu.memory_space<vmem>>
    %dma_wait3A_369 = tpu.memref_squeeze %dma_wait3A_368 : memref<1x125x16xf32, #tpu.memory_space<vmem>> -> memref<125x16xf32, #tpu.memory_space<vmem>>
    %dma_wait3A_370 = arith.constant 0 : i32
    %dma_wait3A_371 = tpu.memref_slice %arg7[%dma_wait3A_365, %dma_wait3A_370] : memref<80x125xi32, #tpu.memory_space<vmem>> -> memref<1x125xi32, #tpu.memory_space<vmem>>
    %dma_wait3A_372 = tpu.memref_squeeze %dma_wait3A_371 : memref<1x125xi32, #tpu.memory_space<vmem>> -> memref<125xi32, #tpu.memory_space<vmem>>
    %dma_wait3A_373 = arith.constant 0 : i32
    %dma_wait3A_374 = arith.constant 0 : i32
    %dma_wait3A_375 = tpu.memref_slice %arg10[%dma_wait3A_373, %dma_wait3A_374] : memref<10240x16xf32, #tpu.memory_space<vmem_shared>> -> memref<10240x16xf32, #tpu.memory_space<vmem_shared>>
    tpu.wait_indirect_dma semaphore(%arg24 : memref<!tpu.dma_semaphore, #tpu.memory_space<semaphore_mem>>) src(%dma_wait3A_369 : memref<125x16xf32, #tpu.memory_space<vmem>>) dst(%dma_wait3A_375 : memref<10240x16xf32, #tpu.memory_space<vmem_shared>>)
    %dma_wait3A_376 = arith.constant 6 : i32
    %dma_wait3A_377 = arith.constant 78 : i32
    %dma_wait3A_378 = arith.constant 0 : i32
    %dma_wait3A_379 = arith.constant 0 : i32
    %dma_wait3A_380 = tpu.memref_slice %arg8[%dma_wait3A_376, %dma_wait3A_378, %dma_wait3A_379] : memref<8x125x16xf32, #tpu.memory_space<vmem>> -> memref<1x125x16xf32, #tpu.memory_space<vmem>>
    %dma_wait3A_381 = tpu.memref_squeeze %dma_wait3A_380 : memref<1x125x16xf32, #tpu.memory_space<vmem>> -> memref<125x16xf32, #tpu.memory_space<vmem>>
    %dma_wait3A_382 = arith.constant 0 : i32
    %dma_wait3A_383 = tpu.memref_slice %arg7[%dma_wait3A_377, %dma_wait3A_382] : memref<80x125xi32, #tpu.memory_space<vmem>> -> memref<1x125xi32, #tpu.memory_space<vmem>>
    %dma_wait3A_384 = tpu.memref_squeeze %dma_wait3A_383 : memref<1x125xi32, #tpu.memory_space<vmem>> -> memref<125xi32, #tpu.memory_space<vmem>>
    %dma_wait3A_385 = arith.constant 0 : i32
    %dma_wait3A_386 = arith.constant 0 : i32
    %dma_wait3A_387 = tpu.memref_slice %arg10[%dma_wait3A_385, %dma_wait3A_386] : memref<10240x16xf32, #tpu.memory_space<vmem_shared>> -> memref<10240x16xf32, #tpu.memory_space<vmem_shared>>
    tpu.wait_indirect_dma semaphore(%arg25 : memref<!tpu.dma_semaphore, #tpu.memory_space<semaphore_mem>>) src(%dma_wait3A_381 : memref<125x16xf32, #tpu.memory_space<vmem>>) dst(%dma_wait3A_387 : memref<10240x16xf32, #tpu.memory_space<vmem_shared>>)
    %dma_wait3A_388 = arith.constant 7 : i32
    %dma_wait3A_389 = arith.constant 79 : i32
    %dma_wait3A_390 = arith.constant 0 : i32
    %dma_wait3A_391 = arith.constant 0 : i32
    %dma_wait3A_392 = tpu.memref_slice %arg8[%dma_wait3A_388, %dma_wait3A_390, %dma_wait3A_391] : memref<8x125x16xf32, #tpu.memory_space<vmem>> -> memref<1x125x16xf32, #tpu.memory_space<vmem>>
    %dma_wait3A_393 = tpu.memref_squeeze %dma_wait3A_392 : memref<1x125x16xf32, #tpu.memory_space<vmem>> -> memref<125x16xf32, #tpu.memory_space<vmem>>
    %dma_wait3A_394 = arith.constant 0 : i32
    %dma_wait3A_395 = tpu.memref_slice %arg7[%dma_wait3A_389, %dma_wait3A_394] : memref<80x125xi32, #tpu.memory_space<vmem>> -> memref<1x125xi32, #tpu.memory_space<vmem>>
    %dma_wait3A_396 = tpu.memref_squeeze %dma_wait3A_395 : memref<1x125xi32, #tpu.memory_space<vmem>> -> memref<125xi32, #tpu.memory_space<vmem>>
    %dma_wait3A_397 = arith.constant 0 : i32
    %dma_wait3A_398 = arith.constant 0 : i32
    %dma_wait3A_399 = tpu.memref_slice %arg10[%dma_wait3A_397, %dma_wait3A_398] : memref<10240x16xf32, #tpu.memory_space<vmem_shared>> -> memref<10240x16xf32, #tpu.memory_space<vmem_shared>>
    tpu.wait_indirect_dma semaphore(%arg26 : memref<!tpu.dma_semaphore, #tpu.memory_space<semaphore_mem>>) src(%dma_wait3A_393 : memref<125x16xf32, #tpu.memory_space<vmem>>) dst(%dma_wait3A_399 : memref<10240x16xf32, #tpu.memory_space<vmem_shared>>)
    %barrier3A_400 = arith.constant 0 : index
    tpu.barrier barrier_id(%barrier3A_400)
    %mul3A_401 = arith.constant 640 : i32
    %mul3A_402 = arith.muli %arg1, %mul3A_401 : i32
    "tpu.region"() ({
      %run_scoped3A = tpu.sem_alloc : memref<!tpu.dma_semaphore, #tpu.memory_space<semaphore_mem>>
      %dma_start3A_405 = arith.constant 0 : i32
      %dma_start3A_406 = tpu.memref_slice %arg10[%mul3A_402, %dma_start3A_405] : memref<10240x16xf32, #tpu.memory_space<vmem_shared>> -> memref<640x16xf32, #tpu.memory_space<vmem_shared>>
      %dma_start3A_407 = arith.constant 0 : i32
      %dma_start3A_408 = tpu.memref_slice %arg10[%mul3A_402, %dma_start3A_407] : memref<10240x16xf32, #tpu.memory_space<vmem_shared>> -> memref<640x16xf32, #tpu.memory_space<vmem_shared>>
      tpu.enqueue_dma source(%dma_start3A_408 : memref<640x16xf32, #tpu.memory_space<vmem_shared>>) target(%arg9 : memref<640x16xf32, #tpu.memory_space<vmem>>) target_semaphore(%run_scoped3A : memref<!tpu.dma_semaphore, #tpu.memory_space<semaphore_mem>>)
      %dma_wait3A_409 = arith.constant 0 : i32
      %dma_wait3A_410 = tpu.memref_slice %arg10[%mul3A_402, %dma_wait3A_409] : memref<10240x16xf32, #tpu.memory_space<vmem_shared>> -> memref<640x16xf32, #tpu.memory_space<vmem_shared>>
      %dma_wait3A_411 = arith.constant 0 : i32
      %dma_wait3A_412 = tpu.memref_slice %arg10[%mul3A_402, %dma_wait3A_411] : memref<10240x16xf32, #tpu.memory_space<vmem_shared>> -> memref<640x16xf32, #tpu.memory_space<vmem_shared>>
      tpu.wait_dma2 semaphore(%run_scoped3A : memref<!tpu.dma_semaphore, #tpu.memory_space<semaphore_mem>>) src(%dma_wait3A_412 : memref<640x16xf32, #tpu.memory_space<vmem_shared>>) dst(%arg9 : memref<640x16xf32, #tpu.memory_space<vmem>>)
      tpu.yield
    }) : () -> ()
    %mul3A_403 = arith.constant 640 : i32
    %mul3A_404 = arith.muli %arg1, %mul3A_403 : i32
    "tpu.region"() ({
      %run_scoped3A = tpu.sem_alloc : memref<!tpu.dma_semaphore, #tpu.memory_space<semaphore_mem>>
      %dma_start3A_405 = arith.constant 0 : i32
      %dma_start3A_406 = tpu.memref_slice %arg5[%arg0, %mul3A_404, %dma_start3A_405] : memref<2x10240x16xf32, #tpu.memory_space<hbm>> -> memref<1x640x16xf32, #tpu.memory_space<hbm>>
      %dma_start3A_407 = tpu.memref_squeeze %dma_start3A_406 : memref<1x640x16xf32, #tpu.memory_space<hbm>> -> memref<640x16xf32, #tpu.memory_space<hbm>>
      %dma_start3A_408 = arith.constant 0 : i32
      %dma_start3A_409 = tpu.memref_slice %arg5[%arg0, %mul3A_404, %dma_start3A_408] : memref<2x10240x16xf32, #tpu.memory_space<hbm>> -> memref<1x640x16xf32, #tpu.memory_space<hbm>>
      %dma_start3A_410 = tpu.memref_squeeze %dma_start3A_409 : memref<1x640x16xf32, #tpu.memory_space<hbm>> -> memref<640x16xf32, #tpu.memory_space<hbm>>
      tpu.enqueue_dma source(%arg9 : memref<640x16xf32, #tpu.memory_space<vmem>>) target(%dma_start3A_410 : memref<640x16xf32, #tpu.memory_space<hbm>>) target_semaphore(%run_scoped3A : memref<!tpu.dma_semaphore, #tpu.memory_space<semaphore_mem>>)
      %dma_wait3A_411 = arith.constant 0 : i32
      %dma_wait3A_412 = tpu.memref_slice %arg5[%arg0, %mul3A_404, %dma_wait3A_411] : memref<2x10240x16xf32, #tpu.memory_space<hbm>> -> memref<1x640x16xf32, #tpu.memory_space<hbm>>
      %dma_wait3A_413 = tpu.memref_squeeze %dma_wait3A_412 : memref<1x640x16xf32, #tpu.memory_space<hbm>> -> memref<640x16xf32, #tpu.memory_space<hbm>>
      %dma_wait3A_414 = arith.constant 0 : i32
      %dma_wait3A_415 = tpu.memref_slice %arg5[%arg0, %mul3A_404, %dma_wait3A_414] : memref<2x10240x16xf32, #tpu.memory_space<hbm>> -> memref<1x640x16xf32, #tpu.memory_space<hbm>>
      %dma_wait3A_416 = tpu.memref_squeeze %dma_wait3A_415 : memref<1x640x16xf32, #tpu.memory_space<hbm>> -> memref<640x16xf32, #tpu.memory_space<hbm>>
      tpu.wait_dma2 semaphore(%run_scoped3A : memref<!tpu.dma_semaphore, #tpu.memory_space<semaphore_mem>>) src(%arg9 : memref<640x16xf32, #tpu.memory_space<vmem>>) dst(%dma_wait3A_416 : memref<640x16xf32, #tpu.memory_space<hbm>>)
      tpu.yield
    }) : () -> ()
    return
  }
}

#map = affine_map<(d0, d1) -> (0, 0)>
#map1 = affine_map<(d0, d1) -> (0, 0, 0)>
module attributes {stable_mosaic.version = 14 : i64} {
  func.func @_seg_body(%arg0: i32, %arg1: i32, %arg2: memref<10240x16xf32, #tpu.memory_space<hbm>>, %arg3: memref<2560x125xi32, #tpu.memory_space<hbm>>, %arg4: memref<2560x125xi32, #tpu.memory_space<hbm>>, %arg5: memref<2x10240x16xf32, #tpu.memory_space<hbm>>, %arg6: memref<80x125xi32, #tpu.memory_space<vmem>>, %arg7: memref<80x125xi32, #tpu.memory_space<vmem>>, %arg8: memref<8x125x16xf32, #tpu.memory_space<vmem>>, %arg9: memref<640x16xf32, #tpu.memory_space<vmem>>, %arg10: memref<10240x16xf32, #tpu.memory_space<vmem_shared>>, %arg11: memref<!tpu.dma_semaphore, #tpu.memory_space<semaphore_mem>>, %arg12: memref<!tpu.dma_semaphore, #tpu.memory_space<semaphore_mem>>, %arg13: memref<!tpu.dma_semaphore, #tpu.memory_space<semaphore_mem>>, %arg14: memref<!tpu.dma_semaphore, #tpu.memory_space<semaphore_mem>>, %arg15: memref<!tpu.dma_semaphore, #tpu.memory_space<semaphore_mem>>, %arg16: memref<!tpu.dma_semaphore, #tpu.memory_space<semaphore_mem>>, %arg17: memref<!tpu.dma_semaphore, #tpu.memory_space<semaphore_mem>>, %arg18: memref<!tpu.dma_semaphore, #tpu.memory_space<semaphore_mem>>, %arg19: memref<!tpu.dma_semaphore, #tpu.memory_space<semaphore_mem>>, %arg20: memref<!tpu.dma_semaphore, #tpu.memory_space<semaphore_mem>>, %arg21: memref<!tpu.dma_semaphore, #tpu.memory_space<semaphore_mem>>, %arg22: memref<!tpu.dma_semaphore, #tpu.memory_space<semaphore_mem>>, %arg23: memref<!tpu.dma_semaphore, #tpu.memory_space<semaphore_mem>>, %arg24: memref<!tpu.dma_semaphore, #tpu.memory_space<semaphore_mem>>, %arg25: memref<!tpu.dma_semaphore, #tpu.memory_space<semaphore_mem>>, %arg26: memref<!tpu.dma_semaphore, #tpu.memory_space<semaphore_mem>>) attributes {dimension_semantics = [#tpu.dimension_semantics<core_parallel>, #tpu.dimension_semantics<subcore_parallel>], iteration_bounds = array<i64: 2, 16>, scalar_prefetch = 0 : i64, scratch_operands = 21 : i64, tpu.core_type = #tpu.core_type<sc_vector_subcore>, window_params = [{transform_indices = #map}, {transform_indices = #map}, {transform_indices = #map}, {transform_indices = #map1}]} {
    %mul3A = arith.constant 16 : i32
    %mul3A_0 = arith.muli %arg0, %mul3A : i32
    %add3A = arith.addi %mul3A_0, %arg1 : i32
    %mul3A_1 = arith.constant 80 : i32
    %mul3A_2 = arith.muli %add3A, %mul3A_1 : i32
    "tpu.region"() ({
      %run_scoped3A = tpu.sem_alloc : memref<!tpu.dma_semaphore, #tpu.memory_space<semaphore_mem>>
      %dma_start3A_405 = arith.constant 0 : i32
      %dma_start3A_406 = tpu.memref_slice %arg3[%mul3A_2, %dma_start3A_405] : memref<2560x125xi32, #tpu.memory_space<hbm>> -> memref<80x125xi32, #tpu.memory_space<hbm>>
      %dma_start3A_407 = arith.constant 0 : i32
      %dma_start3A_408 = tpu.memref_slice %arg3[%mul3A_2, %dma_start3A_407] : memref<2560x125xi32, #tpu.memory_space<hbm>> -> memref<80x125xi32, #tpu.memory_space<hbm>>
      tpu.enqueue_dma source(%dma_start3A_408 : memref<80x125xi32, #tpu.memory_space<hbm>>) target(%arg6 : memref<80x125xi32, #tpu.memory_space<vmem>>) target_semaphore(%run_scoped3A : memref<!tpu.dma_semaphore, #tpu.memory_space<semaphore_mem>>)
      %dma_wait3A_409 = arith.constant 0 : i32
      %dma_wait3A_410 = tpu.memref_slice %arg3[%mul3A_2, %dma_wait3A_409] : memref<2560x125xi32, #tpu.memory_space<hbm>> -> memref<80x125xi32, #tpu.memory_space<hbm>>
      %dma_wait3A_411 = arith.constant 0 : i32
      %dma_wait3A_412 = tpu.memref_slice %arg3[%mul3A_2, %dma_wait3A_411] : memref<2560x125xi32, #tpu.memory_space<hbm>> -> memref<80x125xi32, #tpu.memory_space<hbm>>
      tpu.wait_dma2 semaphore(%run_scoped3A : memref<!tpu.dma_semaphore, #tpu.memory_space<semaphore_mem>>) src(%dma_wait3A_412 : memref<80x125xi32, #tpu.memory_space<hbm>>) dst(%arg6 : memref<80x125xi32, #tpu.memory_space<vmem>>)
      tpu.yield
    }) : () -> ()
    %mul3A_3 = arith.constant 80 : i32
    %mul3A_4 = arith.muli %add3A, %mul3A_3 : i32
    "tpu.region"() ({
      %run_scoped3A = tpu.sem_alloc : memref<!tpu.dma_semaphore, #tpu.memory_space<semaphore_mem>>
      %dma_start3A_405 = arith.constant 0 : i32
      %dma_start3A_406 = tpu.memref_slice %arg4[%mul3A_4, %dma_start3A_405] : memref<2560x125xi32, #tpu.memory_space<hbm>> -> memref<80x125xi32, #tpu.memory_space<hbm>>
      %dma_start3A_407 = arith.constant 0 : i32
      %dma_start3A_408 = tpu.memref_slice %arg4[%mul3A_4, %dma_start3A_407] : memref<2560x125xi32, #tpu.memory_space<hbm>> -> memref<80x125xi32, #tpu.memory_space<hbm>>
      tpu.enqueue_dma source(%dma_start3A_408 : memref<80x125xi32, #tpu.memory_space<hbm>>) target(%arg7 : memref<80x125xi32, #tpu.memory_space<vmem>>) target_semaphore(%run_scoped3A : memref<!tpu.dma_semaphore, #tpu.memory_space<semaphore_mem>>)
      %dma_wait3A_409 = arith.constant 0 : i32
      %dma_wait3A_410 = tpu.memref_slice %arg4[%mul3A_4, %dma_wait3A_409] : memref<2560x125xi32, #tpu.memory_space<hbm>> -> memref<80x125xi32, #tpu.memory_space<hbm>>
      %dma_wait3A_411 = arith.constant 0 : i32
      %dma_wait3A_412 = tpu.memref_slice %arg4[%mul3A_4, %dma_wait3A_411] : memref<2560x125xi32, #tpu.memory_space<hbm>> -> memref<80x125xi32, #tpu.memory_space<hbm>>
      tpu.wait_dma2 semaphore(%run_scoped3A : memref<!tpu.dma_semaphore, #tpu.memory_space<semaphore_mem>>) src(%dma_wait3A_412 : memref<80x125xi32, #tpu.memory_space<hbm>>) dst(%arg7 : memref<80x125xi32, #tpu.memory_space<vmem>>)
      tpu.yield
    }) : () -> ()
    %scan3A = arith.constant 0 : i32
    %scan3A_5 = arith.constant 0 : i32
    %scan3A_6 = arith.constant 640 : i32
    %scan3A_7 = arith.addi %scan3A_5, %scan3A_6 : i32
    %scan3A_8 = arith.constant 1 : i32
    scf.for %scan3A_405 = %scan3A_5 to %scan3A_7 step %scan3A_8  : i32 {
      %broadcast_in_dim3A = arith.constant 0.000000e+00 : f32
      %broadcast_in_dim3A_406 = vector.broadcast %broadcast_in_dim3A : f32 to vector<16xf32>
      %swap3A = arith.index_cast %scan3A_405 : i32 to index
      %swap3A_407 = arith.constant 0 : index
      %swap3A_408 = tpu.vector_load %arg9[%swap3A, %swap3A_407] {strides = array<i32>} : memref<640x16xf32, #tpu.memory_space<vmem>>, vector<1x16xf32>,
      %swap3A_409 = vector.shape_cast %swap3A_408 : vector<1x16xf32> to vector<16xf32>
      %swap3A_410 = vector.shape_cast %broadcast_in_dim3A_406 : vector<16xf32> to vector<1x16xf32>
      tpu.vector_store %arg9[%swap3A, %swap3A_407], %swap3A_410 {strides = array<i32>} : memref<640x16xf32, #tpu.memory_space<vmem>>, vector<1x16xf32>,
    }
    %scan3A_9 = arith.constant 640 : i32
    %mul3A_10 = arith.constant 640 : i32
    %mul3A_11 = arith.muli %arg1, %mul3A_10 : i32
    "tpu.region"() ({
      %run_scoped3A = tpu.sem_alloc : memref<!tpu.dma_semaphore, #tpu.memory_space<semaphore_mem>>
      %dma_start3A_405 = arith.constant 0 : i32
      %dma_start3A_406 = tpu.memref_slice %arg10[%mul3A_11, %dma_start3A_405] : memref<10240x16xf32, #tpu.memory_space<vmem_shared>> -> memref<640x16xf32, #tpu.memory_space<vmem_shared>>
      %dma_start3A_407 = arith.constant 0 : i32
      %dma_start3A_408 = tpu.memref_slice %arg10[%mul3A_11, %dma_start3A_407] : memref<10240x16xf32, #tpu.memory_space<vmem_shared>> -> memref<640x16xf32, #tpu.memory_space<vmem_shared>>
      tpu.enqueue_dma source(%arg9 : memref<640x16xf32, #tpu.memory_space<vmem>>) target(%dma_start3A_408 : memref<640x16xf32, #tpu.memory_space<vmem_shared>>) target_semaphore(%run_scoped3A : memref<!tpu.dma_semaphore, #tpu.memory_space<semaphore_mem>>)
      %dma_wait3A_409 = arith.constant 0 : i32
      %dma_wait3A_410 = tpu.memref_slice %arg10[%mul3A_11, %dma_wait3A_409] : memref<10240x16xf32, #tpu.memory_space<vmem_shared>> -> memref<640x16xf32, #tpu.memory_space<vmem_shared>>
      %dma_wait3A_411 = arith.constant 0 : i32
      %dma_wait3A_412 = tpu.memref_slice %arg10[%mul3A_11, %dma_wait3A_411] : memref<10240x16xf32, #tpu.memory_space<vmem_shared>> -> memref<640x16xf32, #tpu.memory_space<vmem_shared>>
      tpu.wait_dma2 semaphore(%run_scoped3A : memref<!tpu.dma_semaphore, #tpu.memory_space<semaphore_mem>>) src(%arg9 : memref<640x16xf32, #tpu.memory_space<vmem>>) dst(%dma_wait3A_412 : memref<640x16xf32, #tpu.memory_space<vmem_shared>>)
      tpu.yield
    }) : () -> ()
    %barrier3A = arith.constant 0 : index
    tpu.barrier barrier_id(%barrier3A)
    %dma_start3A = arith.constant 0 : i32
    %dma_start3A_12 = arith.constant 0 : i32
    %dma_start3A_13 = arith.constant 0 : i32
    %dma_start3A_14 = arith.constant 0 : i32
    %dma_start3A_15 = tpu.memref_slice %arg8[%dma_start3A_12, %dma_start3A_13, %dma_start3A_14] : memref<8x125x16xf32, #tpu.memory_space<vmem>> -> memref<1x125x16xf32, #tpu.memory_space<vmem>>
    %dma_start3A_16 = tpu.memref_squeeze %dma_start3A_15 : memref<1x125x16xf32, #tpu.memory_space<vmem>> -> memref<125x16xf32, #tpu.memory_space<vmem>>
    %dma_start3A_17 = arith.constant 0 : i32
    %dma_start3A_18 = tpu.memref_slice %arg6[%dma_start3A, %dma_start3A_17] : memref<80x125xi32, #tpu.memory_space<vmem>> -> memref<1x125xi32, #tpu.memory_space<vmem>>
    %dma_start3A_19 = tpu.memref_squeeze %dma_start3A_18 : memref<1x125xi32, #tpu.memory_space<vmem>> -> memref<125xi32, #tpu.memory_space<vmem>>
    %dma_start3A_20 = arith.constant 0 : i32
    %dma_start3A_21 = arith.constant 0 : i32
    %dma_start3A_22 = tpu.memref_slice %arg2[%dma_start3A_20, %dma_start3A_21] : memref<10240x16xf32, #tpu.memory_space<hbm>> -> memref<10240x16xf32, #tpu.memory_space<hbm>>
    tpu.enqueue_indirect_dma source(%dma_start3A_22 : memref<10240x16xf32, #tpu.memory_space<hbm>>) target(%dma_start3A_16 : memref<125x16xf32, #tpu.memory_space<vmem>>) offsets(%dma_start3A_19 : memref<125xi32, #tpu.memory_space<vmem>>) semaphore(%arg11 : memref<!tpu.dma_semaphore, #tpu.memory_space<semaphore_mem>>)
    %dma_start3A_23 = arith.constant 1 : i32
    %dma_start3A_24 = arith.constant 1 : i32
    %dma_start3A_25 = arith.constant 0 : i32
    %dma_start3A_26 = arith.constant 0 : i32
    %dma_start3A_27 = tpu.memref_slice %arg8[%dma_start3A_24, %dma_start3A_25, %dma_start3A_26] : memref<8x125x16xf32, #tpu.memory_space<vmem>> -> memref<1x125x16xf32, #tpu.memory_space<vmem>>
    %dma_start3A_28 = tpu.memref_squeeze %dma_start3A_27 : memref<1x125x16xf32, #tpu.memory_space<vmem>> -> memref<125x16xf32, #tpu.memory_space<vmem>>
    %dma_start3A_29 = arith.constant 0 : i32
    %dma_start3A_30 = tpu.memref_slice %arg6[%dma_start3A_23, %dma_start3A_29] : memref<80x125xi32, #tpu.memory_space<vmem>> -> memref<1x125xi32, #tpu.memory_space<vmem>>
    %dma_start3A_31 = tpu.memref_squeeze %dma_start3A_30 : memref<1x125xi32, #tpu.memory_space<vmem>> -> memref<125xi32, #tpu.memory_space<vmem>>
    %dma_start3A_32 = arith.constant 0 : i32
    %dma_start3A_33 = arith.constant 0 : i32
    %dma_start3A_34 = tpu.memref_slice %arg2[%dma_start3A_32, %dma_start3A_33] : memref<10240x16xf32, #tpu.memory_space<hbm>> -> memref<10240x16xf32, #tpu.memory_space<hbm>>
    tpu.enqueue_indirect_dma source(%dma_start3A_34 : memref<10240x16xf32, #tpu.memory_space<hbm>>) target(%dma_start3A_28 : memref<125x16xf32, #tpu.memory_space<vmem>>) offsets(%dma_start3A_31 : memref<125xi32, #tpu.memory_space<vmem>>) semaphore(%arg12 : memref<!tpu.dma_semaphore, #tpu.memory_space<semaphore_mem>>)
    %dma_start3A_35 = arith.constant 2 : i32
    %dma_start3A_36 = arith.constant 2 : i32
    %dma_start3A_37 = arith.constant 0 : i32
    %dma_start3A_38 = arith.constant 0 : i32
    %dma_start3A_39 = tpu.memref_slice %arg8[%dma_start3A_36, %dma_start3A_37, %dma_start3A_38] : memref<8x125x16xf32, #tpu.memory_space<vmem>> -> memref<1x125x16xf32, #tpu.memory_space<vmem>>
    %dma_start3A_40 = tpu.memref_squeeze %dma_start3A_39 : memref<1x125x16xf32, #tpu.memory_space<vmem>> -> memref<125x16xf32, #tpu.memory_space<vmem>>
    %dma_start3A_41 = arith.constant 0 : i32
    %dma_start3A_42 = tpu.memref_slice %arg6[%dma_start3A_35, %dma_start3A_41] : memref<80x125xi32, #tpu.memory_space<vmem>> -> memref<1x125xi32, #tpu.memory_space<vmem>>
    %dma_start3A_43 = tpu.memref_squeeze %dma_start3A_42 : memref<1x125xi32, #tpu.memory_space<vmem>> -> memref<125xi32, #tpu.memory_space<vmem>>
    %dma_start3A_44 = arith.constant 0 : i32
    %dma_start3A_45 = arith.constant 0 : i32
    %dma_start3A_46 = tpu.memref_slice %arg2[%dma_start3A_44, %dma_start3A_45] : memref<10240x16xf32, #tpu.memory_space<hbm>> -> memref<10240x16xf32, #tpu.memory_space<hbm>>
    tpu.enqueue_indirect_dma source(%dma_start3A_46 : memref<10240x16xf32, #tpu.memory_space<hbm>>) target(%dma_start3A_40 : memref<125x16xf32, #tpu.memory_space<vmem>>) offsets(%dma_start3A_43 : memref<125xi32, #tpu.memory_space<vmem>>) semaphore(%arg13 : memref<!tpu.dma_semaphore, #tpu.memory_space<semaphore_mem>>)
    %dma_start3A_47 = arith.constant 3 : i32
    %dma_start3A_48 = arith.constant 3 : i32
    %dma_start3A_49 = arith.constant 0 : i32
    %dma_start3A_50 = arith.constant 0 : i32
    %dma_start3A_51 = tpu.memref_slice %arg8[%dma_start3A_48, %dma_start3A_49, %dma_start3A_50] : memref<8x125x16xf32, #tpu.memory_space<vmem>> -> memref<1x125x16xf32, #tpu.memory_space<vmem>>
    %dma_start3A_52 = tpu.memref_squeeze %dma_start3A_51 : memref<1x125x16xf32, #tpu.memory_space<vmem>> -> memref<125x16xf32, #tpu.memory_space<vmem>>
    %dma_start3A_53 = arith.constant 0 : i32
    %dma_start3A_54 = tpu.memref_slice %arg6[%dma_start3A_47, %dma_start3A_53] : memref<80x125xi32, #tpu.memory_space<vmem>> -> memref<1x125xi32, #tpu.memory_space<vmem>>
    %dma_start3A_55 = tpu.memref_squeeze %dma_start3A_54 : memref<1x125xi32, #tpu.memory_space<vmem>> -> memref<125xi32, #tpu.memory_space<vmem>>
    %dma_start3A_56 = arith.constant 0 : i32
    %dma_start3A_57 = arith.constant 0 : i32
    %dma_start3A_58 = tpu.memref_slice %arg2[%dma_start3A_56, %dma_start3A_57] : memref<10240x16xf32, #tpu.memory_space<hbm>> -> memref<10240x16xf32, #tpu.memory_space<hbm>>
    tpu.enqueue_indirect_dma source(%dma_start3A_58 : memref<10240x16xf32, #tpu.memory_space<hbm>>) target(%dma_start3A_52 : memref<125x16xf32, #tpu.memory_space<vmem>>) offsets(%dma_start3A_55 : memref<125xi32, #tpu.memory_space<vmem>>) semaphore(%arg14 : memref<!tpu.dma_semaphore, #tpu.memory_space<semaphore_mem>>)
    %dma_start3A_59 = arith.constant 4 : i32
    %dma_start3A_60 = arith.constant 4 : i32
    %dma_start3A_61 = arith.constant 0 : i32
    %dma_start3A_62 = arith.constant 0 : i32
    %dma_start3A_63 = tpu.memref_slice %arg8[%dma_start3A_60, %dma_start3A_61, %dma_start3A_62] : memref<8x125x16xf32, #tpu.memory_space<vmem>> -> memref<1x125x16xf32, #tpu.memory_space<vmem>>
    %dma_start3A_64 = tpu.memref_squeeze %dma_start3A_63 : memref<1x125x16xf32, #tpu.memory_space<vmem>> -> memref<125x16xf32, #tpu.memory_space<vmem>>
    %dma_start3A_65 = arith.constant 0 : i32
    %dma_start3A_66 = tpu.memref_slice %arg6[%dma_start3A_59, %dma_start3A_65] : memref<80x125xi32, #tpu.memory_space<vmem>> -> memref<1x125xi32, #tpu.memory_space<vmem>>
    %dma_start3A_67 = tpu.memref_squeeze %dma_start3A_66 : memref<1x125xi32, #tpu.memory_space<vmem>> -> memref<125xi32, #tpu.memory_space<vmem>>
    %dma_start3A_68 = arith.constant 0 : i32
    %dma_start3A_69 = arith.constant 0 : i32
    %dma_start3A_70 = tpu.memref_slice %arg2[%dma_start3A_68, %dma_start3A_69] : memref<10240x16xf32, #tpu.memory_space<hbm>> -> memref<10240x16xf32, #tpu.memory_space<hbm>>
    tpu.enqueue_indirect_dma source(%dma_start3A_70 : memref<10240x16xf32, #tpu.memory_space<hbm>>) target(%dma_start3A_64 : memref<125x16xf32, #tpu.memory_space<vmem>>) offsets(%dma_start3A_67 : memref<125xi32, #tpu.memory_space<vmem>>) semaphore(%arg15 : memref<!tpu.dma_semaphore, #tpu.memory_space<semaphore_mem>>)
    %dma_start3A_71 = arith.constant 5 : i32
    %dma_start3A_72 = arith.constant 5 : i32
    %dma_start3A_73 = arith.constant 0 : i32
    %dma_start3A_74 = arith.constant 0 : i32
    %dma_start3A_75 = tpu.memref_slice %arg8[%dma_start3A_72, %dma_start3A_73, %dma_start3A_74] : memref<8x125x16xf32, #tpu.memory_space<vmem>> -> memref<1x125x16xf32, #tpu.memory_space<vmem>>
    %dma_start3A_76 = tpu.memref_squeeze %dma_start3A_75 : memref<1x125x16xf32, #tpu.memory_space<vmem>> -> memref<125x16xf32, #tpu.memory_space<vmem>>
    %dma_start3A_77 = arith.constant 0 : i32
    %dma_start3A_78 = tpu.memref_slice %arg6[%dma_start3A_71, %dma_start3A_77] : memref<80x125xi32, #tpu.memory_space<vmem>> -> memref<1x125xi32, #tpu.memory_space<vmem>>
    %dma_start3A_79 = tpu.memref_squeeze %dma_start3A_78 : memref<1x125xi32, #tpu.memory_space<vmem>> -> memref<125xi32, #tpu.memory_space<vmem>>
    %dma_start3A_80 = arith.constant 0 : i32
    %dma_start3A_81 = arith.constant 0 : i32
    %dma_start3A_82 = tpu.memref_slice %arg2[%dma_start3A_80, %dma_start3A_81] : memref<10240x16xf32, #tpu.memory_space<hbm>> -> memref<10240x16xf32, #tpu.memory_space<hbm>>
    tpu.enqueue_indirect_dma source(%dma_start3A_82 : memref<10240x16xf32, #tpu.memory_space<hbm>>) target(%dma_start3A_76 : memref<125x16xf32, #tpu.memory_space<vmem>>) offsets(%dma_start3A_79 : memref<125xi32, #tpu.memory_space<vmem>>) semaphore(%arg16 : memref<!tpu.dma_semaphore, #tpu.memory_space<semaphore_mem>>)
    %dma_start3A_83 = arith.constant 6 : i32
    %dma_start3A_84 = arith.constant 6 : i32
    %dma_start3A_85 = arith.constant 0 : i32
    %dma_start3A_86 = arith.constant 0 : i32
    %dma_start3A_87 = tpu.memref_slice %arg8[%dma_start3A_84, %dma_start3A_85, %dma_start3A_86] : memref<8x125x16xf32, #tpu.memory_space<vmem>> -> memref<1x125x16xf32, #tpu.memory_space<vmem>>
    %dma_start3A_88 = tpu.memref_squeeze %dma_start3A_87 : memref<1x125x16xf32, #tpu.memory_space<vmem>> -> memref<125x16xf32, #tpu.memory_space<vmem>>
    %dma_start3A_89 = arith.constant 0 : i32
    %dma_start3A_90 = tpu.memref_slice %arg6[%dma_start3A_83, %dma_start3A_89] : memref<80x125xi32, #tpu.memory_space<vmem>> -> memref<1x125xi32, #tpu.memory_space<vmem>>
    %dma_start3A_91 = tpu.memref_squeeze %dma_start3A_90 : memref<1x125xi32, #tpu.memory_space<vmem>> -> memref<125xi32, #tpu.memory_space<vmem>>
    %dma_start3A_92 = arith.constant 0 : i32
    %dma_start3A_93 = arith.constant 0 : i32
    %dma_start3A_94 = tpu.memref_slice %arg2[%dma_start3A_92, %dma_start3A_93] : memref<10240x16xf32, #tpu.memory_space<hbm>> -> memref<10240x16xf32, #tpu.memory_space<hbm>>
    tpu.enqueue_indirect_dma source(%dma_start3A_94 : memref<10240x16xf32, #tpu.memory_space<hbm>>) target(%dma_start3A_88 : memref<125x16xf32, #tpu.memory_space<vmem>>) offsets(%dma_start3A_91 : memref<125xi32, #tpu.memory_space<vmem>>) semaphore(%arg17 : memref<!tpu.dma_semaphore, #tpu.memory_space<semaphore_mem>>)
    %dma_start3A_95 = arith.constant 7 : i32
    %dma_start3A_96 = arith.constant 7 : i32
    %dma_start3A_97 = arith.constant 0 : i32
    %dma_start3A_98 = arith.constant 0 : i32
    %dma_start3A_99 = tpu.memref_slice %arg8[%dma_start3A_96, %dma_start3A_97, %dma_start3A_98] : memref<8x125x16xf32, #tpu.memory_space<vmem>> -> memref<1x125x16xf32, #tpu.memory_space<vmem>>
    %dma_start3A_100 = tpu.memref_squeeze %dma_start3A_99 : memref<1x125x16xf32, #tpu.memory_space<vmem>> -> memref<125x16xf32, #tpu.memory_space<vmem>>
    %dma_start3A_101 = arith.constant 0 : i32
    %dma_start3A_102 = tpu.memref_slice %arg6[%dma_start3A_95, %dma_start3A_101] : memref<80x125xi32, #tpu.memory_space<vmem>> -> memref<1x125xi32, #tpu.memory_space<vmem>>
    %dma_start3A_103 = tpu.memref_squeeze %dma_start3A_102 : memref<1x125xi32, #tpu.memory_space<vmem>> -> memref<125xi32, #tpu.memory_space<vmem>>
    %dma_start3A_104 = arith.constant 0 : i32
    %dma_start3A_105 = arith.constant 0 : i32
    %dma_start3A_106 = tpu.memref_slice %arg2[%dma_start3A_104, %dma_start3A_105] : memref<10240x16xf32, #tpu.memory_space<hbm>> -> memref<10240x16xf32, #tpu.memory_space<hbm>>
    tpu.enqueue_indirect_dma source(%dma_start3A_106 : memref<10240x16xf32, #tpu.memory_space<hbm>>) target(%dma_start3A_100 : memref<125x16xf32, #tpu.memory_space<vmem>>) offsets(%dma_start3A_103 : memref<125xi32, #tpu.memory_space<vmem>>) semaphore(%arg18 : memref<!tpu.dma_semaphore, #tpu.memory_space<semaphore_mem>>)
    %scan3A_107 = arith.constant 0 : i32
    %scan3A_108 = arith.constant 0 : i32
    %scan3A_109 = arith.constant 9 : i32
    %scan3A_110 = arith.addi %scan3A_108, %scan3A_109 : i32
    %scan3A_111 = arith.constant 1 : i32
    scf.for %scan3A_405 = %scan3A_108 to %scan3A_110 step %scan3A_111  : i32 {
      %mul3A_406 = arith.constant 8 : i32
      %mul3A_407 = arith.muli %scan3A_405, %mul3A_406 : i32
      %add3A_408 = arith.constant 0 : i32
      %add3A_409 = arith.addi %mul3A_407, %add3A_408 : i32
      %dma_wait3A_410 = arith.constant 0 : i32
      %dma_wait3A_411 = arith.constant 0 : i32
      %dma_wait3A_412 = arith.constant 0 : i32
      %dma_wait3A_413 = tpu.memref_slice %arg8[%dma_wait3A_410, %dma_wait3A_411, %dma_wait3A_412] : memref<8x125x16xf32, #tpu.memory_space<vmem>> -> memref<1x125x16xf32, #tpu.memory_space<vmem>>
      %dma_wait3A_414 = tpu.memref_squeeze %dma_wait3A_413 : memref<1x125x16xf32, #tpu.memory_space<vmem>> -> memref<125x16xf32, #tpu.memory_space<vmem>>
      %dma_wait3A_415 = arith.constant 0 : i32
      %dma_wait3A_416 = tpu.memref_slice %arg6[%add3A_409, %dma_wait3A_415] : memref<80x125xi32, #tpu.memory_space<vmem>> -> memref<1x125xi32, #tpu.memory_space<vmem>>
      %dma_wait3A_417 = tpu.memref_squeeze %dma_wait3A_416 : memref<1x125xi32, #tpu.memory_space<vmem>> -> memref<125xi32, #tpu.memory_space<vmem>>
      %dma_wait3A_418 = arith.constant 0 : i32
      %dma_wait3A_419 = arith.constant 0 : i32
      %dma_wait3A_420 = tpu.memref_slice %arg2[%dma_wait3A_418, %dma_wait3A_419] : memref<10240x16xf32, #tpu.memory_space<hbm>> -> memref<10240x16xf32, #tpu.memory_space<hbm>>
      tpu.wait_indirect_dma semaphore(%arg11 : memref<!tpu.dma_semaphore, #tpu.memory_space<semaphore_mem>>) src(%dma_wait3A_420 : memref<10240x16xf32, #tpu.memory_space<hbm>>) dst(%dma_wait3A_414 : memref<125x16xf32, #tpu.memory_space<vmem>>)
      %add3A_421 = arith.constant 0 : i32
      %add3A_422 = arith.addi %mul3A_407, %add3A_421 : i32
      %dma_start3A_423 = arith.constant 0 : i32
      %dma_start3A_424 = arith.constant 0 : i32
      %dma_start3A_425 = arith.constant 0 : i32
      %dma_start3A_426 = tpu.memref_slice %arg8[%dma_start3A_423, %dma_start3A_424, %dma_start3A_425] : memref<8x125x16xf32, #tpu.memory_space<vmem>> -> memref<1x125x16xf32, #tpu.memory_space<vmem>>
      %dma_start3A_427 = tpu.memref_squeeze %dma_start3A_426 : memref<1x125x16xf32, #tpu.memory_space<vmem>> -> memref<125x16xf32, #tpu.memory_space<vmem>>
      %dma_start3A_428 = arith.constant 0 : i32
      %dma_start3A_429 = tpu.memref_slice %arg7[%add3A_422, %dma_start3A_428] : memref<80x125xi32, #tpu.memory_space<vmem>> -> memref<1x125xi32, #tpu.memory_space<vmem>>
      %dma_start3A_430 = tpu.memref_squeeze %dma_start3A_429 : memref<1x125xi32, #tpu.memory_space<vmem>> -> memref<125xi32, #tpu.memory_space<vmem>>
      %dma_start3A_431 = arith.constant 0 : i32
      %dma_start3A_432 = arith.constant 0 : i32
      %dma_start3A_433 = tpu.memref_slice %arg10[%dma_start3A_431, %dma_start3A_432] : memref<10240x16xf32, #tpu.memory_space<vmem_shared>> -> memref<10240x16xf32, #tpu.memory_space<vmem_shared>>
      tpu.enqueue_indirect_dma source(%dma_start3A_427 : memref<125x16xf32, #tpu.memory_space<vmem>>) target(%dma_start3A_433 : memref<10240x16xf32, #tpu.memory_space<vmem_shared>>) offsets(%dma_start3A_430 : memref<125xi32, #tpu.memory_space<vmem>>) semaphore(%arg19 : memref<!tpu.dma_semaphore, #tpu.memory_space<semaphore_mem>>) {add = true}
      %add3A_434 = arith.constant 1 : i32
      %add3A_435 = arith.addi %mul3A_407, %add3A_434 : i32
      %dma_wait3A_436 = arith.constant 1 : i32
      %dma_wait3A_437 = arith.constant 0 : i32
      %dma_wait3A_438 = arith.constant 0 : i32
      %dma_wait3A_439 = tpu.memref_slice %arg8[%dma_wait3A_436, %dma_wait3A_437, %dma_wait3A_438] : memref<8x125x16xf32, #tpu.memory_space<vmem>> -> memref<1x125x16xf32, #tpu.memory_space<vmem>>
      %dma_wait3A_440 = tpu.memref_squeeze %dma_wait3A_439 : memref<1x125x16xf32, #tpu.memory_space<vmem>> -> memref<125x16xf32, #tpu.memory_space<vmem>>
      %dma_wait3A_441 = arith.constant 0 : i32
      %dma_wait3A_442 = tpu.memref_slice %arg6[%add3A_435, %dma_wait3A_441] : memref<80x125xi32, #tpu.memory_space<vmem>> -> memref<1x125xi32, #tpu.memory_space<vmem>>
      %dma_wait3A_443 = tpu.memref_squeeze %dma_wait3A_442 : memref<1x125xi32, #tpu.memory_space<vmem>> -> memref<125xi32, #tpu.memory_space<vmem>>
      %dma_wait3A_444 = arith.constant 0 : i32
      %dma_wait3A_445 = arith.constant 0 : i32
      %dma_wait3A_446 = tpu.memref_slice %arg2[%dma_wait3A_444, %dma_wait3A_445] : memref<10240x16xf32, #tpu.memory_space<hbm>> -> memref<10240x16xf32, #tpu.memory_space<hbm>>
      tpu.wait_indirect_dma semaphore(%arg12 : memref<!tpu.dma_semaphore, #tpu.memory_space<semaphore_mem>>) src(%dma_wait3A_446 : memref<10240x16xf32, #tpu.memory_space<hbm>>) dst(%dma_wait3A_440 : memref<125x16xf32, #tpu.memory_space<vmem>>)
      %add3A_447 = arith.constant 1 : i32
      %add3A_448 = arith.addi %mul3A_407, %add3A_447 : i32
      %dma_start3A_449 = arith.constant 1 : i32
      %dma_start3A_450 = arith.constant 0 : i32
      %dma_start3A_451 = arith.constant 0 : i32
      %dma_start3A_452 = tpu.memref_slice %arg8[%dma_start3A_449, %dma_start3A_450, %dma_start3A_451] : memref<8x125x16xf32, #tpu.memory_space<vmem>> -> memref<1x125x16xf32, #tpu.memory_space<vmem>>
      %dma_start3A_453 = tpu.memref_squeeze %dma_start3A_452 : memref<1x125x16xf32, #tpu.memory_space<vmem>> -> memref<125x16xf32, #tpu.memory_space<vmem>>
      %dma_start3A_454 = arith.constant 0 : i32
      %dma_start3A_455 = tpu.memref_slice %arg7[%add3A_448, %dma_start3A_454] : memref<80x125xi32, #tpu.memory_space<vmem>> -> memref<1x125xi32, #tpu.memory_space<vmem>>
      %dma_start3A_456 = tpu.memref_squeeze %dma_start3A_455 : memref<1x125xi32, #tpu.memory_space<vmem>> -> memref<125xi32, #tpu.memory_space<vmem>>
      %dma_start3A_457 = arith.constant 0 : i32
      %dma_start3A_458 = arith.constant 0 : i32
      %dma_start3A_459 = tpu.memref_slice %arg10[%dma_start3A_457, %dma_start3A_458] : memref<10240x16xf32, #tpu.memory_space<vmem_shared>> -> memref<10240x16xf32, #tpu.memory_space<vmem_shared>>
      tpu.enqueue_indirect_dma source(%dma_start3A_453 : memref<125x16xf32, #tpu.memory_space<vmem>>) target(%dma_start3A_459 : memref<10240x16xf32, #tpu.memory_space<vmem_shared>>) offsets(%dma_start3A_456 : memref<125xi32, #tpu.memory_space<vmem>>) semaphore(%arg20 : memref<!tpu.dma_semaphore, #tpu.memory_space<semaphore_mem>>) {add = true}
      %add3A_460 = arith.constant 2 : i32
      %add3A_461 = arith.addi %mul3A_407, %add3A_460 : i32
      %dma_wait3A_462 = arith.constant 2 : i32
      %dma_wait3A_463 = arith.constant 0 : i32
      %dma_wait3A_464 = arith.constant 0 : i32
      %dma_wait3A_465 = tpu.memref_slice %arg8[%dma_wait3A_462, %dma_wait3A_463, %dma_wait3A_464] : memref<8x125x16xf32, #tpu.memory_space<vmem>> -> memref<1x125x16xf32, #tpu.memory_space<vmem>>
      %dma_wait3A_466 = tpu.memref_squeeze %dma_wait3A_465 : memref<1x125x16xf32, #tpu.memory_space<vmem>> -> memref<125x16xf32, #tpu.memory_space<vmem>>
      %dma_wait3A_467 = arith.constant 0 : i32
      %dma_wait3A_468 = tpu.memref_slice %arg6[%add3A_461, %dma_wait3A_467] : memref<80x125xi32, #tpu.memory_space<vmem>> -> memref<1x125xi32, #tpu.memory_space<vmem>>
      %dma_wait3A_469 = tpu.memref_squeeze %dma_wait3A_468 : memref<1x125xi32, #tpu.memory_space<vmem>> -> memref<125xi32, #tpu.memory_space<vmem>>
      %dma_wait3A_470 = arith.constant 0 : i32
      %dma_wait3A_471 = arith.constant 0 : i32
      %dma_wait3A_472 = tpu.memref_slice %arg2[%dma_wait3A_470, %dma_wait3A_471] : memref<10240x16xf32, #tpu.memory_space<hbm>> -> memref<10240x16xf32, #tpu.memory_space<hbm>>
      tpu.wait_indirect_dma semaphore(%arg13 : memref<!tpu.dma_semaphore, #tpu.memory_space<semaphore_mem>>) src(%dma_wait3A_472 : memref<10240x16xf32, #tpu.memory_space<hbm>>) dst(%dma_wait3A_466 : memref<125x16xf32, #tpu.memory_space<vmem>>)
      %add3A_473 = arith.constant 2 : i32
      %add3A_474 = arith.addi %mul3A_407, %add3A_473 : i32
      %dma_start3A_475 = arith.constant 2 : i32
      %dma_start3A_476 = arith.constant 0 : i32
      %dma_start3A_477 = arith.constant 0 : i32
      %dma_start3A_478 = tpu.memref_slice %arg8[%dma_start3A_475, %dma_start3A_476, %dma_start3A_477] : memref<8x125x16xf32, #tpu.memory_space<vmem>> -> memref<1x125x16xf32, #tpu.memory_space<vmem>>
      %dma_start3A_479 = tpu.memref_squeeze %dma_start3A_478 : memref<1x125x16xf32, #tpu.memory_space<vmem>> -> memref<125x16xf32, #tpu.memory_space<vmem>>
      %dma_start3A_480 = arith.constant 0 : i32
      %dma_start3A_481 = tpu.memref_slice %arg7[%add3A_474, %dma_start3A_480] : memref<80x125xi32, #tpu.memory_space<vmem>> -> memref<1x125xi32, #tpu.memory_space<vmem>>
      %dma_start3A_482 = tpu.memref_squeeze %dma_start3A_481 : memref<1x125xi32, #tpu.memory_space<vmem>> -> memref<125xi32, #tpu.memory_space<vmem>>
      %dma_start3A_483 = arith.constant 0 : i32
      %dma_start3A_484 = arith.constant 0 : i32
      %dma_start3A_485 = tpu.memref_slice %arg10[%dma_start3A_483, %dma_start3A_484] : memref<10240x16xf32, #tpu.memory_space<vmem_shared>> -> memref<10240x16xf32, #tpu.memory_space<vmem_shared>>
      tpu.enqueue_indirect_dma source(%dma_start3A_479 : memref<125x16xf32, #tpu.memory_space<vmem>>) target(%dma_start3A_485 : memref<10240x16xf32, #tpu.memory_space<vmem_shared>>) offsets(%dma_start3A_482 : memref<125xi32, #tpu.memory_space<vmem>>) semaphore(%arg21 : memref<!tpu.dma_semaphore, #tpu.memory_space<semaphore_mem>>) {add = true}
      %add3A_486 = arith.constant 3 : i32
      %add3A_487 = arith.addi %mul3A_407, %add3A_486 : i32
      %dma_wait3A_488 = arith.constant 3 : i32
      %dma_wait3A_489 = arith.constant 0 : i32
      %dma_wait3A_490 = arith.constant 0 : i32
      %dma_wait3A_491 = tpu.memref_slice %arg8[%dma_wait3A_488, %dma_wait3A_489, %dma_wait3A_490] : memref<8x125x16xf32, #tpu.memory_space<vmem>> -> memref<1x125x16xf32, #tpu.memory_space<vmem>>
      %dma_wait3A_492 = tpu.memref_squeeze %dma_wait3A_491 : memref<1x125x16xf32, #tpu.memory_space<vmem>> -> memref<125x16xf32, #tpu.memory_space<vmem>>
      %dma_wait3A_493 = arith.constant 0 : i32
      %dma_wait3A_494 = tpu.memref_slice %arg6[%add3A_487, %dma_wait3A_493] : memref<80x125xi32, #tpu.memory_space<vmem>> -> memref<1x125xi32, #tpu.memory_space<vmem>>
      %dma_wait3A_495 = tpu.memref_squeeze %dma_wait3A_494 : memref<1x125xi32, #tpu.memory_space<vmem>> -> memref<125xi32, #tpu.memory_space<vmem>>
      %dma_wait3A_496 = arith.constant 0 : i32
      %dma_wait3A_497 = arith.constant 0 : i32
      %dma_wait3A_498 = tpu.memref_slice %arg2[%dma_wait3A_496, %dma_wait3A_497] : memref<10240x16xf32, #tpu.memory_space<hbm>> -> memref<10240x16xf32, #tpu.memory_space<hbm>>
      tpu.wait_indirect_dma semaphore(%arg14 : memref<!tpu.dma_semaphore, #tpu.memory_space<semaphore_mem>>) src(%dma_wait3A_498 : memref<10240x16xf32, #tpu.memory_space<hbm>>) dst(%dma_wait3A_492 : memref<125x16xf32, #tpu.memory_space<vmem>>)
      %add3A_499 = arith.constant 3 : i32
      %add3A_500 = arith.addi %mul3A_407, %add3A_499 : i32
      %dma_start3A_501 = arith.constant 3 : i32
      %dma_start3A_502 = arith.constant 0 : i32
      %dma_start3A_503 = arith.constant 0 : i32
      %dma_start3A_504 = tpu.memref_slice %arg8[%dma_start3A_501, %dma_start3A_502, %dma_start3A_503] : memref<8x125x16xf32, #tpu.memory_space<vmem>> -> memref<1x125x16xf32, #tpu.memory_space<vmem>>
      %dma_start3A_505 = tpu.memref_squeeze %dma_start3A_504 : memref<1x125x16xf32, #tpu.memory_space<vmem>> -> memref<125x16xf32, #tpu.memory_space<vmem>>
      %dma_start3A_506 = arith.constant 0 : i32
      %dma_start3A_507 = tpu.memref_slice %arg7[%add3A_500, %dma_start3A_506] : memref<80x125xi32, #tpu.memory_space<vmem>> -> memref<1x125xi32, #tpu.memory_space<vmem>>
      %dma_start3A_508 = tpu.memref_squeeze %dma_start3A_507 : memref<1x125xi32, #tpu.memory_space<vmem>> -> memref<125xi32, #tpu.memory_space<vmem>>
      %dma_start3A_509 = arith.constant 0 : i32
      %dma_start3A_510 = arith.constant 0 : i32
      %dma_start3A_511 = tpu.memref_slice %arg10[%dma_start3A_509, %dma_start3A_510] : memref<10240x16xf32, #tpu.memory_space<vmem_shared>> -> memref<10240x16xf32, #tpu.memory_space<vmem_shared>>
      tpu.enqueue_indirect_dma source(%dma_start3A_505 : memref<125x16xf32, #tpu.memory_space<vmem>>) target(%dma_start3A_511 : memref<10240x16xf32, #tpu.memory_space<vmem_shared>>) offsets(%dma_start3A_508 : memref<125xi32, #tpu.memory_space<vmem>>) semaphore(%arg22 : memref<!tpu.dma_semaphore, #tpu.memory_space<semaphore_mem>>) {add = true}
      %add3A_512 = arith.constant 4 : i32
      %add3A_513 = arith.addi %mul3A_407, %add3A_512 : i32
      %dma_wait3A_514 = arith.constant 4 : i32
      %dma_wait3A_515 = arith.constant 0 : i32
      %dma_wait3A_516 = arith.constant 0 : i32
      %dma_wait3A_517 = tpu.memref_slice %arg8[%dma_wait3A_514, %dma_wait3A_515, %dma_wait3A_516] : memref<8x125x16xf32, #tpu.memory_space<vmem>> -> memref<1x125x16xf32, #tpu.memory_space<vmem>>
      %dma_wait3A_518 = tpu.memref_squeeze %dma_wait3A_517 : memref<1x125x16xf32, #tpu.memory_space<vmem>> -> memref<125x16xf32, #tpu.memory_space<vmem>>
      %dma_wait3A_519 = arith.constant 0 : i32
      %dma_wait3A_520 = tpu.memref_slice %arg6[%add3A_513, %dma_wait3A_519] : memref<80x125xi32, #tpu.memory_space<vmem>> -> memref<1x125xi32, #tpu.memory_space<vmem>>
      %dma_wait3A_521 = tpu.memref_squeeze %dma_wait3A_520 : memref<1x125xi32, #tpu.memory_space<vmem>> -> memref<125xi32, #tpu.memory_space<vmem>>
      %dma_wait3A_522 = arith.constant 0 : i32
      %dma_wait3A_523 = arith.constant 0 : i32
      %dma_wait3A_524 = tpu.memref_slice %arg2[%dma_wait3A_522, %dma_wait3A_523] : memref<10240x16xf32, #tpu.memory_space<hbm>> -> memref<10240x16xf32, #tpu.memory_space<hbm>>
      tpu.wait_indirect_dma semaphore(%arg15 : memref<!tpu.dma_semaphore, #tpu.memory_space<semaphore_mem>>) src(%dma_wait3A_524 : memref<10240x16xf32, #tpu.memory_space<hbm>>) dst(%dma_wait3A_518 : memref<125x16xf32, #tpu.memory_space<vmem>>)
      %add3A_525 = arith.constant 4 : i32
      %add3A_526 = arith.addi %mul3A_407, %add3A_525 : i32
      %dma_start3A_527 = arith.constant 4 : i32
      %dma_start3A_528 = arith.constant 0 : i32
      %dma_start3A_529 = arith.constant 0 : i32
      %dma_start3A_530 = tpu.memref_slice %arg8[%dma_start3A_527, %dma_start3A_528, %dma_start3A_529] : memref<8x125x16xf32, #tpu.memory_space<vmem>> -> memref<1x125x16xf32, #tpu.memory_space<vmem>>
      %dma_start3A_531 = tpu.memref_squeeze %dma_start3A_530 : memref<1x125x16xf32, #tpu.memory_space<vmem>> -> memref<125x16xf32, #tpu.memory_space<vmem>>
      %dma_start3A_532 = arith.constant 0 : i32
      %dma_start3A_533 = tpu.memref_slice %arg7[%add3A_526, %dma_start3A_532] : memref<80x125xi32, #tpu.memory_space<vmem>> -> memref<1x125xi32, #tpu.memory_space<vmem>>
      %dma_start3A_534 = tpu.memref_squeeze %dma_start3A_533 : memref<1x125xi32, #tpu.memory_space<vmem>> -> memref<125xi32, #tpu.memory_space<vmem>>
      %dma_start3A_535 = arith.constant 0 : i32
      %dma_start3A_536 = arith.constant 0 : i32
      %dma_start3A_537 = tpu.memref_slice %arg10[%dma_start3A_535, %dma_start3A_536] : memref<10240x16xf32, #tpu.memory_space<vmem_shared>> -> memref<10240x16xf32, #tpu.memory_space<vmem_shared>>
      tpu.enqueue_indirect_dma source(%dma_start3A_531 : memref<125x16xf32, #tpu.memory_space<vmem>>) target(%dma_start3A_537 : memref<10240x16xf32, #tpu.memory_space<vmem_shared>>) offsets(%dma_start3A_534 : memref<125xi32, #tpu.memory_space<vmem>>) semaphore(%arg23 : memref<!tpu.dma_semaphore, #tpu.memory_space<semaphore_mem>>) {add = true}
      %add3A_538 = arith.constant 5 : i32
      %add3A_539 = arith.addi %mul3A_407, %add3A_538 : i32
      %dma_wait3A_540 = arith.constant 5 : i32
      %dma_wait3A_541 = arith.constant 0 : i32
      %dma_wait3A_542 = arith.constant 0 : i32
      %dma_wait3A_543 = tpu.memref_slice %arg8[%dma_wait3A_540, %dma_wait3A_541, %dma_wait3A_542] : memref<8x125x16xf32, #tpu.memory_space<vmem>> -> memref<1x125x16xf32, #tpu.memory_space<vmem>>
      %dma_wait3A_544 = tpu.memref_squeeze %dma_wait3A_543 : memref<1x125x16xf32, #tpu.memory_space<vmem>> -> memref<125x16xf32, #tpu.memory_space<vmem>>
      %dma_wait3A_545 = arith.constant 0 : i32
      %dma_wait3A_546 = tpu.memref_slice %arg6[%add3A_539, %dma_wait3A_545] : memref<80x125xi32, #tpu.memory_space<vmem>> -> memref<1x125xi32, #tpu.memory_space<vmem>>
      %dma_wait3A_547 = tpu.memref_squeeze %dma_wait3A_546 : memref<1x125xi32, #tpu.memory_space<vmem>> -> memref<125xi32, #tpu.memory_space<vmem>>
      %dma_wait3A_548 = arith.constant 0 : i32
      %dma_wait3A_549 = arith.constant 0 : i32
      %dma_wait3A_550 = tpu.memref_slice %arg2[%dma_wait3A_548, %dma_wait3A_549] : memref<10240x16xf32, #tpu.memory_space<hbm>> -> memref<10240x16xf32, #tpu.memory_space<hbm>>
      tpu.wait_indirect_dma semaphore(%arg16 : memref<!tpu.dma_semaphore, #tpu.memory_space<semaphore_mem>>) src(%dma_wait3A_550 : memref<10240x16xf32, #tpu.memory_space<hbm>>) dst(%dma_wait3A_544 : memref<125x16xf32, #tpu.memory_space<vmem>>)
      %add3A_551 = arith.constant 5 : i32
      %add3A_552 = arith.addi %mul3A_407, %add3A_551 : i32
      %dma_start3A_553 = arith.constant 5 : i32
      %dma_start3A_554 = arith.constant 0 : i32
      %dma_start3A_555 = arith.constant 0 : i32
      %dma_start3A_556 = tpu.memref_slice %arg8[%dma_start3A_553, %dma_start3A_554, %dma_start3A_555] : memref<8x125x16xf32, #tpu.memory_space<vmem>> -> memref<1x125x16xf32, #tpu.memory_space<vmem>>
      %dma_start3A_557 = tpu.memref_squeeze %dma_start3A_556 : memref<1x125x16xf32, #tpu.memory_space<vmem>> -> memref<125x16xf32, #tpu.memory_space<vmem>>
      %dma_start3A_558 = arith.constant 0 : i32
      %dma_start3A_559 = tpu.memref_slice %arg7[%add3A_552, %dma_start3A_558] : memref<80x125xi32, #tpu.memory_space<vmem>> -> memref<1x125xi32, #tpu.memory_space<vmem>>
      %dma_start3A_560 = tpu.memref_squeeze %dma_start3A_559 : memref<1x125xi32, #tpu.memory_space<vmem>> -> memref<125xi32, #tpu.memory_space<vmem>>
      %dma_start3A_561 = arith.constant 0 : i32
      %dma_start3A_562 = arith.constant 0 : i32
      %dma_start3A_563 = tpu.memref_slice %arg10[%dma_start3A_561, %dma_start3A_562] : memref<10240x16xf32, #tpu.memory_space<vmem_shared>> -> memref<10240x16xf32, #tpu.memory_space<vmem_shared>>
      tpu.enqueue_indirect_dma source(%dma_start3A_557 : memref<125x16xf32, #tpu.memory_space<vmem>>) target(%dma_start3A_563 : memref<10240x16xf32, #tpu.memory_space<vmem_shared>>) offsets(%dma_start3A_560 : memref<125xi32, #tpu.memory_space<vmem>>) semaphore(%arg24 : memref<!tpu.dma_semaphore, #tpu.memory_space<semaphore_mem>>) {add = true}
      %add3A_564 = arith.constant 6 : i32
      %add3A_565 = arith.addi %mul3A_407, %add3A_564 : i32
      %dma_wait3A_566 = arith.constant 6 : i32
      %dma_wait3A_567 = arith.constant 0 : i32
      %dma_wait3A_568 = arith.constant 0 : i32
      %dma_wait3A_569 = tpu.memref_slice %arg8[%dma_wait3A_566, %dma_wait3A_567, %dma_wait3A_568] : memref<8x125x16xf32, #tpu.memory_space<vmem>> -> memref<1x125x16xf32, #tpu.memory_space<vmem>>
      %dma_wait3A_570 = tpu.memref_squeeze %dma_wait3A_569 : memref<1x125x16xf32, #tpu.memory_space<vmem>> -> memref<125x16xf32, #tpu.memory_space<vmem>>
      %dma_wait3A_571 = arith.constant 0 : i32
      %dma_wait3A_572 = tpu.memref_slice %arg6[%add3A_565, %dma_wait3A_571] : memref<80x125xi32, #tpu.memory_space<vmem>> -> memref<1x125xi32, #tpu.memory_space<vmem>>
      %dma_wait3A_573 = tpu.memref_squeeze %dma_wait3A_572 : memref<1x125xi32, #tpu.memory_space<vmem>> -> memref<125xi32, #tpu.memory_space<vmem>>
      %dma_wait3A_574 = arith.constant 0 : i32
      %dma_wait3A_575 = arith.constant 0 : i32
      %dma_wait3A_576 = tpu.memref_slice %arg2[%dma_wait3A_574, %dma_wait3A_575] : memref<10240x16xf32, #tpu.memory_space<hbm>> -> memref<10240x16xf32, #tpu.memory_space<hbm>>
      tpu.wait_indirect_dma semaphore(%arg17 : memref<!tpu.dma_semaphore, #tpu.memory_space<semaphore_mem>>) src(%dma_wait3A_576 : memref<10240x16xf32, #tpu.memory_space<hbm>>) dst(%dma_wait3A_570 : memref<125x16xf32, #tpu.memory_space<vmem>>)
      %add3A_577 = arith.constant 6 : i32
      %add3A_578 = arith.addi %mul3A_407, %add3A_577 : i32
      %dma_start3A_579 = arith.constant 6 : i32
      %dma_start3A_580 = arith.constant 0 : i32
      %dma_start3A_581 = arith.constant 0 : i32
      %dma_start3A_582 = tpu.memref_slice %arg8[%dma_start3A_579, %dma_start3A_580, %dma_start3A_581] : memref<8x125x16xf32, #tpu.memory_space<vmem>> -> memref<1x125x16xf32, #tpu.memory_space<vmem>>
      %dma_start3A_583 = tpu.memref_squeeze %dma_start3A_582 : memref<1x125x16xf32, #tpu.memory_space<vmem>> -> memref<125x16xf32, #tpu.memory_space<vmem>>
      %dma_start3A_584 = arith.constant 0 : i32
      %dma_start3A_585 = tpu.memref_slice %arg7[%add3A_578, %dma_start3A_584] : memref<80x125xi32, #tpu.memory_space<vmem>> -> memref<1x125xi32, #tpu.memory_space<vmem>>
      %dma_start3A_586 = tpu.memref_squeeze %dma_start3A_585 : memref<1x125xi32, #tpu.memory_space<vmem>> -> memref<125xi32, #tpu.memory_space<vmem>>
      %dma_start3A_587 = arith.constant 0 : i32
      %dma_start3A_588 = arith.constant 0 : i32
      %dma_start3A_589 = tpu.memref_slice %arg10[%dma_start3A_587, %dma_start3A_588] : memref<10240x16xf32, #tpu.memory_space<vmem_shared>> -> memref<10240x16xf32, #tpu.memory_space<vmem_shared>>
      tpu.enqueue_indirect_dma source(%dma_start3A_583 : memref<125x16xf32, #tpu.memory_space<vmem>>) target(%dma_start3A_589 : memref<10240x16xf32, #tpu.memory_space<vmem_shared>>) offsets(%dma_start3A_586 : memref<125xi32, #tpu.memory_space<vmem>>) semaphore(%arg25 : memref<!tpu.dma_semaphore, #tpu.memory_space<semaphore_mem>>) {add = true}
      %add3A_590 = arith.constant 7 : i32
      %add3A_591 = arith.addi %mul3A_407, %add3A_590 : i32
      %dma_wait3A_592 = arith.constant 7 : i32
      %dma_wait3A_593 = arith.constant 0 : i32
      %dma_wait3A_594 = arith.constant 0 : i32
      %dma_wait3A_595 = tpu.memref_slice %arg8[%dma_wait3A_592, %dma_wait3A_593, %dma_wait3A_594] : memref<8x125x16xf32, #tpu.memory_space<vmem>> -> memref<1x125x16xf32, #tpu.memory_space<vmem>>
      %dma_wait3A_596 = tpu.memref_squeeze %dma_wait3A_595 : memref<1x125x16xf32, #tpu.memory_space<vmem>> -> memref<125x16xf32, #tpu.memory_space<vmem>>
      %dma_wait3A_597 = arith.constant 0 : i32
      %dma_wait3A_598 = tpu.memref_slice %arg6[%add3A_591, %dma_wait3A_597] : memref<80x125xi32, #tpu.memory_space<vmem>> -> memref<1x125xi32, #tpu.memory_space<vmem>>
      %dma_wait3A_599 = tpu.memref_squeeze %dma_wait3A_598 : memref<1x125xi32, #tpu.memory_space<vmem>> -> memref<125xi32, #tpu.memory_space<vmem>>
      %dma_wait3A_600 = arith.constant 0 : i32
      %dma_wait3A_601 = arith.constant 0 : i32
      %dma_wait3A_602 = tpu.memref_slice %arg2[%dma_wait3A_600, %dma_wait3A_601] : memref<10240x16xf32, #tpu.memory_space<hbm>> -> memref<10240x16xf32, #tpu.memory_space<hbm>>
      tpu.wait_indirect_dma semaphore(%arg18 : memref<!tpu.dma_semaphore, #tpu.memory_space<semaphore_mem>>) src(%dma_wait3A_602 : memref<10240x16xf32, #tpu.memory_space<hbm>>) dst(%dma_wait3A_596 : memref<125x16xf32, #tpu.memory_space<vmem>>)
      %add3A_603 = arith.constant 7 : i32
      %add3A_604 = arith.addi %mul3A_407, %add3A_603 : i32
      %dma_start3A_605 = arith.constant 7 : i32
      %dma_start3A_606 = arith.constant 0 : i32
      %dma_start3A_607 = arith.constant 0 : i32
      %dma_start3A_608 = tpu.memref_slice %arg8[%dma_start3A_605, %dma_start3A_606, %dma_start3A_607] : memref<8x125x16xf32, #tpu.memory_space<vmem>> -> memref<1x125x16xf32, #tpu.memory_space<vmem>>
      %dma_start3A_609 = tpu.memref_squeeze %dma_start3A_608 : memref<1x125x16xf32, #tpu.memory_space<vmem>> -> memref<125x16xf32, #tpu.memory_space<vmem>>
      %dma_start3A_610 = arith.constant 0 : i32
      %dma_start3A_611 = tpu.memref_slice %arg7[%add3A_604, %dma_start3A_610] : memref<80x125xi32, #tpu.memory_space<vmem>> -> memref<1x125xi32, #tpu.memory_space<vmem>>
      %dma_start3A_612 = tpu.memref_squeeze %dma_start3A_611 : memref<1x125xi32, #tpu.memory_space<vmem>> -> memref<125xi32, #tpu.memory_space<vmem>>
      %dma_start3A_613 = arith.constant 0 : i32
      %dma_start3A_614 = arith.constant 0 : i32
      %dma_start3A_615 = tpu.memref_slice %arg10[%dma_start3A_613, %dma_start3A_614] : memref<10240x16xf32, #tpu.memory_space<vmem_shared>> -> memref<10240x16xf32, #tpu.memory_space<vmem_shared>>
      tpu.enqueue_indirect_dma source(%dma_start3A_609 : memref<125x16xf32, #tpu.memory_space<vmem>>) target(%dma_start3A_615 : memref<10240x16xf32, #tpu.memory_space<vmem_shared>>) offsets(%dma_start3A_612 : memref<125xi32, #tpu.memory_space<vmem>>) semaphore(%arg26 : memref<!tpu.dma_semaphore, #tpu.memory_space<semaphore_mem>>) {add = true}
      %add3A_616 = arith.constant 0 : i32
      %add3A_617 = arith.addi %mul3A_407, %add3A_616 : i32
      %dma_wait3A_618 = arith.constant 0 : i32
      %dma_wait3A_619 = arith.constant 0 : i32
      %dma_wait3A_620 = arith.constant 0 : i32
      %dma_wait3A_621 = tpu.memref_slice %arg8[%dma_wait3A_618, %dma_wait3A_619, %dma_wait3A_620] : memref<8x125x16xf32, #tpu.memory_space<vmem>> -> memref<1x125x16xf32, #tpu.memory_space<vmem>>
      %dma_wait3A_622 = tpu.memref_squeeze %dma_wait3A_621 : memref<1x125x16xf32, #tpu.memory_space<vmem>> -> memref<125x16xf32, #tpu.memory_space<vmem>>
      %dma_wait3A_623 = arith.constant 0 : i32
      %dma_wait3A_624 = tpu.memref_slice %arg7[%add3A_617, %dma_wait3A_623] : memref<80x125xi32, #tpu.memory_space<vmem>> -> memref<1x125xi32, #tpu.memory_space<vmem>>
      %dma_wait3A_625 = tpu.memref_squeeze %dma_wait3A_624 : memref<1x125xi32, #tpu.memory_space<vmem>> -> memref<125xi32, #tpu.memory_space<vmem>>
      %dma_wait3A_626 = arith.constant 0 : i32
      %dma_wait3A_627 = arith.constant 0 : i32
      %dma_wait3A_628 = tpu.memref_slice %arg10[%dma_wait3A_626, %dma_wait3A_627] : memref<10240x16xf32, #tpu.memory_space<vmem_shared>> -> memref<10240x16xf32, #tpu.memory_space<vmem_shared>>
      tpu.wait_indirect_dma semaphore(%arg19 : memref<!tpu.dma_semaphore, #tpu.memory_space<semaphore_mem>>) src(%dma_wait3A_622 : memref<125x16xf32, #tpu.memory_space<vmem>>) dst(%dma_wait3A_628 : memref<10240x16xf32, #tpu.memory_space<vmem_shared>>)
      %add3A_629 = arith.constant 8 : i32
      %add3A_630 = arith.addi %mul3A_407, %add3A_629 : i32
      %add3A_631 = arith.constant 0 : i32
      %add3A_632 = arith.addi %add3A_630, %add3A_631 : i32
      %dma_start3A_633 = arith.constant 0 : i32
      %dma_start3A_634 = arith.constant 0 : i32
      %dma_start3A_635 = arith.constant 0 : i32
      %dma_start3A_636 = tpu.memref_slice %arg8[%dma_start3A_633, %dma_start3A_634, %dma_start3A_635] : memref<8x125x16xf32, #tpu.memory_space<vmem>> -> memref<1x125x16xf32, #tpu.memory_space<vmem>>
      %dma_start3A_637 = tpu.memref_squeeze %dma_start3A_636 : memref<1x125x16xf32, #tpu.memory_space<vmem>> -> memref<125x16xf32, #tpu.memory_space<vmem>>
      %dma_start3A_638 = arith.constant 0 : i32
      %dma_start3A_639 = tpu.memref_slice %arg6[%add3A_632, %dma_start3A_638] : memref<80x125xi32, #tpu.memory_space<vmem>> -> memref<1x125xi32, #tpu.memory_space<vmem>>
      %dma_start3A_640 = tpu.memref_squeeze %dma_start3A_639 : memref<1x125xi32, #tpu.memory_space<vmem>> -> memref<125xi32, #tpu.memory_space<vmem>>
      %dma_start3A_641 = arith.constant 0 : i32
      %dma_start3A_642 = arith.constant 0 : i32
      %dma_start3A_643 = tpu.memref_slice %arg2[%dma_start3A_641, %dma_start3A_642] : memref<10240x16xf32, #tpu.memory_space<hbm>> -> memref<10240x16xf32, #tpu.memory_space<hbm>>
      tpu.enqueue_indirect_dma source(%dma_start3A_643 : memref<10240x16xf32, #tpu.memory_space<hbm>>) target(%dma_start3A_637 : memref<125x16xf32, #tpu.memory_space<vmem>>) offsets(%dma_start3A_640 : memref<125xi32, #tpu.memory_space<vmem>>) semaphore(%arg11 : memref<!tpu.dma_semaphore, #tpu.memory_space<semaphore_mem>>)
      %add3A_644 = arith.constant 1 : i32
      %add3A_645 = arith.addi %mul3A_407, %add3A_644 : i32
      %dma_wait3A_646 = arith.constant 1 : i32
      %dma_wait3A_647 = arith.constant 0 : i32
      %dma_wait3A_648 = arith.constant 0 : i32
      %dma_wait3A_649 = tpu.memref_slice %arg8[%dma_wait3A_646, %dma_wait3A_647, %dma_wait3A_648] : memref<8x125x16xf32, #tpu.memory_space<vmem>> -> memref<1x125x16xf32, #tpu.memory_space<vmem>>
      %dma_wait3A_650 = tpu.memref_squeeze %dma_wait3A_649 : memref<1x125x16xf32, #tpu.memory_space<vmem>> -> memref<125x16xf32, #tpu.memory_space<vmem>>
      %dma_wait3A_651 = arith.constant 0 : i32
      %dma_wait3A_652 = tpu.memref_slice %arg7[%add3A_645, %dma_wait3A_651] : memref<80x125xi32, #tpu.memory_space<vmem>> -> memref<1x125xi32, #tpu.memory_space<vmem>>
      %dma_wait3A_653 = tpu.memref_squeeze %dma_wait3A_652 : memref<1x125xi32, #tpu.memory_space<vmem>> -> memref<125xi32, #tpu.memory_space<vmem>>
      %dma_wait3A_654 = arith.constant 0 : i32
      %dma_wait3A_655 = arith.constant 0 : i32
      %dma_wait3A_656 = tpu.memref_slice %arg10[%dma_wait3A_654, %dma_wait3A_655] : memref<10240x16xf32, #tpu.memory_space<vmem_shared>> -> memref<10240x16xf32, #tpu.memory_space<vmem_shared>>
      tpu.wait_indirect_dma semaphore(%arg20 : memref<!tpu.dma_semaphore, #tpu.memory_space<semaphore_mem>>) src(%dma_wait3A_650 : memref<125x16xf32, #tpu.memory_space<vmem>>) dst(%dma_wait3A_656 : memref<10240x16xf32, #tpu.memory_space<vmem_shared>>)
      %add3A_657 = arith.constant 8 : i32
      %add3A_658 = arith.addi %mul3A_407, %add3A_657 : i32
      %add3A_659 = arith.constant 1 : i32
      %add3A_660 = arith.addi %add3A_658, %add3A_659 : i32
      %dma_start3A_661 = arith.constant 1 : i32
      %dma_start3A_662 = arith.constant 0 : i32
      %dma_start3A_663 = arith.constant 0 : i32
      %dma_start3A_664 = tpu.memref_slice %arg8[%dma_start3A_661, %dma_start3A_662, %dma_start3A_663] : memref<8x125x16xf32, #tpu.memory_space<vmem>> -> memref<1x125x16xf32, #tpu.memory_space<vmem>>
      %dma_start3A_665 = tpu.memref_squeeze %dma_start3A_664 : memref<1x125x16xf32, #tpu.memory_space<vmem>> -> memref<125x16xf32, #tpu.memory_space<vmem>>
      %dma_start3A_666 = arith.constant 0 : i32
      %dma_start3A_667 = tpu.memref_slice %arg6[%add3A_660, %dma_start3A_666] : memref<80x125xi32, #tpu.memory_space<vmem>> -> memref<1x125xi32, #tpu.memory_space<vmem>>
      %dma_start3A_668 = tpu.memref_squeeze %dma_start3A_667 : memref<1x125xi32, #tpu.memory_space<vmem>> -> memref<125xi32, #tpu.memory_space<vmem>>
      %dma_start3A_669 = arith.constant 0 : i32
      %dma_start3A_670 = arith.constant 0 : i32
      %dma_start3A_671 = tpu.memref_slice %arg2[%dma_start3A_669, %dma_start3A_670] : memref<10240x16xf32, #tpu.memory_space<hbm>> -> memref<10240x16xf32, #tpu.memory_space<hbm>>
      tpu.enqueue_indirect_dma source(%dma_start3A_671 : memref<10240x16xf32, #tpu.memory_space<hbm>>) target(%dma_start3A_665 : memref<125x16xf32, #tpu.memory_space<vmem>>) offsets(%dma_start3A_668 : memref<125xi32, #tpu.memory_space<vmem>>) semaphore(%arg12 : memref<!tpu.dma_semaphore, #tpu.memory_space<semaphore_mem>>)
      %add3A_672 = arith.constant 2 : i32
      %add3A_673 = arith.addi %mul3A_407, %add3A_672 : i32
      %dma_wait3A_674 = arith.constant 2 : i32
      %dma_wait3A_675 = arith.constant 0 : i32
      %dma_wait3A_676 = arith.constant 0 : i32
      %dma_wait3A_677 = tpu.memref_slice %arg8[%dma_wait3A_674, %dma_wait3A_675, %dma_wait3A_676] : memref<8x125x16xf32, #tpu.memory_space<vmem>> -> memref<1x125x16xf32, #tpu.memory_space<vmem>>
      %dma_wait3A_678 = tpu.memref_squeeze %dma_wait3A_677 : memref<1x125x16xf32, #tpu.memory_space<vmem>> -> memref<125x16xf32, #tpu.memory_space<vmem>>
      %dma_wait3A_679 = arith.constant 0 : i32
      %dma_wait3A_680 = tpu.memref_slice %arg7[%add3A_673, %dma_wait3A_679] : memref<80x125xi32, #tpu.memory_space<vmem>> -> memref<1x125xi32, #tpu.memory_space<vmem>>
      %dma_wait3A_681 = tpu.memref_squeeze %dma_wait3A_680 : memref<1x125xi32, #tpu.memory_space<vmem>> -> memref<125xi32, #tpu.memory_space<vmem>>
      %dma_wait3A_682 = arith.constant 0 : i32
      %dma_wait3A_683 = arith.constant 0 : i32
      %dma_wait3A_684 = tpu.memref_slice %arg10[%dma_wait3A_682, %dma_wait3A_683] : memref<10240x16xf32, #tpu.memory_space<vmem_shared>> -> memref<10240x16xf32, #tpu.memory_space<vmem_shared>>
      tpu.wait_indirect_dma semaphore(%arg21 : memref<!tpu.dma_semaphore, #tpu.memory_space<semaphore_mem>>) src(%dma_wait3A_678 : memref<125x16xf32, #tpu.memory_space<vmem>>) dst(%dma_wait3A_684 : memref<10240x16xf32, #tpu.memory_space<vmem_shared>>)
      %add3A_685 = arith.constant 8 : i32
      %add3A_686 = arith.addi %mul3A_407, %add3A_685 : i32
      %add3A_687 = arith.constant 2 : i32
      %add3A_688 = arith.addi %add3A_686, %add3A_687 : i32
      %dma_start3A_689 = arith.constant 2 : i32
      %dma_start3A_690 = arith.constant 0 : i32
      %dma_start3A_691 = arith.constant 0 : i32
      %dma_start3A_692 = tpu.memref_slice %arg8[%dma_start3A_689, %dma_start3A_690, %dma_start3A_691] : memref<8x125x16xf32, #tpu.memory_space<vmem>> -> memref<1x125x16xf32, #tpu.memory_space<vmem>>
      %dma_start3A_693 = tpu.memref_squeeze %dma_start3A_692 : memref<1x125x16xf32, #tpu.memory_space<vmem>> -> memref<125x16xf32, #tpu.memory_space<vmem>>
      %dma_start3A_694 = arith.constant 0 : i32
      %dma_start3A_695 = tpu.memref_slice %arg6[%add3A_688, %dma_start3A_694] : memref<80x125xi32, #tpu.memory_space<vmem>> -> memref<1x125xi32, #tpu.memory_space<vmem>>
      %dma_start3A_696 = tpu.memref_squeeze %dma_start3A_695 : memref<1x125xi32, #tpu.memory_space<vmem>> -> memref<125xi32, #tpu.memory_space<vmem>>
      %dma_start3A_697 = arith.constant 0 : i32
      %dma_start3A_698 = arith.constant 0 : i32
      %dma_start3A_699 = tpu.memref_slice %arg2[%dma_start3A_697, %dma_start3A_698] : memref<10240x16xf32, #tpu.memory_space<hbm>> -> memref<10240x16xf32, #tpu.memory_space<hbm>>
      tpu.enqueue_indirect_dma source(%dma_start3A_699 : memref<10240x16xf32, #tpu.memory_space<hbm>>) target(%dma_start3A_693 : memref<125x16xf32, #tpu.memory_space<vmem>>) offsets(%dma_start3A_696 : memref<125xi32, #tpu.memory_space<vmem>>) semaphore(%arg13 : memref<!tpu.dma_semaphore, #tpu.memory_space<semaphore_mem>>)
      %add3A_700 = arith.constant 3 : i32
      %add3A_701 = arith.addi %mul3A_407, %add3A_700 : i32
      %dma_wait3A_702 = arith.constant 3 : i32
      %dma_wait3A_703 = arith.constant 0 : i32
      %dma_wait3A_704 = arith.constant 0 : i32
      %dma_wait3A_705 = tpu.memref_slice %arg8[%dma_wait3A_702, %dma_wait3A_703, %dma_wait3A_704] : memref<8x125x16xf32, #tpu.memory_space<vmem>> -> memref<1x125x16xf32, #tpu.memory_space<vmem>>
      %dma_wait3A_706 = tpu.memref_squeeze %dma_wait3A_705 : memref<1x125x16xf32, #tpu.memory_space<vmem>> -> memref<125x16xf32, #tpu.memory_space<vmem>>
      %dma_wait3A_707 = arith.constant 0 : i32
      %dma_wait3A_708 = tpu.memref_slice %arg7[%add3A_701, %dma_wait3A_707] : memref<80x125xi32, #tpu.memory_space<vmem>> -> memref<1x125xi32, #tpu.memory_space<vmem>>
      %dma_wait3A_709 = tpu.memref_squeeze %dma_wait3A_708 : memref<1x125xi32, #tpu.memory_space<vmem>> -> memref<125xi32, #tpu.memory_space<vmem>>
      %dma_wait3A_710 = arith.constant 0 : i32
      %dma_wait3A_711 = arith.constant 0 : i32
      %dma_wait3A_712 = tpu.memref_slice %arg10[%dma_wait3A_710, %dma_wait3A_711] : memref<10240x16xf32, #tpu.memory_space<vmem_shared>> -> memref<10240x16xf32, #tpu.memory_space<vmem_shared>>
      tpu.wait_indirect_dma semaphore(%arg22 : memref<!tpu.dma_semaphore, #tpu.memory_space<semaphore_mem>>) src(%dma_wait3A_706 : memref<125x16xf32, #tpu.memory_space<vmem>>) dst(%dma_wait3A_712 : memref<10240x16xf32, #tpu.memory_space<vmem_shared>>)
      %add3A_713 = arith.constant 8 : i32
      %add3A_714 = arith.addi %mul3A_407, %add3A_713 : i32
      %add3A_715 = arith.constant 3 : i32
      %add3A_716 = arith.addi %add3A_714, %add3A_715 : i32
      %dma_start3A_717 = arith.constant 3 : i32
      %dma_start3A_718 = arith.constant 0 : i32
      %dma_start3A_719 = arith.constant 0 : i32
      %dma_start3A_720 = tpu.memref_slice %arg8[%dma_start3A_717, %dma_start3A_718, %dma_start3A_719] : memref<8x125x16xf32, #tpu.memory_space<vmem>> -> memref<1x125x16xf32, #tpu.memory_space<vmem>>
      %dma_start3A_721 = tpu.memref_squeeze %dma_start3A_720 : memref<1x125x16xf32, #tpu.memory_space<vmem>> -> memref<125x16xf32, #tpu.memory_space<vmem>>
      %dma_start3A_722 = arith.constant 0 : i32
      %dma_start3A_723 = tpu.memref_slice %arg6[%add3A_716, %dma_start3A_722] : memref<80x125xi32, #tpu.memory_space<vmem>> -> memref<1x125xi32, #tpu.memory_space<vmem>>
      %dma_start3A_724 = tpu.memref_squeeze %dma_start3A_723 : memref<1x125xi32, #tpu.memory_space<vmem>> -> memref<125xi32, #tpu.memory_space<vmem>>
      %dma_start3A_725 = arith.constant 0 : i32
      %dma_start3A_726 = arith.constant 0 : i32
      %dma_start3A_727 = tpu.memref_slice %arg2[%dma_start3A_725, %dma_start3A_726] : memref<10240x16xf32, #tpu.memory_space<hbm>> -> memref<10240x16xf32, #tpu.memory_space<hbm>>
      tpu.enqueue_indirect_dma source(%dma_start3A_727 : memref<10240x16xf32, #tpu.memory_space<hbm>>) target(%dma_start3A_721 : memref<125x16xf32, #tpu.memory_space<vmem>>) offsets(%dma_start3A_724 : memref<125xi32, #tpu.memory_space<vmem>>) semaphore(%arg14 : memref<!tpu.dma_semaphore, #tpu.memory_space<semaphore_mem>>)
      %add3A_728 = arith.constant 4 : i32
      %add3A_729 = arith.addi %mul3A_407, %add3A_728 : i32
      %dma_wait3A_730 = arith.constant 4 : i32
      %dma_wait3A_731 = arith.constant 0 : i32
      %dma_wait3A_732 = arith.constant 0 : i32
      %dma_wait3A_733 = tpu.memref_slice %arg8[%dma_wait3A_730, %dma_wait3A_731, %dma_wait3A_732] : memref<8x125x16xf32, #tpu.memory_space<vmem>> -> memref<1x125x16xf32, #tpu.memory_space<vmem>>
      %dma_wait3A_734 = tpu.memref_squeeze %dma_wait3A_733 : memref<1x125x16xf32, #tpu.memory_space<vmem>> -> memref<125x16xf32, #tpu.memory_space<vmem>>
      %dma_wait3A_735 = arith.constant 0 : i32
      %dma_wait3A_736 = tpu.memref_slice %arg7[%add3A_729, %dma_wait3A_735] : memref<80x125xi32, #tpu.memory_space<vmem>> -> memref<1x125xi32, #tpu.memory_space<vmem>>
      %dma_wait3A_737 = tpu.memref_squeeze %dma_wait3A_736 : memref<1x125xi32, #tpu.memory_space<vmem>> -> memref<125xi32, #tpu.memory_space<vmem>>
      %dma_wait3A_738 = arith.constant 0 : i32
      %dma_wait3A_739 = arith.constant 0 : i32
      %dma_wait3A_740 = tpu.memref_slice %arg10[%dma_wait3A_738, %dma_wait3A_739] : memref<10240x16xf32, #tpu.memory_space<vmem_shared>> -> memref<10240x16xf32, #tpu.memory_space<vmem_shared>>
      tpu.wait_indirect_dma semaphore(%arg23 : memref<!tpu.dma_semaphore, #tpu.memory_space<semaphore_mem>>) src(%dma_wait3A_734 : memref<125x16xf32, #tpu.memory_space<vmem>>) dst(%dma_wait3A_740 : memref<10240x16xf32, #tpu.memory_space<vmem_shared>>)
      %add3A_741 = arith.constant 8 : i32
      %add3A_742 = arith.addi %mul3A_407, %add3A_741 : i32
      %add3A_743 = arith.constant 4 : i32
      %add3A_744 = arith.addi %add3A_742, %add3A_743 : i32
      %dma_start3A_745 = arith.constant 4 : i32
      %dma_start3A_746 = arith.constant 0 : i32
      %dma_start3A_747 = arith.constant 0 : i32
      %dma_start3A_748 = tpu.memref_slice %arg8[%dma_start3A_745, %dma_start3A_746, %dma_start3A_747] : memref<8x125x16xf32, #tpu.memory_space<vmem>> -> memref<1x125x16xf32, #tpu.memory_space<vmem>>
      %dma_start3A_749 = tpu.memref_squeeze %dma_start3A_748 : memref<1x125x16xf32, #tpu.memory_space<vmem>> -> memref<125x16xf32, #tpu.memory_space<vmem>>
      %dma_start3A_750 = arith.constant 0 : i32
      %dma_start3A_751 = tpu.memref_slice %arg6[%add3A_744, %dma_start3A_750] : memref<80x125xi32, #tpu.memory_space<vmem>> -> memref<1x125xi32, #tpu.memory_space<vmem>>
      %dma_start3A_752 = tpu.memref_squeeze %dma_start3A_751 : memref<1x125xi32, #tpu.memory_space<vmem>> -> memref<125xi32, #tpu.memory_space<vmem>>
      %dma_start3A_753 = arith.constant 0 : i32
      %dma_start3A_754 = arith.constant 0 : i32
      %dma_start3A_755 = tpu.memref_slice %arg2[%dma_start3A_753, %dma_start3A_754] : memref<10240x16xf32, #tpu.memory_space<hbm>> -> memref<10240x16xf32, #tpu.memory_space<hbm>>
      tpu.enqueue_indirect_dma source(%dma_start3A_755 : memref<10240x16xf32, #tpu.memory_space<hbm>>) target(%dma_start3A_749 : memref<125x16xf32, #tpu.memory_space<vmem>>) offsets(%dma_start3A_752 : memref<125xi32, #tpu.memory_space<vmem>>) semaphore(%arg15 : memref<!tpu.dma_semaphore, #tpu.memory_space<semaphore_mem>>)
      %add3A_756 = arith.constant 5 : i32
      %add3A_757 = arith.addi %mul3A_407, %add3A_756 : i32
      %dma_wait3A_758 = arith.constant 5 : i32
      %dma_wait3A_759 = arith.constant 0 : i32
      %dma_wait3A_760 = arith.constant 0 : i32
      %dma_wait3A_761 = tpu.memref_slice %arg8[%dma_wait3A_758, %dma_wait3A_759, %dma_wait3A_760] : memref<8x125x16xf32, #tpu.memory_space<vmem>> -> memref<1x125x16xf32, #tpu.memory_space<vmem>>
      %dma_wait3A_762 = tpu.memref_squeeze %dma_wait3A_761 : memref<1x125x16xf32, #tpu.memory_space<vmem>> -> memref<125x16xf32, #tpu.memory_space<vmem>>
      %dma_wait3A_763 = arith.constant 0 : i32
      %dma_wait3A_764 = tpu.memref_slice %arg7[%add3A_757, %dma_wait3A_763] : memref<80x125xi32, #tpu.memory_space<vmem>> -> memref<1x125xi32, #tpu.memory_space<vmem>>
      %dma_wait3A_765 = tpu.memref_squeeze %dma_wait3A_764 : memref<1x125xi32, #tpu.memory_space<vmem>> -> memref<125xi32, #tpu.memory_space<vmem>>
      %dma_wait3A_766 = arith.constant 0 : i32
      %dma_wait3A_767 = arith.constant 0 : i32
      %dma_wait3A_768 = tpu.memref_slice %arg10[%dma_wait3A_766, %dma_wait3A_767] : memref<10240x16xf32, #tpu.memory_space<vmem_shared>> -> memref<10240x16xf32, #tpu.memory_space<vmem_shared>>
      tpu.wait_indirect_dma semaphore(%arg24 : memref<!tpu.dma_semaphore, #tpu.memory_space<semaphore_mem>>) src(%dma_wait3A_762 : memref<125x16xf32, #tpu.memory_space<vmem>>) dst(%dma_wait3A_768 : memref<10240x16xf32, #tpu.memory_space<vmem_shared>>)
      %add3A_769 = arith.constant 8 : i32
      %add3A_770 = arith.addi %mul3A_407, %add3A_769 : i32
      %add3A_771 = arith.constant 5 : i32
      %add3A_772 = arith.addi %add3A_770, %add3A_771 : i32
      %dma_start3A_773 = arith.constant 5 : i32
      %dma_start3A_774 = arith.constant 0 : i32
      %dma_start3A_775 = arith.constant 0 : i32
      %dma_start3A_776 = tpu.memref_slice %arg8[%dma_start3A_773, %dma_start3A_774, %dma_start3A_775] : memref<8x125x16xf32, #tpu.memory_space<vmem>> -> memref<1x125x16xf32, #tpu.memory_space<vmem>>
      %dma_start3A_777 = tpu.memref_squeeze %dma_start3A_776 : memref<1x125x16xf32, #tpu.memory_space<vmem>> -> memref<125x16xf32, #tpu.memory_space<vmem>>
      %dma_start3A_778 = arith.constant 0 : i32
      %dma_start3A_779 = tpu.memref_slice %arg6[%add3A_772, %dma_start3A_778] : memref<80x125xi32, #tpu.memory_space<vmem>> -> memref<1x125xi32, #tpu.memory_space<vmem>>
      %dma_start3A_780 = tpu.memref_squeeze %dma_start3A_779 : memref<1x125xi32, #tpu.memory_space<vmem>> -> memref<125xi32, #tpu.memory_space<vmem>>
      %dma_start3A_781 = arith.constant 0 : i32
      %dma_start3A_782 = arith.constant 0 : i32
      %dma_start3A_783 = tpu.memref_slice %arg2[%dma_start3A_781, %dma_start3A_782] : memref<10240x16xf32, #tpu.memory_space<hbm>> -> memref<10240x16xf32, #tpu.memory_space<hbm>>
      tpu.enqueue_indirect_dma source(%dma_start3A_783 : memref<10240x16xf32, #tpu.memory_space<hbm>>) target(%dma_start3A_777 : memref<125x16xf32, #tpu.memory_space<vmem>>) offsets(%dma_start3A_780 : memref<125xi32, #tpu.memory_space<vmem>>) semaphore(%arg16 : memref<!tpu.dma_semaphore, #tpu.memory_space<semaphore_mem>>)
      %add3A_784 = arith.constant 6 : i32
      %add3A_785 = arith.addi %mul3A_407, %add3A_784 : i32
      %dma_wait3A_786 = arith.constant 6 : i32
      %dma_wait3A_787 = arith.constant 0 : i32
      %dma_wait3A_788 = arith.constant 0 : i32
      %dma_wait3A_789 = tpu.memref_slice %arg8[%dma_wait3A_786, %dma_wait3A_787, %dma_wait3A_788] : memref<8x125x16xf32, #tpu.memory_space<vmem>> -> memref<1x125x16xf32, #tpu.memory_space<vmem>>
      %dma_wait3A_790 = tpu.memref_squeeze %dma_wait3A_789 : memref<1x125x16xf32, #tpu.memory_space<vmem>> -> memref<125x16xf32, #tpu.memory_space<vmem>>
      %dma_wait3A_791 = arith.constant 0 : i32
      %dma_wait3A_792 = tpu.memref_slice %arg7[%add3A_785, %dma_wait3A_791] : memref<80x125xi32, #tpu.memory_space<vmem>> -> memref<1x125xi32, #tpu.memory_space<vmem>>
      %dma_wait3A_793 = tpu.memref_squeeze %dma_wait3A_792 : memref<1x125xi32, #tpu.memory_space<vmem>> -> memref<125xi32, #tpu.memory_space<vmem>>
      %dma_wait3A_794 = arith.constant 0 : i32
      %dma_wait3A_795 = arith.constant 0 : i32
      %dma_wait3A_796 = tpu.memref_slice %arg10[%dma_wait3A_794, %dma_wait3A_795] : memref<10240x16xf32, #tpu.memory_space<vmem_shared>> -> memref<10240x16xf32, #tpu.memory_space<vmem_shared>>
      tpu.wait_indirect_dma semaphore(%arg25 : memref<!tpu.dma_semaphore, #tpu.memory_space<semaphore_mem>>) src(%dma_wait3A_790 : memref<125x16xf32, #tpu.memory_space<vmem>>) dst(%dma_wait3A_796 : memref<10240x16xf32, #tpu.memory_space<vmem_shared>>)
      %add3A_797 = arith.constant 8 : i32
      %add3A_798 = arith.addi %mul3A_407, %add3A_797 : i32
      %add3A_799 = arith.constant 6 : i32
      %add3A_800 = arith.addi %add3A_798, %add3A_799 : i32
      %dma_start3A_801 = arith.constant 6 : i32
      %dma_start3A_802 = arith.constant 0 : i32
      %dma_start3A_803 = arith.constant 0 : i32
      %dma_start3A_804 = tpu.memref_slice %arg8[%dma_start3A_801, %dma_start3A_802, %dma_start3A_803] : memref<8x125x16xf32, #tpu.memory_space<vmem>> -> memref<1x125x16xf32, #tpu.memory_space<vmem>>
      %dma_start3A_805 = tpu.memref_squeeze %dma_start3A_804 : memref<1x125x16xf32, #tpu.memory_space<vmem>> -> memref<125x16xf32, #tpu.memory_space<vmem>>
      %dma_start3A_806 = arith.constant 0 : i32
      %dma_start3A_807 = tpu.memref_slice %arg6[%add3A_800, %dma_start3A_806] : memref<80x125xi32, #tpu.memory_space<vmem>> -> memref<1x125xi32, #tpu.memory_space<vmem>>
      %dma_start3A_808 = tpu.memref_squeeze %dma_start3A_807 : memref<1x125xi32, #tpu.memory_space<vmem>> -> memref<125xi32, #tpu.memory_space<vmem>>
      %dma_start3A_809 = arith.constant 0 : i32
      %dma_start3A_810 = arith.constant 0 : i32
      %dma_start3A_811 = tpu.memref_slice %arg2[%dma_start3A_809, %dma_start3A_810] : memref<10240x16xf32, #tpu.memory_space<hbm>> -> memref<10240x16xf32, #tpu.memory_space<hbm>>
      tpu.enqueue_indirect_dma source(%dma_start3A_811 : memref<10240x16xf32, #tpu.memory_space<hbm>>) target(%dma_start3A_805 : memref<125x16xf32, #tpu.memory_space<vmem>>) offsets(%dma_start3A_808 : memref<125xi32, #tpu.memory_space<vmem>>) semaphore(%arg17 : memref<!tpu.dma_semaphore, #tpu.memory_space<semaphore_mem>>)
      %add3A_812 = arith.constant 7 : i32
      %add3A_813 = arith.addi %mul3A_407, %add3A_812 : i32
      %dma_wait3A_814 = arith.constant 7 : i32
      %dma_wait3A_815 = arith.constant 0 : i32
      %dma_wait3A_816 = arith.constant 0 : i32
      %dma_wait3A_817 = tpu.memref_slice %arg8[%dma_wait3A_814, %dma_wait3A_815, %dma_wait3A_816] : memref<8x125x16xf32, #tpu.memory_space<vmem>> -> memref<1x125x16xf32, #tpu.memory_space<vmem>>
      %dma_wait3A_818 = tpu.memref_squeeze %dma_wait3A_817 : memref<1x125x16xf32, #tpu.memory_space<vmem>> -> memref<125x16xf32, #tpu.memory_space<vmem>>
      %dma_wait3A_819 = arith.constant 0 : i32
      %dma_wait3A_820 = tpu.memref_slice %arg7[%add3A_813, %dma_wait3A_819] : memref<80x125xi32, #tpu.memory_space<vmem>> -> memref<1x125xi32, #tpu.memory_space<vmem>>
      %dma_wait3A_821 = tpu.memref_squeeze %dma_wait3A_820 : memref<1x125xi32, #tpu.memory_space<vmem>> -> memref<125xi32, #tpu.memory_space<vmem>>
      %dma_wait3A_822 = arith.constant 0 : i32
      %dma_wait3A_823 = arith.constant 0 : i32
      %dma_wait3A_824 = tpu.memref_slice %arg10[%dma_wait3A_822, %dma_wait3A_823] : memref<10240x16xf32, #tpu.memory_space<vmem_shared>> -> memref<10240x16xf32, #tpu.memory_space<vmem_shared>>
      tpu.wait_indirect_dma semaphore(%arg26 : memref<!tpu.dma_semaphore, #tpu.memory_space<semaphore_mem>>) src(%dma_wait3A_818 : memref<125x16xf32, #tpu.memory_space<vmem>>) dst(%dma_wait3A_824 : memref<10240x16xf32, #tpu.memory_space<vmem_shared>>)
      %add3A_825 = arith.constant 8 : i32
      %add3A_826 = arith.addi %mul3A_407, %add3A_825 : i32
      %add3A_827 = arith.constant 7 : i32
      %add3A_828 = arith.addi %add3A_826, %add3A_827 : i32
      %dma_start3A_829 = arith.constant 7 : i32
      %dma_start3A_830 = arith.constant 0 : i32
      %dma_start3A_831 = arith.constant 0 : i32
      %dma_start3A_832 = tpu.memref_slice %arg8[%dma_start3A_829, %dma_start3A_830, %dma_start3A_831] : memref<8x125x16xf32, #tpu.memory_space<vmem>> -> memref<1x125x16xf32, #tpu.memory_space<vmem>>
      %dma_start3A_833 = tpu.memref_squeeze %dma_start3A_832 : memref<1x125x16xf32, #tpu.memory_space<vmem>> -> memref<125x16xf32, #tpu.memory_space<vmem>>
      %dma_start3A_834 = arith.constant 0 : i32
      %dma_start3A_835 = tpu.memref_slice %arg6[%add3A_828, %dma_start3A_834] : memref<80x125xi32, #tpu.memory_space<vmem>> -> memref<1x125xi32, #tpu.memory_space<vmem>>
      %dma_start3A_836 = tpu.memref_squeeze %dma_start3A_835 : memref<1x125xi32, #tpu.memory_space<vmem>> -> memref<125xi32, #tpu.memory_space<vmem>>
      %dma_start3A_837 = arith.constant 0 : i32
      %dma_start3A_838 = arith.constant 0 : i32
      %dma_start3A_839 = tpu.memref_slice %arg2[%dma_start3A_837, %dma_start3A_838] : memref<10240x16xf32, #tpu.memory_space<hbm>> -> memref<10240x16xf32, #tpu.memory_space<hbm>>
      tpu.enqueue_indirect_dma source(%dma_start3A_839 : memref<10240x16xf32, #tpu.memory_space<hbm>>) target(%dma_start3A_833 : memref<125x16xf32, #tpu.memory_space<vmem>>) offsets(%dma_start3A_836 : memref<125xi32, #tpu.memory_space<vmem>>) semaphore(%arg18 : memref<!tpu.dma_semaphore, #tpu.memory_space<semaphore_mem>>)
    }
    %scan3A_112 = arith.constant 9 : i32
    %dma_wait3A = arith.constant 72 : i32
    %dma_wait3A_113 = arith.constant 0 : i32
    %dma_wait3A_114 = arith.constant 0 : i32
    %dma_wait3A_115 = arith.constant 0 : i32
    %dma_wait3A_116 = tpu.memref_slice %arg8[%dma_wait3A_113, %dma_wait3A_114, %dma_wait3A_115] : memref<8x125x16xf32, #tpu.memory_space<vmem>> -> memref<1x125x16xf32, #tpu.memory_space<vmem>>
    %dma_wait3A_117 = tpu.memref_squeeze %dma_wait3A_116 : memref<1x125x16xf32, #tpu.memory_space<vmem>> -> memref<125x16xf32, #tpu.memory_space<vmem>>
    %dma_wait3A_118 = arith.constant 0 : i32
    %dma_wait3A_119 = tpu.memref_slice %arg6[%dma_wait3A, %dma_wait3A_118] : memref<80x125xi32, #tpu.memory_space<vmem>> -> memref<1x125xi32, #tpu.memory_space<vmem>>
    %dma_wait3A_120 = tpu.memref_squeeze %dma_wait3A_119 : memref<1x125xi32, #tpu.memory_space<vmem>> -> memref<125xi32, #tpu.memory_space<vmem>>
    %dma_wait3A_121 = arith.constant 0 : i32
    %dma_wait3A_122 = arith.constant 0 : i32
    %dma_wait3A_123 = tpu.memref_slice %arg2[%dma_wait3A_121, %dma_wait3A_122] : memref<10240x16xf32, #tpu.memory_space<hbm>> -> memref<10240x16xf32, #tpu.memory_space<hbm>>
    tpu.wait_indirect_dma semaphore(%arg11 : memref<!tpu.dma_semaphore, #tpu.memory_space<semaphore_mem>>) src(%dma_wait3A_123 : memref<10240x16xf32, #tpu.memory_space<hbm>>) dst(%dma_wait3A_117 : memref<125x16xf32, #tpu.memory_space<vmem>>)
    %dma_start3A_124 = arith.constant 0 : i32
    %dma_start3A_125 = arith.constant 72 : i32
    %dma_start3A_126 = arith.constant 0 : i32
    %dma_start3A_127 = arith.constant 0 : i32
    %dma_start3A_128 = tpu.memref_slice %arg8[%dma_start3A_124, %dma_start3A_126, %dma_start3A_127] : memref<8x125x16xf32, #tpu.memory_space<vmem>> -> memref<1x125x16xf32, #tpu.memory_space<vmem>>
    %dma_start3A_129 = tpu.memref_squeeze %dma_start3A_128 : memref<1x125x16xf32, #tpu.memory_space<vmem>> -> memref<125x16xf32, #tpu.memory_space<vmem>>
    %dma_start3A_130 = arith.constant 0 : i32
    %dma_start3A_131 = tpu.memref_slice %arg7[%dma_start3A_125, %dma_start3A_130] : memref<80x125xi32, #tpu.memory_space<vmem>> -> memref<1x125xi32, #tpu.memory_space<vmem>>
    %dma_start3A_132 = tpu.memref_squeeze %dma_start3A_131 : memref<1x125xi32, #tpu.memory_space<vmem>> -> memref<125xi32, #tpu.memory_space<vmem>>
    %dma_start3A_133 = arith.constant 0 : i32
    %dma_start3A_134 = arith.constant 0 : i32
    %dma_start3A_135 = tpu.memref_slice %arg10[%dma_start3A_133, %dma_start3A_134] : memref<10240x16xf32, #tpu.memory_space<vmem_shared>> -> memref<10240x16xf32, #tpu.memory_space<vmem_shared>>
    tpu.enqueue_indirect_dma source(%dma_start3A_129 : memref<125x16xf32, #tpu.memory_space<vmem>>) target(%dma_start3A_135 : memref<10240x16xf32, #tpu.memory_space<vmem_shared>>) offsets(%dma_start3A_132 : memref<125xi32, #tpu.memory_space<vmem>>) semaphore(%arg19 : memref<!tpu.dma_semaphore, #tpu.memory_space<semaphore_mem>>) {add = true}
    %dma_wait3A_136 = arith.constant 73 : i32
    %dma_wait3A_137 = arith.constant 1 : i32
    %dma_wait3A_138 = arith.constant 0 : i32
    %dma_wait3A_139 = arith.constant 0 : i32
    %dma_wait3A_140 = tpu.memref_slice %arg8[%dma_wait3A_137, %dma_wait3A_138, %dma_wait3A_139] : memref<8x125x16xf32, #tpu.memory_space<vmem>> -> memref<1x125x16xf32, #tpu.memory_space<vmem>>
    %dma_wait3A_141 = tpu.memref_squeeze %dma_wait3A_140 : memref<1x125x16xf32, #tpu.memory_space<vmem>> -> memref<125x16xf32, #tpu.memory_space<vmem>>
    %dma_wait3A_142 = arith.constant 0 : i32
    %dma_wait3A_143 = tpu.memref_slice %arg6[%dma_wait3A_136, %dma_wait3A_142] : memref<80x125xi32, #tpu.memory_space<vmem>> -> memref<1x125xi32, #tpu.memory_space<vmem>>
    %dma_wait3A_144 = tpu.memref_squeeze %dma_wait3A_143 : memref<1x125xi32, #tpu.memory_space<vmem>> -> memref<125xi32, #tpu.memory_space<vmem>>
    %dma_wait3A_145 = arith.constant 0 : i32
    %dma_wait3A_146 = arith.constant 0 : i32
    %dma_wait3A_147 = tpu.memref_slice %arg2[%dma_wait3A_145, %dma_wait3A_146] : memref<10240x16xf32, #tpu.memory_space<hbm>> -> memref<10240x16xf32, #tpu.memory_space<hbm>>
    tpu.wait_indirect_dma semaphore(%arg12 : memref<!tpu.dma_semaphore, #tpu.memory_space<semaphore_mem>>) src(%dma_wait3A_147 : memref<10240x16xf32, #tpu.memory_space<hbm>>) dst(%dma_wait3A_141 : memref<125x16xf32, #tpu.memory_space<vmem>>)
    %dma_start3A_148 = arith.constant 1 : i32
    %dma_start3A_149 = arith.constant 73 : i32
    %dma_start3A_150 = arith.constant 0 : i32
    %dma_start3A_151 = arith.constant 0 : i32
    %dma_start3A_152 = tpu.memref_slice %arg8[%dma_start3A_148, %dma_start3A_150, %dma_start3A_151] : memref<8x125x16xf32, #tpu.memory_space<vmem>> -> memref<1x125x16xf32, #tpu.memory_space<vmem>>
    %dma_start3A_153 = tpu.memref_squeeze %dma_start3A_152 : memref<1x125x16xf32, #tpu.memory_space<vmem>> -> memref<125x16xf32, #tpu.memory_space<vmem>>
    %dma_start3A_154 = arith.constant 0 : i32
    %dma_start3A_155 = tpu.memref_slice %arg7[%dma_start3A_149, %dma_start3A_154] : memref<80x125xi32, #tpu.memory_space<vmem>> -> memref<1x125xi32, #tpu.memory_space<vmem>>
    %dma_start3A_156 = tpu.memref_squeeze %dma_start3A_155 : memref<1x125xi32, #tpu.memory_space<vmem>> -> memref<125xi32, #tpu.memory_space<vmem>>
    %dma_start3A_157 = arith.constant 0 : i32
    %dma_start3A_158 = arith.constant 0 : i32
    %dma_start3A_159 = tpu.memref_slice %arg10[%dma_start3A_157, %dma_start3A_158] : memref<10240x16xf32, #tpu.memory_space<vmem_shared>> -> memref<10240x16xf32, #tpu.memory_space<vmem_shared>>
    tpu.enqueue_indirect_dma source(%dma_start3A_153 : memref<125x16xf32, #tpu.memory_space<vmem>>) target(%dma_start3A_159 : memref<10240x16xf32, #tpu.memory_space<vmem_shared>>) offsets(%dma_start3A_156 : memref<125xi32, #tpu.memory_space<vmem>>) semaphore(%arg20 : memref<!tpu.dma_semaphore, #tpu.memory_space<semaphore_mem>>) {add = true}
    %dma_wait3A_160 = arith.constant 74 : i32
    %dma_wait3A_161 = arith.constant 2 : i32
    %dma_wait3A_162 = arith.constant 0 : i32
    %dma_wait3A_163 = arith.constant 0 : i32
    %dma_wait3A_164 = tpu.memref_slice %arg8[%dma_wait3A_161, %dma_wait3A_162, %dma_wait3A_163] : memref<8x125x16xf32, #tpu.memory_space<vmem>> -> memref<1x125x16xf32, #tpu.memory_space<vmem>>
    %dma_wait3A_165 = tpu.memref_squeeze %dma_wait3A_164 : memref<1x125x16xf32, #tpu.memory_space<vmem>> -> memref<125x16xf32, #tpu.memory_space<vmem>>
    %dma_wait3A_166 = arith.constant 0 : i32
    %dma_wait3A_167 = tpu.memref_slice %arg6[%dma_wait3A_160, %dma_wait3A_166] : memref<80x125xi32, #tpu.memory_space<vmem>> -> memref<1x125xi32, #tpu.memory_space<vmem>>
    %dma_wait3A_168 = tpu.memref_squeeze %dma_wait3A_167 : memref<1x125xi32, #tpu.memory_space<vmem>> -> memref<125xi32, #tpu.memory_space<vmem>>
    %dma_wait3A_169 = arith.constant 0 : i32
    %dma_wait3A_170 = arith.constant 0 : i32
    %dma_wait3A_171 = tpu.memref_slice %arg2[%dma_wait3A_169, %dma_wait3A_170] : memref<10240x16xf32, #tpu.memory_space<hbm>> -> memref<10240x16xf32, #tpu.memory_space<hbm>>
    tpu.wait_indirect_dma semaphore(%arg13 : memref<!tpu.dma_semaphore, #tpu.memory_space<semaphore_mem>>) src(%dma_wait3A_171 : memref<10240x16xf32, #tpu.memory_space<hbm>>) dst(%dma_wait3A_165 : memref<125x16xf32, #tpu.memory_space<vmem>>)
    %dma_start3A_172 = arith.constant 2 : i32
    %dma_start3A_173 = arith.constant 74 : i32
    %dma_start3A_174 = arith.constant 0 : i32
    %dma_start3A_175 = arith.constant 0 : i32
    %dma_start3A_176 = tpu.memref_slice %arg8[%dma_start3A_172, %dma_start3A_174, %dma_start3A_175] : memref<8x125x16xf32, #tpu.memory_space<vmem>> -> memref<1x125x16xf32, #tpu.memory_space<vmem>>
    %dma_start3A_177 = tpu.memref_squeeze %dma_start3A_176 : memref<1x125x16xf32, #tpu.memory_space<vmem>> -> memref<125x16xf32, #tpu.memory_space<vmem>>
    %dma_start3A_178 = arith.constant 0 : i32
    %dma_start3A_179 = tpu.memref_slice %arg7[%dma_start3A_173, %dma_start3A_178] : memref<80x125xi32, #tpu.memory_space<vmem>> -> memref<1x125xi32, #tpu.memory_space<vmem>>
    %dma_start3A_180 = tpu.memref_squeeze %dma_start3A_179 : memref<1x125xi32, #tpu.memory_space<vmem>> -> memref<125xi32, #tpu.memory_space<vmem>>
    %dma_start3A_181 = arith.constant 0 : i32
    %dma_start3A_182 = arith.constant 0 : i32
    %dma_start3A_183 = tpu.memref_slice %arg10[%dma_start3A_181, %dma_start3A_182] : memref<10240x16xf32, #tpu.memory_space<vmem_shared>> -> memref<10240x16xf32, #tpu.memory_space<vmem_shared>>
    tpu.enqueue_indirect_dma source(%dma_start3A_177 : memref<125x16xf32, #tpu.memory_space<vmem>>) target(%dma_start3A_183 : memref<10240x16xf32, #tpu.memory_space<vmem_shared>>) offsets(%dma_start3A_180 : memref<125xi32, #tpu.memory_space<vmem>>) semaphore(%arg21 : memref<!tpu.dma_semaphore, #tpu.memory_space<semaphore_mem>>) {add = true}
    %dma_wait3A_184 = arith.constant 75 : i32
    %dma_wait3A_185 = arith.constant 3 : i32
    %dma_wait3A_186 = arith.constant 0 : i32
    %dma_wait3A_187 = arith.constant 0 : i32
    %dma_wait3A_188 = tpu.memref_slice %arg8[%dma_wait3A_185, %dma_wait3A_186, %dma_wait3A_187] : memref<8x125x16xf32, #tpu.memory_space<vmem>> -> memref<1x125x16xf32, #tpu.memory_space<vmem>>
    %dma_wait3A_189 = tpu.memref_squeeze %dma_wait3A_188 : memref<1x125x16xf32, #tpu.memory_space<vmem>> -> memref<125x16xf32, #tpu.memory_space<vmem>>
    %dma_wait3A_190 = arith.constant 0 : i32
    %dma_wait3A_191 = tpu.memref_slice %arg6[%dma_wait3A_184, %dma_wait3A_190] : memref<80x125xi32, #tpu.memory_space<vmem>> -> memref<1x125xi32, #tpu.memory_space<vmem>>
    %dma_wait3A_192 = tpu.memref_squeeze %dma_wait3A_191 : memref<1x125xi32, #tpu.memory_space<vmem>> -> memref<125xi32, #tpu.memory_space<vmem>>
    %dma_wait3A_193 = arith.constant 0 : i32
    %dma_wait3A_194 = arith.constant 0 : i32
    %dma_wait3A_195 = tpu.memref_slice %arg2[%dma_wait3A_193, %dma_wait3A_194] : memref<10240x16xf32, #tpu.memory_space<hbm>> -> memref<10240x16xf32, #tpu.memory_space<hbm>>
    tpu.wait_indirect_dma semaphore(%arg14 : memref<!tpu.dma_semaphore, #tpu.memory_space<semaphore_mem>>) src(%dma_wait3A_195 : memref<10240x16xf32, #tpu.memory_space<hbm>>) dst(%dma_wait3A_189 : memref<125x16xf32, #tpu.memory_space<vmem>>)
    %dma_start3A_196 = arith.constant 3 : i32
    %dma_start3A_197 = arith.constant 75 : i32
    %dma_start3A_198 = arith.constant 0 : i32
    %dma_start3A_199 = arith.constant 0 : i32
    %dma_start3A_200 = tpu.memref_slice %arg8[%dma_start3A_196, %dma_start3A_198, %dma_start3A_199] : memref<8x125x16xf32, #tpu.memory_space<vmem>> -> memref<1x125x16xf32, #tpu.memory_space<vmem>>
    %dma_start3A_201 = tpu.memref_squeeze %dma_start3A_200 : memref<1x125x16xf32, #tpu.memory_space<vmem>> -> memref<125x16xf32, #tpu.memory_space<vmem>>
    %dma_start3A_202 = arith.constant 0 : i32
    %dma_start3A_203 = tpu.memref_slice %arg7[%dma_start3A_197, %dma_start3A_202] : memref<80x125xi32, #tpu.memory_space<vmem>> -> memref<1x125xi32, #tpu.memory_space<vmem>>
    %dma_start3A_204 = tpu.memref_squeeze %dma_start3A_203 : memref<1x125xi32, #tpu.memory_space<vmem>> -> memref<125xi32, #tpu.memory_space<vmem>>
    %dma_start3A_205 = arith.constant 0 : i32
    %dma_start3A_206 = arith.constant 0 : i32
    %dma_start3A_207 = tpu.memref_slice %arg10[%dma_start3A_205, %dma_start3A_206] : memref<10240x16xf32, #tpu.memory_space<vmem_shared>> -> memref<10240x16xf32, #tpu.memory_space<vmem_shared>>
    tpu.enqueue_indirect_dma source(%dma_start3A_201 : memref<125x16xf32, #tpu.memory_space<vmem>>) target(%dma_start3A_207 : memref<10240x16xf32, #tpu.memory_space<vmem_shared>>) offsets(%dma_start3A_204 : memref<125xi32, #tpu.memory_space<vmem>>) semaphore(%arg22 : memref<!tpu.dma_semaphore, #tpu.memory_space<semaphore_mem>>) {add = true}
    %dma_wait3A_208 = arith.constant 76 : i32
    %dma_wait3A_209 = arith.constant 4 : i32
    %dma_wait3A_210 = arith.constant 0 : i32
    %dma_wait3A_211 = arith.constant 0 : i32
    %dma_wait3A_212 = tpu.memref_slice %arg8[%dma_wait3A_209, %dma_wait3A_210, %dma_wait3A_211] : memref<8x125x16xf32, #tpu.memory_space<vmem>> -> memref<1x125x16xf32, #tpu.memory_space<vmem>>
    %dma_wait3A_213 = tpu.memref_squeeze %dma_wait3A_212 : memref<1x125x16xf32, #tpu.memory_space<vmem>> -> memref<125x16xf32, #tpu.memory_space<vmem>>
    %dma_wait3A_214 = arith.constant 0 : i32
    %dma_wait3A_215 = tpu.memref_slice %arg6[%dma_wait3A_208, %dma_wait3A_214] : memref<80x125xi32, #tpu.memory_space<vmem>> -> memref<1x125xi32, #tpu.memory_space<vmem>>
    %dma_wait3A_216 = tpu.memref_squeeze %dma_wait3A_215 : memref<1x125xi32, #tpu.memory_space<vmem>> -> memref<125xi32, #tpu.memory_space<vmem>>
    %dma_wait3A_217 = arith.constant 0 : i32
    %dma_wait3A_218 = arith.constant 0 : i32
    %dma_wait3A_219 = tpu.memref_slice %arg2[%dma_wait3A_217, %dma_wait3A_218] : memref<10240x16xf32, #tpu.memory_space<hbm>> -> memref<10240x16xf32, #tpu.memory_space<hbm>>
    tpu.wait_indirect_dma semaphore(%arg15 : memref<!tpu.dma_semaphore, #tpu.memory_space<semaphore_mem>>) src(%dma_wait3A_219 : memref<10240x16xf32, #tpu.memory_space<hbm>>) dst(%dma_wait3A_213 : memref<125x16xf32, #tpu.memory_space<vmem>>)
    %dma_start3A_220 = arith.constant 4 : i32
    %dma_start3A_221 = arith.constant 76 : i32
    %dma_start3A_222 = arith.constant 0 : i32
    %dma_start3A_223 = arith.constant 0 : i32
    %dma_start3A_224 = tpu.memref_slice %arg8[%dma_start3A_220, %dma_start3A_222, %dma_start3A_223] : memref<8x125x16xf32, #tpu.memory_space<vmem>> -> memref<1x125x16xf32, #tpu.memory_space<vmem>>
    %dma_start3A_225 = tpu.memref_squeeze %dma_start3A_224 : memref<1x125x16xf32, #tpu.memory_space<vmem>> -> memref<125x16xf32, #tpu.memory_space<vmem>>
    %dma_start3A_226 = arith.constant 0 : i32
    %dma_start3A_227 = tpu.memref_slice %arg7[%dma_start3A_221, %dma_start3A_226] : memref<80x125xi32, #tpu.memory_space<vmem>> -> memref<1x125xi32, #tpu.memory_space<vmem>>
    %dma_start3A_228 = tpu.memref_squeeze %dma_start3A_227 : memref<1x125xi32, #tpu.memory_space<vmem>> -> memref<125xi32, #tpu.memory_space<vmem>>
    %dma_start3A_229 = arith.constant 0 : i32
    %dma_start3A_230 = arith.constant 0 : i32
    %dma_start3A_231 = tpu.memref_slice %arg10[%dma_start3A_229, %dma_start3A_230] : memref<10240x16xf32, #tpu.memory_space<vmem_shared>> -> memref<10240x16xf32, #tpu.memory_space<vmem_shared>>
    tpu.enqueue_indirect_dma source(%dma_start3A_225 : memref<125x16xf32, #tpu.memory_space<vmem>>) target(%dma_start3A_231 : memref<10240x16xf32, #tpu.memory_space<vmem_shared>>) offsets(%dma_start3A_228 : memref<125xi32, #tpu.memory_space<vmem>>) semaphore(%arg23 : memref<!tpu.dma_semaphore, #tpu.memory_space<semaphore_mem>>) {add = true}
    %dma_wait3A_232 = arith.constant 77 : i32
    %dma_wait3A_233 = arith.constant 5 : i32
    %dma_wait3A_234 = arith.constant 0 : i32
    %dma_wait3A_235 = arith.constant 0 : i32
    %dma_wait3A_236 = tpu.memref_slice %arg8[%dma_wait3A_233, %dma_wait3A_234, %dma_wait3A_235] : memref<8x125x16xf32, #tpu.memory_space<vmem>> -> memref<1x125x16xf32, #tpu.memory_space<vmem>>
    %dma_wait3A_237 = tpu.memref_squeeze %dma_wait3A_236 : memref<1x125x16xf32, #tpu.memory_space<vmem>> -> memref<125x16xf32, #tpu.memory_space<vmem>>
    %dma_wait3A_238 = arith.constant 0 : i32
    %dma_wait3A_239 = tpu.memref_slice %arg6[%dma_wait3A_232, %dma_wait3A_238] : memref<80x125xi32, #tpu.memory_space<vmem>> -> memref<1x125xi32, #tpu.memory_space<vmem>>
    %dma_wait3A_240 = tpu.memref_squeeze %dma_wait3A_239 : memref<1x125xi32, #tpu.memory_space<vmem>> -> memref<125xi32, #tpu.memory_space<vmem>>
    %dma_wait3A_241 = arith.constant 0 : i32
    %dma_wait3A_242 = arith.constant 0 : i32
    %dma_wait3A_243 = tpu.memref_slice %arg2[%dma_wait3A_241, %dma_wait3A_242] : memref<10240x16xf32, #tpu.memory_space<hbm>> -> memref<10240x16xf32, #tpu.memory_space<hbm>>
    tpu.wait_indirect_dma semaphore(%arg16 : memref<!tpu.dma_semaphore, #tpu.memory_space<semaphore_mem>>) src(%dma_wait3A_243 : memref<10240x16xf32, #tpu.memory_space<hbm>>) dst(%dma_wait3A_237 : memref<125x16xf32, #tpu.memory_space<vmem>>)
    %dma_start3A_244 = arith.constant 5 : i32
    %dma_start3A_245 = arith.constant 77 : i32
    %dma_start3A_246 = arith.constant 0 : i32
    %dma_start3A_247 = arith.constant 0 : i32
    %dma_start3A_248 = tpu.memref_slice %arg8[%dma_start3A_244, %dma_start3A_246, %dma_start3A_247] : memref<8x125x16xf32, #tpu.memory_space<vmem>> -> memref<1x125x16xf32, #tpu.memory_space<vmem>>
    %dma_start3A_249 = tpu.memref_squeeze %dma_start3A_248 : memref<1x125x16xf32, #tpu.memory_space<vmem>> -> memref<125x16xf32, #tpu.memory_space<vmem>>
    %dma_start3A_250 = arith.constant 0 : i32
    %dma_start3A_251 = tpu.memref_slice %arg7[%dma_start3A_245, %dma_start3A_250] : memref<80x125xi32, #tpu.memory_space<vmem>> -> memref<1x125xi32, #tpu.memory_space<vmem>>
    %dma_start3A_252 = tpu.memref_squeeze %dma_start3A_251 : memref<1x125xi32, #tpu.memory_space<vmem>> -> memref<125xi32, #tpu.memory_space<vmem>>
    %dma_start3A_253 = arith.constant 0 : i32
    %dma_start3A_254 = arith.constant 0 : i32
    %dma_start3A_255 = tpu.memref_slice %arg10[%dma_start3A_253, %dma_start3A_254] : memref<10240x16xf32, #tpu.memory_space<vmem_shared>> -> memref<10240x16xf32, #tpu.memory_space<vmem_shared>>
    tpu.enqueue_indirect_dma source(%dma_start3A_249 : memref<125x16xf32, #tpu.memory_space<vmem>>) target(%dma_start3A_255 : memref<10240x16xf32, #tpu.memory_space<vmem_shared>>) offsets(%dma_start3A_252 : memref<125xi32, #tpu.memory_space<vmem>>) semaphore(%arg24 : memref<!tpu.dma_semaphore, #tpu.memory_space<semaphore_mem>>) {add = true}
    %dma_wait3A_256 = arith.constant 78 : i32
    %dma_wait3A_257 = arith.constant 6 : i32
    %dma_wait3A_258 = arith.constant 0 : i32
    %dma_wait3A_259 = arith.constant 0 : i32
    %dma_wait3A_260 = tpu.memref_slice %arg8[%dma_wait3A_257, %dma_wait3A_258, %dma_wait3A_259] : memref<8x125x16xf32, #tpu.memory_space<vmem>> -> memref<1x125x16xf32, #tpu.memory_space<vmem>>
    %dma_wait3A_261 = tpu.memref_squeeze %dma_wait3A_260 : memref<1x125x16xf32, #tpu.memory_space<vmem>> -> memref<125x16xf32, #tpu.memory_space<vmem>>
    %dma_wait3A_262 = arith.constant 0 : i32
    %dma_wait3A_263 = tpu.memref_slice %arg6[%dma_wait3A_256, %dma_wait3A_262] : memref<80x125xi32, #tpu.memory_space<vmem>> -> memref<1x125xi32, #tpu.memory_space<vmem>>
    %dma_wait3A_264 = tpu.memref_squeeze %dma_wait3A_263 : memref<1x125xi32, #tpu.memory_space<vmem>> -> memref<125xi32, #tpu.memory_space<vmem>>
    %dma_wait3A_265 = arith.constant 0 : i32
    %dma_wait3A_266 = arith.constant 0 : i32
    %dma_wait3A_267 = tpu.memref_slice %arg2[%dma_wait3A_265, %dma_wait3A_266] : memref<10240x16xf32, #tpu.memory_space<hbm>> -> memref<10240x16xf32, #tpu.memory_space<hbm>>
    tpu.wait_indirect_dma semaphore(%arg17 : memref<!tpu.dma_semaphore, #tpu.memory_space<semaphore_mem>>) src(%dma_wait3A_267 : memref<10240x16xf32, #tpu.memory_space<hbm>>) dst(%dma_wait3A_261 : memref<125x16xf32, #tpu.memory_space<vmem>>)
    %dma_start3A_268 = arith.constant 6 : i32
    %dma_start3A_269 = arith.constant 78 : i32
    %dma_start3A_270 = arith.constant 0 : i32
    %dma_start3A_271 = arith.constant 0 : i32
    %dma_start3A_272 = tpu.memref_slice %arg8[%dma_start3A_268, %dma_start3A_270, %dma_start3A_271] : memref<8x125x16xf32, #tpu.memory_space<vmem>> -> memref<1x125x16xf32, #tpu.memory_space<vmem>>
    %dma_start3A_273 = tpu.memref_squeeze %dma_start3A_272 : memref<1x125x16xf32, #tpu.memory_space<vmem>> -> memref<125x16xf32, #tpu.memory_space<vmem>>
    %dma_start3A_274 = arith.constant 0 : i32
    %dma_start3A_275 = tpu.memref_slice %arg7[%dma_start3A_269, %dma_start3A_274] : memref<80x125xi32, #tpu.memory_space<vmem>> -> memref<1x125xi32, #tpu.memory_space<vmem>>
    %dma_start3A_276 = tpu.memref_squeeze %dma_start3A_275 : memref<1x125xi32, #tpu.memory_space<vmem>> -> memref<125xi32, #tpu.memory_space<vmem>>
    %dma_start3A_277 = arith.constant 0 : i32
    %dma_start3A_278 = arith.constant 0 : i32
    %dma_start3A_279 = tpu.memref_slice %arg10[%dma_start3A_277, %dma_start3A_278] : memref<10240x16xf32, #tpu.memory_space<vmem_shared>> -> memref<10240x16xf32, #tpu.memory_space<vmem_shared>>
    tpu.enqueue_indirect_dma source(%dma_start3A_273 : memref<125x16xf32, #tpu.memory_space<vmem>>) target(%dma_start3A_279 : memref<10240x16xf32, #tpu.memory_space<vmem_shared>>) offsets(%dma_start3A_276 : memref<125xi32, #tpu.memory_space<vmem>>) semaphore(%arg25 : memref<!tpu.dma_semaphore, #tpu.memory_space<semaphore_mem>>) {add = true}
    %dma_wait3A_280 = arith.constant 79 : i32
    %dma_wait3A_281 = arith.constant 7 : i32
    %dma_wait3A_282 = arith.constant 0 : i32
    %dma_wait3A_283 = arith.constant 0 : i32
    %dma_wait3A_284 = tpu.memref_slice %arg8[%dma_wait3A_281, %dma_wait3A_282, %dma_wait3A_283] : memref<8x125x16xf32, #tpu.memory_space<vmem>> -> memref<1x125x16xf32, #tpu.memory_space<vmem>>
    %dma_wait3A_285 = tpu.memref_squeeze %dma_wait3A_284 : memref<1x125x16xf32, #tpu.memory_space<vmem>> -> memref<125x16xf32, #tpu.memory_space<vmem>>
    %dma_wait3A_286 = arith.constant 0 : i32
    %dma_wait3A_287 = tpu.memref_slice %arg6[%dma_wait3A_280, %dma_wait3A_286] : memref<80x125xi32, #tpu.memory_space<vmem>> -> memref<1x125xi32, #tpu.memory_space<vmem>>
    %dma_wait3A_288 = tpu.memref_squeeze %dma_wait3A_287 : memref<1x125xi32, #tpu.memory_space<vmem>> -> memref<125xi32, #tpu.memory_space<vmem>>
    %dma_wait3A_289 = arith.constant 0 : i32
    %dma_wait3A_290 = arith.constant 0 : i32
    %dma_wait3A_291 = tpu.memref_slice %arg2[%dma_wait3A_289, %dma_wait3A_290] : memref<10240x16xf32, #tpu.memory_space<hbm>> -> memref<10240x16xf32, #tpu.memory_space<hbm>>
    tpu.wait_indirect_dma semaphore(%arg18 : memref<!tpu.dma_semaphore, #tpu.memory_space<semaphore_mem>>) src(%dma_wait3A_291 : memref<10240x16xf32, #tpu.memory_space<hbm>>) dst(%dma_wait3A_285 : memref<125x16xf32, #tpu.memory_space<vmem>>)
    %dma_start3A_292 = arith.constant 7 : i32
    %dma_start3A_293 = arith.constant 79 : i32
    %dma_start3A_294 = arith.constant 0 : i32
    %dma_start3A_295 = arith.constant 0 : i32
    %dma_start3A_296 = tpu.memref_slice %arg8[%dma_start3A_292, %dma_start3A_294, %dma_start3A_295] : memref<8x125x16xf32, #tpu.memory_space<vmem>> -> memref<1x125x16xf32, #tpu.memory_space<vmem>>
    %dma_start3A_297 = tpu.memref_squeeze %dma_start3A_296 : memref<1x125x16xf32, #tpu.memory_space<vmem>> -> memref<125x16xf32, #tpu.memory_space<vmem>>
    %dma_start3A_298 = arith.constant 0 : i32
    %dma_start3A_299 = tpu.memref_slice %arg7[%dma_start3A_293, %dma_start3A_298] : memref<80x125xi32, #tpu.memory_space<vmem>> -> memref<1x125xi32, #tpu.memory_space<vmem>>
    %dma_start3A_300 = tpu.memref_squeeze %dma_start3A_299 : memref<1x125xi32, #tpu.memory_space<vmem>> -> memref<125xi32, #tpu.memory_space<vmem>>
    %dma_start3A_301 = arith.constant 0 : i32
    %dma_start3A_302 = arith.constant 0 : i32
    %dma_start3A_303 = tpu.memref_slice %arg10[%dma_start3A_301, %dma_start3A_302] : memref<10240x16xf32, #tpu.memory_space<vmem_shared>> -> memref<10240x16xf32, #tpu.memory_space<vmem_shared>>
    tpu.enqueue_indirect_dma source(%dma_start3A_297 : memref<125x16xf32, #tpu.memory_space<vmem>>) target(%dma_start3A_303 : memref<10240x16xf32, #tpu.memory_space<vmem_shared>>) offsets(%dma_start3A_300 : memref<125xi32, #tpu.memory_space<vmem>>) semaphore(%arg26 : memref<!tpu.dma_semaphore, #tpu.memory_space<semaphore_mem>>) {add = true}
    %dma_wait3A_304 = arith.constant 0 : i32
    %dma_wait3A_305 = arith.constant 72 : i32
    %dma_wait3A_306 = arith.constant 0 : i32
    %dma_wait3A_307 = arith.constant 0 : i32
    %dma_wait3A_308 = tpu.memref_slice %arg8[%dma_wait3A_304, %dma_wait3A_306, %dma_wait3A_307] : memref<8x125x16xf32, #tpu.memory_space<vmem>> -> memref<1x125x16xf32, #tpu.memory_space<vmem>>
    %dma_wait3A_309 = tpu.memref_squeeze %dma_wait3A_308 : memref<1x125x16xf32, #tpu.memory_space<vmem>> -> memref<125x16xf32, #tpu.memory_space<vmem>>
    %dma_wait3A_310 = arith.constant 0 : i32
    %dma_wait3A_311 = tpu.memref_slice %arg7[%dma_wait3A_305, %dma_wait3A_310] : memref<80x125xi32, #tpu.memory_space<vmem>> -> memref<1x125xi32, #tpu.memory_space<vmem>>
    %dma_wait3A_312 = tpu.memref_squeeze %dma_wait3A_311 : memref<1x125xi32, #tpu.memory_space<vmem>> -> memref<125xi32, #tpu.memory_space<vmem>>
    %dma_wait3A_313 = arith.constant 0 : i32
    %dma_wait3A_314 = arith.constant 0 : i32
    %dma_wait3A_315 = tpu.memref_slice %arg10[%dma_wait3A_313, %dma_wait3A_314] : memref<10240x16xf32, #tpu.memory_space<vmem_shared>> -> memref<10240x16xf32, #tpu.memory_space<vmem_shared>>
    tpu.wait_indirect_dma semaphore(%arg19 : memref<!tpu.dma_semaphore, #tpu.memory_space<semaphore_mem>>) src(%dma_wait3A_309 : memref<125x16xf32, #tpu.memory_space<vmem>>) dst(%dma_wait3A_315 : memref<10240x16xf32, #tpu.memory_space<vmem_shared>>)
    %dma_wait3A_316 = arith.constant 1 : i32
    %dma_wait3A_317 = arith.constant 73 : i32
    %dma_wait3A_318 = arith.constant 0 : i32
    %dma_wait3A_319 = arith.constant 0 : i32
    %dma_wait3A_320 = tpu.memref_slice %arg8[%dma_wait3A_316, %dma_wait3A_318, %dma_wait3A_319] : memref<8x125x16xf32, #tpu.memory_space<vmem>> -> memref<1x125x16xf32, #tpu.memory_space<vmem>>
    %dma_wait3A_321 = tpu.memref_squeeze %dma_wait3A_320 : memref<1x125x16xf32, #tpu.memory_space<vmem>> -> memref<125x16xf32, #tpu.memory_space<vmem>>
    %dma_wait3A_322 = arith.constant 0 : i32
    %dma_wait3A_323 = tpu.memref_slice %arg7[%dma_wait3A_317, %dma_wait3A_322] : memref<80x125xi32, #tpu.memory_space<vmem>> -> memref<1x125xi32, #tpu.memory_space<vmem>>
    %dma_wait3A_324 = tpu.memref_squeeze %dma_wait3A_323 : memref<1x125xi32, #tpu.memory_space<vmem>> -> memref<125xi32, #tpu.memory_space<vmem>>
    %dma_wait3A_325 = arith.constant 0 : i32
    %dma_wait3A_326 = arith.constant 0 : i32
    %dma_wait3A_327 = tpu.memref_slice %arg10[%dma_wait3A_325, %dma_wait3A_326] : memref<10240x16xf32, #tpu.memory_space<vmem_shared>> -> memref<10240x16xf32, #tpu.memory_space<vmem_shared>>
    tpu.wait_indirect_dma semaphore(%arg20 : memref<!tpu.dma_semaphore, #tpu.memory_space<semaphore_mem>>) src(%dma_wait3A_321 : memref<125x16xf32, #tpu.memory_space<vmem>>) dst(%dma_wait3A_327 : memref<10240x16xf32, #tpu.memory_space<vmem_shared>>)
    %dma_wait3A_328 = arith.constant 2 : i32
    %dma_wait3A_329 = arith.constant 74 : i32
    %dma_wait3A_330 = arith.constant 0 : i32
    %dma_wait3A_331 = arith.constant 0 : i32
    %dma_wait3A_332 = tpu.memref_slice %arg8[%dma_wait3A_328, %dma_wait3A_330, %dma_wait3A_331] : memref<8x125x16xf32, #tpu.memory_space<vmem>> -> memref<1x125x16xf32, #tpu.memory_space<vmem>>
    %dma_wait3A_333 = tpu.memref_squeeze %dma_wait3A_332 : memref<1x125x16xf32, #tpu.memory_space<vmem>> -> memref<125x16xf32, #tpu.memory_space<vmem>>
    %dma_wait3A_334 = arith.constant 0 : i32
    %dma_wait3A_335 = tpu.memref_slice %arg7[%dma_wait3A_329, %dma_wait3A_334] : memref<80x125xi32, #tpu.memory_space<vmem>> -> memref<1x125xi32, #tpu.memory_space<vmem>>
    %dma_wait3A_336 = tpu.memref_squeeze %dma_wait3A_335 : memref<1x125xi32, #tpu.memory_space<vmem>> -> memref<125xi32, #tpu.memory_space<vmem>>
    %dma_wait3A_337 = arith.constant 0 : i32
    %dma_wait3A_338 = arith.constant 0 : i32
    %dma_wait3A_339 = tpu.memref_slice %arg10[%dma_wait3A_337, %dma_wait3A_338] : memref<10240x16xf32, #tpu.memory_space<vmem_shared>> -> memref<10240x16xf32, #tpu.memory_space<vmem_shared>>
    tpu.wait_indirect_dma semaphore(%arg21 : memref<!tpu.dma_semaphore, #tpu.memory_space<semaphore_mem>>) src(%dma_wait3A_333 : memref<125x16xf32, #tpu.memory_space<vmem>>) dst(%dma_wait3A_339 : memref<10240x16xf32, #tpu.memory_space<vmem_shared>>)
    %dma_wait3A_340 = arith.constant 3 : i32
    %dma_wait3A_341 = arith.constant 75 : i32
    %dma_wait3A_342 = arith.constant 0 : i32
    %dma_wait3A_343 = arith.constant 0 : i32
    %dma_wait3A_344 = tpu.memref_slice %arg8[%dma_wait3A_340, %dma_wait3A_342, %dma_wait3A_343] : memref<8x125x16xf32, #tpu.memory_space<vmem>> -> memref<1x125x16xf32, #tpu.memory_space<vmem>>
    %dma_wait3A_345 = tpu.memref_squeeze %dma_wait3A_344 : memref<1x125x16xf32, #tpu.memory_space<vmem>> -> memref<125x16xf32, #tpu.memory_space<vmem>>
    %dma_wait3A_346 = arith.constant 0 : i32
    %dma_wait3A_347 = tpu.memref_slice %arg7[%dma_wait3A_341, %dma_wait3A_346] : memref<80x125xi32, #tpu.memory_space<vmem>> -> memref<1x125xi32, #tpu.memory_space<vmem>>
    %dma_wait3A_348 = tpu.memref_squeeze %dma_wait3A_347 : memref<1x125xi32, #tpu.memory_space<vmem>> -> memref<125xi32, #tpu.memory_space<vmem>>
    %dma_wait3A_349 = arith.constant 0 : i32
    %dma_wait3A_350 = arith.constant 0 : i32
    %dma_wait3A_351 = tpu.memref_slice %arg10[%dma_wait3A_349, %dma_wait3A_350] : memref<10240x16xf32, #tpu.memory_space<vmem_shared>> -> memref<10240x16xf32, #tpu.memory_space<vmem_shared>>
    tpu.wait_indirect_dma semaphore(%arg22 : memref<!tpu.dma_semaphore, #tpu.memory_space<semaphore_mem>>) src(%dma_wait3A_345 : memref<125x16xf32, #tpu.memory_space<vmem>>) dst(%dma_wait3A_351 : memref<10240x16xf32, #tpu.memory_space<vmem_shared>>)
    %dma_wait3A_352 = arith.constant 4 : i32
    %dma_wait3A_353 = arith.constant 76 : i32
    %dma_wait3A_354 = arith.constant 0 : i32
    %dma_wait3A_355 = arith.constant 0 : i32
    %dma_wait3A_356 = tpu.memref_slice %arg8[%dma_wait3A_352, %dma_wait3A_354, %dma_wait3A_355] : memref<8x125x16xf32, #tpu.memory_space<vmem>> -> memref<1x125x16xf32, #tpu.memory_space<vmem>>
    %dma_wait3A_357 = tpu.memref_squeeze %dma_wait3A_356 : memref<1x125x16xf32, #tpu.memory_space<vmem>> -> memref<125x16xf32, #tpu.memory_space<vmem>>
    %dma_wait3A_358 = arith.constant 0 : i32
    %dma_wait3A_359 = tpu.memref_slice %arg7[%dma_wait3A_353, %dma_wait3A_358] : memref<80x125xi32, #tpu.memory_space<vmem>> -> memref<1x125xi32, #tpu.memory_space<vmem>>
    %dma_wait3A_360 = tpu.memref_squeeze %dma_wait3A_359 : memref<1x125xi32, #tpu.memory_space<vmem>> -> memref<125xi32, #tpu.memory_space<vmem>>
    %dma_wait3A_361 = arith.constant 0 : i32
    %dma_wait3A_362 = arith.constant 0 : i32
    %dma_wait3A_363 = tpu.memref_slice %arg10[%dma_wait3A_361, %dma_wait3A_362] : memref<10240x16xf32, #tpu.memory_space<vmem_shared>> -> memref<10240x16xf32, #tpu.memory_space<vmem_shared>>
    tpu.wait_indirect_dma semaphore(%arg23 : memref<!tpu.dma_semaphore, #tpu.memory_space<semaphore_mem>>) src(%dma_wait3A_357 : memref<125x16xf32, #tpu.memory_space<vmem>>) dst(%dma_wait3A_363 : memref<10240x16xf32, #tpu.memory_space<vmem_shared>>)
    %dma_wait3A_364 = arith.constant 5 : i32
    %dma_wait3A_365 = arith.constant 77 : i32
    %dma_wait3A_366 = arith.constant 0 : i32
    %dma_wait3A_367 = arith.constant 0 : i32
    %dma_wait3A_368 = tpu.memref_slice %arg8[%dma_wait3A_364, %dma_wait3A_366, %dma_wait3A_367] : memref<8x125x16xf32, #tpu.memory_space<vmem>> -> memref<1x125x16xf32, #tpu.memory_space<vmem>>
    %dma_wait3A_369 = tpu.memref_squeeze %dma_wait3A_368 : memref<1x125x16xf32, #tpu.memory_space<vmem>> -> memref<125x16xf32, #tpu.memory_space<vmem>>
    %dma_wait3A_370 = arith.constant 0 : i32
    %dma_wait3A_371 = tpu.memref_slice %arg7[%dma_wait3A_365, %dma_wait3A_370] : memref<80x125xi32, #tpu.memory_space<vmem>> -> memref<1x125xi32, #tpu.memory_space<vmem>>
    %dma_wait3A_372 = tpu.memref_squeeze %dma_wait3A_371 : memref<1x125xi32, #tpu.memory_space<vmem>> -> memref<125xi32, #tpu.memory_space<vmem>>
    %dma_wait3A_373 = arith.constant 0 : i32
    %dma_wait3A_374 = arith.constant 0 : i32
    %dma_wait3A_375 = tpu.memref_slice %arg10[%dma_wait3A_373, %dma_wait3A_374] : memref<10240x16xf32, #tpu.memory_space<vmem_shared>> -> memref<10240x16xf32, #tpu.memory_space<vmem_shared>>
    tpu.wait_indirect_dma semaphore(%arg24 : memref<!tpu.dma_semaphore, #tpu.memory_space<semaphore_mem>>) src(%dma_wait3A_369 : memref<125x16xf32, #tpu.memory_space<vmem>>) dst(%dma_wait3A_375 : memref<10240x16xf32, #tpu.memory_space<vmem_shared>>)
    %dma_wait3A_376 = arith.constant 6 : i32
    %dma_wait3A_377 = arith.constant 78 : i32
    %dma_wait3A_378 = arith.constant 0 : i32
    %dma_wait3A_379 = arith.constant 0 : i32
    %dma_wait3A_380 = tpu.memref_slice %arg8[%dma_wait3A_376, %dma_wait3A_378, %dma_wait3A_379] : memref<8x125x16xf32, #tpu.memory_space<vmem>> -> memref<1x125x16xf32, #tpu.memory_space<vmem>>
    %dma_wait3A_381 = tpu.memref_squeeze %dma_wait3A_380 : memref<1x125x16xf32, #tpu.memory_space<vmem>> -> memref<125x16xf32, #tpu.memory_space<vmem>>
    %dma_wait3A_382 = arith.constant 0 : i32
    %dma_wait3A_383 = tpu.memref_slice %arg7[%dma_wait3A_377, %dma_wait3A_382] : memref<80x125xi32, #tpu.memory_space<vmem>> -> memref<1x125xi32, #tpu.memory_space<vmem>>
    %dma_wait3A_384 = tpu.memref_squeeze %dma_wait3A_383 : memref<1x125xi32, #tpu.memory_space<vmem>> -> memref<125xi32, #tpu.memory_space<vmem>>
    %dma_wait3A_385 = arith.constant 0 : i32
    %dma_wait3A_386 = arith.constant 0 : i32
    %dma_wait3A_387 = tpu.memref_slice %arg10[%dma_wait3A_385, %dma_wait3A_386] : memref<10240x16xf32, #tpu.memory_space<vmem_shared>> -> memref<10240x16xf32, #tpu.memory_space<vmem_shared>>
    tpu.wait_indirect_dma semaphore(%arg25 : memref<!tpu.dma_semaphore, #tpu.memory_space<semaphore_mem>>) src(%dma_wait3A_381 : memref<125x16xf32, #tpu.memory_space<vmem>>) dst(%dma_wait3A_387 : memref<10240x16xf32, #tpu.memory_space<vmem_shared>>)
    %dma_wait3A_388 = arith.constant 7 : i32
    %dma_wait3A_389 = arith.constant 79 : i32
    %dma_wait3A_390 = arith.constant 0 : i32
    %dma_wait3A_391 = arith.constant 0 : i32
    %dma_wait3A_392 = tpu.memref_slice %arg8[%dma_wait3A_388, %dma_wait3A_390, %dma_wait3A_391] : memref<8x125x16xf32, #tpu.memory_space<vmem>> -> memref<1x125x16xf32, #tpu.memory_space<vmem>>
    %dma_wait3A_393 = tpu.memref_squeeze %dma_wait3A_392 : memref<1x125x16xf32, #tpu.memory_space<vmem>> -> memref<125x16xf32, #tpu.memory_space<vmem>>
    %dma_wait3A_394 = arith.constant 0 : i32
    %dma_wait3A_395 = tpu.memref_slice %arg7[%dma_wait3A_389, %dma_wait3A_394] : memref<80x125xi32, #tpu.memory_space<vmem>> -> memref<1x125xi32, #tpu.memory_space<vmem>>
    %dma_wait3A_396 = tpu.memref_squeeze %dma_wait3A_395 : memref<1x125xi32, #tpu.memory_space<vmem>> -> memref<125xi32, #tpu.memory_space<vmem>>
    %dma_wait3A_397 = arith.constant 0 : i32
    %dma_wait3A_398 = arith.constant 0 : i32
    %dma_wait3A_399 = tpu.memref_slice %arg10[%dma_wait3A_397, %dma_wait3A_398] : memref<10240x16xf32, #tpu.memory_space<vmem_shared>> -> memref<10240x16xf32, #tpu.memory_space<vmem_shared>>
    tpu.wait_indirect_dma semaphore(%arg26 : memref<!tpu.dma_semaphore, #tpu.memory_space<semaphore_mem>>) src(%dma_wait3A_393 : memref<125x16xf32, #tpu.memory_space<vmem>>) dst(%dma_wait3A_399 : memref<10240x16xf32, #tpu.memory_space<vmem_shared>>)
    %barrier3A_400 = arith.constant 0 : index
    tpu.barrier barrier_id(%barrier3A_400)
    %mul3A_401 = arith.constant 640 : i32
    %mul3A_402 = arith.muli %arg1, %mul3A_401 : i32
    "tpu.region"() ({
      %run_scoped3A = tpu.sem_alloc : memref<!tpu.dma_semaphore, #tpu.memory_space<semaphore_mem>>
      %dma_start3A_405 = arith.constant 0 : i32
      %dma_start3A_406 = tpu.memref_slice %arg10[%mul3A_402, %dma_start3A_405] : memref<10240x16xf32, #tpu.memory_space<vmem_shared>> -> memref<640x16xf32, #tpu.memory_space<vmem_shared>>
      %dma_start3A_407 = arith.constant 0 : i32
      %dma_start3A_408 = tpu.memref_slice %arg10[%mul3A_402, %dma_start3A_407] : memref<10240x16xf32, #tpu.memory_space<vmem_shared>> -> memref<640x16xf32, #tpu.memory_space<vmem_shared>>
      tpu.enqueue_dma source(%dma_start3A_408 : memref<640x16xf32, #tpu.memory_space<vmem_shared>>) target(%arg9 : memref<640x16xf32, #tpu.memory_space<vmem>>) target_semaphore(%run_scoped3A : memref<!tpu.dma_semaphore, #tpu.memory_space<semaphore_mem>>)
      %dma_wait3A_409 = arith.constant 0 : i32
      %dma_wait3A_410 = tpu.memref_slice %arg10[%mul3A_402, %dma_wait3A_409] : memref<10240x16xf32, #tpu.memory_space<vmem_shared>> -> memref<640x16xf32, #tpu.memory_space<vmem_shared>>
      %dma_wait3A_411 = arith.constant 0 : i32
      %dma_wait3A_412 = tpu.memref_slice %arg10[%mul3A_402, %dma_wait3A_411] : memref<10240x16xf32, #tpu.memory_space<vmem_shared>> -> memref<640x16xf32, #tpu.memory_space<vmem_shared>>
      tpu.wait_dma2 semaphore(%run_scoped3A : memref<!tpu.dma_semaphore, #tpu.memory_space<semaphore_mem>>) src(%dma_wait3A_412 : memref<640x16xf32, #tpu.memory_space<vmem_shared>>) dst(%arg9 : memref<640x16xf32, #tpu.memory_space<vmem>>)
      tpu.yield
    }) : () -> ()
    %mul3A_403 = arith.constant 640 : i32
    %mul3A_404 = arith.muli %arg1, %mul3A_403 : i32
    "tpu.region"() ({
      %run_scoped3A = tpu.sem_alloc : memref<!tpu.dma_semaphore, #tpu.memory_space<semaphore_mem>>
      %dma_start3A_405 = arith.constant 0 : i32
      %dma_start3A_406 = tpu.memref_slice %arg5[%arg0, %mul3A_404, %dma_start3A_405] : memref<2x10240x16xf32, #tpu.memory_space<hbm>> -> memref<1x640x16xf32, #tpu.memory_space<hbm>>
      %dma_start3A_407 = tpu.memref_squeeze %dma_start3A_406 : memref<1x640x16xf32, #tpu.memory_space<hbm>> -> memref<640x16xf32, #tpu.memory_space<hbm>>
      %dma_start3A_408 = arith.constant 0 : i32
      %dma_start3A_409 = tpu.memref_slice %arg5[%arg0, %mul3A_404, %dma_start3A_408] : memref<2x10240x16xf32, #tpu.memory_space<hbm>> -> memref<1x640x16xf32, #tpu.memory_space<hbm>>
      %dma_start3A_410 = tpu.memref_squeeze %dma_start3A_409 : memref<1x640x16xf32, #tpu.memory_space<hbm>> -> memref<640x16xf32, #tpu.memory_space<hbm>>
      tpu.enqueue_dma source(%arg9 : memref<640x16xf32, #tpu.memory_space<vmem>>) target(%dma_start3A_410 : memref<640x16xf32, #tpu.memory_space<hbm>>) target_semaphore(%run_scoped3A : memref<!tpu.dma_semaphore, #tpu.memory_space<semaphore_mem>>)
      %dma_wait3A_411 = arith.constant 0 : i32
      %dma_wait3A_412 = tpu.memref_slice %arg5[%arg0, %mul3A_404, %dma_wait3A_411] : memref<2x10240x16xf32, #tpu.memory_space<hbm>> -> memref<1x640x16xf32, #tpu.memory_space<hbm>>
      %dma_wait3A_413 = tpu.memref_squeeze %dma_wait3A_412 : memref<1x640x16xf32, #tpu.memory_space<hbm>> -> memref<640x16xf32, #tpu.memory_space<hbm>>
      %dma_wait3A_414 = arith.constant 0 : i32
      %dma_wait3A_415 = tpu.memref_slice %arg5[%arg0, %mul3A_404, %dma_wait3A_414] : memref<2x10240x16xf32, #tpu.memory_space<hbm>> -> memref<1x640x16xf32, #tpu.memory_space<hbm>>
      %dma_wait3A_416 = tpu.memref_squeeze %dma_wait3A_415 : memref<1x640x16xf32, #tpu.memory_space<hbm>> -> memref<640x16xf32, #tpu.memory_space<hbm>>
      tpu.wait_dma2 semaphore(%run_scoped3A : memref<!tpu.dma_semaphore, #tpu.memory_space<semaphore_mem>>) src(%arg9 : memref<640x16xf32, #tpu.memory_space<vmem>>) dst(%dma_wait3A_416 : memref<640x16xf32, #tpu.memory_space<hbm>>)
      tpu.yield
    }) : () -> ()
    return
  }
}

module attributes {stable_mosaic.version = 14 : i64} {
  func.func @_mm1_body(%arg0: memref<10240x128xf32, #tpu.memory_space<vmem>>, %arg1: memref<128x16xf32, #tpu.memory_space<vmem>>, %arg2: memref<10240x2xf32, #tpu.memory_space<vmem>>, %arg3: memref<10240x16xf32, #tpu.memory_space<vmem>>, %arg4: memref<10240x1xf32, #tpu.memory_space<vmem>>) attributes {dimension_semantics = [], scalar_prefetch = 0 : i64, scratch_operands = 0 : i64, tpu.core_type = #tpu.core_type<tc>} {
    %get3A = arith.constant 0 : index
    %get3A_0 = arith.constant 0 : index
    %get3A_1 = vector.load %arg2[%get3A, %get3A_0] : memref<10240x2xf32, #tpu.memory_space<vmem>>, vector<10240x1xf32>
    %get3A_2 = arith.constant 0 : index
    %get3A_3 = arith.constant 1 : index
    %get3A_4 = vector.load %arg2[%get3A_2, %get3A_3] : memref<10240x2xf32, #tpu.memory_space<vmem>>, vector<10240x1xf32>
    %add3A = arith.addf %get3A_1, %get3A_4 : vector<10240x1xf32>
    %add3A_5 = arith.constant 1.000000e+00 : f32
    %add3A_6 = vector.broadcast %add3A_5 : f32 to vector<10240x1xf32>
    %add3A_7 = arith.addf %add3A, %add3A_6 : vector<10240x1xf32>
    %rsqrt3A = math.rsqrt %add3A_7 : vector<10240x1xf32>
    %get3A_8 = arith.constant 0 : index
    %get3A_9 = arith.constant 0 : index
    %get3A_10 = vector.load %arg0[%get3A_8, %get3A_9] : memref<10240x128xf32, #tpu.memory_space<vmem>>, vector<10240x128xf32>
    %get3A_11 = arith.constant 0 : index
    %get3A_12 = arith.constant 0 : index
    %get3A_13 = vector.load %arg1[%get3A_11, %get3A_12] : memref<128x16xf32, #tpu.memory_space<vmem>>, vector<128x16xf32>
    %dot_general3A = arith.constant dense<0.000000e+00> : vector<10240x16xf32>
    %dot_general3A_14 = tpu.matmul %get3A_10, %get3A_13, %dot_general3A {dimension_numbers = #tpu.dot_dimension_numbers<[1], [0], [0], [1], [0, 0, 1, 1], [], []>, transpose_lhs_hint = false} : vector<10240x128xf32>, vector<128x16xf32>, vector<10240x16xf32> -> vector<10240x16xf32>
    %mul3A = vector.broadcast %rsqrt3A : vector<10240x1xf32> to vector<10240x16xf32>
    %mul3A_15 = arith.mulf %dot_general3A_14, %mul3A : vector<10240x16xf32>
    %swap3A = arith.constant 0 : index
    %swap3A_16 = arith.constant 0 : index
    %swap3A_17 = vector.load %arg3[%swap3A, %swap3A_16] : memref<10240x16xf32, #tpu.memory_space<vmem>>, vector<10240x16xf32>
    tpu.vector_store %arg3[%swap3A, %swap3A_16], %mul3A_15 {strides = array<i32>} : memref<10240x16xf32, #tpu.memory_space<vmem>>, vector<10240x16xf32>,
    %swap3A_18 = arith.constant 0 : index
    %swap3A_19 = arith.constant 0 : index
    %swap3A_20 = vector.load %arg4[%swap3A_18, %swap3A_19] : memref<10240x1xf32, #tpu.memory_space<vmem>>, vector<10240x1xf32>
    tpu.vector_store %arg4[%swap3A_18, %swap3A_19], %rsqrt3A {strides = array<i32>} : memref<10240x1xf32, #tpu.memory_space<vmem>>, vector<10240x1xf32>,
    return
  }
}

module attributes {stable_mosaic.version = 14 : i64} {
  func.func @_mid_body(%arg0: memref<10240x16xf32, #tpu.memory_space<vmem>>, %arg1: memref<10240x16xf32, #tpu.memory_space<vmem>>, %arg2: memref<10240x16xf32, #tpu.memory_space<vmem>>, %arg3: memref<10240x1xf32, #tpu.memory_space<vmem>>, %arg4: memref<1x16xf32, #tpu.memory_space<vmem>>, %arg5: memref<16x16xf32, #tpu.memory_space<vmem>>, %arg6: memref<10240x16xf32, #tpu.memory_space<vmem>>) attributes {dimension_semantics = [], scalar_prefetch = 0 : i64, scratch_operands = 0 : i64, tpu.core_type = #tpu.core_type<tc>} {
    %get3A = arith.constant 0 : index
    %get3A_0 = arith.constant 0 : index
    %get3A_1 = vector.load %arg1[%get3A, %get3A_0] : memref<10240x16xf32, #tpu.memory_space<vmem>>, vector<10240x16xf32>
    %get3A_2 = arith.constant 0 : index
    %get3A_3 = arith.constant 0 : index
    %get3A_4 = vector.load %arg2[%get3A_2, %get3A_3] : memref<10240x16xf32, #tpu.memory_space<vmem>>, vector<10240x16xf32>
    %add3A = arith.addf %get3A_1, %get3A_4 : vector<10240x16xf32>
    %get3A_5 = arith.constant 0 : index
    %get3A_6 = arith.constant 0 : index
    %get3A_7 = vector.load %arg0[%get3A_5, %get3A_6] : memref<10240x16xf32, #tpu.memory_space<vmem>>, vector<10240x16xf32>
    %add3A_8 = arith.addf %add3A, %get3A_7 : vector<10240x16xf32>
    %get3A_9 = arith.constant 0 : index
    %get3A_10 = arith.constant 0 : index
    %get3A_11 = vector.load %arg3[%get3A_9, %get3A_10] : memref<10240x1xf32, #tpu.memory_space<vmem>>, vector<10240x1xf32>
    %mul3A = vector.broadcast %get3A_11 : vector<10240x1xf32> to vector<10240x16xf32>
    %mul3A_12 = arith.mulf %add3A_8, %mul3A : vector<10240x16xf32>
    %get3A_13 = arith.constant 0 : index
    %get3A_14 = arith.constant 0 : index
    %get3A_15 = vector.load %arg4[%get3A_13, %get3A_14] : memref<1x16xf32, #tpu.memory_space<vmem>>, vector<1x16xf32>
    %add3A_16 = vector.broadcast %get3A_15 : vector<1x16xf32> to vector<10240x16xf32>
    %add3A_17 = arith.addf %mul3A_12, %add3A_16 : vector<10240x16xf32>
    %max3A = arith.constant 0.000000e+00 : f32
    %max3A_18 = vector.broadcast %max3A : f32 to vector<10240x16xf32>
    %max3A_19 = arith.maximumf %add3A_17, %max3A_18 : vector<10240x16xf32>
    %get3A_20 = arith.constant 0 : index
    %get3A_21 = arith.constant 0 : index
    %get3A_22 = vector.load %arg5[%get3A_20, %get3A_21] : memref<16x16xf32, #tpu.memory_space<vmem>>, vector<16x16xf32>
    %dot_general3A = arith.constant dense<0.000000e+00> : vector<10240x16xf32>
    %dot_general3A_23 = tpu.matmul %max3A_19, %get3A_22, %dot_general3A {dimension_numbers = #tpu.dot_dimension_numbers<[1], [0], [0], [1], [0, 0, 1, 1], [], []>, transpose_lhs_hint = false} : vector<10240x16xf32>, vector<16x16xf32>, vector<10240x16xf32> -> vector<10240x16xf32>
    %get3A_24 = arith.constant 0 : index
    %get3A_25 = arith.constant 0 : index
    %get3A_26 = vector.load %arg3[%get3A_24, %get3A_25] : memref<10240x1xf32, #tpu.memory_space<vmem>>, vector<10240x1xf32>
    %mul3A_27 = vector.broadcast %get3A_26 : vector<10240x1xf32> to vector<10240x16xf32>
    %mul3A_28 = arith.mulf %dot_general3A_23, %mul3A_27 : vector<10240x16xf32>
    %swap3A = arith.constant 0 : index
    %swap3A_29 = arith.constant 0 : index
    %swap3A_30 = vector.load %arg6[%swap3A, %swap3A_29] : memref<10240x16xf32, #tpu.memory_space<vmem>>, vector<10240x16xf32>
    tpu.vector_store %arg6[%swap3A, %swap3A_29], %mul3A_28 {strides = array<i32>} : memref<10240x16xf32, #tpu.memory_space<vmem>>, vector<10240x16xf32>,
    return
  }
}

module attributes {stable_mosaic.version = 14 : i64} {
  func.func @_out_body(%arg0: memref<10240x16xf32, #tpu.memory_space<vmem>>, %arg1: memref<10240x16xf32, #tpu.memory_space<vmem>>, %arg2: memref<10240x16xf32, #tpu.memory_space<vmem>>, %arg3: memref<10240x1xf32, #tpu.memory_space<vmem>>, %arg4: memref<1x16xf32, #tpu.memory_space<vmem>>, %arg5: memref<10240x10xf32, #tpu.memory_space<vmem>>) attributes {dimension_semantics = [], scalar_prefetch = 0 : i64, scratch_operands = 0 : i64, tpu.core_type = #tpu.core_type<tc>} {
    %get3A = arith.constant 0 : index
    %get3A_0 = arith.constant 0 : index
    %get3A_1 = vector.load %arg1[%get3A, %get3A_0] : memref<10240x16xf32, #tpu.memory_space<vmem>>, vector<10240x16xf32>
    %get3A_2 = arith.constant 0 : index
    %get3A_3 = arith.constant 0 : index
    %get3A_4 = vector.load %arg2[%get3A_2, %get3A_3] : memref<10240x16xf32, #tpu.memory_space<vmem>>, vector<10240x16xf32>
    %add3A = arith.addf %get3A_1, %get3A_4 : vector<10240x16xf32>
    %get3A_5 = arith.constant 0 : index
    %get3A_6 = arith.constant 0 : index
    %get3A_7 = vector.load %arg0[%get3A_5, %get3A_6] : memref<10240x16xf32, #tpu.memory_space<vmem>>, vector<10240x16xf32>
    %add3A_8 = arith.addf %add3A, %get3A_7 : vector<10240x16xf32>
    %get3A_9 = arith.constant 0 : index
    %get3A_10 = arith.constant 0 : index
    %get3A_11 = vector.load %arg3[%get3A_9, %get3A_10] : memref<10240x1xf32, #tpu.memory_space<vmem>>, vector<10240x1xf32>
    %mul3A = vector.broadcast %get3A_11 : vector<10240x1xf32> to vector<10240x16xf32>
    %mul3A_12 = arith.mulf %add3A_8, %mul3A : vector<10240x16xf32>
    %get3A_13 = arith.constant 0 : index
    %get3A_14 = arith.constant 0 : index
    %get3A_15 = vector.load %arg4[%get3A_13, %get3A_14] : memref<1x16xf32, #tpu.memory_space<vmem>>, vector<1x16xf32>
    %add3A_16 = vector.broadcast %get3A_15 : vector<1x16xf32> to vector<10240x16xf32>
    %add3A_17 = arith.addf %mul3A_12, %add3A_16 : vector<10240x16xf32>
    %iota3A = tpu.iota {dimensions = array<i32: 1>} : vector<1x16xi32>
    %lt3A = arith.constant 10 : i32
    %lt3A_18 = vector.broadcast %lt3A : i32 to vector<1x16xi32>
    %lt3A_19 = arith.cmpi slt, %iota3A, %lt3A_18 : vector<1x16xi32>
    %jit3A = arith.constant 0xFF800000 : f32
    %broadcast_in_dim3A = vector.shape_cast %lt3A_19 : vector<1x16xi1> to vector<1x16xi1>
    %broadcast_in_dim3A_20 = vector.broadcast %broadcast_in_dim3A : vector<1x16xi1> to vector<10240x16xi1>
    %broadcast_in_dim3A_21 = vector.broadcast %jit3A : f32 to vector<10240x16xf32>
    %select_n3A = arith.select %broadcast_in_dim3A_20, %add3A_17, %broadcast_in_dim3A_21 : vector<10240x16xi1>, vector<10240x16xf32>
    %reduce_max3A = arith.constant dense<0xFF800000> : vector<10240xf32>
    %reduce_max3A_22 = vector.multi_reduction <maximumf>, %select_n3A, %reduce_max3A [1] : vector<10240x16xf32> to vector<10240xf32>
    %broadcast_in_dim3A_23 = vector.shape_cast %reduce_max3A_22 : vector<10240xf32> to vector<10240x1xf32>
    %sub3A = vector.broadcast %broadcast_in_dim3A_23 : vector<10240x1xf32> to vector<10240x16xf32>
    %sub3A_24 = arith.subf %add3A_17, %sub3A : vector<10240x16xf32>
    %exp3A = math.exp %sub3A_24 : vector<10240x16xf32>
    %jit3A_25 = arith.constant 0.000000e+00 : f32
    %broadcast_in_dim3A_26 = vector.shape_cast %lt3A_19 : vector<1x16xi1> to vector<1x16xi1>
    %broadcast_in_dim3A_27 = vector.broadcast %broadcast_in_dim3A_26 : vector<1x16xi1> to vector<10240x16xi1>
    %broadcast_in_dim3A_28 = vector.broadcast %jit3A_25 : f32 to vector<10240x16xf32>
    %select_n3A_29 = arith.select %broadcast_in_dim3A_27, %exp3A, %broadcast_in_dim3A_28 : vector<10240x16xi1>, vector<10240x16xf32>
    %reduce_sum3A = arith.constant dense<0.000000e+00> : vector<10240xf32>
    %reduce_sum3A_30 = vector.multi_reduction <add>, %select_n3A_29, %reduce_sum3A [1] : vector<10240x16xf32> to vector<10240xf32>
    %broadcast_in_dim3A_31 = vector.shape_cast %reduce_sum3A_30 : vector<10240xf32> to vector<10240x1xf32>
    %log3A = math.log %broadcast_in_dim3A_31 : vector<10240x1xf32>
    %add3A_32 = arith.addf %log3A, %broadcast_in_dim3A_23 : vector<10240x1xf32>
    %sub3A_33 = vector.broadcast %add3A_32 : vector<10240x1xf32> to vector<10240x16xf32>
    %sub3A_34 = arith.subf %add3A_17, %sub3A_33 : vector<10240x16xf32>
    %slice3A = vector.extract_strided_slice %sub3A_34 {offsets = [0, 0], sizes = [10240, 10], strides = [1, 1]} : vector<10240x16xf32> to vector<10240x10xf32>
    %swap3A = arith.constant 0 : index
    %swap3A_35 = arith.constant 0 : index
    %swap3A_36 = vector.load %arg5[%swap3A, %swap3A_35] : memref<10240x10xf32, #tpu.memory_space<vmem>>, vector<10240x10xf32>
    tpu.vector_store %arg5[%swap3A, %swap3A_35], %slice3A {strides = array<i32>} : memref<10240x10xf32, #tpu.memory_space<vmem>>, vector<10240x10xf32>,
    return
  }
}

</mosaic_0001>

<sc_bundles>
// kernel: kernel.11.cloned.1.call-start
scs
__scs_entry_jumppad:
0x0: {  	(pc) =	sbr.rel $0x88, $3  }
0x1: {  	(tag) =	ssettag $0x0;
	lr =	simm.s32 $0x1  }
0x2: {  	[smem:$0x3F9B] =	sst lr;
	_ =	strace $0xD0000000  }
0x3: {  	_ = 	snop  }
0x4: {  	_ = 	snop  }
0x5: {  	_ = 	snop  }
0x6: {  	_ = 	snop  }
0x7: {  	_ = 	snop  }
__scs_overlays_trampoline_lowered:
0x8: {  	[smem:$0x3FAA] =	sst s0  }
0x9: {  	[smem:$0x3FAB] =	sst s1  }
0xa: {  	[smem:$0x3FAC] =	sst s2  }
0xb: {  	[smem:$0x3FAD] =	sst s3  }
0xc: {  	[smem:$0x3FAE] =	sst s4  }
0xd: {  	[smem:$0x3FAF] =	sst s5  }
0xe: {  	[smem:$0x3FB0] =	sst s6  }
0xf: {  	[smem:$0x3FB1] =	sst s7  }
0x10: {  	[smem:$0x3FB2] =	sst s8  }
0x11: {  	[smem:$0x3FB3] =	sst s9;
	s0 =	simm.s32 @!p0 $0x0  }
0x12: {  	s1 =	sld [smem:$0x3F99];
	s0 =	simm.s32 @p0 $0x1  }
0x13: {  	[smem:$0x3FB4] =	sst s0;
	s0 =	simm.s32 @!p1 $0x0  }
0x14: {  	s2 =	sld [smem:$0x3F98];
	s0 =	simm.s32 @p1 $0x1  }
0x15: {  	[smem:$0x3FB5] =	sst s0;
	s0 =	simm.s32 @!p2 $0x0  }
0x16: {  	s3 =	sld [smem:$0x3FDB];
	s0 =	simm.s32 @p2 $0x1  }
0x17: {  	s4 =	simm.s32 $0x1BF5;
	[smem:$0x3FB7] =	sst s0  }
0x18: {  	s0 =	sld [smem:$0x3F9A];
	_ =	swait.ge [sflag:s4], $0x0  }
0x19: {  	s7 =	sld [smem:$0x3F9B]  }
0x1a: {  	s8 =	sadd.s32 $0xFFFFE003, lr  }
0x1b: {  	s9 =	sadd.s32 $0xFFFFFEF7, lr;
	s5 =	simm.s32 $0xFFFFFFFF;
	p2 =	slt.u32 s8, $0xFFFFF086  }
0x1c: {  	p1 =	slt.u32 s9, $0xF7A;
	s5 =	simm.s32 @!p2 $0x0  }
0x1d: {  	s5 =	simm.s32 @p1 $0x1;
	p0 =	seq.s32 s7, s2  }
0x1e: {  	s7 =	smul.u32 @!p0 $0xF7A, s2;
	p2 =	seq.s32 @!p0 s5, $0x0  }
0x1f: {  	s9 =	smul.u32 $0xF7A, s1;
	s8 =	simm.s32 @!p0 $0x1BF5;
	p2 =	por !p2, p0  }
0x20: {  	[sflag:s8] =	ssyncset.s32 @!p0 $0xFFFFF086;
	s6 =	sadd.s32 @!p0 s3, s7;
	s7 =	simm.s32 @!p0 $0x108  }
0x21: {  	s3 =	sadd.s32 s3, s9;
	s6 =	sadd.s32 @!p0 $0x88, s6;
	s7 =	simm.s32 @p2 $0x1082  }
0x22: {  	[simem:s7], [sflag:s8] =	dma.local @!p0 [hbm:s6], $0xF7A  }
0x23: {  	s9 =	sor.u32 $0xD0000000, s2;
	s6 =	simm.s32 $0x108;
	_ =	swait.ge @!p0 [sflag:s8], $0x0  }
0x24: {  	s3 =	sadd.s32 $0x88, s3;
	s6 =	simm.s32 @!p1 $0x1082;
	[sflag:s4] =	ssyncset.s32 $0xFFFFF086  }
0x25: {  	[simem:s6], [sflag:s4] =	dma.local [hbm:s3], $0xF7A  }
0x26: {  	[smem:$0x3F9B] =	sst s1;
	(tag) =	ssettag s2;
	_ =	strace s9  }
0x27: {  	s1 =	sld [smem:$0x3FAB]  }
0x28: {  	s2 =	sld [smem:$0x3FAC]  }
0x29: {  	s4 =	sld [smem:$0x3FAE]  }
0x2a: {  	p0 =	seq.s32 s5, $0x0;
	s5 =	sld [smem:$0x3FAF]  }
0x2b: {  	s6 =	sld [smem:$0x3FB0]  }
0x2c: {  	s7 =	sld [smem:$0x3FB1]  }
0x2d: {  	s3 =	simm.s32 $0x108;
	s8 =	sld [smem:$0x3FB2]  }
0x2e: {  	s3 =	simm.s32 @!p0 $0x1082;
	s9 =	sld [smem:$0x3FB3]  }
0x2f: {  	lr =	sadd.s32 s0, s3;
	s0 =	sld [smem:$0x3FAA]  }
0x30: {  	s3 =	sld [smem:$0x3FAD]  }
0x31: {  	[smem:$0x3FB6] =	sst s10  }
0x32: {  	s10 =	sld [smem:$0x3FB4];
	_ =	sdelay $0x3  }
0x33: {  	p0 =	seq.s32 s10, $0x1;
	s10 =	sld [smem:$0x3FB6];
	_ =	sdelay $0x3  }
0x34: {  	[smem:$0x3FB6] =	sst s10  }
0x35: {  	s10 =	sld [smem:$0x3FB5];
	_ =	sdelay $0x3  }
0x36: {  	p1 =	seq.s32 s10, $0x1;
	s10 =	sld [smem:$0x3FB6];
	_ =	sdelay $0x3  }
0x37: {  	[smem:$0x3FB6] =	sst s10  }
0x38: {  	s10 =	sld [smem:$0x3FB7]  }
0x39: {  	_ = 	snop;
	(pc) =	sbr.ind lr, $3  }
0x3a: {  	_ = 	snop  }
0x3b: {  	_ = 	snop  }
0x3c: {  	p2 =	seq.s32 s10, $0x1;
	s10 =	sld [smem:$0x3FB6]  }
0x3d: {  	_ =	shalt  }
0x3e: {  	_ =	shalt  }
0x3f: {  	_ =	shalt  }
0x40: {  	_ =	shalt  }
0x41: {  	_ =	shalt  }
0x42: {  	_ =	shalt  }
0x43: {  	_ =	shalt  }
0x44: {  	_ =	shalt  }
0x45: {  	_ =	shalt  }
0x46: {  	_ =	shalt  }
0x47: {  	_ =	shalt  }
0x48: {  	_ =	shalt  }
0x49: {  	_ =	shalt  }
0x4a: {  	_ =	shalt  }
0x4b: {  	_ =	shalt  }
0x4c: {  	_ =	shalt  }
0x4d: {  	_ =	shalt  }
0x4e: {  	_ =	shalt  }
0x4f: {  	_ =	shalt  }
0x50: {  	_ =	shalt  }
0x51: {  	_ =	shalt  }
0x52: {  	_ =	shalt  }
0x53: {  	_ =	shalt  }
0x54: {  	_ =	shalt  }
0x55: {  	_ =	shalt  }
0x56: {  	_ =	shalt  }
0x57: {  	_ =	shalt  }
0x58: {  	_ =	shalt  }
0x59: {  	_ =	shalt  }
0x5a: {  	_ =	shalt  }
0x5b: {  	_ =	shalt  }
0x5c: {  	_ =	shalt  }
0x5d: {  	_ =	shalt  }
0x5e: {  	_ =	shalt  }
0x5f: {  	_ =	shalt  }
0x60: {  	_ =	shalt  }
0x61: {  	_ =	shalt  }
0x62: {  	_ =	shalt  }
0x63: {  	_ =	shalt  }
0x64: {  	_ =	shalt  }
0x65: {  	_ =	shalt  }
0x66: {  	_ =	shalt  }
0x67: {  	_ =	shalt  }
0x68: {  	_ =	shalt  }
0x69: {  	_ =	shalt  }
0x6a: {  	_ =	shalt  }
0x6b: {  	_ =	shalt  }
0x6c: {  	_ =	shalt  }
0x6d: {  	_ =	shalt  }
0x6e: {  	_ =	shalt  }
0x6f: {  	_ =	shalt  }
0x70: {  	_ =	shalt  }
0x71: {  	_ =	shalt  }
0x72: {  	_ =	shalt  }
0x73: {  	_ =	shalt  }
0x74: {  	_ =	shalt  }
0x75: {  	_ =	shalt  }
0x76: {  	_ =	shalt  }
0x77: {  	_ =	shalt  }
0x78: {  	_ =	shalt  }
0x79: {  	_ =	shalt  }
0x7a: {  	_ =	shalt  }
0x7b: {  	_ =	shalt  }
0x7c: {  	_ =	shalt  }
0x7d: {  	_ =	shalt  }
0x7e: {  	_ =	shalt  }
0x7f: {  	_ =	shalt  }
0x80: {  	_ =	shalt  }
0x81: {  	_ =	shalt  }
0x82: {  	_ =	shalt  }
0x83: {  	_ =	shalt  }
0x84: {  	_ =	shalt  }
0x85: {  	_ =	shalt  }
0x86: {  	_ =	shalt  }
0x87: {  	_ =	shalt  }
.Lfunc_end0:
.L_simem_size_0:
called_computation.1_lowered:
.L_overlay_start_0:
0x88: {  	s2 =	sld [smem:$0x3FD9]  }
0x89: {  	s3 =	sld [smem:$0x3FFE];
	_ =	sdelay $0x1  }
0x8a: {  	s1 =	srdreg.scid  }
0x8b: {  	s0 =	sand.u32 $0x1, s1  }
0x8c: {  	s16 =	sshll.u32 s0, $0xA;
	s2 =	sadd.s32 s3, s2  }
0x8d: {  	s2 =	sadd.s32 s2, s16  }
0x8e: {  	[smem:$0x3FC2] =	sst s2  }
0x8f: {  	_ = 	snop  }
0x90: {  	(tm) =	ssettm $0x1  }
0x91: {  	s17 =	sld [smem:$0x3FFB];
	_ =	sdelay $0x3  }
0x92: {  	_ =	strace s17  }
0x93: {  	s2 =	sld [smem:$0x3FFC];
	_ =	sdelay $0x3  }
0x94: {  	_ =	strace s2  }
0x95: {  	s2 =	sld [smem:$0x3FFD];
	_ =	sdelay $0x3  }
0x96: {  	_ =	strace s2  }
0x97: {  	_ =	strace $0x8FFFFFFF  }
0x98: {  	s18 =	sld [smem:$0x3FDB];
	_ =	sdelay $0x1  }
0x99: {  	s19 =	simm.s32 $_scs_section_size  }
0x9a: {  	s4 =	simm.s32 $_size__tile_overlayer_lowered;
	s5 =	simm.s32 $_tile_overlayer_lowered  }
0x9b: {  	s22 =	simm.s32 $0x1BFF;
	s21 =	sshll.u32 s5, $0x1;
	s2 =	sadd.s32 s19, s18  }
0x9c: {  	s6 =	simm.s32 $0x0;
	s20 =	sshll.u32 s4, $0x1;
	s4 =	sadd.s32 s21, s2  }
0x9d: {  	[timem:s6], [sflag:s22] =	dma.local [hbm:s4], s20  }
0x9e: {  	_ =	swait.ge [sflag:s22], s20  }
0x9f: {  	s3 =	ssub.s32 $0x0, s20;
	[sflag:s22] =	ssyncset.done $0x0  }
0xa0: {  	[sflag:s22] =	ssyncadd.s32 s3;
	_ =	sdelay $0x1  }
0xa1: {  	s23 =	simm.s32 $0x1B8B  }
0xa2: {  	_ =	swait.ge [sflag:s23], $0x1  }
0xa3: {  	[sflag:s23] =	ssyncset.done $0x0  }
0xa4: {  	s25 =	simm.s32 $0x1B8E;
	s24 =	sld [smem:$0x3FFE];
	[sflag:s23] =	ssyncadd.s32 $0xFFFFFFFF  }
0xa5: {  	s26 =	simm.s32 $execute0_lowered;
	[smem:$0x3FD2] =	sst s25  }
0xa6: {  	s4 =	sshll.u32 s26, $0x1;
	_ =	strace $0x80000049;
	[dreg:$0x1] =	wrdreg $0xFFFFFFFF  }
0xa7: {  	s28 =	simm.s32 $_size_execute0_lowered;
	s2 =	sadd.s32 s2, s4;
	[dreg:$0x0] =	wrdreg $0x0  }
0xa8: {  	s4 =	sshll.u32 s28, $0x1;
	[dreg:$0x2] =	wrdreg s2  }
0xa9: {  	[dreg:$0x3] =	wrdreg s4  }
0xaa: {  	[dreg:$0x4] =	wrdreg $0xC0  }
0xab: {  	_ =	task [dreg:s6], $0x5FFFF  }
0xac: {  	[dreg:$0x1] =	wrdreg $0xFFFFFFFF  }
0xad: {  	[dreg:$0x0] =	wrdreg $0x60  }
0xae: {  	[dreg:$0x2] =	wrdreg s24  }
0xaf: {  	[dreg:$0x3] =	wrdreg $0xB6800  }
0xb0: {  	[dreg:$0x4] =	wrdreg $0x9  }
0xb1: {  	_ =	task.clear_ibuf [dreg:s6], $0x5FFFF;
	_ =	strace $0x90000049  }
0xb2: {  	s29 =	simm.s32 $0x9;
	_ =	strace $0x8000004B  }
0xb3: {  	_ =	swait.ge [sflag:s29], $0x1  }
0xb4: {  	[sflag:s29] =	ssyncadd.s32 $0xFFFFFFFF  }
0xb5: {  	_ =	strace $0x9000004B  }
0xb6: {  	_ =	sfence  }
0xb7: {  	s30 =	sld [smem:$0x0];
	_ =	sdelay $0x2  }
0xb8: {  	s31 =	sshll.u32 s1, $0xD;
	s1 =	sshrl.u32 s1, $0x2  }
0xb9: {  	s3 =	sand.u32 $0x4000, s31;
	s1 =	sadd.s32 s1, s30  }
0xba: {  	s0 =	sor.u32 s3, s0;
	s1 =	sshll.u32 s1, $0x11  }
0xbb: {  	s0 =	sor.u32 s1, s0  }
0xbc: {  	s0 =	sadd.s32 $0x8F2B, s0  }
0xbd: {  	[sflag:s0] =	ssyncadd.remote.s32 $0x1  }
0xbe: {  	_ =	sfence.sel $0xFFFF  }
0xbf: {  	[dreg:$0x0] =	wrdreg $0xFFFFFFFF;
	(pc) =	sbr.abs _section_cstart, $3  }
0xc0: {  	[dreg:$0x1] =	wrdreg $0xFFFFFFFF  }
0xc1: {  	_ =	task.clear_ibuf [dreg:s6], $0x2FFFF;
	_ =	strace $0x9FFFFFFF  }
0xc2: {  	(tm) =	ssettm $0x7FFFFFFF  }
0xc3: {  	_ =	shalt  }
tec
execute0_lowered:
.L_overlay_start_1:
0x0: {  	(tag) =	ssettag $0x1  }
0x1: {  	s0 =	rddreg [dreg:$0x0]  }
0x2: {  	s2 =	rddreg [dreg:$0x1]  }
0x3: {  	s1 =	srdreg.scid;
	s4 =	stileid.u32  }
0x4: {  	s10 =	simm.s32 $0x0;
	s12 =	simm.s32 $0x11;
	s13 =	simm.s32 $0x7D  }
0x5: {  	s14 =	simm.s32 $0x5000;
	s16 =	simm.s32 $0x57D0;
	s18 =	simm.s32 $0x5FA0  }
0x6: {  	s20 =	simm.s32 $0x6770;
	s22 =	simm.s32 $0x6F40;
	s29 =	simm.s32 $0x86B0  }
0x7: {  	s30 =	simm.s32 $0x1;
	s31 =	simm.s32 $0x2;
	s11 =	simm.s32 $0x5  }
0x8: {  	s15 =	simm.s32 $0x6;
	s17 =	simm.s32 $0x7;
	s19 =	simm.s32 $0x8  }
0x9: {  	s21 =	simm.s32 $0x9;
	s23 =	simm.s32 $0xA;
	s28 =	simm.s32 $0xC  }
0xa: {  	s8 =	simm.s32 $0xF;
	s9 =	simm.s32 $0x10;
	s1 =	sand.u32 $0x1, s1  }
0xb: {  	s5 =	smul.u32 $0x2800, s4;
	[smem:$0x7FF] =	sst s10;
	s3 =	sshll.u32 s1, $0x4  }
0xc: {  	s6 =	smul.u32 $0x28000, s1;
	_ =	strace $0x8000004A;
	s1 =	ssub.s32 $0x2, s1  }
0xd: {  	s3 =	sor.u32 s4, s3;
	s4 =	sadd.s32 $0x3E600, s0;
	s7 =	sshrl.u32 s1, $0x1  }
0xe: {  	s25 =	sadd.s32 s5, s2;
	s3 =	smul.u32 $0x500, s3;
	s6 =	sadd.s32 s5, s6  }
0xf: {  	s1 =	ssub.s32 s1, s7;
	[dreg:$0x5] =	wrdreg s25;
	s25 =	simm.s32 $0xB  }
0x10: {  	s5 =	simm.s32 $0xD;
	s26 =	smax.u32 s1, $0x1;
	s3 =	sadd.s32 s3, s0  }
0x11: {  	s6 =	sshrl.u32 s6, $0x3;
	[dreg:$0x7] =	wrdreg s26;
	s24 =	sadd.s32 $0xC600, s3  }
0x12: {  	s0 =	sadd.s32 s6, s0;
	s3 =	sadd.s32 $0x2000, s3;
	[dreg:$0x3] =	wrdreg s24  }
0x13: {  	s1 =	simm.s32 $0x4;
	s0 =	sadd.s32 $0x43600, s0;
	[dreg:$0x4] =	wrdreg s3  }
0x14: {  	s26 =	simm.s32 $0x7EE0;
	s6 =	simm.s32 $0xE;
	[dreg:$0x6] =	wrdreg s0  }
0x15: {  	v0 =	vimm.f32 $0.0e+00;
	s24 =	simm.s32 $0x7710;
	s0 =	simm.s32 $0x3;
	s3 =	simm.s32 $0x0  }
.LBB2_1:
0x16: {  	[dreg:$0x8] =	wrdreg s3  }
0x17: {  	s7 =	rddreg [dreg:$0x3]  }
0x18: {  	[tilespmem:s10], [sflag:$0x11] =	stream.linear.gather [hbm4b:s7+s10], $0x2800, $0x38;
	[tilespmem:$0xDE80] =	vst v63  }
0x19: {  	_ =	swait.ge [sflag:s12], $0x2800  }
0x1a: {  	[sflag:s12] =	ssyncset.done $0x0  }
0x1b: {  	s3 =	simm.s32 $0x2800;
	s7 =	rddreg [dreg:$0x4];
	[sflag:s12] =	ssyncadd.s32 $0xFFFFD800  }
0x1c: {  	[tilespmem:s3], [sflag:$0x11] =	stream.linear.gather [hbm4b:s7+s10], $0x2800, $0x38;
	[tilespmem:$0xDE80] =	vst v63  }
0x1d: {  	_ =	swait.ge [sflag:s12], $0x2800  }
0x1e: {  	[sflag:s12] =	ssyncset.done $0x0  }
0x1f: {  	s7 =	simm.s32 $0x40;
	[sflag:s12] =	ssyncadd.s32 $0xFFFFD800;
	s12 =	simm.s32 $0x0  }
.LBB2_2:
0x20: {  	p0 =	sne.s32 s7, $0x9FC0;
	[tilespmem:s12+$0x8E80] =	vst v0;
	s12 =	smov.u32 s7;
	s7 =	sadd.s32 $0x40, s7  }
.Ltmp0:
0x21: {  	(pc) =	sbr.rel @p0 .LBB2_2-.Ltmp0, $2  }
0x22: {  	_ =	sdelay $0x2  }
0x23: {  	s12 =	sshra.s32 s12, $0x2  }
0x24: {  	[tilespmem:s12+$0x8E80] =	vst v0;
	s7 =	rddreg [dreg:$0x5];
	s3 =	simm.s32 $0x8E80;
	s10 =	simm.s32 $0x11  }
0x25: {  	[spmem:s7] =	stream.linear.scatter [tilespmem:s3], [sflag:$0x11], $0x2800, $0x38;
	[tilespmem:$0xDE80] =	vst v63  }
0x26: {  	_ =	swait.ge [sflag:s10], $0x2800  }
0x27: {  	[sflag:s10] =	ssyncset.done $0x0  }
0x28: {  	[sflag:s10] =	ssyncadd.s32 $0xFFFFD800  }
0x29: {  	s12 =	simm.s32 $0x0;
	[bflag:$0x0] =	sbarrier.arrive $0xFFFF  }
0x2a: {  	[tilespmem:s14], [sflag:$0x1] =	stream.indirect.gather [hbm4b:s4+s13], $0x10, s12, s13, $0xb8;
	[tilespmem:$0xDE80] =	vst v63  }
0x2b: {  	s10 =	simm.s32 $0x80  }
0x2c: {  	[tilespmem:s16], [sflag:$0x2] =	stream.indirect.gather [hbm4b:s4+s13], $0x10, s10, s13, $0xb8;
	[tilespmem:$0xDE80] =	vst v63  }
0x2d: {  	s12 =	simm.s32 $0x100  }
0x2e: {  	[tilespmem:s18], [sflag:$0x3] =	stream.indirect.gather [hbm4b:s4+s13], $0x10, s12, s13, $0xb8;
	[tilespmem:$0xDE80] =	vst v63  }
0x2f: {  	s10 =	simm.s32 $0x180  }
0x30: {  	[tilespmem:s20], [sflag:$0x4] =	stream.indirect.gather [hbm4b:s4+s13], $0x10, s10, s13, $0xb8;
	[tilespmem:$0xDE80] =	vst v63  }
0x31: {  	s12 =	simm.s32 $0x200  }
0x32: {  	[tilespmem:s22], [sflag:$0x5] =	stream.indirect.gather [hbm4b:s4+s13], $0x10, s12, s13, $0xb8;
	[tilespmem:$0xDE80] =	vst v63  }
0x33: {  	s10 =	simm.s32 $0x280  }
0x34: {  	[tilespmem:s24], [sflag:$0x6] =	stream.indirect.gather [hbm4b:s4+s13], $0x10, s10, s13, $0xb8;
	[tilespmem:$0xDE80] =	vst v63  }
0x35: {  	s12 =	simm.s32 $0x300  }
0x36: {  	[tilespmem:s26], [sflag:$0x7] =	stream.indirect.gather [hbm4b:s4+s13], $0x10, s12, s13, $0xb8;
	[tilespmem:$0xDE80] =	vst v63  }
0x37: {  	s10 =	simm.s32 $0x380  }
0x38: {  	[tilespmem:s29], [sflag:$0x8] =	stream.indirect.gather [hbm4b:s4+s13], $0x10, s10, s13, $0xb8;
	[tilespmem:$0xDE80] =	vst v63  }
0x39: {  	_ =	swait.ge [sflag:s30], $0x7D0  }
0x3a: {  	[sflag:s30] =	ssyncset.done $0x0  }
0x3b: {  	s12 =	simm.s32 $0x2800;
	[sflag:s30] =	ssyncadd.s32 $0xFFFFF830  }
0x3c: {  	[spmem:s2] =	stream.indirect.scatter.add.f32 [tilespmem:s14], [sflag:$0x9], $0x10, s12, s13, $0xb8;
	[tilespmem:$0xDE80] =	vst v63  }
0x3d: {  	_ =	swait.ge [sflag:s31], $0x7D0  }
0x3e: {  	[sflag:s31] =	ssyncset.done $0x0  }
0x3f: {  	s10 =	simm.s32 $0x2880;
	[sflag:s31] =	ssyncadd.s32 $0xFFFFF830  }
0x40: {  	[spmem:s2] =	stream.indirect.scatter.add.f32 [tilespmem:s16], [sflag:$0xA], $0x10, s10, s13, $0xb8;
	[tilespmem:$0xDE80] =	vst v63  }
0x41: {  	_ =	swait.ge [sflag:s0], $0x7D0  }
0x42: {  	[sflag:s0] =	ssyncset.done $0x0  }
0x43: {  	s12 =	simm.s32 $0x2900;
	[sflag:s0] =	ssyncadd.s32 $0xFFFFF830  }
0x44: {  	[spmem:s2] =	stream.indirect.scatter.add.f32 [tilespmem:s18], [sflag:$0xB], $0x10, s12, s13, $0xb8;
	[tilespmem:$0xDE80] =	vst v63  }
0x45: {  	_ =	swait.ge [sflag:s1], $0x7D0  }
0x46: {  	[sflag:s1] =	ssyncset.done $0x0  }
0x47: {  	s10 =	simm.s32 $0x2980;
	[sflag:s1] =	ssyncadd.s32 $0xFFFFF830  }
0x48: {  	[spmem:s2] =	stream.indirect.scatter.add.f32 [tilespmem:s20], [sflag:$0xC], $0x10, s10, s13, $0xb8;
	[tilespmem:$0xDE80] =	vst v63  }
0x49: {  	_ =	swait.ge [sflag:s11], $0x7D0  }
0x4a: {  	[sflag:s11] =	ssyncset.done $0x0  }
0x4b: {  	s12 =	simm.s32 $0x2A00;
	[sflag:s11] =	ssyncadd.s32 $0xFFFFF830  }
0x4c: {  	[spmem:s2] =	stream.indirect.scatter.add.f32 [tilespmem:s22], [sflag:$0xD], $0x10, s12, s13, $0xb8;
	[tilespmem:$0xDE80] =	vst v63  }
0x4d: {  	_ =	swait.ge [sflag:s15], $0x7D0  }
0x4e: {  	[sflag:s15] =	ssyncset.done $0x0  }
0x4f: {  	s10 =	simm.s32 $0x2A80;
	[sflag:s15] =	ssyncadd.s32 $0xFFFFF830  }
0x50: {  	[spmem:s2] =	stream.indirect.scatter.add.f32 [tilespmem:s24], [sflag:$0xE], $0x10, s10, s13, $0xb8;
	[tilespmem:$0xDE80] =	vst v63  }
0x51: {  	_ =	swait.ge [sflag:s17], $0x7D0  }
0x52: {  	[sflag:s17] =	ssyncset.done $0x0  }
0x53: {  	s12 =	simm.s32 $0x2B00;
	[sflag:s17] =	ssyncadd.s32 $0xFFFFF830  }
0x54: {  	[spmem:s2] =	stream.indirect.scatter.add.f32 [tilespmem:s26], [sflag:$0xF], $0x10, s12, s13, $0xb8;
	[tilespmem:$0xDE80] =	vst v63  }
0x55: {  	_ =	swait.ge [sflag:s19], $0x7D0  }
0x56: {  	[sflag:s19] =	ssyncset.done $0x0  }
0x57: {  	s10 =	simm.s32 $0x2B80;
	[sflag:s19] =	ssyncadd.s32 $0xFFFFF830  }
0x58: {  	[spmem:s2] =	stream.indirect.scatter.add.f32 [tilespmem:s29], [sflag:$0x10], $0x10, s10, s13, $0xb8;
	[tilespmem:$0xDE80] =	vst v63  }
0x59: {  	_ =	swait.ge [sflag:s21], $0x7D0  }
0x5a: {  	[sflag:s21] =	ssyncset.done $0x0  }
0x5b: {  	s12 =	simm.s32 $0x400;
	[sflag:s21] =	ssyncadd.s32 $0xFFFFF830  }
0x5c: {  	[tilespmem:s14], [sflag:$0x1] =	stream.indirect.gather [hbm4b:s4+s13], $0x10, s12, s13, $0xb8;
	[tilespmem:$0xDE80] =	vst v63  }
0x5d: {  	_ =	swait.ge [sflag:s23], $0x7D0  }
0x5e: {  	[sflag:s23] =	ssyncset.done $0x0  }
0x5f: {  	s10 =	simm.s32 $0x480;
	[sflag:s23] =	ssyncadd.s32 $0xFFFFF830  }
0x60: {  	[tilespmem:s16], [sflag:$0x2] =	stream.indirect.gather [hbm4b:s4+s13], $0x10, s10, s13, $0xb8;
	[tilespmem:$0xDE80] =	vst v63  }
0x61: {  	_ =	swait.ge [sflag:s25], $0x7D0  }
0x62: {  	[sflag:s25] =	ssyncset.done $0x0  }
0x63: {  	s12 =	simm.s32 $0x500;
	[sflag:s25] =	ssyncadd.s32 $0xFFFFF830  }
0x64: {  	[tilespmem:s18], [sflag:$0x3] =	stream.indirect.gather [hbm4b:s4+s13], $0x10, s12, s13, $0xb8;
	[tilespmem:$0xDE80] =	vst v63  }
0x65: {  	_ =	swait.ge [sflag:s28], $0x7D0  }
0x66: {  	[sflag:s28] =	ssyncset.done $0x0  }
0x67: {  	s10 =	simm.s32 $0x580;
	[sflag:s28] =	ssyncadd.s32 $0xFFFFF830  }
0x68: {  	[tilespmem:s20], [sflag:$0x4] =	stream.indirect.gather [hbm4b:s4+s13], $0x10, s10, s13, $0xb8;
	[tilespmem:$0xDE80] =	vst v63  }
0x69: {  	_ =	swait.ge [sflag:s5], $0x7D0  }
0x6a: {  	[sflag:s5] =	ssyncset.done $0x0  }
0x6b: {  	s12 =	simm.s32 $0x600;
	[sflag:s5] =	ssyncadd.s32 $0xFFFFF830  }
0x6c: {  	[tilespmem:s22], [sflag:$0x5] =	stream.indirect.gather [hbm4b:s4+s13], $0x10, s12, s13, $0xb8;
	[tilespmem:$0xDE80] =	vst v63  }
0x6d: {  	_ =	swait.ge [sflag:s6], $0x7D0  }
0x6e: {  	[sflag:s6] =	ssyncset.done $0x0  }
0x6f: {  	s10 =	simm.s32 $0x680;
	[sflag:s6] =	ssyncadd.s32 $0xFFFFF830  }
0x70: {  	[tilespmem:s24], [sflag:$0x6] =	stream.indirect.gather [hbm4b:s4+s13], $0x10, s10, s13, $0xb8;
	[tilespmem:$0xDE80] =	vst v63  }
0x71: {  	_ =	swait.ge [sflag:s8], $0x7D0  }
0x72: {  	[sflag:s8] =	ssyncset.done $0x0  }
0x73: {  	s12 =	simm.s32 $0x700;
	[sflag:s8] =	ssyncadd.s32 $0xFFFFF830  }
0x74: {  	[tilespmem:s26], [sflag:$0x7] =	stream.indirect.gather [hbm4b:s4+s13], $0x10, s12, s13, $0xb8;
	[tilespmem:$0xDE80] =	vst v63  }
0x75: {  	_ =	swait.ge [sflag:s9], $0x7D0  }
0x76: {  	[sflag:s9] =	ssyncset.done $0x0  }
0x77: {  	s7 =	simm.s32 $0x780;
	s12 =	simm.s32 $0x1000;
	[sflag:s9] =	ssyncadd.s32 $0xFFFFF830  }
.LBB2_4:
0x78: {  	[tilespmem:s29], [sflag:$0x8] =	stream.indirect.gather [hbm4b:s4+s13], $0x10, s7, s13, $0xb8;
	[tilespmem:$0xDE80] =	vst v63  }
0x79: {  	s7 =	smov.u32 s12  }
0x7a: {  	p0 =	sne.s32 s12, $0x8000;
	s12 =	sadd.s32 $0x1000, s12;
	_ =	swait.ge [sflag:s30], $0x7D0  }
0x7b: {  	s7 =	sshra.s32 s7, $0x2;
	[sflag:s30] =	ssyncset.done $0x0  }
0x7c: {  	s10 =	sadd.s32 $0x2800, s7;
	[sflag:s30] =	ssyncadd.s32 $0xFFFFF830  }
0x7d: {  	[spmem:s2] =	stream.indirect.scatter.add.f32 [tilespmem:s14], [sflag:$0x9], $0x10, s10, s13, $0xb8;
	[tilespmem:$0xDE80] =	vst v63  }
0x7e: {  	_ =	swait.ge [sflag:s31], $0x7D0  }
0x7f: {  	[sflag:s31] =	ssyncset.done $0x0  }
0x80: {  	s10 =	sadd.s32 $0x2880, s7;
	[sflag:s31] =	ssyncadd.s32 $0xFFFFF830  }
0x81: {  	[spmem:s2] =	stream.indirect.scatter.add.f32 [tilespmem:s16], [sflag:$0xA], $0x10, s10, s13, $0xb8;
	[tilespmem:$0xDE80] =	vst v63  }
0x82: {  	_ =	swait.ge [sflag:s0], $0x7D0  }
0x83: {  	[sflag:s0] =	ssyncset.done $0x0  }
0x84: {  	s10 =	sadd.s32 $0x2900, s7;
	[sflag:s0] =	ssyncadd.s32 $0xFFFFF830  }
0x85: {  	[spmem:s2] =	stream.indirect.scatter.add.f32 [tilespmem:s18], [sflag:$0xB], $0x10, s10, s13, $0xb8;
	[tilespmem:$0xDE80] =	vst v63  }
0x86: {  	_ =	swait.ge [sflag:s1], $0x7D0  }
0x87: {  	[sflag:s1] =	ssyncset.done $0x0  }
0x88: {  	s10 =	sadd.s32 $0x2980, s7;
	[sflag:s1] =	ssyncadd.s32 $0xFFFFF830  }
0x89: {  	[spmem:s2] =	stream.indirect.scatter.add.f32 [tilespmem:s20], [sflag:$0xC], $0x10, s10, s13, $0xb8;
	[tilespmem:$0xDE80] =	vst v63  }
0x8a: {  	_ =	swait.ge [sflag:s11], $0x7D0  }
0x8b: {  	[sflag:s11] =	ssyncset.done $0x0  }
0x8c: {  	s10 =	sadd.s32 $0x2A00, s7;
	[sflag:s11] =	ssyncadd.s32 $0xFFFFF830  }
0x8d: {  	[spmem:s2] =	stream.indirect.scatter.add.f32 [tilespmem:s22], [sflag:$0xD], $0x10, s10, s13, $0xb8;
	[tilespmem:$0xDE80] =	vst v63  }
0x8e: {  	_ =	swait.ge [sflag:s15], $0x7D0  }
0x8f: {  	[sflag:s15] =	ssyncset.done $0x0  }
0x90: {  	s10 =	sadd.s32 $0x2A80, s7;
	[sflag:s15] =	ssyncadd.s32 $0xFFFFF830  }
0x91: {  	[spmem:s2] =	stream.indirect.scatter.add.f32 [tilespmem:s24], [sflag:$0xE], $0x10, s10, s13, $0xb8;
	[tilespmem:$0xDE80] =	vst v63  }
0x92: {  	_ =	swait.ge [sflag:s17], $0x7D0  }
0x93: {  	[sflag:s17] =	ssyncset.done $0x0  }
0x94: {  	s10 =	sadd.s32 $0x2B00, s7;
	[sflag:s17] =	ssyncadd.s32 $0xFFFFF830  }
0x95: {  	[spmem:s2] =	stream.indirect.scatter.add.f32 [tilespmem:s26], [sflag:$0xF], $0x10, s10, s13, $0xb8;
	[tilespmem:$0xDE80] =	vst v63  }
0x96: {  	_ =	swait.ge [sflag:s19], $0x7D0  }
0x97: {  	[sflag:s19] =	ssyncset.done $0x0  }
0x98: {  	s10 =	sadd.s32 $0x2B80, s7;
	[sflag:s19] =	ssyncadd.s32 $0xFFFFF830  }
0x99: {  	[spmem:s2] =	stream.indirect.scatter.add.f32 [tilespmem:s29], [sflag:$0x10], $0x10, s10, s13, $0xb8;
	[tilespmem:$0xDE80] =	vst v63  }
0x9a: {  	_ =	swait.ge [sflag:s21], $0x7D0  }
0x9b: {  	[sflag:s21] =	ssyncset.done $0x0  }
0x9c: {  	s10 =	sadd.s32 $0x400, s7;
	[sflag:s21] =	ssyncadd.s32 $0xFFFFF830  }
0x9d: {  	[tilespmem:s14], [sflag:$0x1] =	stream.indirect.gather [hbm4b:s4+s13], $0x10, s10, s13, $0xb8;
	[tilespmem:$0xDE80] =	vst v63  }
0x9e: {  	_ =	swait.ge [sflag:s23], $0x7D0  }
0x9f: {  	[sflag:s23] =	ssyncset.done $0x0  }
0xa0: {  	s10 =	sadd.s32 $0x480, s7;
	[sflag:s23] =	ssyncadd.s32 $0xFFFFF830  }
0xa1: {  	[tilespmem:s16], [sflag:$0x2] =	stream.indirect.gather [hbm4b:s4+s13], $0x10, s10, s13, $0xb8;
	[tilespmem:$0xDE80] =	vst v63  }
0xa2: {  	_ =	swait.ge [sflag:s25], $0x7D0  }
0xa3: {  	[sflag:s25] =	ssyncset.done $0x0  }
0xa4: {  	s10 =	sadd.s32 $0x500, s7;
	[sflag:s25] =	ssyncadd.s32 $0xFFFFF830  }
0xa5: {  	[tilespmem:s18], [sflag:$0x3] =	stream.indirect.gather [hbm4b:s4+s13], $0x10, s10, s13, $0xb8;
	[tilespmem:$0xDE80] =	vst v63  }
0xa6: {  	_ =	swait.ge [sflag:s28], $0x7D0  }
0xa7: {  	[sflag:s28] =	ssyncset.done $0x0  }
0xa8: {  	s10 =	sadd.s32 $0x580, s7;
	[sflag:s28] =	ssyncadd.s32 $0xFFFFF830  }
0xa9: {  	[tilespmem:s20], [sflag:$0x4] =	stream.indirect.gather [hbm4b:s4+s13], $0x10, s10, s13, $0xb8;
	[tilespmem:$0xDE80] =	vst v63  }
0xaa: {  	_ =	swait.ge [sflag:s5], $0x7D0  }
0xab: {  	[sflag:s5] =	ssyncset.done $0x0  }
0xac: {  	s10 =	sadd.s32 $0x600, s7;
	[sflag:s5] =	ssyncadd.s32 $0xFFFFF830  }
0xad: {  	[tilespmem:s22], [sflag:$0x5] =	stream.indirect.gather [hbm4b:s4+s13], $0x10, s10, s13, $0xb8;
	[tilespmem:$0xDE80] =	vst v63  }
0xae: {  	_ =	swait.ge [sflag:s6], $0x7D0  }
0xaf: {  	[sflag:s6] =	ssyncset.done $0x0  }
0xb0: {  	s10 =	sadd.s32 $0x680, s7;
	[sflag:s6] =	ssyncadd.s32 $0xFFFFF830  }
0xb1: {  	[tilespmem:s24], [sflag:$0x6] =	stream.indirect.gather [hbm4b:s4+s13], $0x10, s10, s13, $0xb8;
	[tilespmem:$0xDE80] =	vst v63  }
0xb2: {  	_ =	swait.ge [sflag:s8], $0x7D0  }
0xb3: {  	[sflag:s8] =	ssyncset.done $0x0  }
.Ltmp1:
0xb4: {  	s10 =	sadd.s32 $0x700, s7;
	[sflag:s8] =	ssyncadd.s32 $0xFFFFF830;
	(pc) =	sbr.rel @p0 .LBB2_4-.Ltmp1, $4  }
0xb5: {  	[tilespmem:s26], [sflag:$0x7] =	stream.indirect.gather [hbm4b:s4+s13], $0x10, s10, s13, $0xb8;
	[tilespmem:$0xDE80] =	vst v63  }
0xb6: {  	_ =	swait.ge [sflag:s9], $0x7D0  }
0xb7: {  	[sflag:s9] =	ssyncset.done $0x0  }
0xb8: {  	s7 =	sadd.s32 $0x780, s7;
	[sflag:s9] =	ssyncadd.s32 $0xFFFFF830  }
0xb9: {  	[tilespmem:s29], [sflag:$0x8] =	stream.indirect.gather [hbm4b:s4+s13], $0x10, s7, s13, $0xb8;
	[tilespmem:$0xDE80] =	vst v63  }
0xba: {  	_ =	swait.ge [sflag:s30], $0x7D0  }
0xbb: {  	[sflag:s30] =	ssyncset.done $0x0  }
0xbc: {  	s12 =	simm.s32 $0x4C00;
	[sflag:s30] =	ssyncadd.s32 $0xFFFFF830  }
0xbd: {  	[spmem:s2] =	stream.indirect.scatter.add.f32 [tilespmem:s14], [sflag:$0x9], $0x10, s12, s13, $0xb8;
	[tilespmem:$0xDE80] =	vst v63  }
0xbe: {  	_ =	swait.ge [sflag:s31], $0x7D0  }
0xbf: {  	[sflag:s31] =	ssyncset.done $0x0  }
0xc0: {  	s10 =	simm.s32 $0x4C80;
	[sflag:s31] =	ssyncadd.s32 $0xFFFFF830  }
0xc1: {  	[spmem:s2] =	stream.indirect.scatter.add.f32 [tilespmem:s16], [sflag:$0xA], $0x10, s10, s13, $0xb8;
	[tilespmem:$0xDE80] =	vst v63  }
0xc2: {  	_ =	swait.ge [sflag:s0], $0x7D0  }
0xc3: {  	[sflag:s0] =	ssyncset.done $0x0  }
0xc4: {  	s12 =	simm.s32 $0x4D00;
	[sflag:s0] =	ssyncadd.s32 $0xFFFFF830  }
0xc5: {  	[spmem:s2] =	stream.indirect.scatter.add.f32 [tilespmem:s18], [sflag:$0xB], $0x10, s12, s13, $0xb8;
	[tilespmem:$0xDE80] =	vst v63  }
0xc6: {  	_ =	swait.ge [sflag:s1], $0x7D0  }
0xc7: {  	[sflag:s1] =	ssyncset.done $0x0  }
0xc8: {  	s10 =	simm.s32 $0x4D80;
	[sflag:s1] =	ssyncadd.s32 $0xFFFFF830  }
0xc9: {  	[spmem:s2] =	stream.indirect.scatter.add.f32 [tilespmem:s20], [sflag:$0xC], $0x10, s10, s13, $0xb8;
	[tilespmem:$0xDE80] =	vst v63  }
0xca: {  	_ =	swait.ge [sflag:s11], $0x7D0  }
0xcb: {  	[sflag:s11] =	ssyncset.done $0x0  }
0xcc: {  	s12 =	simm.s32 $0x4E00;
	[sflag:s11] =	ssyncadd.s32 $0xFFFFF830  }
0xcd: {  	[spmem:s2] =	stream.indirect.scatter.add.f32 [tilespmem:s22], [sflag:$0xD], $0x10, s12, s13, $0xb8;
	[tilespmem:$0xDE80] =	vst v63  }
0xce: {  	_ =	swait.ge [sflag:s15], $0x7D0  }
0xcf: {  	[sflag:s15] =	ssyncset.done $0x0  }
0xd0: {  	s10 =	simm.s32 $0x4E80;
	[sflag:s15] =	ssyncadd.s32 $0xFFFFF830  }
0xd1: {  	[spmem:s2] =	stream.indirect.scatter.add.f32 [tilespmem:s24], [sflag:$0xE], $0x10, s10, s13, $0xb8;
	[tilespmem:$0xDE80] =	vst v63  }
0xd2: {  	_ =	swait.ge [sflag:s17], $0x7D0  }
0xd3: {  	[sflag:s17] =	ssyncset.done $0x0  }
0xd4: {  	s12 =	simm.s32 $0x4F00;
	[sflag:s17] =	ssyncadd.s32 $0xFFFFF830  }
0xd5: {  	[spmem:s2] =	stream.indirect.scatter.add.f32 [tilespmem:s26], [sflag:$0xF], $0x10, s12, s13, $0xb8;
	[tilespmem:$0xDE80] =	vst v63  }
0xd6: {  	_ =	swait.ge [sflag:s19], $0x7D0  }
0xd7: {  	[sflag:s19] =	ssyncset.done $0x0  }
0xd8: {  	s10 =	simm.s32 $0x4F80;
	[sflag:s19] =	ssyncadd.s32 $0xFFFFF830  }
0xd9: {  	[spmem:s2] =	stream.indirect.scatter.add.f32 [tilespmem:s29], [sflag:$0x10], $0x10, s10, s13, $0xb8;
	[tilespmem:$0xDE80] =	vst v63  }
0xda: {  	_ =	swait.ge [sflag:s21], $0x7D0  }
0xdb: {  	[sflag:s21] =	ssyncset.done $0x0  }
0xdc: {  	[sflag:s21] =	ssyncadd.s32 $0xFFFFF830  }
0xdd: {  	_ =	swait.ge [sflag:s23], $0x7D0  }
0xde: {  	[sflag:s23] =	ssyncset.done $0x0  }
0xdf: {  	[sflag:s23] =	ssyncadd.s32 $0xFFFFF830  }
0xe0: {  	_ =	swait.ge [sflag:s25], $0x7D0  }
0xe1: {  	[sflag:s25] =	ssyncset.done $0x0  }
0xe2: {  	[sflag:s25] =	ssyncadd.s32 $0xFFFFF830  }
0xe3: {  	_ =	swait.ge [sflag:s28], $0x7D0  }
0xe4: {  	[sflag:s28] =	ssyncset.done $0x0  }
0xe5: {  	[sflag:s28] =	ssyncadd.s32 $0xFFFFF830  }
0xe6: {  	_ =	swait.ge [sflag:s5], $0x7D0  }
0xe7: {  	[sflag:s5] =	ssyncset.done $0x0  }
0xe8: {  	[sflag:s5] =	ssyncadd.s32 $0xFFFFF830  }
0xe9: {  	_ =	swait.ge [sflag:s6], $0x7D0  }
0xea: {  	[sflag:s6] =	ssyncset.done $0x0  }
0xeb: {  	[sflag:s6] =	ssyncadd.s32 $0xFFFFF830  }
0xec: {  	_ =	swait.ge [sflag:s8], $0x7D0  }
0xed: {  	[sflag:s8] =	ssyncset.done $0x0  }
0xee: {  	[sflag:s8] =	ssyncadd.s32 $0xFFFFF830  }
0xef: {  	_ =	swait.ge [sflag:s9], $0x7D0  }
0xf0: {  	[sflag:s9] =	ssyncset.done $0x0  }
0xf1: {  	[sflag:s9] =	ssyncadd.s32 $0xFFFFF830  }
0xf2: {  	[bflag:$0x0] =	sbarrier.arrive $0xFFFF  }
0xf3: {  	s12 =	rddreg [dreg:$0x5]  }
0xf4: {  	[tilespmem:s3], [sflag:$0x11] =	stream.linear.gather [spmem:s12], $0x2800, $0x38;
	[tilespmem:$0xDE80] =	vst v63  }
0xf5: {  	s12 =	simm.s32 $0x11  }
0xf6: {  	_ =	swait.ge [sflag:s12], $0x2800  }
0xf7: {  	[sflag:s12] =	ssyncset.done $0x0  }
0xf8: {  	s10 =	simm.s32 $0x0;
	s7 =	rddreg [dreg:$0x6];
	[sflag:s12] =	ssyncadd.s32 $0xFFFFD800  }
0xf9: {  	[hbm4b:s7+s10] =	stream.linear.scatter [tilespmem:s3], [sflag:$0x11], $0x2800, $0x38;
	[tilespmem:$0xDE80] =	vst v63  }
0xfa: {  	_ =	swait.ge [sflag:s12], $0x2800  }
0xfb: {  	s7 =	rddreg [dreg:$0x8]  }
0xfc: {  	s3 =	sadd.s32 $0x1, s7;
	s7 =	rddreg [dreg:$0x7]  }
0xfd: {  	p0 =	sne.s32 s3, s7  }
.Ltmp2:
0xfe: {  	_ = 	snop;
	(pc) =	sbr.rel @p0 .LBB2_1-.Ltmp2, $3  }
0xff: {  	_ =	sdelay $0x1  }
0x100: {  	[sflag:s12] =	ssyncset.done $0x0  }
0x101: {  	[sflag:s12] =	ssyncadd.s32 $0xFFFFD800  }
0x102: {  	_ =	sfence.sel $0x180000  }
0x103: {  	[bflag:$0x0] =	sbarrier.arrive $0xFFFF  }
0x104: {  	_ =	strace $0x9000004A  }
0x105: {  	s0 =	stileid.u32;
	[bflag:$0x2] =	sbarrier.arrive $0xFFFF  }
0x106: {  	p0 =	sne.s32 s0, $0x0;
	s0 =	rddreg [dreg:$0x2]  }
0x107: {  	s0 =	sadd.s32 @!p0 $0x100000, s0  }
0x108: {  	[sflag:s0] =	ssyncadd.tile.s32 @!p0 $0x1;
	_ =	shalt  }
.Lfunc_end2:
_tile_overlayer_lowered:
.L_overlay_start_2:
0x109: {  	(tag) =	ssettag $0x2  }
0x10a: {  	s0 =	rddreg [dreg:$0x0];
	s2 =	stileid.u32  }
0x10b: {  	s1 =	rddreg [dreg:$0x1];
	p0 =	sne.s32 s2, $0x0  }
0x10c: {  	s3 =	rddreg [dreg:$0x2];
	[bflag:$0x3] =	sbarrier.arrive $0xFFFF;
	s2 =	simm.s32 @!p0 $0x1C11  }
0x10d: {  	[timem:s3], [sflag:s2] =	dma.local @!p0 [hbm:s0], s1  }
0x10e: {  	s0 =	simm.s32 @!p0 $0x11  }
0x10f: {  	_ =	swait.ge @!p0 [sflag:s0], s1  }
0x110: {  	s1 =	ssub.s32 @!p0 $0x0, s1;
	[sflag:s0] =	ssyncset.done @!p0 $0x0  }
0x111: {  	[sflag:s0] =	ssyncadd.s32 @!p0 s1  }
0x112: {  	[bflag:$0x3] =	sbarrier.arrive $0xFFFF  }
0x113: {  	_ =	shalt  }

// kernel: kernel.14.cloned.1.call-start
scs
__scs_entry_jumppad:
0x0: {  	(pc) =	sbr.rel $0x88, $3  }
0x1: {  	(tag) =	ssettag $0x0;
	lr =	simm.s32 $0x1  }
0x2: {  	[smem:$0x3F9B] =	sst lr;
	_ =	strace $0xD0000000  }
0x3: {  	_ = 	snop  }
0x4: {  	_ = 	snop  }
0x5: {  	_ = 	snop  }
0x6: {  	_ = 	snop  }
0x7: {  	_ = 	snop  }
__scs_overlays_trampoline_lowered:
0x8: {  	[smem:$0x3FAA] =	sst s0  }
0x9: {  	[smem:$0x3FAB] =	sst s1  }
0xa: {  	[smem:$0x3FAC] =	sst s2  }
0xb: {  	[smem:$0x3FAD] =	sst s3  }
0xc: {  	[smem:$0x3FAE] =	sst s4  }
0xd: {  	[smem:$0x3FAF] =	sst s5  }
0xe: {  	[smem:$0x3FB0] =	sst s6  }
0xf: {  	[smem:$0x3FB1] =	sst s7  }
0x10: {  	[smem:$0x3FB2] =	sst s8  }
0x11: {  	[smem:$0x3FB3] =	sst s9;
	s0 =	simm.s32 @!p0 $0x0  }
0x12: {  	s1 =	sld [smem:$0x3F99];
	s0 =	simm.s32 @p0 $0x1  }
0x13: {  	[smem:$0x3FB4] =	sst s0;
	s0 =	simm.s32 @!p1 $0x0  }
0x14: {  	s2 =	sld [smem:$0x3F98];
	s0 =	simm.s32 @p1 $0x1  }
0x15: {  	[smem:$0x3FB5] =	sst s0;
	s0 =	simm.s32 @!p2 $0x0  }
0x16: {  	s3 =	sld [smem:$0x3FDB];
	s0 =	simm.s32 @p2 $0x1  }
0x17: {  	s4 =	simm.s32 $0x1BF5;
	[smem:$0x3FB7] =	sst s0  }
0x18: {  	s0 =	sld [smem:$0x3F9A];
	_ =	swait.ge [sflag:s4], $0x0  }
0x19: {  	s7 =	sld [smem:$0x3F9B]  }
0x1a: {  	s8 =	sadd.s32 $0xFFFFE003, lr  }
0x1b: {  	s9 =	sadd.s32 $0xFFFFFEF7, lr;
	s5 =	simm.s32 $0xFFFFFFFF;
	p2 =	slt.u32 s8, $0xFFFFF086  }
0x1c: {  	p1 =	slt.u32 s9, $0xF7A;
	s5 =	simm.s32 @!p2 $0x0  }
0x1d: {  	s5 =	simm.s32 @p1 $0x1;
	p0 =	seq.s32 s7, s2  }
0x1e: {  	s7 =	smul.u32 @!p0 $0xF7A, s2;
	p2 =	seq.s32 @!p0 s5, $0x0  }
0x1f: {  	s9 =	smul.u32 $0xF7A, s1;
	s8 =	simm.s32 @!p0 $0x1BF5;
	p2 =	por !p2, p0  }
0x20: {  	[sflag:s8] =	ssyncset.s32 @!p0 $0xFFFFF086;
	s6 =	sadd.s32 @!p0 s3, s7;
	s7 =	simm.s32 @!p0 $0x108  }
0x21: {  	s3 =	sadd.s32 s3, s9;
	s6 =	sadd.s32 @!p0 $0x88, s6;
	s7 =	simm.s32 @p2 $0x1082  }
0x22: {  	[simem:s7], [sflag:s8] =	dma.local @!p0 [hbm:s6], $0xF7A  }
0x23: {  	s9 =	sor.u32 $0xD0000000, s2;
	s6 =	simm.s32 $0x108;
	_ =	swait.ge @!p0 [sflag:s8], $0x0  }
0x24: {  	s3 =	sadd.s32 $0x88, s3;
	s6 =	simm.s32 @!p1 $0x1082;
	[sflag:s4] =	ssyncset.s32 $0xFFFFF086  }
0x25: {  	[simem:s6], [sflag:s4] =	dma.local [hbm:s3], $0xF7A  }
0x26: {  	[smem:$0x3F9B] =	sst s1;
	(tag) =	ssettag s2;
	_ =	strace s9  }
0x27: {  	s1 =	sld [smem:$0x3FAB]  }
0x28: {  	s2 =	sld [smem:$0x3FAC]  }
0x29: {  	s4 =	sld [smem:$0x3FAE]  }
0x2a: {  	p0 =	seq.s32 s5, $0x0;
	s5 =	sld [smem:$0x3FAF]  }
0x2b: {  	s6 =	sld [smem:$0x3FB0]  }
0x2c: {  	s7 =	sld [smem:$0x3FB1]  }
0x2d: {  	s3 =	simm.s32 $0x108;
	s8 =	sld [smem:$0x3FB2]  }
0x2e: {  	s3 =	simm.s32 @!p0 $0x1082;
	s9 =	sld [smem:$0x3FB3]  }
0x2f: {  	lr =	sadd.s32 s0, s3;
	s0 =	sld [smem:$0x3FAA]  }
0x30: {  	s3 =	sld [smem:$0x3FAD]  }
0x31: {  	[smem:$0x3FB6] =	sst s10  }
0x32: {  	s10 =	sld [smem:$0x3FB4];
	_ =	sdelay $0x3  }
0x33: {  	p0 =	seq.s32 s10, $0x1;
	s10 =	sld [smem:$0x3FB6];
	_ =	sdelay $0x3  }
0x34: {  	[smem:$0x3FB6] =	sst s10  }
0x35: {  	s10 =	sld [smem:$0x3FB5];
	_ =	sdelay $0x3  }
0x36: {  	p1 =	seq.s32 s10, $0x1;
	s10 =	sld [smem:$0x3FB6];
	_ =	sdelay $0x3  }
0x37: {  	[smem:$0x3FB6] =	sst s10  }
0x38: {  	s10 =	sld [smem:$0x3FB7]  }
0x39: {  	_ = 	snop;
	(pc) =	sbr.ind lr, $3  }
0x3a: {  	_ = 	snop  }
0x3b: {  	_ = 	snop  }
0x3c: {  	p2 =	seq.s32 s10, $0x1;
	s10 =	sld [smem:$0x3FB6]  }
0x3d: {  	_ =	shalt  }
0x3e: {  	_ =	shalt  }
0x3f: {  	_ =	shalt  }
0x40: {  	_ =	shalt  }
0x41: {  	_ =	shalt  }
0x42: {  	_ =	shalt  }
0x43: {  	_ =	shalt  }
0x44: {  	_ =	shalt  }
0x45: {  	_ =	shalt  }
0x46: {  	_ =	shalt  }
0x47: {  	_ =	shalt  }
0x48: {  	_ =	shalt  }
0x49: {  	_ =	shalt  }
0x4a: {  	_ =	shalt  }
0x4b: {  	_ =	shalt  }
0x4c: {  	_ =	shalt  }
0x4d: {  	_ =	shalt  }
0x4e: {  	_ =	shalt  }
0x4f: {  	_ =	shalt  }
0x50: {  	_ =	shalt  }
0x51: {  	_ =	shalt  }
0x52: {  	_ =	shalt  }
0x53: {  	_ =	shalt  }
0x54: {  	_ =	shalt  }
0x55: {  	_ =	shalt  }
0x56: {  	_ =	shalt  }
0x57: {  	_ =	shalt  }
0x58: {  	_ =	shalt  }
0x59: {  	_ =	shalt  }
0x5a: {  	_ =	shalt  }
0x5b: {  	_ =	shalt  }
0x5c: {  	_ =	shalt  }
0x5d: {  	_ =	shalt  }
0x5e: {  	_ =	shalt  }
0x5f: {  	_ =	shalt  }
0x60: {  	_ =	shalt  }
0x61: {  	_ =	shalt  }
0x62: {  	_ =	shalt  }
0x63: {  	_ =	shalt  }
0x64: {  	_ =	shalt  }
0x65: {  	_ =	shalt  }
0x66: {  	_ =	shalt  }
0x67: {  	_ =	shalt  }
0x68: {  	_ =	shalt  }
0x69: {  	_ =	shalt  }
0x6a: {  	_ =	shalt  }
0x6b: {  	_ =	shalt  }
0x6c: {  	_ =	shalt  }
0x6d: {  	_ =	shalt  }
0x6e: {  	_ =	shalt  }
0x6f: {  	_ =	shalt  }
0x70: {  	_ =	shalt  }
0x71: {  	_ =	shalt  }
0x72: {  	_ =	shalt  }
0x73: {  	_ =	shalt  }
0x74: {  	_ =	shalt  }
0x75: {  	_ =	shalt  }
0x76: {  	_ =	shalt  }
0x77: {  	_ =	shalt  }
0x78: {  	_ =	shalt  }
0x79: {  	_ =	shalt  }
0x7a: {  	_ =	shalt  }
0x7b: {  	_ =	shalt  }
0x7c: {  	_ =	shalt  }
0x7d: {  	_ =	shalt  }
0x7e: {  	_ =	shalt  }
0x7f: {  	_ =	shalt  }
0x80: {  	_ =	shalt  }
0x81: {  	_ =	shalt  }
0x82: {  	_ =	shalt  }
0x83: {  	_ =	shalt  }
0x84: {  	_ =	shalt  }
0x85: {  	_ =	shalt  }
0x86: {  	_ =	shalt  }
0x87: {  	_ =	shalt  }
.Lfunc_end0:
.L_simem_size_0:
called_computation.2_lowered:
.L_overlay_start_0:
0x88: {  	s2 =	sld [smem:$0x3FD9]  }
0x89: {  	s3 =	sld [smem:$0x3FFE];
	_ =	sdelay $0x1  }
0x8a: {  	s1 =	srdreg.scid  }
0x8b: {  	s0 =	sand.u32 $0x1, s1  }
0x8c: {  	s16 =	sshll.u32 s0, $0xA;
	s2 =	sadd.s32 s3, s2  }
0x8d: {  	s2 =	sadd.s32 s2, s16  }
0x8e: {  	[smem:$0x3FC2] =	sst s2  }
0x8f: {  	_ = 	snop  }
0x90: {  	(tm) =	ssettm $0x1  }
0x91: {  	s17 =	sld [smem:$0x3FFB];
	_ =	sdelay $0x3  }
0x92: {  	_ =	strace s17  }
0x93: {  	s2 =	sld [smem:$0x3FFC];
	_ =	sdelay $0x3  }
0x94: {  	_ =	strace s2  }
0x95: {  	s2 =	sld [smem:$0x3FFD];
	_ =	sdelay $0x3  }
0x96: {  	_ =	strace s2  }
0x97: {  	_ =	strace $0x8FFFFFFF  }
0x98: {  	s18 =	sld [smem:$0x3FDB];
	_ =	sdelay $0x1  }
0x99: {  	s19 =	simm.s32 $_scs_section_size  }
0x9a: {  	s4 =	simm.s32 $_size__tile_overlayer_lowered;
	s5 =	simm.s32 $_tile_overlayer_lowered  }
0x9b: {  	s22 =	simm.s32 $0x1BFF;
	s21 =	sshll.u32 s5, $0x1;
	s2 =	sadd.s32 s19, s18  }
0x9c: {  	s6 =	simm.s32 $0x0;
	s20 =	sshll.u32 s4, $0x1;
	s4 =	sadd.s32 s21, s2  }
0x9d: {  	[timem:s6], [sflag:s22] =	dma.local [hbm:s4], s20  }
0x9e: {  	_ =	swait.ge [sflag:s22], s20  }
0x9f: {  	s3 =	ssub.s32 $0x0, s20;
	[sflag:s22] =	ssyncset.done $0x0  }
0xa0: {  	[sflag:s22] =	ssyncadd.s32 s3;
	_ =	sdelay $0x1  }
0xa1: {  	s23 =	simm.s32 $0x1B8B  }
0xa2: {  	_ =	swait.ge [sflag:s23], $0x1  }
0xa3: {  	[sflag:s23] =	ssyncset.done $0x0  }
0xa4: {  	s25 =	simm.s32 $0x1B8E;
	s24 =	sld [smem:$0x3FFE];
	[sflag:s23] =	ssyncadd.s32 $0xFFFFFFFF  }
0xa5: {  	s26 =	simm.s32 $execute0_lowered;
	[smem:$0x3FD2] =	sst s25  }
0xa6: {  	s4 =	sshll.u32 s26, $0x1;
	_ =	strace $0x8000004C;
	[dreg:$0x1] =	wrdreg $0xFFFFFFFF  }
0xa7: {  	s28 =	simm.s32 $_size_execute0_lowered;
	s2 =	sadd.s32 s2, s4;
	[dreg:$0x0] =	wrdreg $0x0  }
0xa8: {  	s4 =	sshll.u32 s28, $0x1;
	[dreg:$0x2] =	wrdreg s2  }
0xa9: {  	[dreg:$0x3] =	wrdreg s4  }
0xaa: {  	[dreg:$0x4] =	wrdreg $0xC0  }
0xab: {  	_ =	task [dreg:s6], $0x5FFFF  }
0xac: {  	[dreg:$0x1] =	wrdreg $0xFFFFFFFF  }
0xad: {  	[dreg:$0x0] =	wrdreg $0x60  }
0xae: {  	[dreg:$0x2] =	wrdreg s24  }
0xaf: {  	[dreg:$0x3] =	wrdreg $0xB6800  }
0xb0: {  	[dreg:$0x4] =	wrdreg $0x9  }
0xb1: {  	_ =	task.clear_ibuf [dreg:s6], $0x5FFFF;
	_ =	strace $0x9000004C  }
0xb2: {  	s29 =	simm.s32 $0x9;
	_ =	strace $0x8000004E  }
0xb3: {  	_ =	swait.ge [sflag:s29], $0x1  }
0xb4: {  	[sflag:s29] =	ssyncadd.s32 $0xFFFFFFFF  }
0xb5: {  	_ =	strace $0x9000004E  }
0xb6: {  	_ =	sfence  }
0xb7: {  	s30 =	sld [smem:$0x0];
	_ =	sdelay $0x2  }
0xb8: {  	s31 =	sshll.u32 s1, $0xD;
	s1 =	sshrl.u32 s1, $0x2  }
0xb9: {  	s3 =	sand.u32 $0x4000, s31;
	s1 =	sadd.s32 s1, s30  }
0xba: {  	s0 =	sor.u32 s3, s0;
	s1 =	sshll.u32 s1, $0x11  }
0xbb: {  	s0 =	sor.u32 s1, s0  }
0xbc: {  	s0 =	sadd.s32 $0x8F2B, s0  }
0xbd: {  	[sflag:s0] =	ssyncadd.remote.s32 $0x1  }
0xbe: {  	_ =	sfence.sel $0xFFFF  }
0xbf: {  	[dreg:$0x0] =	wrdreg $0xFFFFFFFF;
	(pc) =	sbr.abs _section_cstart, $3  }
0xc0: {  	[dreg:$0x1] =	wrdreg $0xFFFFFFFF  }
0xc1: {  	_ =	task.clear_ibuf [dreg:s6], $0x2FFFF;
	_ =	strace $0x9FFFFFFF  }
0xc2: {  	(tm) =	ssettm $0x7FFFFFFF  }
0xc3: {  	_ =	shalt  }
tec
execute0_lowered:
.L_overlay_start_1:
0x0: {  	(tag) =	ssettag $0x1  }
0x1: {  	s0 =	rddreg [dreg:$0x0]  }
0x2: {  	s2 =	rddreg [dreg:$0x1]  }
0x3: {  	s1 =	srdreg.scid;
	s4 =	stileid.u32  }
0x4: {  	s10 =	simm.s32 $0x0;
	s12 =	simm.s32 $0x11;
	s13 =	simm.s32 $0x7D  }
0x5: {  	s14 =	simm.s32 $0x5000;
	s16 =	simm.s32 $0x57D0;
	s18 =	simm.s32 $0x5FA0  }
0x6: {  	s20 =	simm.s32 $0x6770;
	s22 =	simm.s32 $0x6F40;
	s29 =	simm.s32 $0x86B0  }
0x7: {  	s30 =	simm.s32 $0x1;
	s31 =	simm.s32 $0x2;
	s11 =	simm.s32 $0x5  }
0x8: {  	s15 =	simm.s32 $0x6;
	s17 =	simm.s32 $0x7;
	s19 =	simm.s32 $0x8  }
0x9: {  	s21 =	simm.s32 $0x9;
	s23 =	simm.s32 $0xA;
	s28 =	simm.s32 $0xC  }
0xa: {  	s8 =	simm.s32 $0xF;
	s9 =	simm.s32 $0x10;
	s1 =	sand.u32 $0x1, s1  }
0xb: {  	s5 =	smul.u32 $0x2800, s4;
	[smem:$0x7FF] =	sst s10;
	s3 =	sshll.u32 s1, $0x4  }
0xc: {  	s6 =	smul.u32 $0x28000, s1;
	_ =	strace $0x8000004D;
	s1 =	ssub.s32 $0x2, s1  }
0xd: {  	s3 =	sor.u32 s4, s3;
	s4 =	sadd.s32 $0x3E600, s0;
	s7 =	sshrl.u32 s1, $0x1  }
0xe: {  	s25 =	sadd.s32 s5, s2;
	s3 =	smul.u32 $0x500, s3;
	s6 =	sadd.s32 s5, s6  }
0xf: {  	s1 =	ssub.s32 s1, s7;
	[dreg:$0x5] =	wrdreg s25;
	s25 =	simm.s32 $0xB  }
0x10: {  	s5 =	simm.s32 $0xD;
	s26 =	smax.u32 s1, $0x1;
	s3 =	sadd.s32 s3, s0  }
0x11: {  	s6 =	sshrl.u32 s6, $0x3;
	[dreg:$0x7] =	wrdreg s26;
	s24 =	sadd.s32 $0xC600, s3  }
0x12: {  	s0 =	sadd.s32 s6, s0;
	s3 =	sadd.s32 $0x2000, s3;
	[dreg:$0x3] =	wrdreg s24  }
0x13: {  	s1 =	simm.s32 $0x4;
	s0 =	sadd.s32 $0x43600, s0;
	[dreg:$0x4] =	wrdreg s3  }
0x14: {  	s26 =	simm.s32 $0x7EE0;
	s6 =	simm.s32 $0xE;
	[dreg:$0x6] =	wrdreg s0  }
0x15: {  	v0 =	vimm.f32 $0.0e+00;
	s24 =	simm.s32 $0x7710;
	s0 =	simm.s32 $0x3;
	s3 =	simm.s32 $0x0  }
.LBB2_1:
0x16: {  	[dreg:$0x8] =	wrdreg s3  }
0x17: {  	s7 =	rddreg [dreg:$0x3]  }
0x18: {  	[tilespmem:s10], [sflag:$0x11] =	stream.linear.gather [hbm4b:s7+s10], $0x2800, $0x38;
	[tilespmem:$0xDE80] =	vst v63  }
0x19: {  	_ =	swait.ge [sflag:s12], $0x2800  }
0x1a: {  	[sflag:s12] =	ssyncset.done $0x0  }
0x1b: {  	s3 =	simm.s32 $0x2800;
	s7 =	rddreg [dreg:$0x4];
	[sflag:s12] =	ssyncadd.s32 $0xFFFFD800  }
0x1c: {  	[tilespmem:s3], [sflag:$0x11] =	stream.linear.gather [hbm4b:s7+s10], $0x2800, $0x38;
	[tilespmem:$0xDE80] =	vst v63  }
0x1d: {  	_ =	swait.ge [sflag:s12], $0x2800  }
0x1e: {  	[sflag:s12] =	ssyncset.done $0x0  }
0x1f: {  	s7 =	simm.s32 $0x40;
	[sflag:s12] =	ssyncadd.s32 $0xFFFFD800;
	s12 =	simm.s32 $0x0  }
.LBB2_2:
0x20: {  	p0 =	sne.s32 s7, $0x9FC0;
	[tilespmem:s12+$0x8E80] =	vst v0;
	s12 =	smov.u32 s7;
	s7 =	sadd.s32 $0x40, s7  }
.Ltmp0:
0x21: {  	(pc) =	sbr.rel @p0 .LBB2_2-.Ltmp0, $2  }
0x22: {  	_ =	sdelay $0x2  }
0x23: {  	s12 =	sshra.s32 s12, $0x2  }
0x24: {  	[tilespmem:s12+$0x8E80] =	vst v0;
	s7 =	rddreg [dreg:$0x5];
	s3 =	simm.s32 $0x8E80;
	s10 =	simm.s32 $0x11  }
0x25: {  	[spmem:s7] =	stream.linear.scatter [tilespmem:s3], [sflag:$0x11], $0x2800, $0x38;
	[tilespmem:$0xDE80] =	vst v63  }
0x26: {  	_ =	swait.ge [sflag:s10], $0x2800  }
0x27: {  	[sflag:s10] =	ssyncset.done $0x0  }
0x28: {  	[sflag:s10] =	ssyncadd.s32 $0xFFFFD800  }
0x29: {  	s12 =	simm.s32 $0x0;
	[bflag:$0x0] =	sbarrier.arrive $0xFFFF  }
0x2a: {  	[tilespmem:s14], [sflag:$0x1] =	stream.indirect.gather [hbm4b:s4+s13], $0x10, s12, s13, $0xb8;
	[tilespmem:$0xDE80] =	vst v63  }
0x2b: {  	s10 =	simm.s32 $0x80  }
0x2c: {  	[tilespmem:s16], [sflag:$0x2] =	stream.indirect.gather [hbm4b:s4+s13], $0x10, s10, s13, $0xb8;
	[tilespmem:$0xDE80] =	vst v63  }
0x2d: {  	s12 =	simm.s32 $0x100  }
0x2e: {  	[tilespmem:s18], [sflag:$0x3] =	stream.indirect.gather [hbm4b:s4+s13], $0x10, s12, s13, $0xb8;
	[tilespmem:$0xDE80] =	vst v63  }
0x2f: {  	s10 =	simm.s32 $0x180  }
0x30: {  	[tilespmem:s20], [sflag:$0x4] =	stream.indirect.gather [hbm4b:s4+s13], $0x10, s10, s13, $0xb8;
	[tilespmem:$0xDE80] =	vst v63  }
0x31: {  	s12 =	simm.s32 $0x200  }
0x32: {  	[tilespmem:s22], [sflag:$0x5] =	stream.indirect.gather [hbm4b:s4+s13], $0x10, s12, s13, $0xb8;
	[tilespmem:$0xDE80] =	vst v63  }
0x33: {  	s10 =	simm.s32 $0x280  }
0x34: {  	[tilespmem:s24], [sflag:$0x6] =	stream.indirect.gather [hbm4b:s4+s13], $0x10, s10, s13, $0xb8;
	[tilespmem:$0xDE80] =	vst v63  }
0x35: {  	s12 =	simm.s32 $0x300  }
0x36: {  	[tilespmem:s26], [sflag:$0x7] =	stream.indirect.gather [hbm4b:s4+s13], $0x10, s12, s13, $0xb8;
	[tilespmem:$0xDE80] =	vst v63  }
0x37: {  	s10 =	simm.s32 $0x380  }
0x38: {  	[tilespmem:s29], [sflag:$0x8] =	stream.indirect.gather [hbm4b:s4+s13], $0x10, s10, s13, $0xb8;
	[tilespmem:$0xDE80] =	vst v63  }
0x39: {  	_ =	swait.ge [sflag:s30], $0x7D0  }
0x3a: {  	[sflag:s30] =	ssyncset.done $0x0  }
0x3b: {  	s12 =	simm.s32 $0x2800;
	[sflag:s30] =	ssyncadd.s32 $0xFFFFF830  }
0x3c: {  	[spmem:s2] =	stream.indirect.scatter.add.f32 [tilespmem:s14], [sflag:$0x9], $0x10, s12, s13, $0xb8;
	[tilespmem:$0xDE80] =	vst v63  }
0x3d: {  	_ =	swait.ge [sflag:s31], $0x7D0  }
0x3e: {  	[sflag:s31] =	ssyncset.done $0x0  }
0x3f: {  	s10 =	simm.s32 $0x2880;
	[sflag:s31] =	ssyncadd.s32 $0xFFFFF830  }
0x40: {  	[spmem:s2] =	stream.indirect.scatter.add.f32 [tilespmem:s16], [sflag:$0xA], $0x10, s10, s13, $0xb8;
	[tilespmem:$0xDE80] =	vst v63  }
0x41: {  	_ =	swait.ge [sflag:s0], $0x7D0  }
0x42: {  	[sflag:s0] =	ssyncset.done $0x0  }
0x43: {  	s12 =	simm.s32 $0x2900;
	[sflag:s0] =	ssyncadd.s32 $0xFFFFF830  }
0x44: {  	[spmem:s2] =	stream.indirect.scatter.add.f32 [tilespmem:s18], [sflag:$0xB], $0x10, s12, s13, $0xb8;
	[tilespmem:$0xDE80] =	vst v63  }
0x45: {  	_ =	swait.ge [sflag:s1], $0x7D0  }
0x46: {  	[sflag:s1] =	ssyncset.done $0x0  }
0x47: {  	s10 =	simm.s32 $0x2980;
	[sflag:s1] =	ssyncadd.s32 $0xFFFFF830  }
0x48: {  	[spmem:s2] =	stream.indirect.scatter.add.f32 [tilespmem:s20], [sflag:$0xC], $0x10, s10, s13, $0xb8;
	[tilespmem:$0xDE80] =	vst v63  }
0x49: {  	_ =	swait.ge [sflag:s11], $0x7D0  }
0x4a: {  	[sflag:s11] =	ssyncset.done $0x0  }
0x4b: {  	s12 =	simm.s32 $0x2A00;
	[sflag:s11] =	ssyncadd.s32 $0xFFFFF830  }
0x4c: {  	[spmem:s2] =	stream.indirect.scatter.add.f32 [tilespmem:s22], [sflag:$0xD], $0x10, s12, s13, $0xb8;
	[tilespmem:$0xDE80] =	vst v63  }
0x4d: {  	_ =	swait.ge [sflag:s15], $0x7D0  }
0x4e: {  	[sflag:s15] =	ssyncset.done $0x0  }
0x4f: {  	s10 =	simm.s32 $0x2A80;
	[sflag:s15] =	ssyncadd.s32 $0xFFFFF830  }
0x50: {  	[spmem:s2] =	stream.indirect.scatter.add.f32 [tilespmem:s24], [sflag:$0xE], $0x10, s10, s13, $0xb8;
	[tilespmem:$0xDE80] =	vst v63  }
0x51: {  	_ =	swait.ge [sflag:s17], $0x7D0  }
0x52: {  	[sflag:s17] =	ssyncset.done $0x0  }
0x53: {  	s12 =	simm.s32 $0x2B00;
	[sflag:s17] =	ssyncadd.s32 $0xFFFFF830  }
0x54: {  	[spmem:s2] =	stream.indirect.scatter.add.f32 [tilespmem:s26], [sflag:$0xF], $0x10, s12, s13, $0xb8;
	[tilespmem:$0xDE80] =	vst v63  }
0x55: {  	_ =	swait.ge [sflag:s19], $0x7D0  }
0x56: {  	[sflag:s19] =	ssyncset.done $0x0  }
0x57: {  	s10 =	simm.s32 $0x2B80;
	[sflag:s19] =	ssyncadd.s32 $0xFFFFF830  }
0x58: {  	[spmem:s2] =	stream.indirect.scatter.add.f32 [tilespmem:s29], [sflag:$0x10], $0x10, s10, s13, $0xb8;
	[tilespmem:$0xDE80] =	vst v63  }
0x59: {  	_ =	swait.ge [sflag:s21], $0x7D0  }
0x5a: {  	[sflag:s21] =	ssyncset.done $0x0  }
0x5b: {  	s12 =	simm.s32 $0x400;
	[sflag:s21] =	ssyncadd.s32 $0xFFFFF830  }
0x5c: {  	[tilespmem:s14], [sflag:$0x1] =	stream.indirect.gather [hbm4b:s4+s13], $0x10, s12, s13, $0xb8;
	[tilespmem:$0xDE80] =	vst v63  }
0x5d: {  	_ =	swait.ge [sflag:s23], $0x7D0  }
0x5e: {  	[sflag:s23] =	ssyncset.done $0x0  }
0x5f: {  	s10 =	simm.s32 $0x480;
	[sflag:s23] =	ssyncadd.s32 $0xFFFFF830  }
0x60: {  	[tilespmem:s16], [sflag:$0x2] =	stream.indirect.gather [hbm4b:s4+s13], $0x10, s10, s13, $0xb8;
	[tilespmem:$0xDE80] =	vst v63  }
0x61: {  	_ =	swait.ge [sflag:s25], $0x7D0  }
0x62: {  	[sflag:s25] =	ssyncset.done $0x0  }
0x63: {  	s12 =	simm.s32 $0x500;
	[sflag:s25] =	ssyncadd.s32 $0xFFFFF830  }
0x64: {  	[tilespmem:s18], [sflag:$0x3] =	stream.indirect.gather [hbm4b:s4+s13], $0x10, s12, s13, $0xb8;
	[tilespmem:$0xDE80] =	vst v63  }
0x65: {  	_ =	swait.ge [sflag:s28], $0x7D0  }
0x66: {  	[sflag:s28] =	ssyncset.done $0x0  }
0x67: {  	s10 =	simm.s32 $0x580;
	[sflag:s28] =	ssyncadd.s32 $0xFFFFF830  }
0x68: {  	[tilespmem:s20], [sflag:$0x4] =	stream.indirect.gather [hbm4b:s4+s13], $0x10, s10, s13, $0xb8;
	[tilespmem:$0xDE80] =	vst v63  }
0x69: {  	_ =	swait.ge [sflag:s5], $0x7D0  }
0x6a: {  	[sflag:s5] =	ssyncset.done $0x0  }
0x6b: {  	s12 =	simm.s32 $0x600;
	[sflag:s5] =	ssyncadd.s32 $0xFFFFF830  }
0x6c: {  	[tilespmem:s22], [sflag:$0x5] =	stream.indirect.gather [hbm4b:s4+s13], $0x10, s12, s13, $0xb8;
	[tilespmem:$0xDE80] =	vst v63  }
0x6d: {  	_ =	swait.ge [sflag:s6], $0x7D0  }
0x6e: {  	[sflag:s6] =	ssyncset.done $0x0  }
0x6f: {  	s10 =	simm.s32 $0x680;
	[sflag:s6] =	ssyncadd.s32 $0xFFFFF830  }
0x70: {  	[tilespmem:s24], [sflag:$0x6] =	stream.indirect.gather [hbm4b:s4+s13], $0x10, s10, s13, $0xb8;
	[tilespmem:$0xDE80] =	vst v63  }
0x71: {  	_ =	swait.ge [sflag:s8], $0x7D0  }
0x72: {  	[sflag:s8] =	ssyncset.done $0x0  }
0x73: {  	s12 =	simm.s32 $0x700;
	[sflag:s8] =	ssyncadd.s32 $0xFFFFF830  }
0x74: {  	[tilespmem:s26], [sflag:$0x7] =	stream.indirect.gather [hbm4b:s4+s13], $0x10, s12, s13, $0xb8;
	[tilespmem:$0xDE80] =	vst v63  }
0x75: {  	_ =	swait.ge [sflag:s9], $0x7D0  }
0x76: {  	[sflag:s9] =	ssyncset.done $0x0  }
0x77: {  	s7 =	simm.s32 $0x780;
	s12 =	simm.s32 $0x1000;
	[sflag:s9] =	ssyncadd.s32 $0xFFFFF830  }
.LBB2_4:
0x78: {  	[tilespmem:s29], [sflag:$0x8] =	stream.indirect.gather [hbm4b:s4+s13], $0x10, s7, s13, $0xb8;
	[tilespmem:$0xDE80] =	vst v63  }
0x79: {  	s7 =	smov.u32 s12  }
0x7a: {  	p0 =	sne.s32 s12, $0x8000;
	s12 =	sadd.s32 $0x1000, s12;
	_ =	swait.ge [sflag:s30], $0x7D0  }
0x7b: {  	s7 =	sshra.s32 s7, $0x2;
	[sflag:s30] =	ssyncset.done $0x0  }
0x7c: {  	s10 =	sadd.s32 $0x2800, s7;
	[sflag:s30] =	ssyncadd.s32 $0xFFFFF830  }
0x7d: {  	[spmem:s2] =	stream.indirect.scatter.add.f32 [tilespmem:s14], [sflag:$0x9], $0x10, s10, s13, $0xb8;
	[tilespmem:$0xDE80] =	vst v63  }
0x7e: {  	_ =	swait.ge [sflag:s31], $0x7D0  }
0x7f: {  	[sflag:s31] =	ssyncset.done $0x0  }
0x80: {  	s10 =	sadd.s32 $0x2880, s7;
	[sflag:s31] =	ssyncadd.s32 $0xFFFFF830  }
0x81: {  	[spmem:s2] =	stream.indirect.scatter.add.f32 [tilespmem:s16], [sflag:$0xA], $0x10, s10, s13, $0xb8;
	[tilespmem:$0xDE80] =	vst v63  }
0x82: {  	_ =	swait.ge [sflag:s0], $0x7D0  }
0x83: {  	[sflag:s0] =	ssyncset.done $0x0  }
0x84: {  	s10 =	sadd.s32 $0x2900, s7;
	[sflag:s0] =	ssyncadd.s32 $0xFFFFF830  }
0x85: {  	[spmem:s2] =	stream.indirect.scatter.add.f32 [tilespmem:s18], [sflag:$0xB], $0x10, s10, s13, $0xb8;
	[tilespmem:$0xDE80] =	vst v63  }
0x86: {  	_ =	swait.ge [sflag:s1], $0x7D0  }
0x87: {  	[sflag:s1] =	ssyncset.done $0x0  }
0x88: {  	s10 =	sadd.s32 $0x2980, s7;
	[sflag:s1] =	ssyncadd.s32 $0xFFFFF830  }
0x89: {  	[spmem:s2] =	stream.indirect.scatter.add.f32 [tilespmem:s20], [sflag:$0xC], $0x10, s10, s13, $0xb8;
	[tilespmem:$0xDE80] =	vst v63  }
0x8a: {  	_ =	swait.ge [sflag:s11], $0x7D0  }
0x8b: {  	[sflag:s11] =	ssyncset.done $0x0  }
0x8c: {  	s10 =	sadd.s32 $0x2A00, s7;
	[sflag:s11] =	ssyncadd.s32 $0xFFFFF830  }
0x8d: {  	[spmem:s2] =	stream.indirect.scatter.add.f32 [tilespmem:s22], [sflag:$0xD], $0x10, s10, s13, $0xb8;
	[tilespmem:$0xDE80] =	vst v63  }
0x8e: {  	_ =	swait.ge [sflag:s15], $0x7D0  }
0x8f: {  	[sflag:s15] =	ssyncset.done $0x0  }
0x90: {  	s10 =	sadd.s32 $0x2A80, s7;
	[sflag:s15] =	ssyncadd.s32 $0xFFFFF830  }
0x91: {  	[spmem:s2] =	stream.indirect.scatter.add.f32 [tilespmem:s24], [sflag:$0xE], $0x10, s10, s13, $0xb8;
	[tilespmem:$0xDE80] =	vst v63  }
0x92: {  	_ =	swait.ge [sflag:s17], $0x7D0  }
0x93: {  	[sflag:s17] =	ssyncset.done $0x0  }
0x94: {  	s10 =	sadd.s32 $0x2B00, s7;
	[sflag:s17] =	ssyncadd.s32 $0xFFFFF830  }
0x95: {  	[spmem:s2] =	stream.indirect.scatter.add.f32 [tilespmem:s26], [sflag:$0xF], $0x10, s10, s13, $0xb8;
	[tilespmem:$0xDE80] =	vst v63  }
0x96: {  	_ =	swait.ge [sflag:s19], $0x7D0  }
0x97: {  	[sflag:s19] =	ssyncset.done $0x0  }
0x98: {  	s10 =	sadd.s32 $0x2B80, s7;
	[sflag:s19] =	ssyncadd.s32 $0xFFFFF830  }
0x99: {  	[spmem:s2] =	stream.indirect.scatter.add.f32 [tilespmem:s29], [sflag:$0x10], $0x10, s10, s13, $0xb8;
	[tilespmem:$0xDE80] =	vst v63  }
0x9a: {  	_ =	swait.ge [sflag:s21], $0x7D0  }
0x9b: {  	[sflag:s21] =	ssyncset.done $0x0  }
0x9c: {  	s10 =	sadd.s32 $0x400, s7;
	[sflag:s21] =	ssyncadd.s32 $0xFFFFF830  }
0x9d: {  	[tilespmem:s14], [sflag:$0x1] =	stream.indirect.gather [hbm4b:s4+s13], $0x10, s10, s13, $0xb8;
	[tilespmem:$0xDE80] =	vst v63  }
0x9e: {  	_ =	swait.ge [sflag:s23], $0x7D0  }
0x9f: {  	[sflag:s23] =	ssyncset.done $0x0  }
0xa0: {  	s10 =	sadd.s32 $0x480, s7;
	[sflag:s23] =	ssyncadd.s32 $0xFFFFF830  }
0xa1: {  	[tilespmem:s16], [sflag:$0x2] =	stream.indirect.gather [hbm4b:s4+s13], $0x10, s10, s13, $0xb8;
	[tilespmem:$0xDE80] =	vst v63  }
0xa2: {  	_ =	swait.ge [sflag:s25], $0x7D0  }
0xa3: {  	[sflag:s25] =	ssyncset.done $0x0  }
0xa4: {  	s10 =	sadd.s32 $0x500, s7;
	[sflag:s25] =	ssyncadd.s32 $0xFFFFF830  }
0xa5: {  	[tilespmem:s18], [sflag:$0x3] =	stream.indirect.gather [hbm4b:s4+s13], $0x10, s10, s13, $0xb8;
	[tilespmem:$0xDE80] =	vst v63  }
0xa6: {  	_ =	swait.ge [sflag:s28], $0x7D0  }
0xa7: {  	[sflag:s28] =	ssyncset.done $0x0  }
0xa8: {  	s10 =	sadd.s32 $0x580, s7;
	[sflag:s28] =	ssyncadd.s32 $0xFFFFF830  }
0xa9: {  	[tilespmem:s20], [sflag:$0x4] =	stream.indirect.gather [hbm4b:s4+s13], $0x10, s10, s13, $0xb8;
	[tilespmem:$0xDE80] =	vst v63  }
0xaa: {  	_ =	swait.ge [sflag:s5], $0x7D0  }
0xab: {  	[sflag:s5] =	ssyncset.done $0x0  }
0xac: {  	s10 =	sadd.s32 $0x600, s7;
	[sflag:s5] =	ssyncadd.s32 $0xFFFFF830  }
0xad: {  	[tilespmem:s22], [sflag:$0x5] =	stream.indirect.gather [hbm4b:s4+s13], $0x10, s10, s13, $0xb8;
	[tilespmem:$0xDE80] =	vst v63  }
0xae: {  	_ =	swait.ge [sflag:s6], $0x7D0  }
0xaf: {  	[sflag:s6] =	ssyncset.done $0x0  }
0xb0: {  	s10 =	sadd.s32 $0x680, s7;
	[sflag:s6] =	ssyncadd.s32 $0xFFFFF830  }
0xb1: {  	[tilespmem:s24], [sflag:$0x6] =	stream.indirect.gather [hbm4b:s4+s13], $0x10, s10, s13, $0xb8;
	[tilespmem:$0xDE80] =	vst v63  }
0xb2: {  	_ =	swait.ge [sflag:s8], $0x7D0  }
0xb3: {  	[sflag:s8] =	ssyncset.done $0x0  }
.Ltmp1:
0xb4: {  	s10 =	sadd.s32 $0x700, s7;
	[sflag:s8] =	ssyncadd.s32 $0xFFFFF830;
	(pc) =	sbr.rel @p0 .LBB2_4-.Ltmp1, $4  }
0xb5: {  	[tilespmem:s26], [sflag:$0x7] =	stream.indirect.gather [hbm4b:s4+s13], $0x10, s10, s13, $0xb8;
	[tilespmem:$0xDE80] =	vst v63  }
0xb6: {  	_ =	swait.ge [sflag:s9], $0x7D0  }
0xb7: {  	[sflag:s9] =	ssyncset.done $0x0  }
0xb8: {  	s7 =	sadd.s32 $0x780, s7;
	[sflag:s9] =	ssyncadd.s32 $0xFFFFF830  }
0xb9: {  	[tilespmem:s29], [sflag:$0x8] =	stream.indirect.gather [hbm4b:s4+s13], $0x10, s7, s13, $0xb8;
	[tilespmem:$0xDE80] =	vst v63  }
0xba: {  	_ =	swait.ge [sflag:s30], $0x7D0  }
0xbb: {  	[sflag:s30] =	ssyncset.done $0x0  }
0xbc: {  	s12 =	simm.s32 $0x4C00;
	[sflag:s30] =	ssyncadd.s32 $0xFFFFF830  }
0xbd: {  	[spmem:s2] =	stream.indirect.scatter.add.f32 [tilespmem:s14], [sflag:$0x9], $0x10, s12, s13, $0xb8;
	[tilespmem:$0xDE80] =	vst v63  }
0xbe: {  	_ =	swait.ge [sflag:s31], $0x7D0  }
0xbf: {  	[sflag:s31] =	ssyncset.done $0x0  }
0xc0: {  	s10 =	simm.s32 $0x4C80;
	[sflag:s31] =	ssyncadd.s32 $0xFFFFF830  }
0xc1: {  	[spmem:s2] =	stream.indirect.scatter.add.f32 [tilespmem:s16], [sflag:$0xA], $0x10, s10, s13, $0xb8;
	[tilespmem:$0xDE80] =	vst v63  }
0xc2: {  	_ =	swait.ge [sflag:s0], $0x7D0  }
0xc3: {  	[sflag:s0] =	ssyncset.done $0x0  }
0xc4: {  	s12 =	simm.s32 $0x4D00;
	[sflag:s0] =	ssyncadd.s32 $0xFFFFF830  }
0xc5: {  	[spmem:s2] =	stream.indirect.scatter.add.f32 [tilespmem:s18], [sflag:$0xB], $0x10, s12, s13, $0xb8;
	[tilespmem:$0xDE80] =	vst v63  }
0xc6: {  	_ =	swait.ge [sflag:s1], $0x7D0  }
0xc7: {  	[sflag:s1] =	ssyncset.done $0x0  }
0xc8: {  	s10 =	simm.s32 $0x4D80;
	[sflag:s1] =	ssyncadd.s32 $0xFFFFF830  }
0xc9: {  	[spmem:s2] =	stream.indirect.scatter.add.f32 [tilespmem:s20], [sflag:$0xC], $0x10, s10, s13, $0xb8;
	[tilespmem:$0xDE80] =	vst v63  }
0xca: {  	_ =	swait.ge [sflag:s11], $0x7D0  }
0xcb: {  	[sflag:s11] =	ssyncset.done $0x0  }
0xcc: {  	s12 =	simm.s32 $0x4E00;
	[sflag:s11] =	ssyncadd.s32 $0xFFFFF830  }
0xcd: {  	[spmem:s2] =	stream.indirect.scatter.add.f32 [tilespmem:s22], [sflag:$0xD], $0x10, s12, s13, $0xb8;
	[tilespmem:$0xDE80] =	vst v63  }
0xce: {  	_ =	swait.ge [sflag:s15], $0x7D0  }
0xcf: {  	[sflag:s15] =	ssyncset.done $0x0  }
0xd0: {  	s10 =	simm.s32 $0x4E80;
	[sflag:s15] =	ssyncadd.s32 $0xFFFFF830  }
0xd1: {  	[spmem:s2] =	stream.indirect.scatter.add.f32 [tilespmem:s24], [sflag:$0xE], $0x10, s10, s13, $0xb8;
	[tilespmem:$0xDE80] =	vst v63  }
0xd2: {  	_ =	swait.ge [sflag:s17], $0x7D0  }
0xd3: {  	[sflag:s17] =	ssyncset.done $0x0  }
0xd4: {  	s12 =	simm.s32 $0x4F00;
	[sflag:s17] =	ssyncadd.s32 $0xFFFFF830  }
0xd5: {  	[spmem:s2] =	stream.indirect.scatter.add.f32 [tilespmem:s26], [sflag:$0xF], $0x10, s12, s13, $0xb8;
	[tilespmem:$0xDE80] =	vst v63  }
0xd6: {  	_ =	swait.ge [sflag:s19], $0x7D0  }
0xd7: {  	[sflag:s19] =	ssyncset.done $0x0  }
0xd8: {  	s10 =	simm.s32 $0x4F80;
	[sflag:s19] =	ssyncadd.s32 $0xFFFFF830  }
0xd9: {  	[spmem:s2] =	stream.indirect.scatter.add.f32 [tilespmem:s29], [sflag:$0x10], $0x10, s10, s13, $0xb8;
	[tilespmem:$0xDE80] =	vst v63  }
0xda: {  	_ =	swait.ge [sflag:s21], $0x7D0  }
0xdb: {  	[sflag:s21] =	ssyncset.done $0x0  }
0xdc: {  	[sflag:s21] =	ssyncadd.s32 $0xFFFFF830  }
0xdd: {  	_ =	swait.ge [sflag:s23], $0x7D0  }
0xde: {  	[sflag:s23] =	ssyncset.done $0x0  }
0xdf: {  	[sflag:s23] =	ssyncadd.s32 $0xFFFFF830  }
0xe0: {  	_ =	swait.ge [sflag:s25], $0x7D0  }
0xe1: {  	[sflag:s25] =	ssyncset.done $0x0  }
0xe2: {  	[sflag:s25] =	ssyncadd.s32 $0xFFFFF830  }
0xe3: {  	_ =	swait.ge [sflag:s28], $0x7D0  }
0xe4: {  	[sflag:s28] =	ssyncset.done $0x0  }
0xe5: {  	[sflag:s28] =	ssyncadd.s32 $0xFFFFF830  }
0xe6: {  	_ =	swait.ge [sflag:s5], $0x7D0  }
0xe7: {  	[sflag:s5] =	ssyncset.done $0x0  }
0xe8: {  	[sflag:s5] =	ssyncadd.s32 $0xFFFFF830  }
0xe9: {  	_ =	swait.ge [sflag:s6], $0x7D0  }
0xea: {  	[sflag:s6] =	ssyncset.done $0x0  }
0xeb: {  	[sflag:s6] =	ssyncadd.s32 $0xFFFFF830  }
0xec: {  	_ =	swait.ge [sflag:s8], $0x7D0  }
0xed: {  	[sflag:s8] =	ssyncset.done $0x0  }
0xee: {  	[sflag:s8] =	ssyncadd.s32 $0xFFFFF830  }
0xef: {  	_ =	swait.ge [sflag:s9], $0x7D0  }
0xf0: {  	[sflag:s9] =	ssyncset.done $0x0  }
0xf1: {  	[sflag:s9] =	ssyncadd.s32 $0xFFFFF830  }
0xf2: {  	[bflag:$0x0] =	sbarrier.arrive $0xFFFF  }
0xf3: {  	s12 =	rddreg [dreg:$0x5]  }
0xf4: {  	[tilespmem:s3], [sflag:$0x11] =	stream.linear.gather [spmem:s12], $0x2800, $0x38;
	[tilespmem:$0xDE80] =	vst v63  }
0xf5: {  	s12 =	simm.s32 $0x11  }
0xf6: {  	_ =	swait.ge [sflag:s12], $0x2800  }
0xf7: {  	[sflag:s12] =	ssyncset.done $0x0  }
0xf8: {  	s10 =	simm.s32 $0x0;
	s7 =	rddreg [dreg:$0x6];
	[sflag:s12] =	ssyncadd.s32 $0xFFFFD800  }
0xf9: {  	[hbm4b:s7+s10] =	stream.linear.scatter [tilespmem:s3], [sflag:$0x11], $0x2800, $0x38;
	[tilespmem:$0xDE80] =	vst v63  }
0xfa: {  	_ =	swait.ge [sflag:s12], $0x2800  }
0xfb: {  	s7 =	rddreg [dreg:$0x8]  }
0xfc: {  	s3 =	sadd.s32 $0x1, s7;
	s7 =	rddreg [dreg:$0x7]  }
0xfd: {  	p0 =	sne.s32 s3, s7  }
.Ltmp2:
0xfe: {  	_ = 	snop;
	(pc) =	sbr.rel @p0 .LBB2_1-.Ltmp2, $3  }
0xff: {  	_ =	sdelay $0x1  }
0x100: {  	[sflag:s12] =	ssyncset.done $0x0  }
0x101: {  	[sflag:s12] =	ssyncadd.s32 $0xFFFFD800  }
0x102: {  	_ =	sfence.sel $0x180000  }
0x103: {  	[bflag:$0x0] =	sbarrier.arrive $0xFFFF  }
0x104: {  	_ =	strace $0x9000004D  }
0x105: {  	s0 =	stileid.u32;
	[bflag:$0x2] =	sbarrier.arrive $0xFFFF  }
0x106: {  	p0 =	sne.s32 s0, $0x0;
	s0 =	rddreg [dreg:$0x2]  }
0x107: {  	s0 =	sadd.s32 @!p0 $0x100000, s0  }
0x108: {  	[sflag:s0] =	ssyncadd.tile.s32 @!p0 $0x1;
	_ =	shalt  }
.Lfunc_end2:
_tile_overlayer_lowered:
.L_overlay_start_2:
0x109: {  	(tag) =	ssettag $0x2  }
0x10a: {  	s0 =	rddreg [dreg:$0x0];
	s2 =	stileid.u32  }
0x10b: {  	s1 =	rddreg [dreg:$0x1];
	p0 =	sne.s32 s2, $0x0  }
0x10c: {  	s3 =	rddreg [dreg:$0x2];
	[bflag:$0x3] =	sbarrier.arrive $0xFFFF;
	s2 =	simm.s32 @!p0 $0x1C11  }
0x10d: {  	[timem:s3], [sflag:s2] =	dma.local @!p0 [hbm:s0], s1  }
0x10e: {  	s0 =	simm.s32 @!p0 $0x11  }
0x10f: {  	_ =	swait.ge @!p0 [sflag:s0], s1  }
0x110: {  	s1 =	ssub.s32 @!p0 $0x0, s1;
	[sflag:s0] =	ssyncset.done @!p0 $0x0  }
0x111: {  	[sflag:s0] =	ssyncadd.s32 @!p0 s1  }
0x112: {  	[bflag:$0x3] =	sbarrier.arrive $0xFFFF  }
0x113: {  	_ =	shalt  }

// kernel: kernel.8.cloned.1.call-start
scs
__scs_entry_jumppad:
0x0: {  	(pc) =	sbr.rel $0x88, $3  }
0x1: {  	(tag) =	ssettag $0x0;
	lr =	simm.s32 $0x1  }
0x2: {  	[smem:$0x3F9B] =	sst lr;
	_ =	strace $0xD0000000  }
0x3: {  	_ = 	snop  }
0x4: {  	_ = 	snop  }
0x5: {  	_ = 	snop  }
0x6: {  	_ = 	snop  }
0x7: {  	_ = 	snop  }
__scs_overlays_trampoline_lowered:
0x8: {  	[smem:$0x3FAA] =	sst s0  }
0x9: {  	[smem:$0x3FAB] =	sst s1  }
0xa: {  	[smem:$0x3FAC] =	sst s2  }
0xb: {  	[smem:$0x3FAD] =	sst s3  }
0xc: {  	[smem:$0x3FAE] =	sst s4  }
0xd: {  	[smem:$0x3FAF] =	sst s5  }
0xe: {  	[smem:$0x3FB0] =	sst s6  }
0xf: {  	[smem:$0x3FB1] =	sst s7  }
0x10: {  	[smem:$0x3FB2] =	sst s8  }
0x11: {  	[smem:$0x3FB3] =	sst s9;
	s0 =	simm.s32 @!p0 $0x0  }
0x12: {  	s1 =	sld [smem:$0x3F99];
	s0 =	simm.s32 @p0 $0x1  }
0x13: {  	[smem:$0x3FB4] =	sst s0;
	s0 =	simm.s32 @!p1 $0x0  }
0x14: {  	s2 =	sld [smem:$0x3F98];
	s0 =	simm.s32 @p1 $0x1  }
0x15: {  	[smem:$0x3FB5] =	sst s0;
	s0 =	simm.s32 @!p2 $0x0  }
0x16: {  	s3 =	sld [smem:$0x3FDB];
	s0 =	simm.s32 @p2 $0x1  }
0x17: {  	s4 =	simm.s32 $0x1BF5;
	[smem:$0x3FB7] =	sst s0  }
0x18: {  	s0 =	sld [smem:$0x3F9A];
	_ =	swait.ge [sflag:s4], $0x0  }
0x19: {  	s7 =	sld [smem:$0x3F9B]  }
0x1a: {  	s8 =	sadd.s32 $0xFFFFE003, lr  }
0x1b: {  	s9 =	sadd.s32 $0xFFFFFEF7, lr;
	s5 =	simm.s32 $0xFFFFFFFF;
	p2 =	slt.u32 s8, $0xFFFFF086  }
0x1c: {  	p1 =	slt.u32 s9, $0xF7A;
	s5 =	simm.s32 @!p2 $0x0  }
0x1d: {  	s5 =	simm.s32 @p1 $0x1;
	p0 =	seq.s32 s7, s2  }
0x1e: {  	s7 =	smul.u32 @!p0 $0xF7A, s2;
	p2 =	seq.s32 @!p0 s5, $0x0  }
0x1f: {  	s9 =	smul.u32 $0xF7A, s1;
	s8 =	simm.s32 @!p0 $0x1BF5;
	p2 =	por !p2, p0  }
0x20: {  	[sflag:s8] =	ssyncset.s32 @!p0 $0xFFFFF086;
	s6 =	sadd.s32 @!p0 s3, s7;
	s7 =	simm.s32 @!p0 $0x108  }
0x21: {  	s3 =	sadd.s32 s3, s9;
	s6 =	sadd.s32 @!p0 $0x88, s6;
	s7 =	simm.s32 @p2 $0x1082  }
0x22: {  	[simem:s7], [sflag:s8] =	dma.local @!p0 [hbm:s6], $0xF7A  }
0x23: {  	s9 =	sor.u32 $0xD0000000, s2;
	s6 =	simm.s32 $0x108;
	_ =	swait.ge @!p0 [sflag:s8], $0x0  }
0x24: {  	s3 =	sadd.s32 $0x88, s3;
	s6 =	simm.s32 @!p1 $0x1082;
	[sflag:s4] =	ssyncset.s32 $0xFFFFF086  }
0x25: {  	[simem:s6], [sflag:s4] =	dma.local [hbm:s3], $0xF7A  }
0x26: {  	[smem:$0x3F9B] =	sst s1;
	(tag) =	ssettag s2;
	_ =	strace s9  }
0x27: {  	s1 =	sld [smem:$0x3FAB]  }
0x28: {  	s2 =	sld [smem:$0x3FAC]  }
0x29: {  	s4 =	sld [smem:$0x3FAE]  }
0x2a: {  	p0 =	seq.s32 s5, $0x0;
	s5 =	sld [smem:$0x3FAF]  }
0x2b: {  	s6 =	sld [smem:$0x3FB0]  }
0x2c: {  	s7 =	sld [smem:$0x3FB1]  }
0x2d: {  	s3 =	simm.s32 $0x108;
	s8 =	sld [smem:$0x3FB2]  }
0x2e: {  	s3 =	simm.s32 @!p0 $0x1082;
	s9 =	sld [smem:$0x3FB3]  }
0x2f: {  	lr =	sadd.s32 s0, s3;
	s0 =	sld [smem:$0x3FAA]  }
0x30: {  	s3 =	sld [smem:$0x3FAD]  }
0x31: {  	[smem:$0x3FB6] =	sst s10  }
0x32: {  	s10 =	sld [smem:$0x3FB4];
	_ =	sdelay $0x3  }
0x33: {  	p0 =	seq.s32 s10, $0x1;
	s10 =	sld [smem:$0x3FB6];
	_ =	sdelay $0x3  }
0x34: {  	[smem:$0x3FB6] =	sst s10  }
0x35: {  	s10 =	sld [smem:$0x3FB5];
	_ =	sdelay $0x3  }
0x36: {  	p1 =	seq.s32 s10, $0x1;
	s10 =	sld [smem:$0x3FB6];
	_ =	sdelay $0x3  }
0x37: {  	[smem:$0x3FB6] =	sst s10  }
0x38: {  	s10 =	sld [smem:$0x3FB7]  }
0x39: {  	_ = 	snop;
	(pc) =	sbr.ind lr, $3  }
0x3a: {  	_ = 	snop  }
0x3b: {  	_ = 	snop  }
0x3c: {  	p2 =	seq.s32 s10, $0x1;
	s10 =	sld [smem:$0x3FB6]  }
0x3d: {  	_ =	shalt  }
0x3e: {  	_ =	shalt  }
0x3f: {  	_ =	shalt  }
0x40: {  	_ =	shalt  }
0x41: {  	_ =	shalt  }
0x42: {  	_ =	shalt  }
0x43: {  	_ =	shalt  }
0x44: {  	_ =	shalt  }
0x45: {  	_ =	shalt  }
0x46: {  	_ =	shalt  }
0x47: {  	_ =	shalt  }
0x48: {  	_ =	shalt  }
0x49: {  	_ =	shalt  }
0x4a: {  	_ =	shalt  }
0x4b: {  	_ =	shalt  }
0x4c: {  	_ =	shalt  }
0x4d: {  	_ =	shalt  }
0x4e: {  	_ =	shalt  }
0x4f: {  	_ =	shalt  }
0x50: {  	_ =	shalt  }
0x51: {  	_ =	shalt  }
0x52: {  	_ =	shalt  }
0x53: {  	_ =	shalt  }
0x54: {  	_ =	shalt  }
0x55: {  	_ =	shalt  }
0x56: {  	_ =	shalt  }
0x57: {  	_ =	shalt  }
0x58: {  	_ =	shalt  }
0x59: {  	_ =	shalt  }
0x5a: {  	_ =	shalt  }
0x5b: {  	_ =	shalt  }
0x5c: {  	_ =	shalt  }
0x5d: {  	_ =	shalt  }
0x5e: {  	_ =	shalt  }
0x5f: {  	_ =	shalt  }
0x60: {  	_ =	shalt  }
0x61: {  	_ =	shalt  }
0x62: {  	_ =	shalt  }
0x63: {  	_ =	shalt  }
0x64: {  	_ =	shalt  }
0x65: {  	_ =	shalt  }
0x66: {  	_ =	shalt  }
0x67: {  	_ =	shalt  }
0x68: {  	_ =	shalt  }
0x69: {  	_ =	shalt  }
0x6a: {  	_ =	shalt  }
0x6b: {  	_ =	shalt  }
0x6c: {  	_ =	shalt  }
0x6d: {  	_ =	shalt  }
0x6e: {  	_ =	shalt  }
0x6f: {  	_ =	shalt  }
0x70: {  	_ =	shalt  }
0x71: {  	_ =	shalt  }
0x72: {  	_ =	shalt  }
0x73: {  	_ =	shalt  }
0x74: {  	_ =	shalt  }
0x75: {  	_ =	shalt  }
0x76: {  	_ =	shalt  }
0x77: {  	_ =	shalt  }
0x78: {  	_ =	shalt  }
0x79: {  	_ =	shalt  }
0x7a: {  	_ =	shalt  }
0x7b: {  	_ =	shalt  }
0x7c: {  	_ =	shalt  }
0x7d: {  	_ =	shalt  }
0x7e: {  	_ =	shalt  }
0x7f: {  	_ =	shalt  }
0x80: {  	_ =	shalt  }
0x81: {  	_ =	shalt  }
0x82: {  	_ =	shalt  }
0x83: {  	_ =	shalt  }
0x84: {  	_ =	shalt  }
0x85: {  	_ =	shalt  }
0x86: {  	_ =	shalt  }
0x87: {  	_ =	shalt  }
.Lfunc_end0:
.L_simem_size_0:
called_computation_lowered:
.L_overlay_start_0:
0x88: {  	s2 =	sld [smem:$0x3FD9]  }
0x89: {  	s3 =	sld [smem:$0x3FFE];
	_ =	sdelay $0x1  }
0x8a: {  	s1 =	srdreg.scid  }
0x8b: {  	s0 =	sand.u32 $0x1, s1  }
0x8c: {  	s17 =	sshll.u32 s0, $0xA;
	s2 =	sadd.s32 s3, s2  }
0x8d: {  	s2 =	sadd.s32 s2, s17  }
0x8e: {  	[smem:$0x3FC2] =	sst s2  }
0x8f: {  	_ = 	snop  }
0x90: {  	s2 =	sld [smem:$0x3FD0];
	(tm) =	ssettm $0x1  }
0x91: {  	s18 =	sld [smem:$0x3FFB];
	_ =	sdelay $0x3  }
0x92: {  	_ =	strace s18  }
0x93: {  	s3 =	sld [smem:$0x3FFC];
	_ =	sdelay $0x3  }
0x94: {  	_ =	strace s3  }
0x95: {  	s3 =	sld [smem:$0x3FFD];
	_ =	sdelay $0x3  }
0x96: {  	_ =	strace s3  }
0x97: {  	_ =	strace $0x8FFFFFFF  }
0x98: {  	s19 =	sld [smem:$0x3FDB];
	_ =	sdelay $0x1  }
0x99: {  	s4 =	simm.s32 $_scs_section_size  }
0x9a: {  	s5 =	simm.s32 $_size__tile_overlayer_lowered;
	s6 =	simm.s32 $_tile_overlayer_lowered  }
0x9b: {  	s22 =	simm.s32 $0x1BFF;
	s21 =	sshll.u32 s6, $0x1;
	s3 =	sadd.s32 s4, s19  }
0x9c: {  	s7 =	simm.s32 $0x0;
	s20 =	sshll.u32 s5, $0x1;
	s5 =	sadd.s32 s21, s3  }
0x9d: {  	[timem:s7], [sflag:s22] =	dma.local [hbm:s5], s20  }
0x9e: {  	_ =	swait.ge [sflag:s22], s20  }
0x9f: {  	s4 =	ssub.s32 $0x0, s20;
	[sflag:s22] =	ssyncset.done $0x0  }
0xa0: {  	[sflag:s22] =	ssyncadd.s32 s4;
	_ =	sdelay $0x1  }
0xa1: {  	s23 =	simm.s32 $0x1B8B  }
0xa2: {  	_ =	swait.ge [sflag:s23], $0x1  }
0xa3: {  	[sflag:s23] =	ssyncset.done $0x0  }
0xa4: {  	s25 =	simm.s32 $0x1B8E;
	s24 =	sld [smem:$0x3FFE];
	[sflag:s23] =	ssyncadd.s32 $0xFFFFFFFF  }
0xa5: {  	s26 =	simm.s32 $execute0_lowered;
	[smem:$0x3FD2] =	sst s25  }
0xa6: {  	s5 =	sshll.u32 s26, $0x1;
	_ =	strace $0x80000046;
	[dreg:$0x1] =	wrdreg $0xFFFFFFFF  }
0xa7: {  	s28 =	simm.s32 $_size_execute0_lowered;
	s3 =	sadd.s32 s3, s5;
	[dreg:$0x0] =	wrdreg $0x0  }
0xa8: {  	s5 =	sshll.u32 s28, $0x1;
	[dreg:$0x2] =	wrdreg s3  }
0xa9: {  	[dreg:$0x3] =	wrdreg s5  }
0xaa: {  	[dreg:$0x4] =	wrdreg $0xC0  }
0xab: {  	_ =	task [dreg:s7], $0x5FFFF  }
0xac: {  	[dreg:$0x1] =	wrdreg $0xFFFFFFFF  }
0xad: {  	[dreg:$0x0] =	wrdreg $0x60  }
0xae: {  	[dreg:$0x2] =	wrdreg s24  }
0xaf: {  	[dreg:$0x3] =	wrdreg s2  }
0xb0: {  	[dreg:$0x4] =	wrdreg $0x2B000  }
0xb1: {  	[dreg:$0x5] =	wrdreg $0x9  }
0xb2: {  	_ =	task.clear_ibuf [dreg:s7], $0x6FFFF;
	_ =	strace $0x90000046  }
0xb3: {  	s29 =	simm.s32 $0x9;
	_ =	strace $0x80000048  }
0xb4: {  	_ =	swait.ge [sflag:s29], $0x1  }
0xb5: {  	[sflag:s29] =	ssyncadd.s32 $0xFFFFFFFF  }
0xb6: {  	_ =	strace $0x90000048  }
0xb7: {  	_ =	sfence  }
0xb8: {  	s30 =	sld [smem:$0x0];
	_ =	sdelay $0x2  }
0xb9: {  	s31 =	sshll.u32 s1, $0xD;
	s1 =	sshrl.u32 s1, $0x2  }
0xba: {  	s3 =	sand.u32 $0x4000, s31;
	s1 =	sadd.s32 s1, s30  }
0xbb: {  	s0 =	sor.u32 s3, s0;
	s1 =	sshll.u32 s1, $0x11  }
0xbc: {  	s0 =	sor.u32 s1, s0  }
0xbd: {  	s0 =	sadd.s32 $0x8F2B, s0  }
0xbe: {  	[sflag:s0] =	ssyncadd.remote.s32 $0x1  }
0xbf: {  	_ =	sfence.sel $0xFFFF  }
0xc0: {  	[dreg:$0x0] =	wrdreg $0xFFFFFFFF;
	(pc) =	sbr.abs _section_cstart, $3  }
0xc1: {  	[dreg:$0x1] =	wrdreg $0xFFFFFFFF  }
0xc2: {  	_ =	task.clear_ibuf [dreg:s7], $0x2FFFF;
	_ =	strace $0x9FFFFFFF  }
0xc3: {  	(tm) =	ssettm $0x7FFFFFFF  }
tec
execute0_lowered:
.L_overlay_start_1:
0x0: {  	(tag) =	ssettag $0x1  }
0x1: {  	s4 =	rddreg [dreg:$0x0]  }
0x2: {  	s7 =	rddreg [dreg:$0x1]  }
0x3: {  	s0 =	srdreg.scid;
	s2 =	rddreg [dreg:$0x2]  }
0x4: {  	s1 =	stileid.u32;
	s3 =	simm.s32 $0x0;
	s12 =	simm.s32 $0x80  }
0x5: {  	s13 =	simm.s32 $0x100;
	s14 =	simm.s32 $0x180;
	s15 =	simm.s32 $0x200  }
0x6: {  	s16 =	simm.s32 $0x280;
	s17 =	simm.s32 $0x300;
	s18 =	simm.s32 $0x380  }
0x7: {  	s19 =	simm.s32 $0x1;
	s20 =	simm.s32 $0x2;
	s21 =	simm.s32 $0x3  }
0x8: {  	s22 =	simm.s32 $0x4;
	s23 =	simm.s32 $0x5;
	s24 =	simm.s32 $0x6  }
0x9: {  	s25 =	simm.s32 $0x7;
	s6 =	sand.u32 $0x1, s0;
	s0 =	rddreg [dreg:$0x3]  }
0xa: {  	s26 =	simm.s32 $0x8;
	s28 =	simm.s32 $0x0;
	[smem:$0x7FF] =	sst s3  }
0xb: {  	s10 =	smul.u32 $0x280, s1;
	s11 =	sadd.s32 $0xC000, s4;
	s5 =	sshll.u32 s6, $0x4  }
0xc: {  	s8 =	ssub.s32 $0x2, s6;
	_ =	strace $0x80000047;
	p0 =	seq.s32 s6, $0x1  }
0xd: {  	s5 =	sor.u32 s1, s5;
	s9 =	sshrl.u32 s8, $0x1;
	s31 =	sshrl.u32 s10, $0x3  }
0xe: {  	s7 =	smov.u32 @p0 s11;
	s11 =	simm.s32 $0x2800;
	s5 =	smul.u32 $0x500, s5  }
0xf: {  	s8 =	ssub.s32 s8, s9;
	s7 =	sadd.s32 s7, s31;
	s9 =	simm.s32 $0x2880  }
0x10: {  	s6 =	smax.u32 s8, $0x1;
	s8 =	simm.s32 $0x9;
	s5 =	sadd.s32 s5, s4  }
0x11: {  	v0 =	vimm.f32 $1.000000000e+00;
	v1 =	vimm.f32 $0.0e+00;
	s4 =	sadd.s32 $0x2000, s5;
	s5 =	sadd.s32 s10, s2;
	s10 =	simm.s32 $0x7D  }
.LBB2_1:
0x12: {  	[tilespmem:s3], [sflag:$0x9] =	stream.linear.gather [hbm4b:s4+s3], $0x2800, $0x38;
	[tilespmem:$0x2D80] =	vst v63  }
0x13: {  	_ =	swait.ge [sflag:s8], $0x2800  }
0x14: {  	[sflag:s8] =	ssyncset.done $0x0  }
0x15: {  	[sflag:s8] =	ssyncadd.s32 $0xFFFFD800  }
0x16: {  	[tilespmem:$0x2800] =	vst v0  }
0x17: {  	[tilespmem:$0x2810] =	vst v0  }
0x18: {  	[tilespmem:$0x2820] =	vst v0  }
0x19: {  	[tilespmem:$0x2830] =	vst v0  }
0x1a: {  	[tilespmem:$0x2840] =	vst v0  }
0x1b: {  	[tilespmem:$0x2850] =	vst v0  }
0x1c: {  	[tilespmem:$0x2860] =	vst v0  }
0x1d: {  	[tilespmem:$0x2870] =	vst v0  }
0x1e: {  	[tilespmem:$0x2880] =	vst v1  }
0x1f: {  	[tilespmem:$0x2890] =	vst v1  }
0x20: {  	[tilespmem:$0x28A0] =	vst v1  }
0x21: {  	[tilespmem:$0x28B0] =	vst v1  }
0x22: {  	[tilespmem:$0x28C0] =	vst v1  }
0x23: {  	[tilespmem:$0x28D0] =	vst v1  }
0x24: {  	[tilespmem:$0x28E0] =	vst v1  }
0x25: {  	[tilespmem:$0x28F0] =	vst v1  }
0x26: {  	[tilespmem:$0x2900] =	vst v1  }
0x27: {  	[tilespmem:$0x2910] =	vst v1  }
0x28: {  	[tilespmem:$0x2920] =	vst v1  }
0x29: {  	[tilespmem:$0x2930] =	vst v1  }
0x2a: {  	[tilespmem:$0x2940] =	vst v1  }
0x2b: {  	[tilespmem:$0x2950] =	vst v1  }
0x2c: {  	[tilespmem:$0x2960] =	vst v1  }
0x2d: {  	[tilespmem:$0x2970] =	vst v1  }
0x2e: {  	[tilespmem:$0x2980] =	vst v1  }
0x2f: {  	[tilespmem:$0x2990] =	vst v1  }
0x30: {  	[tilespmem:$0x29A0] =	vst v1  }
0x31: {  	[tilespmem:$0x29B0] =	vst v1  }
0x32: {  	[tilespmem:$0x29C0] =	vst v1  }
0x33: {  	[tilespmem:$0x29D0] =	vst v1  }
0x34: {  	[tilespmem:$0x29E0] =	vst v1  }
0x35: {  	[tilespmem:$0x29F0] =	vst v1  }
0x36: {  	[tilespmem:$0x2A00] =	vst v1  }
0x37: {  	[tilespmem:$0x2A10] =	vst v1  }
0x38: {  	[tilespmem:$0x2A20] =	vst v1  }
0x39: {  	[tilespmem:$0x2A30] =	vst v1  }
0x3a: {  	[tilespmem:$0x2A40] =	vst v1  }
0x3b: {  	[tilespmem:$0x2A50] =	vst v1  }
0x3c: {  	[tilespmem:$0x2A60] =	vst v1  }
0x3d: {  	[tilespmem:$0x2A70] =	vst v1  }
0x3e: {  	[tilespmem:$0x2A80] =	vst v1  }
0x3f: {  	[tilespmem:$0x2A90] =	vst v1  }
0x40: {  	[tilespmem:$0x2AA0] =	vst v1  }
0x41: {  	[tilespmem:$0x2AB0] =	vst v1  }
0x42: {  	[tilespmem:$0x2AC0] =	vst v1  }
0x43: {  	[tilespmem:$0x2AD0] =	vst v1  }
0x44: {  	[tilespmem:$0x2AE0] =	vst v1  }
0x45: {  	[tilespmem:$0x2AF0] =	vst v1  }
0x46: {  	[spmem:s5] =	stream.linear.scatter [tilespmem:s9], [sflag:$0x9], $0x280, $0x38;
	[tilespmem:$0x2D80] =	vst v63  }
0x47: {  	_ =	swait.ge [sflag:s8], $0x280  }
0x48: {  	[sflag:s8] =	ssyncset.done $0x0  }
0x49: {  	[sflag:s8] =	ssyncadd.s32 $0xFFFFFD80  }
0x4a: {  	[bflag:$0x0] =	sbarrier.arrive $0xFFFF  }
0x4b: {  	[spmem:s2] =	stream.indirect.scatter.add.f32 [tilespmem:s11], [sflag:$0x1], $0x1, s3, s10, $0xb8;
	[tilespmem:$0x2D80] =	vst v63  }
0x4c: {  	_ = 	snop  }
0x4d: {  	[spmem:s2] =	stream.indirect.scatter.add.f32 [tilespmem:s11], [sflag:$0x2], $0x1, s12, s10, $0xb8;
	[tilespmem:$0x2D80] =	vst v63  }
0x4e: {  	_ = 	snop  }
0x4f: {  	[spmem:s2] =	stream.indirect.scatter.add.f32 [tilespmem:s11], [sflag:$0x3], $0x1, s13, s10, $0xb8;
	[tilespmem:$0x2D80] =	vst v63  }
0x50: {  	_ = 	snop  }
0x51: {  	[spmem:s2] =	stream.indirect.scatter.add.f32 [tilespmem:s11], [sflag:$0x4], $0x1, s14, s10, $0xb8;
	[tilespmem:$0x2D80] =	vst v63  }
0x52: {  	_ = 	snop  }
0x53: {  	[spmem:s2] =	stream.indirect.scatter.add.f32 [tilespmem:s11], [sflag:$0x5], $0x1, s15, s10, $0xb8;
	[tilespmem:$0x2D80] =	vst v63  }
0x54: {  	_ = 	snop  }
0x55: {  	[spmem:s2] =	stream.indirect.scatter.add.f32 [tilespmem:s11], [sflag:$0x6], $0x1, s16, s10, $0xb8;
	[tilespmem:$0x2D80] =	vst v63  }
0x56: {  	_ = 	snop  }
0x57: {  	[spmem:s2] =	stream.indirect.scatter.add.f32 [tilespmem:s11], [sflag:$0x7], $0x1, s17, s10, $0xb8;
	[tilespmem:$0x2D80] =	vst v63  }
0x58: {  	_ = 	snop  }
0x59: {  	[spmem:s2] =	stream.indirect.scatter.add.f32 [tilespmem:s11], [sflag:$0x8], $0x1, s18, s10, $0xb8;
	[tilespmem:$0x2D80] =	vst v63  }
0x5a: {  	_ =	swait.ge [sflag:s19], $0x7D  }
0x5b: {  	[sflag:s19] =	ssyncset.done $0x0  }
0x5c: {  	s29 =	simm.s32 $0x400;
	[sflag:s19] =	ssyncadd.s32 $0xFFFFFF83  }
0x5d: {  	[spmem:s2] =	stream.indirect.scatter.add.f32 [tilespmem:s11], [sflag:$0x1], $0x1, s29, s10, $0xb8;
	[tilespmem:$0x2D80] =	vst v63  }
0x5e: {  	_ =	swait.ge [sflag:s20], $0x7D  }
0x5f: {  	[sflag:s20] =	ssyncset.done $0x0  }
0x60: {  	s29 =	simm.s32 $0x480;
	[sflag:s20] =	ssyncadd.s32 $0xFFFFFF83  }
0x61: {  	[spmem:s2] =	stream.indirect.scatter.add.f32 [tilespmem:s11], [sflag:$0x2], $0x1, s29, s10, $0xb8;
	[tilespmem:$0x2D80] =	vst v63  }
0x62: {  	_ =	swait.ge [sflag:s21], $0x7D  }
0x63: {  	[sflag:s21] =	ssyncset.done $0x0  }
0x64: {  	s29 =	simm.s32 $0x500;
	[sflag:s21] =	ssyncadd.s32 $0xFFFFFF83  }
0x65: {  	[spmem:s2] =	stream.indirect.scatter.add.f32 [tilespmem:s11], [sflag:$0x3], $0x1, s29, s10, $0xb8;
	[tilespmem:$0x2D80] =	vst v63  }
0x66: {  	_ =	swait.ge [sflag:s22], $0x7D  }
0x67: {  	[sflag:s22] =	ssyncset.done $0x0  }
0x68: {  	s29 =	simm.s32 $0x580;
	[sflag:s22] =	ssyncadd.s32 $0xFFFFFF83  }
0x69: {  	[spmem:s2] =	stream.indirect.scatter.add.f32 [tilespmem:s11], [sflag:$0x4], $0x1, s29, s10, $0xb8;
	[tilespmem:$0x2D80] =	vst v63  }
0x6a: {  	_ =	swait.ge [sflag:s23], $0x7D  }
0x6b: {  	[sflag:s23] =	ssyncset.done $0x0  }
0x6c: {  	s29 =	simm.s32 $0x600;
	[sflag:s23] =	ssyncadd.s32 $0xFFFFFF83  }
0x6d: {  	[spmem:s2] =	stream.indirect.scatter.add.f32 [tilespmem:s11], [sflag:$0x5], $0x1, s29, s10, $0xb8;
	[tilespmem:$0x2D80] =	vst v63  }
0x6e: {  	_ =	swait.ge [sflag:s24], $0x7D  }
0x6f: {  	[sflag:s24] =	ssyncset.done $0x0  }
0x70: {  	s29 =	simm.s32 $0x680;
	[sflag:s24] =	ssyncadd.s32 $0xFFFFFF83  }
0x71: {  	[spmem:s2] =	stream.indirect.scatter.add.f32 [tilespmem:s11], [sflag:$0x6], $0x1, s29, s10, $0xb8;
	[tilespmem:$0x2D80] =	vst v63  }
0x72: {  	_ =	swait.ge [sflag:s25], $0x7D  }
0x73: {  	[sflag:s25] =	ssyncset.done $0x0  }
0x74: {  	s29 =	simm.s32 $0x700;
	[sflag:s25] =	ssyncadd.s32 $0xFFFFFF83  }
0x75: {  	[spmem:s2] =	stream.indirect.scatter.add.f32 [tilespmem:s11], [sflag:$0x7], $0x1, s29, s10, $0xb8;
	[tilespmem:$0x2D80] =	vst v63  }
0x76: {  	_ =	swait.ge [sflag:s26], $0x7D  }
0x77: {  	[sflag:s26] =	ssyncset.done $0x0  }
0x78: {  	s30 =	simm.s32 $0x780;
	s29 =	simm.s32 $0x1000;
	[sflag:s26] =	ssyncadd.s32 $0xFFFFFF83  }
.LBB2_2:
0x79: {  	[spmem:s2] =	stream.indirect.scatter.add.f32 [tilespmem:s11], [sflag:$0x8], $0x1, s30, s10, $0xb8;
	[tilespmem:$0x2D80] =	vst v63  }
0x7a: {  	s30 =	smov.u32 s29  }
0x7b: {  	p0 =	sne.s32 s29, $0x8000;
	s29 =	sadd.s32 $0x1000, s29;
	_ =	swait.ge [sflag:s19], $0x7D  }
0x7c: {  	s30 =	sshra.s32 s30, $0x2;
	[sflag:s19] =	ssyncset.done $0x0  }
0x7d: {  	s31 =	sadd.s32 $0x400, s30;
	[sflag:s19] =	ssyncadd.s32 $0xFFFFFF83  }
0x7e: {  	[spmem:s2] =	stream.indirect.scatter.add.f32 [tilespmem:s11], [sflag:$0x1], $0x1, s31, s10, $0xb8;
	[tilespmem:$0x2D80] =	vst v63  }
0x7f: {  	_ =	swait.ge [sflag:s20], $0x7D  }
0x80: {  	[sflag:s20] =	ssyncset.done $0x0  }
0x81: {  	s31 =	sadd.s32 $0x480, s30;
	[sflag:s20] =	ssyncadd.s32 $0xFFFFFF83  }
0x82: {  	[spmem:s2] =	stream.indirect.scatter.add.f32 [tilespmem:s11], [sflag:$0x2], $0x1, s31, s10, $0xb8;
	[tilespmem:$0x2D80] =	vst v63  }
0x83: {  	_ =	swait.ge [sflag:s21], $0x7D  }
0x84: {  	[sflag:s21] =	ssyncset.done $0x0  }
0x85: {  	s31 =	sadd.s32 $0x500, s30;
	[sflag:s21] =	ssyncadd.s32 $0xFFFFFF83  }
0x86: {  	[spmem:s2] =	stream.indirect.scatter.add.f32 [tilespmem:s11], [sflag:$0x3], $0x1, s31, s10, $0xb8;
	[tilespmem:$0x2D80] =	vst v63  }
0x87: {  	_ =	swait.ge [sflag:s22], $0x7D  }
0x88: {  	[sflag:s22] =	ssyncset.done $0x0  }
0x89: {  	s31 =	sadd.s32 $0x580, s30;
	[sflag:s22] =	ssyncadd.s32 $0xFFFFFF83  }
0x8a: {  	[spmem:s2] =	stream.indirect.scatter.add.f32 [tilespmem:s11], [sflag:$0x4], $0x1, s31, s10, $0xb8;
	[tilespmem:$0x2D80] =	vst v63  }
0x8b: {  	_ =	swait.ge [sflag:s23], $0x7D  }
0x8c: {  	[sflag:s23] =	ssyncset.done $0x0  }
0x8d: {  	s31 =	sadd.s32 $0x600, s30;
	[sflag:s23] =	ssyncadd.s32 $0xFFFFFF83  }
0x8e: {  	[spmem:s2] =	stream.indirect.scatter.add.f32 [tilespmem:s11], [sflag:$0x5], $0x1, s31, s10, $0xb8;
	[tilespmem:$0x2D80] =	vst v63  }
0x8f: {  	_ =	swait.ge [sflag:s24], $0x7D  }
0x90: {  	[sflag:s24] =	ssyncset.done $0x0  }
0x91: {  	s31 =	sadd.s32 $0x680, s30;
	[sflag:s24] =	ssyncadd.s32 $0xFFFFFF83  }
0x92: {  	[spmem:s2] =	stream.indirect.scatter.add.f32 [tilespmem:s11], [sflag:$0x6], $0x1, s31, s10, $0xb8;
	[tilespmem:$0x2D80] =	vst v63  }
0x93: {  	_ =	swait.ge [sflag:s25], $0x7D  }
0x94: {  	[sflag:s25] =	ssyncset.done $0x0  }
.Ltmp0:
0x95: {  	s31 =	sadd.s32 $0x700, s30;
	[sflag:s25] =	ssyncadd.s32 $0xFFFFFF83;
	(pc) =	sbr.rel @p0 .LBB2_2-.Ltmp0, $4  }
0x96: {  	[spmem:s2] =	stream.indirect.scatter.add.f32 [tilespmem:s11], [sflag:$0x7], $0x1, s31, s10, $0xb8;
	[tilespmem:$0x2D80] =	vst v63  }
0x97: {  	_ =	swait.ge [sflag:s26], $0x7D  }
0x98: {  	[sflag:s26] =	ssyncset.done $0x0  }
0x99: {  	s30 =	sadd.s32 $0x780, s30;
	[sflag:s26] =	ssyncadd.s32 $0xFFFFFF83  }
0x9a: {  	[spmem:s2] =	stream.indirect.scatter.add.f32 [tilespmem:s11], [sflag:$0x8], $0x1, s30, s10, $0xb8;
	[tilespmem:$0x2D80] =	vst v63  }
0x9b: {  	_ =	swait.ge [sflag:s19], $0x7D  }
0x9c: {  	[sflag:s19] =	ssyncset.done $0x0  }
0x9d: {  	[sflag:s19] =	ssyncadd.s32 $0xFFFFFF83  }
0x9e: {  	_ =	swait.ge [sflag:s20], $0x7D  }
0x9f: {  	[sflag:s20] =	ssyncset.done $0x0  }
0xa0: {  	[sflag:s20] =	ssyncadd.s32 $0xFFFFFF83  }
0xa1: {  	_ =	swait.ge [sflag:s21], $0x7D  }
0xa2: {  	[sflag:s21] =	ssyncset.done $0x0  }
0xa3: {  	[sflag:s21] =	ssyncadd.s32 $0xFFFFFF83  }
0xa4: {  	_ =	swait.ge [sflag:s22], $0x7D  }
0xa5: {  	[sflag:s22] =	ssyncset.done $0x0  }
0xa6: {  	[sflag:s22] =	ssyncadd.s32 $0xFFFFFF83  }
0xa7: {  	_ =	swait.ge [sflag:s23], $0x7D  }
0xa8: {  	[sflag:s23] =	ssyncset.done $0x0  }
0xa9: {  	[sflag:s23] =	ssyncadd.s32 $0xFFFFFF83  }
0xaa: {  	_ =	swait.ge [sflag:s24], $0x7D  }
0xab: {  	[sflag:s24] =	ssyncset.done $0x0  }
0xac: {  	[sflag:s24] =	ssyncadd.s32 $0xFFFFFF83  }
0xad: {  	_ =	swait.ge [sflag:s25], $0x7D  }
0xae: {  	[sflag:s25] =	ssyncset.done $0x0  }
0xaf: {  	[sflag:s25] =	ssyncadd.s32 $0xFFFFFF83  }
0xb0: {  	_ =	swait.ge [sflag:s26], $0x7D  }
0xb1: {  	[sflag:s26] =	ssyncset.done $0x0  }
0xb2: {  	[sflag:s26] =	ssyncadd.s32 $0xFFFFFF83  }
0xb3: {  	[bflag:$0x0] =	sbarrier.arrive $0xFFFF  }
0xb4: {  	[tilespmem:s9], [sflag:$0x9] =	stream.linear.gather [spmem:s5], $0x280, $0x38;
	[tilespmem:$0x2D80] =	vst v63  }
0xb5: {  	s28 =	sadd.s32 $0x1, s28;
	_ =	swait.ge [sflag:s8], $0x280  }
0xb6: {  	p0 =	sne.s32 s28, s6;
	[sflag:s8] =	ssyncset.done $0x0  }
.Ltmp1:
0xb7: {  	[sflag:s8] =	ssyncadd.s32 $0xFFFFFD80;
	(pc) =	sbr.rel @p0 .LBB2_1-.Ltmp1, $4  }
0xb8: {  	[hbm4b:s7+s3] =	stream.linear.scatter [tilespmem:s9], [sflag:$0x9], $0x280, $0x38;
	[tilespmem:$0x2D80] =	vst v63  }
0xb9: {  	_ =	swait.ge [sflag:s8], $0x280  }
0xba: {  	[sflag:s8] =	ssyncset.done $0x0  }
0xbb: {  	[sflag:s8] =	ssyncadd.s32 $0xFFFFFD80  }
0xbc: {  	_ =	sfence.sel $0x180000  }
0xbd: {  	[bflag:$0x0] =	sbarrier.arrive $0xFFFF  }
0xbe: {  	p0 =	sne.s32 s1, $0x0;
	_ =	strace $0x90000047  }
0xbf: {  	s0 =	sadd.s32 @!p0 $0x100000, s0;
	[bflag:$0x2] =	sbarrier.arrive $0xFFFF  }
0xc0: {  	[sflag:s0] =	ssyncadd.tile.s32 @!p0 $0x1;
	_ =	shalt  }
.Lfunc_end2:
_tile_overlayer_lowered:
.L_overlay_start_2:
0xc1: {  	(tag) =	ssettag $0x2  }
0xc2: {  	s0 =	rddreg [dreg:$0x0];
	s2 =	stileid.u32  }
0xc3: {  	s1 =	rddreg [dreg:$0x1];
	p0 =	sne.s32 s2, $0x0  }
0xc4: {  	s3 =	rddreg [dreg:$0x2];
	[bflag:$0x3] =	sbarrier.arrive $0xFFFF;
	s2 =	simm.s32 @!p0 $0x1C09  }
0xc5: {  	[timem:s3], [sflag:s2] =	dma.local @!p0 [hbm:s0], s1  }
0xc6: {  	s0 =	simm.s32 @!p0 $0x9  }
0xc7: {  	_ =	swait.ge @!p0 [sflag:s0], s1  }
0xc8: {  	s1 =	ssub.s32 @!p0 $0x0, s1;
	[sflag:s0] =	ssyncset.done @!p0 $0x0  }
0xc9: {  	[sflag:s0] =	ssyncadd.s32 @!p0 s1  }
0xca: {  	[bflag:$0x3] =	sbarrier.arrive $0xFFFF  }
0xcb: {  	_ =	shalt  }

</sc_bundles>
